<compile_context>
chip_gen: v7x
topology: tpu7x:2x2x1
jax: 0.10.2.dev20260603
libtpu: 0.0.44.dev20260713+nightly
codegen_flags: <defaults>
</compile_context>

<pallas_src>
import functools

import jax
import jax.numpy as jnp
from jax import lax
from jax.experimental import pallas as pl
from jax.experimental.pallas import tpu as pltpu
from jax.experimental.pallas import tpu_sc as plsc

N = 10000
E = 320000
D = 128
DH = D // 2

NC = 2
NS = 16
NW = NC * NS

N_PAD = 10240
ROWS_PER_TILE = N_PAD // NS
CHUNK = 128
CHUNKS_PER_TILE = 160
E_PAD = NS * CHUNKS_PER_TILE * CHUNK
DUMMY_DST = N

_mesh = plsc.VectorSubcoreMesh(core_axis_name="c", subcore_axis_name="s")


@functools.partial(
    pl.kernel,
    out_type=jax.ShapeDtypeStruct((NC, N_PAD), jnp.float32),
    mesh=_mesh,
    scratch_types=[
        pltpu.VMEM((CHUNKS_PER_TILE // 2, CHUNK), jnp.int32),
        pltpu.VMEM((CHUNK,), jnp.float32),
        pltpu.VMEM((ROWS_PER_TILE,), jnp.float32),
        pltpu.VMEM_SHARED((N_PAD,), jnp.float32),
    ],
)
def _sc_degree(dstp_hbm, deg_hbm, dst_v, ones_v, zbuf, dacc):
    c = lax.axis_index("c")
    s = lax.axis_index("s")
    wid = c * NS + s

    def fill(i, carry):
        zbuf[pl.ds(i * 16, 16)] = jnp.zeros((16,), jnp.float32)
        ones_v[pl.ds(lax.rem(i, 8) * 16, 16)] = jnp.ones((16,), jnp.float32)
        return carry

    lax.fori_loop(0, ROWS_PER_TILE // 16, fill, 0)
    pltpu.sync_copy(zbuf, dacc.at[pl.ds(s * ROWS_PER_TILE, ROWS_PER_TILE)])
    plsc.subcore_barrier()

    pltpu.sync_copy(dstp_hbm.at[wid], dst_v)

    def body(j, carry):
        pltpu.sync_copy(ones_v, dacc.at[dst_v.at[j]], add=True)
        return carry

    lax.fori_loop(0, CHUNKS_PER_TILE // 2, body, 0)
    plsc.subcore_barrier()
    pltpu.sync_copy(
        dacc.at[pl.ds(s * ROWS_PER_TILE, ROWS_PER_TILE)],
        deg_hbm.at[c].at[pl.ds(s * ROWS_PER_TILE, ROWS_PER_TILE)],
    )


@functools.partial(
    pl.kernel,
    out_type=jax.ShapeDtypeStruct((NC, N_PAD, DH), jnp.float32),
    mesh=_mesh,
    scratch_types=[
        pltpu.VMEM((10, CHUNK), jnp.int32),
        pltpu.VMEM((10, CHUNK), jnp.int32),
        pltpu.VMEM((5, CHUNK, DH), jnp.float32),
        pltpu.VMEM_SHARED((N_PAD, DH), jnp.float32),
        pltpu.VMEM_SHARED((N_PAD, DH), jnp.float32),
        [pltpu.SemaphoreType.DMA] * 5,
        [pltpu.SemaphoreType.DMA] * 5,
        [pltpu.SemaphoreType.DMA] * 10,
        [pltpu.SemaphoreType.DMA] * 10,
    ],
    compiler_params=pltpu.CompilerParams(use_tc_tiling_on_sc=False),
)
def _sc_aggregate(g_hbm, srcp_hbm, dstp_hbm, parts_hbm,
                  idx_s, idx_d, gbuf, acc, gtab, sems_g, sems_s,
                  sems_is, sems_id):
    c = lax.axis_index("c")
    s = lax.axis_index("s")
    NBUF = 5
    LEAD = 2
    IR = 10
    ILEAD = 4

    def fill(i, carry):
        for cg in range(DH // 16):
            gbuf[0, i, pl.ds(cg * 16, 16)] = jnp.zeros((16,), jnp.float32)
        return carry

    lax.fori_loop(0, CHUNK, fill, 0)
    for k in range(ROWS_PER_TILE // CHUNK):
        pltpu.sync_copy(
            gbuf.at[0], acc.at[pl.ds(s * ROWS_PER_TILE + k * CHUNK, CHUNK)]
        )
    pltpu.sync_copy(
        g_hbm.at[c].at[pl.ds(s * ROWS_PER_TILE, ROWS_PER_TILE)],
        gtab.at[pl.ds(s * ROWS_PER_TILE, ROWS_PER_TILE)],
    )
    plsc.subcore_barrier()

    def idx_cp(j, r):
        pltpu.async_copy(srcp_hbm.at[s].at[j], idx_s.at[r], sems_is[r])
        pltpu.async_copy(dstp_hbm.at[s].at[j], idx_d.at[r], sems_id[r])

    def idx_wait_s(j, r):
        pltpu.make_async_copy(
            srcp_hbm.at[s].at[j], idx_s.at[r], sems_is[r]
        ).wait()

    def idx_wait_d(j, r):
        pltpu.make_async_copy(
            dstp_hbm.at[s].at[j], idx_d.at[r], sems_id[r]
        ).wait()

    def gth(j, b, r):
        pltpu.async_copy(gtab.at[idx_s.at[r]], gbuf.at[b], sems_g[b])

    def gth_wait(j, b, r):
        pltpu.make_async_copy(
            gtab.at[idx_s.at[r]], gbuf.at[b], sems_g[b]
        ).wait()

    def sct(j, b, r):
        pltpu.async_copy(
            gbuf.at[b], acc.at[idx_d.at[r]], sems_s[b], add=True
        )

    def sct_wait(j, b, r):
        pltpu.make_async_copy(
            gbuf.at[b], acc.at[idx_d.at[r]], sems_s[b]
        ).wait()

    for j0 in range(ILEAD):
        idx_cp(j0, j0)
    for j0 in range(LEAD):
        idx_wait_s(j0, j0)
        gth(j0, j0, j0)

    def group(i, carry):
        for u in range(IR):
            j = i * IR + u
            b = u % NBUF
            bp = (u - LEAD) % NBUF
            bn = (u + LEAD) % NBUF
            rn = (u + LEAD) % IR
            ri = (u + ILEAD) % IR

            @pl.when(j >= LEAD)
            def _():
                sct_wait(j - LEAD, bp, (u - LEAD) % IR)

            @pl.when(j + ILEAD < CHUNKS_PER_TILE)
            def _():
                idx_cp(j + ILEAD, ri)

            @pl.when(j + LEAD < CHUNKS_PER_TILE)
            def _():
                idx_wait_s(j + LEAD, rn)
                gth(j + LEAD, bn, rn)

            gth_wait(j, b, u % IR)
            idx_wait_d(j, u % IR)
            sct(j, b, u % IR)
        return carry

    lax.fori_loop(0, CHUNKS_PER_TILE // IR, group, 0)
    for jt in range(CHUNKS_PER_TILE - LEAD, CHUNKS_PER_TILE):
        sct_wait(jt, jt % NBUF, jt % IR)
    plsc.subcore_barrier()
    pltpu.sync_copy(
        acc.at[pl.ds(s * ROWS_PER_TILE, ROWS_PER_TILE)],
        parts_hbm.at[c].at[pl.ds(s * ROWS_PER_TILE, ROWS_PER_TILE)],
    )


def _tc_scale_body(x_ref, w1_ref, deg_ref, g_ref, dinv_ref):
    deg = deg_ref[0, :] + deg_ref[1, :] + 1.0
    dinv = lax.rsqrt(deg)
    h = jnp.dot(x_ref[...], w1_ref[...], preferred_element_type=jnp.float32)
    g = h * dinv[:, None]
    g_ref[0, :, :] = g[:, :DH]
    g_ref[1, :, :] = g[:, DH:]
    dinv_ref[...] = dinv[:, None]


_tc_scale = pl.pallas_call(
    _tc_scale_body,
    grid=(N_PAD // 1024,),
    in_specs=[
        pl.BlockSpec((1024, D), lambda i: (i, 0)),
        pl.BlockSpec((D, D), lambda i: (0, 0)),
        pl.BlockSpec((NC, 1024), lambda i: (0, i)),
    ],
    out_specs=[
        pl.BlockSpec((NC, 1024, DH), lambda i: (0, i, 0)),
        pl.BlockSpec((1024, 1), lambda i: (i, 0)),
    ],
    out_shape=[
        jax.ShapeDtypeStruct((NC, N_PAD, DH), jnp.float32),
        jax.ShapeDtypeStruct((N_PAD, 1), jnp.float32),
    ],
)


def _tc_head_body(p_ref, g_ref, dinv_ref, b1_ref, w2_ref, b2_ref, y_ref):
    agg = jnp.concatenate(
        [p_ref[0] + g_ref[0], p_ref[1] + g_ref[1]], axis=-1
    )
    h = jnp.maximum(agg * dinv_ref[...] + b1_ref[...], 0.0)
    y_ref[...] = (
        jnp.dot(h, w2_ref[...], preferred_element_type=jnp.float32)
        + b2_ref[...]
    )


_tc_head = pl.pallas_call(
    _tc_head_body,
    grid=(10,),
    in_specs=[
        pl.BlockSpec((NC, 1000, DH), lambda i: (0, i, 0)),
        pl.BlockSpec((NC, 1000, DH), lambda i: (0, i, 0)),
        pl.BlockSpec((1000, 1), lambda i: (i, 0)),
        pl.BlockSpec((1, D), lambda i: (0, 0)),
        pl.BlockSpec((D, D), lambda i: (0, 0)),
        pl.BlockSpec((1, D), lambda i: (0, 0)),
    ],
    out_specs=pl.BlockSpec((1000, D), lambda i: (i, 0)),
    out_shape=jax.ShapeDtypeStruct((N, D), jnp.float32),
)


@jax.jit
def kernel(x, edge_index, W1, b1, W2, b2):
    src = edge_index[0]
    dst = edge_index[1]
    pad = E_PAD - E
    srcp = jnp.concatenate([src, jnp.zeros((pad,), jnp.int32)])
    dstp = jnp.concatenate([dst, jnp.full((pad,), DUMMY_DST, jnp.int32)])
    srcp = srcp.reshape(NS, CHUNKS_PER_TILE, CHUNK)
    dstp = dstp.reshape(NS, CHUNKS_PER_TILE, CHUNK)
    dstp_deg = dstp.reshape(NW, CHUNKS_PER_TILE // 2, CHUNK)
    deg = _sc_degree(dstp_deg)
    g, dinv = _tc_scale(x, W1, deg)
    parts = _sc_aggregate(g, srcp, dstp)
    return _tc_head(parts, g, dinv, b1.reshape(1, D), W2, b2.reshape(1, D))

# --- scband reference (transcript-rebuilt; emitter-appended) ---
"""Pipeline reference for scband-trust-gnn-75007308857924 (READ-ONLY COPY).

The authoritative reference and input builder live on the scoring server;
editing this copy changes nothing except your own understanding.
"""

import jax, jax.numpy as jnp
import numpy as np

N = 10000
E = 320000
D_IN = 128
D_H = 128
D_OUT = 128


def setup_inputs(seed: int = 0) -> dict:
    key = jax.random.key(seed)
    k1, k2, k3, k4, k5, k6 = jax.random.split(key, 6)
    x = jax.random.normal(k1, (N, D_IN), dtype=jnp.float32)
    edge_index = jax.random.randint(k2, (2, E), 0, N, dtype=jnp.int32)
    # GCNConv weight (glorot-ish) and bias
    W1 = jax.random.normal(k3, (D_IN, D_H), dtype=jnp.float32) * (1.0 / np.sqrt(D_IN))
    b1 = jnp.zeros((D_H,), dtype=jnp.float32)
    # Linear layer weight and bias
    W2 = jax.random.normal(k4, (D_H, D_OUT), dtype=jnp.float32) * (1.0 / np.sqrt(D_H))
    b2 = jax.random.uniform(k5, (D_OUT,), dtype=jnp.float32, minval=-1.0 / np.sqrt(D_H), maxval=1.0 / np.sqrt(D_H))
    return {"x": x, "edge_index": edge_index, "W1": W1, "b1": b1, "W2": W2, "b2": b2}


def _gcn_conv(x, edge_index, W, b):
    # Faithful PyG GCNConv: add self-loops, symmetric normalization,
    # linear transform, scatter-add aggregation, bias.
    n = x.shape[0]
    src = edge_index[0]
    dst = edge_index[1]
    loop = jnp.arange(n, dtype=src.dtype)
    src = jnp.concatenate([src, loop])
    dst = jnp.concatenate([dst, loop])
    deg = jnp.zeros((n,), dtype=x.dtype).at[dst].add(1.0)
    deg_inv_sqrt = jnp.where(deg > 0, 1.0 / jnp.sqrt(deg), 0.0)
    norm = deg_inv_sqrt[src] * deg_inv_sqrt[dst]
    h = x @ W
    msg = h[src] * norm[:, None]
    out = jnp.zeros((n, h.shape[1]), dtype=x.dtype).at[dst].add(msg)
    return out + b


def reference(x, edge_index, W1, b1, W2, b2):
    h = jax.nn.relu(_gcn_conv(x, edge_index, W1, b1))
    return h @ W2 + b2

if __name__ == "__main__":
    import jax
    _d = setup_inputs()
    print(jax.jit(kernel)(*tuple(_d.values())))

</pallas_src>

<mosaic_0001>
#map = affine_map<(d0, d1) -> (0, 0, 0)>
module attributes {stable_mosaic.version = 14 : i64} {
  func.func @_sc_aggregate(%arg0: i32, %arg1: i32, %arg2: memref<2x10240x64xf32, #tpu.memory_space<hbm>>, %arg3: memref<16x160x128xi32, #tpu.memory_space<hbm>>, %arg4: memref<16x160x128xi32, #tpu.memory_space<hbm>>, %arg5: memref<2x10240x64xf32, #tpu.memory_space<hbm>>, %arg6: memref<10x128xi32, #tpu.memory_space<vmem>>, %arg7: memref<10x128xi32, #tpu.memory_space<vmem>>, %arg8: memref<5x128x64xf32, #tpu.memory_space<vmem>>, %arg9: memref<10240x64xf32, #tpu.memory_space<vmem_shared>>, %arg10: memref<10240x64xf32, #tpu.memory_space<vmem_shared>>, %arg11: memref<!tpu.dma_semaphore, #tpu.memory_space<semaphore_mem>>, %arg12: memref<!tpu.dma_semaphore, #tpu.memory_space<semaphore_mem>>, %arg13: memref<!tpu.dma_semaphore, #tpu.memory_space<semaphore_mem>>, %arg14: memref<!tpu.dma_semaphore, #tpu.memory_space<semaphore_mem>>, %arg15: memref<!tpu.dma_semaphore, #tpu.memory_space<semaphore_mem>>, %arg16: memref<!tpu.dma_semaphore, #tpu.memory_space<semaphore_mem>>, %arg17: memref<!tpu.dma_semaphore, #tpu.memory_space<semaphore_mem>>, %arg18: memref<!tpu.dma_semaphore, #tpu.memory_space<semaphore_mem>>, %arg19: memref<!tpu.dma_semaphore, #tpu.memory_space<semaphore_mem>>, %arg20: memref<!tpu.dma_semaphore, #tpu.memory_space<semaphore_mem>>, %arg21: memref<!tpu.dma_semaphore, #tpu.memory_space<semaphore_mem>>, %arg22: memref<!tpu.dma_semaphore, #tpu.memory_space<semaphore_mem>>, %arg23: memref<!tpu.dma_semaphore, #tpu.memory_space<semaphore_mem>>, %arg24: memref<!tpu.dma_semaphore, #tpu.memory_space<semaphore_mem>>, %arg25: memref<!tpu.dma_semaphore, #tpu.memory_space<semaphore_mem>>, %arg26: memref<!tpu.dma_semaphore, #tpu.memory_space<semaphore_mem>>, %arg27: memref<!tpu.dma_semaphore, #tpu.memory_space<semaphore_mem>>, %arg28: memref<!tpu.dma_semaphore, #tpu.memory_space<semaphore_mem>>, %arg29: memref<!tpu.dma_semaphore, #tpu.memory_space<semaphore_mem>>, %arg30: memref<!tpu.dma_semaphore, #tpu.memory_space<semaphore_mem>>, %arg31: memref<!tpu.dma_semaphore, #tpu.memory_space<semaphore_mem>>, %arg32: memref<!tpu.dma_semaphore, #tpu.memory_space<semaphore_mem>>, %arg33: memref<!tpu.dma_semaphore, #tpu.memory_space<semaphore_mem>>, %arg34: memref<!tpu.dma_semaphore, #tpu.memory_space<semaphore_mem>>, %arg35: memref<!tpu.dma_semaphore, #tpu.memory_space<semaphore_mem>>, %arg36: memref<!tpu.dma_semaphore, #tpu.memory_space<semaphore_mem>>, %arg37: memref<!tpu.dma_semaphore, #tpu.memory_space<semaphore_mem>>, %arg38: memref<!tpu.dma_semaphore, #tpu.memory_space<semaphore_mem>>, %arg39: memref<!tpu.dma_semaphore, #tpu.memory_space<semaphore_mem>>, %arg40: memref<!tpu.dma_semaphore, #tpu.memory_space<semaphore_mem>>) attributes {dimension_semantics = [#tpu.dimension_semantics<core_parallel>, #tpu.dimension_semantics<subcore_parallel>], iteration_bounds = array<i64: 2, 16>, scalar_prefetch = 0 : i64, scratch_operands = 35 : i64, tpu.core_type = #tpu.core_type<sc_vector_subcore>, window_params = [{transform_indices = #map}, {transform_indices = #map}, {transform_indices = #map}, {transform_indices = #map}]} {
    %scan3A = arith.constant 0 : i32
    %scan3A_0 = arith.constant 0 : i32
    %scan3A_1 = arith.constant 128 : i32
    %scan3A_2 = arith.addi %scan3A_0, %scan3A_1 : i32
    %scan3A_3 = arith.constant 1 : i32
    scf.for %scan3A_308 = %scan3A_0 to %scan3A_2 step %scan3A_3  : i32 {
      %broadcast_in_dim3A = arith.constant 0.000000e+00 : f32
      %broadcast_in_dim3A_309 = vector.broadcast %broadcast_in_dim3A : f32 to vector<16xf32>
      %swap3A = arith.constant 0 : i32
      %swap3A_310 = arith.index_cast %swap3A : i32 to index
      %swap3A_311 = arith.index_cast %scan3A_308 : i32 to index
      %swap3A_312 = arith.constant 0 : index
      %swap3A_313 = tpu.vector_load %arg8[%swap3A_310, %swap3A_311, %swap3A_312] {strides = array<i32>} : memref<5x128x64xf32, #tpu.memory_space<vmem>>, vector<1x1x16xf32>,
      %swap3A_314 = vector.shape_cast %swap3A_313 : vector<1x1x16xf32> to vector<16xf32>
      %swap3A_315 = vector.shape_cast %broadcast_in_dim3A_309 : vector<16xf32> to vector<1x1x16xf32>
      tpu.vector_store %arg8[%swap3A_310, %swap3A_311, %swap3A_312], %swap3A_315 {strides = array<i32>} : memref<5x128x64xf32, #tpu.memory_space<vmem>>, vector<1x1x16xf32>,
      %broadcast_in_dim3A_316 = arith.constant 0.000000e+00 : f32
      %broadcast_in_dim3A_317 = vector.broadcast %broadcast_in_dim3A_316 : f32 to vector<16xf32>
      %swap3A_318 = arith.constant 0 : i32
      %swap3A_319 = arith.index_cast %swap3A_318 : i32 to index
      %swap3A_320 = arith.index_cast %scan3A_308 : i32 to index
      %swap3A_321 = arith.constant 16 : index
      %swap3A_322 = tpu.vector_load %arg8[%swap3A_319, %swap3A_320, %swap3A_321] {strides = array<i32>} : memref<5x128x64xf32, #tpu.memory_space<vmem>>, vector<1x1x16xf32>,
      %swap3A_323 = vector.shape_cast %swap3A_322 : vector<1x1x16xf32> to vector<16xf32>
      %swap3A_324 = vector.shape_cast %broadcast_in_dim3A_317 : vector<16xf32> to vector<1x1x16xf32>
      tpu.vector_store %arg8[%swap3A_319, %swap3A_320, %swap3A_321], %swap3A_324 {strides = array<i32>} : memref<5x128x64xf32, #tpu.memory_space<vmem>>, vector<1x1x16xf32>,
      %broadcast_in_dim3A_325 = arith.constant 0.000000e+00 : f32
      %broadcast_in_dim3A_326 = vector.broadcast %broadcast_in_dim3A_325 : f32 to vector<16xf32>
      %swap3A_327 = arith.constant 0 : i32
      %swap3A_328 = arith.index_cast %swap3A_327 : i32 to index
      %swap3A_329 = arith.index_cast %scan3A_308 : i32 to index
      %swap3A_330 = arith.constant 32 : index
      %swap3A_331 = tpu.vector_load %arg8[%swap3A_328, %swap3A_329, %swap3A_330] {strides = array<i32>} : memref<5x128x64xf32, #tpu.memory_space<vmem>>, vector<1x1x16xf32>,
      %swap3A_332 = vector.shape_cast %swap3A_331 : vector<1x1x16xf32> to vector<16xf32>
      %swap3A_333 = vector.shape_cast %broadcast_in_dim3A_326 : vector<16xf32> to vector<1x1x16xf32>
      tpu.vector_store %arg8[%swap3A_328, %swap3A_329, %swap3A_330], %swap3A_333 {strides = array<i32>} : memref<5x128x64xf32, #tpu.memory_space<vmem>>, vector<1x1x16xf32>,
      %broadcast_in_dim3A_334 = arith.constant 0.000000e+00 : f32
      %broadcast_in_dim3A_335 = vector.broadcast %broadcast_in_dim3A_334 : f32 to vector<16xf32>
      %swap3A_336 = arith.constant 0 : i32
      %swap3A_337 = arith.index_cast %swap3A_336 : i32 to index
      %swap3A_338 = arith.index_cast %scan3A_308 : i32 to index
      %swap3A_339 = arith.constant 48 : index
      %swap3A_340 = tpu.vector_load %arg8[%swap3A_337, %swap3A_338, %swap3A_339] {strides = array<i32>} : memref<5x128x64xf32, #tpu.memory_space<vmem>>, vector<1x1x16xf32>,
      %swap3A_341 = vector.shape_cast %swap3A_340 : vector<1x1x16xf32> to vector<16xf32>
      %swap3A_342 = vector.shape_cast %broadcast_in_dim3A_335 : vector<16xf32> to vector<1x1x16xf32>
      tpu.vector_store %arg8[%swap3A_337, %swap3A_338, %swap3A_339], %swap3A_342 {strides = array<i32>} : memref<5x128x64xf32, #tpu.memory_space<vmem>>, vector<1x1x16xf32>,
    }
    %scan3A_4 = arith.constant 128 : i32
    %mul3A = arith.constant 640 : i32
    %mul3A_5 = arith.muli %arg1, %mul3A : i32
    %add3A = arith.constant 0 : i32
    %add3A_6 = arith.addi %mul3A_5, %add3A : i32
    %run_scoped3A = arith.constant 0 : i32
    "tpu.region"() ({
      %run_scoped3A_308 = tpu.sem_alloc : memref<!tpu.dma_semaphore, #tpu.memory_space<semaphore_mem>>
      %dma_start3A_309 = arith.constant 0 : i32
      %dma_start3A_310 = arith.constant 0 : i32
      %dma_start3A_311 = tpu.memref_slice %arg8[%run_scoped3A, %dma_start3A_309, %dma_start3A_310] : memref<5x128x64xf32, #tpu.memory_space<vmem>> -> memref<1x128x64xf32, #tpu.memory_space<vmem>>
      %dma_start3A_312 = tpu.memref_squeeze %dma_start3A_311 : memref<1x128x64xf32, #tpu.memory_space<vmem>> -> memref<128x64xf32, #tpu.memory_space<vmem>>
      %dma_start3A_313 = arith.constant 0 : i32
      %dma_start3A_314 = tpu.memref_slice %arg9[%add3A_6, %dma_start3A_313] : memref<10240x64xf32, #tpu.memory_space<vmem_shared>> -> memref<128x64xf32, #tpu.memory_space<vmem_shared>>
      %dma_start3A_315 = arith.constant 0 : i32
      %dma_start3A_316 = tpu.memref_slice %arg9[%add3A_6, %dma_start3A_315] : memref<10240x64xf32, #tpu.memory_space<vmem_shared>> -> memref<128x64xf32, #tpu.memory_space<vmem_shared>>
      %dma_start3A_317 = arith.constant 0 : i32
      %dma_start3A_318 = arith.constant 0 : i32
      %dma_start3A_319 = tpu.memref_slice %arg8[%run_scoped3A, %dma_start3A_317, %dma_start3A_318] : memref<5x128x64xf32, #tpu.memory_space<vmem>> -> memref<1x128x64xf32, #tpu.memory_space<vmem>>
      %dma_start3A_320 = tpu.memref_squeeze %dma_start3A_319 : memref<1x128x64xf32, #tpu.memory_space<vmem>> -> memref<128x64xf32, #tpu.memory_space<vmem>>
      tpu.enqueue_dma source(%dma_start3A_320 : memref<128x64xf32, #tpu.memory_space<vmem>>) target(%dma_start3A_316 : memref<128x64xf32, #tpu.memory_space<vmem_shared>>) target_semaphore(%run_scoped3A_308 : memref<!tpu.dma_semaphore, #tpu.memory_space<semaphore_mem>>)
      %dma_wait3A_321 = arith.constant 0 : i32
      %dma_wait3A_322 = arith.constant 0 : i32
      %dma_wait3A_323 = tpu.memref_slice %arg8[%run_scoped3A, %dma_wait3A_321, %dma_wait3A_322] : memref<5x128x64xf32, #tpu.memory_space<vmem>> -> memref<1x128x64xf32, #tpu.memory_space<vmem>>
      %dma_wait3A_324 = tpu.memref_squeeze %dma_wait3A_323 : memref<1x128x64xf32, #tpu.memory_space<vmem>> -> memref<128x64xf32, #tpu.memory_space<vmem>>
      %dma_wait3A_325 = arith.constant 0 : i32
      %dma_wait3A_326 = tpu.memref_slice %arg9[%add3A_6, %dma_wait3A_325] : memref<10240x64xf32, #tpu.memory_space<vmem_shared>> -> memref<128x64xf32, #tpu.memory_space<vmem_shared>>
      %dma_wait3A_327 = arith.constant 0 : i32
      %dma_wait3A_328 = tpu.memref_slice %arg9[%add3A_6, %dma_wait3A_327] : memref<10240x64xf32, #tpu.memory_space<vmem_shared>> -> memref<128x64xf32, #tpu.memory_space<vmem_shared>>
      %dma_wait3A_329 = arith.constant 0 : i32
      %dma_wait3A_330 = arith.constant 0 : i32
      %dma_wait3A_331 = tpu.memref_slice %arg8[%run_scoped3A, %dma_wait3A_329, %dma_wait3A_330] : memref<5x128x64xf32, #tpu.memory_space<vmem>> -> memref<1x128x64xf32, #tpu.memory_space<vmem>>
      %dma_wait3A_332 = tpu.memref_squeeze %dma_wait3A_331 : memref<1x128x64xf32, #tpu.memory_space<vmem>> -> memref<128x64xf32, #tpu.memory_space<vmem>>
      tpu.wait_dma2 semaphore(%run_scoped3A_308 : memref<!tpu.dma_semaphore, #tpu.memory_space<semaphore_mem>>) src(%dma_wait3A_332 : memref<128x64xf32, #tpu.memory_space<vmem>>) dst(%dma_wait3A_328 : memref<128x64xf32, #tpu.memory_space<vmem_shared>>)
      tpu.yield
    }) : () -> ()
    %mul3A_7 = arith.constant 640 : i32
    %mul3A_8 = arith.muli %arg1, %mul3A_7 : i32
    %add3A_9 = arith.constant 128 : i32
    %add3A_10 = arith.addi %mul3A_8, %add3A_9 : i32
    %run_scoped3A_11 = arith.constant 0 : i32
    "tpu.region"() ({
      %run_scoped3A_308 = tpu.sem_alloc : memref<!tpu.dma_semaphore, #tpu.memory_space<semaphore_mem>>
      %dma_start3A_309 = arith.constant 0 : i32
      %dma_start3A_310 = arith.constant 0 : i32
      %dma_start3A_311 = tpu.memref_slice %arg8[%run_scoped3A_11, %dma_start3A_309, %dma_start3A_310] : memref<5x128x64xf32, #tpu.memory_space<vmem>> -> memref<1x128x64xf32, #tpu.memory_space<vmem>>
      %dma_start3A_312 = tpu.memref_squeeze %dma_start3A_311 : memref<1x128x64xf32, #tpu.memory_space<vmem>> -> memref<128x64xf32, #tpu.memory_space<vmem>>
      %dma_start3A_313 = arith.constant 0 : i32
      %dma_start3A_314 = tpu.memref_slice %arg9[%add3A_10, %dma_start3A_313] : memref<10240x64xf32, #tpu.memory_space<vmem_shared>> -> memref<128x64xf32, #tpu.memory_space<vmem_shared>>
      %dma_start3A_315 = arith.constant 0 : i32
      %dma_start3A_316 = tpu.memref_slice %arg9[%add3A_10, %dma_start3A_315] : memref<10240x64xf32, #tpu.memory_space<vmem_shared>> -> memref<128x64xf32, #tpu.memory_space<vmem_shared>>
      %dma_start3A_317 = arith.constant 0 : i32
      %dma_start3A_318 = arith.constant 0 : i32
      %dma_start3A_319 = tpu.memref_slice %arg8[%run_scoped3A_11, %dma_start3A_317, %dma_start3A_318] : memref<5x128x64xf32, #tpu.memory_space<vmem>> -> memref<1x128x64xf32, #tpu.memory_space<vmem>>
      %dma_start3A_320 = tpu.memref_squeeze %dma_start3A_319 : memref<1x128x64xf32, #tpu.memory_space<vmem>> -> memref<128x64xf32, #tpu.memory_space<vmem>>
      tpu.enqueue_dma source(%dma_start3A_320 : memref<128x64xf32, #tpu.memory_space<vmem>>) target(%dma_start3A_316 : memref<128x64xf32, #tpu.memory_space<vmem_shared>>) target_semaphore(%run_scoped3A_308 : memref<!tpu.dma_semaphore, #tpu.memory_space<semaphore_mem>>)
      %dma_wait3A_321 = arith.constant 0 : i32
      %dma_wait3A_322 = arith.constant 0 : i32
      %dma_wait3A_323 = tpu.memref_slice %arg8[%run_scoped3A_11, %dma_wait3A_321, %dma_wait3A_322] : memref<5x128x64xf32, #tpu.memory_space<vmem>> -> memref<1x128x64xf32, #tpu.memory_space<vmem>>
      %dma_wait3A_324 = tpu.memref_squeeze %dma_wait3A_323 : memref<1x128x64xf32, #tpu.memory_space<vmem>> -> memref<128x64xf32, #tpu.memory_space<vmem>>
      %dma_wait3A_325 = arith.constant 0 : i32
      %dma_wait3A_326 = tpu.memref_slice %arg9[%add3A_10, %dma_wait3A_325] : memref<10240x64xf32, #tpu.memory_space<vmem_shared>> -> memref<128x64xf32, #tpu.memory_space<vmem_shared>>
      %dma_wait3A_327 = arith.constant 0 : i32
      %dma_wait3A_328 = tpu.memref_slice %arg9[%add3A_10, %dma_wait3A_327] : memref<10240x64xf32, #tpu.memory_space<vmem_shared>> -> memref<128x64xf32, #tpu.memory_space<vmem_shared>>
      %dma_wait3A_329 = arith.constant 0 : i32
      %dma_wait3A_330 = arith.constant 0 : i32
      %dma_wait3A_331 = tpu.memref_slice %arg8[%run_scoped3A_11, %dma_wait3A_329, %dma_wait3A_330] : memref<5x128x64xf32, #tpu.memory_space<vmem>> -> memref<1x128x64xf32, #tpu.memory_space<vmem>>
      %dma_wait3A_332 = tpu.memref_squeeze %dma_wait3A_331 : memref<1x128x64xf32, #tpu.memory_space<vmem>> -> memref<128x64xf32, #tpu.memory_space<vmem>>
      tpu.wait_dma2 semaphore(%run_scoped3A_308 : memref<!tpu.dma_semaphore, #tpu.memory_space<semaphore_mem>>) src(%dma_wait3A_332 : memref<128x64xf32, #tpu.memory_space<vmem>>) dst(%dma_wait3A_328 : memref<128x64xf32, #tpu.memory_space<vmem_shared>>)
      tpu.yield
    }) : () -> ()
    %mul3A_12 = arith.constant 640 : i32
    %mul3A_13 = arith.muli %arg1, %mul3A_12 : i32
    %add3A_14 = arith.constant 256 : i32
    %add3A_15 = arith.addi %mul3A_13, %add3A_14 : i32
    %run_scoped3A_16 = arith.constant 0 : i32
    "tpu.region"() ({
      %run_scoped3A_308 = tpu.sem_alloc : memref<!tpu.dma_semaphore, #tpu.memory_space<semaphore_mem>>
      %dma_start3A_309 = arith.constant 0 : i32
      %dma_start3A_310 = arith.constant 0 : i32
      %dma_start3A_311 = tpu.memref_slice %arg8[%run_scoped3A_16, %dma_start3A_309, %dma_start3A_310] : memref<5x128x64xf32, #tpu.memory_space<vmem>> -> memref<1x128x64xf32, #tpu.memory_space<vmem>>
      %dma_start3A_312 = tpu.memref_squeeze %dma_start3A_311 : memref<1x128x64xf32, #tpu.memory_space<vmem>> -> memref<128x64xf32, #tpu.memory_space<vmem>>
      %dma_start3A_313 = arith.constant 0 : i32
      %dma_start3A_314 = tpu.memref_slice %arg9[%add3A_15, %dma_start3A_313] : memref<10240x64xf32, #tpu.memory_space<vmem_shared>> -> memref<128x64xf32, #tpu.memory_space<vmem_shared>>
      %dma_start3A_315 = arith.constant 0 : i32
      %dma_start3A_316 = tpu.memref_slice %arg9[%add3A_15, %dma_start3A_315] : memref<10240x64xf32, #tpu.memory_space<vmem_shared>> -> memref<128x64xf32, #tpu.memory_space<vmem_shared>>
      %dma_start3A_317 = arith.constant 0 : i32
      %dma_start3A_318 = arith.constant 0 : i32
      %dma_start3A_319 = tpu.memref_slice %arg8[%run_scoped3A_16, %dma_start3A_317, %dma_start3A_318] : memref<5x128x64xf32, #tpu.memory_space<vmem>> -> memref<1x128x64xf32, #tpu.memory_space<vmem>>
      %dma_start3A_320 = tpu.memref_squeeze %dma_start3A_319 : memref<1x128x64xf32, #tpu.memory_space<vmem>> -> memref<128x64xf32, #tpu.memory_space<vmem>>
      tpu.enqueue_dma source(%dma_start3A_320 : memref<128x64xf32, #tpu.memory_space<vmem>>) target(%dma_start3A_316 : memref<128x64xf32, #tpu.memory_space<vmem_shared>>) target_semaphore(%run_scoped3A_308 : memref<!tpu.dma_semaphore, #tpu.memory_space<semaphore_mem>>)
      %dma_wait3A_321 = arith.constant 0 : i32
      %dma_wait3A_322 = arith.constant 0 : i32
      %dma_wait3A_323 = tpu.memref_slice %arg8[%run_scoped3A_16, %dma_wait3A_321, %dma_wait3A_322] : memref<5x128x64xf32, #tpu.memory_space<vmem>> -> memref<1x128x64xf32, #tpu.memory_space<vmem>>
      %dma_wait3A_324 = tpu.memref_squeeze %dma_wait3A_323 : memref<1x128x64xf32, #tpu.memory_space<vmem>> -> memref<128x64xf32, #tpu.memory_space<vmem>>
      %dma_wait3A_325 = arith.constant 0 : i32
      %dma_wait3A_326 = tpu.memref_slice %arg9[%add3A_15, %dma_wait3A_325] : memref<10240x64xf32, #tpu.memory_space<vmem_shared>> -> memref<128x64xf32, #tpu.memory_space<vmem_shared>>
      %dma_wait3A_327 = arith.constant 0 : i32
      %dma_wait3A_328 = tpu.memref_slice %arg9[%add3A_15, %dma_wait3A_327] : memref<10240x64xf32, #tpu.memory_space<vmem_shared>> -> memref<128x64xf32, #tpu.memory_space<vmem_shared>>
      %dma_wait3A_329 = arith.constant 0 : i32
      %dma_wait3A_330 = arith.constant 0 : i32
      %dma_wait3A_331 = tpu.memref_slice %arg8[%run_scoped3A_16, %dma_wait3A_329, %dma_wait3A_330] : memref<5x128x64xf32, #tpu.memory_space<vmem>> -> memref<1x128x64xf32, #tpu.memory_space<vmem>>
      %dma_wait3A_332 = tpu.memref_squeeze %dma_wait3A_331 : memref<1x128x64xf32, #tpu.memory_space<vmem>> -> memref<128x64xf32, #tpu.memory_space<vmem>>
      tpu.wait_dma2 semaphore(%run_scoped3A_308 : memref<!tpu.dma_semaphore, #tpu.memory_space<semaphore_mem>>) src(%dma_wait3A_332 : memref<128x64xf32, #tpu.memory_space<vmem>>) dst(%dma_wait3A_328 : memref<128x64xf32, #tpu.memory_space<vmem_shared>>)
      tpu.yield
    }) : () -> ()
    %mul3A_17 = arith.constant 640 : i32
    %mul3A_18 = arith.muli %arg1, %mul3A_17 : i32
    %add3A_19 = arith.constant 384 : i32
    %add3A_20 = arith.addi %mul3A_18, %add3A_19 : i32
    %run_scoped3A_21 = arith.constant 0 : i32
    "tpu.region"() ({
      %run_scoped3A_308 = tpu.sem_alloc : memref<!tpu.dma_semaphore, #tpu.memory_space<semaphore_mem>>
      %dma_start3A_309 = arith.constant 0 : i32
      %dma_start3A_310 = arith.constant 0 : i32
      %dma_start3A_311 = tpu.memref_slice %arg8[%run_scoped3A_21, %dma_start3A_309, %dma_start3A_310] : memref<5x128x64xf32, #tpu.memory_space<vmem>> -> memref<1x128x64xf32, #tpu.memory_space<vmem>>
      %dma_start3A_312 = tpu.memref_squeeze %dma_start3A_311 : memref<1x128x64xf32, #tpu.memory_space<vmem>> -> memref<128x64xf32, #tpu.memory_space<vmem>>
      %dma_start3A_313 = arith.constant 0 : i32
      %dma_start3A_314 = tpu.memref_slice %arg9[%add3A_20, %dma_start3A_313] : memref<10240x64xf32, #tpu.memory_space<vmem_shared>> -> memref<128x64xf32, #tpu.memory_space<vmem_shared>>
      %dma_start3A_315 = arith.constant 0 : i32
      %dma_start3A_316 = tpu.memref_slice %arg9[%add3A_20, %dma_start3A_315] : memref<10240x64xf32, #tpu.memory_space<vmem_shared>> -> memref<128x64xf32, #tpu.memory_space<vmem_shared>>
      %dma_start3A_317 = arith.constant 0 : i32
      %dma_start3A_318 = arith.constant 0 : i32
      %dma_start3A_319 = tpu.memref_slice %arg8[%run_scoped3A_21, %dma_start3A_317, %dma_start3A_318] : memref<5x128x64xf32, #tpu.memory_space<vmem>> -> memref<1x128x64xf32, #tpu.memory_space<vmem>>
      %dma_start3A_320 = tpu.memref_squeeze %dma_start3A_319 : memref<1x128x64xf32, #tpu.memory_space<vmem>> -> memref<128x64xf32, #tpu.memory_space<vmem>>
      tpu.enqueue_dma source(%dma_start3A_320 : memref<128x64xf32, #tpu.memory_space<vmem>>) target(%dma_start3A_316 : memref<128x64xf32, #tpu.memory_space<vmem_shared>>) target_semaphore(%run_scoped3A_308 : memref<!tpu.dma_semaphore, #tpu.memory_space<semaphore_mem>>)
      %dma_wait3A_321 = arith.constant 0 : i32
      %dma_wait3A_322 = arith.constant 0 : i32
      %dma_wait3A_323 = tpu.memref_slice %arg8[%run_scoped3A_21, %dma_wait3A_321, %dma_wait3A_322] : memref<5x128x64xf32, #tpu.memory_space<vmem>> -> memref<1x128x64xf32, #tpu.memory_space<vmem>>
      %dma_wait3A_324 = tpu.memref_squeeze %dma_wait3A_323 : memref<1x128x64xf32, #tpu.memory_space<vmem>> -> memref<128x64xf32, #tpu.memory_space<vmem>>
      %dma_wait3A_325 = arith.constant 0 : i32
      %dma_wait3A_326 = tpu.memref_slice %arg9[%add3A_20, %dma_wait3A_325] : memref<10240x64xf32, #tpu.memory_space<vmem_shared>> -> memref<128x64xf32, #tpu.memory_space<vmem_shared>>
      %dma_wait3A_327 = arith.constant 0 : i32
      %dma_wait3A_328 = tpu.memref_slice %arg9[%add3A_20, %dma_wait3A_327] : memref<10240x64xf32, #tpu.memory_space<vmem_shared>> -> memref<128x64xf32, #tpu.memory_space<vmem_shared>>
      %dma_wait3A_329 = arith.constant 0 : i32
      %dma_wait3A_330 = arith.constant 0 : i32
      %dma_wait3A_331 = tpu.memref_slice %arg8[%run_scoped3A_21, %dma_wait3A_329, %dma_wait3A_330] : memref<5x128x64xf32, #tpu.memory_space<vmem>> -> memref<1x128x64xf32, #tpu.memory_space<vmem>>
      %dma_wait3A_332 = tpu.memref_squeeze %dma_wait3A_331 : memref<1x128x64xf32, #tpu.memory_space<vmem>> -> memref<128x64xf32, #tpu.memory_space<vmem>>
      tpu.wait_dma2 semaphore(%run_scoped3A_308 : memref<!tpu.dma_semaphore, #tpu.memory_space<semaphore_mem>>) src(%dma_wait3A_332 : memref<128x64xf32, #tpu.memory_space<vmem>>) dst(%dma_wait3A_328 : memref<128x64xf32, #tpu.memory_space<vmem_shared>>)
      tpu.yield
    }) : () -> ()
    %mul3A_22 = arith.constant 640 : i32
    %mul3A_23 = arith.muli %arg1, %mul3A_22 : i32
    %add3A_24 = arith.constant 512 : i32
    %add3A_25 = arith.addi %mul3A_23, %add3A_24 : i32
    %run_scoped3A_26 = arith.constant 0 : i32
    "tpu.region"() ({
      %run_scoped3A_308 = tpu.sem_alloc : memref<!tpu.dma_semaphore, #tpu.memory_space<semaphore_mem>>
      %dma_start3A_309 = arith.constant 0 : i32
      %dma_start3A_310 = arith.constant 0 : i32
      %dma_start3A_311 = tpu.memref_slice %arg8[%run_scoped3A_26, %dma_start3A_309, %dma_start3A_310] : memref<5x128x64xf32, #tpu.memory_space<vmem>> -> memref<1x128x64xf32, #tpu.memory_space<vmem>>
      %dma_start3A_312 = tpu.memref_squeeze %dma_start3A_311 : memref<1x128x64xf32, #tpu.memory_space<vmem>> -> memref<128x64xf32, #tpu.memory_space<vmem>>
      %dma_start3A_313 = arith.constant 0 : i32
      %dma_start3A_314 = tpu.memref_slice %arg9[%add3A_25, %dma_start3A_313] : memref<10240x64xf32, #tpu.memory_space<vmem_shared>> -> memref<128x64xf32, #tpu.memory_space<vmem_shared>>
      %dma_start3A_315 = arith.constant 0 : i32
      %dma_start3A_316 = tpu.memref_slice %arg9[%add3A_25, %dma_start3A_315] : memref<10240x64xf32, #tpu.memory_space<vmem_shared>> -> memref<128x64xf32, #tpu.memory_space<vmem_shared>>
      %dma_start3A_317 = arith.constant 0 : i32
      %dma_start3A_318 = arith.constant 0 : i32
      %dma_start3A_319 = tpu.memref_slice %arg8[%run_scoped3A_26, %dma_start3A_317, %dma_start3A_318] : memref<5x128x64xf32, #tpu.memory_space<vmem>> -> memref<1x128x64xf32, #tpu.memory_space<vmem>>
      %dma_start3A_320 = tpu.memref_squeeze %dma_start3A_319 : memref<1x128x64xf32, #tpu.memory_space<vmem>> -> memref<128x64xf32, #tpu.memory_space<vmem>>
      tpu.enqueue_dma source(%dma_start3A_320 : memref<128x64xf32, #tpu.memory_space<vmem>>) target(%dma_start3A_316 : memref<128x64xf32, #tpu.memory_space<vmem_shared>>) target_semaphore(%run_scoped3A_308 : memref<!tpu.dma_semaphore, #tpu.memory_space<semaphore_mem>>)
      %dma_wait3A_321 = arith.constant 0 : i32
      %dma_wait3A_322 = arith.constant 0 : i32
      %dma_wait3A_323 = tpu.memref_slice %arg8[%run_scoped3A_26, %dma_wait3A_321, %dma_wait3A_322] : memref<5x128x64xf32, #tpu.memory_space<vmem>> -> memref<1x128x64xf32, #tpu.memory_space<vmem>>
      %dma_wait3A_324 = tpu.memref_squeeze %dma_wait3A_323 : memref<1x128x64xf32, #tpu.memory_space<vmem>> -> memref<128x64xf32, #tpu.memory_space<vmem>>
      %dma_wait3A_325 = arith.constant 0 : i32
      %dma_wait3A_326 = tpu.memref_slice %arg9[%add3A_25, %dma_wait3A_325] : memref<10240x64xf32, #tpu.memory_space<vmem_shared>> -> memref<128x64xf32, #tpu.memory_space<vmem_shared>>
      %dma_wait3A_327 = arith.constant 0 : i32
      %dma_wait3A_328 = tpu.memref_slice %arg9[%add3A_25, %dma_wait3A_327] : memref<10240x64xf32, #tpu.memory_space<vmem_shared>> -> memref<128x64xf32, #tpu.memory_space<vmem_shared>>
      %dma_wait3A_329 = arith.constant 0 : i32
      %dma_wait3A_330 = arith.constant 0 : i32
      %dma_wait3A_331 = tpu.memref_slice %arg8[%run_scoped3A_26, %dma_wait3A_329, %dma_wait3A_330] : memref<5x128x64xf32, #tpu.memory_space<vmem>> -> memref<1x128x64xf32, #tpu.memory_space<vmem>>
      %dma_wait3A_332 = tpu.memref_squeeze %dma_wait3A_331 : memref<1x128x64xf32, #tpu.memory_space<vmem>> -> memref<128x64xf32, #tpu.memory_space<vmem>>
      tpu.wait_dma2 semaphore(%run_scoped3A_308 : memref<!tpu.dma_semaphore, #tpu.memory_space<semaphore_mem>>) src(%dma_wait3A_332 : memref<128x64xf32, #tpu.memory_space<vmem>>) dst(%dma_wait3A_328 : memref<128x64xf32, #tpu.memory_space<vmem_shared>>)
      tpu.yield
    }) : () -> ()
    %mul3A_27 = arith.constant 640 : i32
    %mul3A_28 = arith.muli %arg1, %mul3A_27 : i32
    %mul3A_29 = arith.constant 640 : i32
    %mul3A_30 = arith.muli %arg1, %mul3A_29 : i32
    "tpu.region"() ({
      %run_scoped3A_308 = tpu.sem_alloc : memref<!tpu.dma_semaphore, #tpu.memory_space<semaphore_mem>>
      %dma_start3A_309 = arith.constant 0 : i32
      %dma_start3A_310 = tpu.memref_slice %arg10[%mul3A_30, %dma_start3A_309] : memref<10240x64xf32, #tpu.memory_space<vmem_shared>> -> memref<640x64xf32, #tpu.memory_space<vmem_shared>>
      %dma_start3A_311 = arith.constant 0 : i32
      %dma_start3A_312 = arith.constant 0 : i32
      %dma_start3A_313 = tpu.memref_slice %arg2[%arg0, %dma_start3A_311, %dma_start3A_312] : memref<2x10240x64xf32, #tpu.memory_space<hbm>> -> memref<1x10240x64xf32, #tpu.memory_space<hbm>>
      %dma_start3A_314 = tpu.memref_squeeze %dma_start3A_313 : memref<1x10240x64xf32, #tpu.memory_space<hbm>> -> memref<10240x64xf32, #tpu.memory_space<hbm>>
      %dma_start3A_315 = arith.constant 0 : i32
      %dma_start3A_316 = tpu.memref_slice %dma_start3A_314[%mul3A_28, %dma_start3A_315] : memref<10240x64xf32, #tpu.memory_space<hbm>> -> memref<640x64xf32, #tpu.memory_space<hbm>>
      tpu.enqueue_dma source(%dma_start3A_316 : memref<640x64xf32, #tpu.memory_space<hbm>>) target(%dma_start3A_310 : memref<640x64xf32, #tpu.memory_space<vmem_shared>>) target_semaphore(%run_scoped3A_308 : memref<!tpu.dma_semaphore, #tpu.memory_space<semaphore_mem>>)
      %dma_wait3A_317 = arith.constant 0 : i32
      %dma_wait3A_318 = tpu.memref_slice %arg10[%mul3A_30, %dma_wait3A_317] : memref<10240x64xf32, #tpu.memory_space<vmem_shared>> -> memref<640x64xf32, #tpu.memory_space<vmem_shared>>
      %dma_wait3A_319 = arith.constant 0 : i32
      %dma_wait3A_320 = arith.constant 0 : i32
      %dma_wait3A_321 = tpu.memref_slice %arg2[%arg0, %dma_wait3A_319, %dma_wait3A_320] : memref<2x10240x64xf32, #tpu.memory_space<hbm>> -> memref<1x10240x64xf32, #tpu.memory_space<hbm>>
      %dma_wait3A_322 = tpu.memref_squeeze %dma_wait3A_321 : memref<1x10240x64xf32, #tpu.memory_space<hbm>> -> memref<10240x64xf32, #tpu.memory_space<hbm>>
      %dma_wait3A_323 = arith.constant 0 : i32
      %dma_wait3A_324 = tpu.memref_slice %dma_wait3A_322[%mul3A_28, %dma_wait3A_323] : memref<10240x64xf32, #tpu.memory_space<hbm>> -> memref<640x64xf32, #tpu.memory_space<hbm>>
      tpu.wait_dma2 semaphore(%run_scoped3A_308 : memref<!tpu.dma_semaphore, #tpu.memory_space<semaphore_mem>>) src(%dma_wait3A_324 : memref<640x64xf32, #tpu.memory_space<hbm>>) dst(%dma_wait3A_318 : memref<640x64xf32, #tpu.memory_space<vmem_shared>>)
      tpu.yield
    }) : () -> ()
    %barrier3A = arith.constant 0 : index
    tpu.barrier barrier_id(%barrier3A)
    %dma_start3A = arith.constant 0 : i32
    %dma_start3A_31 = arith.constant 0 : i32
    %dma_start3A_32 = arith.constant 0 : i32
    %dma_start3A_33 = tpu.memref_slice %arg6[%dma_start3A_31, %dma_start3A_32] : memref<10x128xi32, #tpu.memory_space<vmem>> -> memref<1x128xi32, #tpu.memory_space<vmem>>
    %dma_start3A_34 = tpu.memref_squeeze %dma_start3A_33 : memref<1x128xi32, #tpu.memory_space<vmem>> -> memref<128xi32, #tpu.memory_space<vmem>>
    %dma_start3A_35 = arith.constant 0 : i32
    %dma_start3A_36 = arith.constant 0 : i32
    %dma_start3A_37 = tpu.memref_slice %arg3[%arg1, %dma_start3A_35, %dma_start3A_36] : memref<16x160x128xi32, #tpu.memory_space<hbm>> -> memref<1x160x128xi32, #tpu.memory_space<hbm>>
    %dma_start3A_38 = tpu.memref_squeeze %dma_start3A_37 : memref<1x160x128xi32, #tpu.memory_space<hbm>> -> memref<160x128xi32, #tpu.memory_space<hbm>>
    %dma_start3A_39 = arith.constant 0 : i32
    %dma_start3A_40 = tpu.memref_slice %dma_start3A_38[%dma_start3A, %dma_start3A_39] : memref<160x128xi32, #tpu.memory_space<hbm>> -> memref<1x128xi32, #tpu.memory_space<hbm>>
    %dma_start3A_41 = tpu.memref_squeeze %dma_start3A_40 : memref<1x128xi32, #tpu.memory_space<hbm>> -> memref<128xi32, #tpu.memory_space<hbm>>
    %dma_start3A_42 = arith.constant 0 : i32
    %dma_start3A_43 = tpu.memref_slice %arg6[%dma_start3A_31, %dma_start3A_42] : memref<10x128xi32, #tpu.memory_space<vmem>> -> memref<1x128xi32, #tpu.memory_space<vmem>>
    %dma_start3A_44 = tpu.memref_squeeze %dma_start3A_43 : memref<1x128xi32, #tpu.memory_space<vmem>> -> memref<128xi32, #tpu.memory_space<vmem>>
    %dma_start3A_45 = arith.constant 0 : i32
    %dma_start3A_46 = arith.constant 0 : i32
    %dma_start3A_47 = tpu.memref_slice %arg3[%arg1, %dma_start3A_45, %dma_start3A_46] : memref<16x160x128xi32, #tpu.memory_space<hbm>> -> memref<1x160x128xi32, #tpu.memory_space<hbm>>
    %dma_start3A_48 = tpu.memref_squeeze %dma_start3A_47 : memref<1x160x128xi32, #tpu.memory_space<hbm>> -> memref<160x128xi32, #tpu.memory_space<hbm>>
    %dma_start3A_49 = arith.constant 0 : i32
    %dma_start3A_50 = tpu.memref_slice %dma_start3A_48[%dma_start3A, %dma_start3A_49] : memref<160x128xi32, #tpu.memory_space<hbm>> -> memref<1x128xi32, #tpu.memory_space<hbm>>
    %dma_start3A_51 = tpu.memref_squeeze %dma_start3A_50 : memref<1x128xi32, #tpu.memory_space<hbm>> -> memref<128xi32, #tpu.memory_space<hbm>>
    tpu.enqueue_dma source(%dma_start3A_51 : memref<128xi32, #tpu.memory_space<hbm>>) target(%dma_start3A_44 : memref<128xi32, #tpu.memory_space<vmem>>) target_semaphore(%arg21 : memref<!tpu.dma_semaphore, #tpu.memory_space<semaphore_mem>>)
    %dma_start3A_52 = arith.constant 0 : i32
    %dma_start3A_53 = arith.constant 0 : i32
    %dma_start3A_54 = arith.constant 0 : i32
    %dma_start3A_55 = tpu.memref_slice %arg7[%dma_start3A_53, %dma_start3A_54] : memref<10x128xi32, #tpu.memory_space<vmem>> -> memref<1x128xi32, #tpu.memory_space<vmem>>
    %dma_start3A_56 = tpu.memref_squeeze %dma_start3A_55 : memref<1x128xi32, #tpu.memory_space<vmem>> -> memref<128xi32, #tpu.memory_space<vmem>>
    %dma_start3A_57 = arith.constant 0 : i32
    %dma_start3A_58 = arith.constant 0 : i32
    %dma_start3A_59 = tpu.memref_slice %arg4[%arg1, %dma_start3A_57, %dma_start3A_58] : memref<16x160x128xi32, #tpu.memory_space<hbm>> -> memref<1x160x128xi32, #tpu.memory_space<hbm>>
    %dma_start3A_60 = tpu.memref_squeeze %dma_start3A_59 : memref<1x160x128xi32, #tpu.memory_space<hbm>> -> memref<160x128xi32, #tpu.memory_space<hbm>>
    %dma_start3A_61 = arith.constant 0 : i32
    %dma_start3A_62 = tpu.memref_slice %dma_start3A_60[%dma_start3A_52, %dma_start3A_61] : memref<160x128xi32, #tpu.memory_space<hbm>> -> memref<1x128xi32, #tpu.memory_space<hbm>>
    %dma_start3A_63 = tpu.memref_squeeze %dma_start3A_62 : memref<1x128xi32, #tpu.memory_space<hbm>> -> memref<128xi32, #tpu.memory_space<hbm>>
    %dma_start3A_64 = arith.constant 0 : i32
    %dma_start3A_65 = tpu.memref_slice %arg7[%dma_start3A_53, %dma_start3A_64] : memref<10x128xi32, #tpu.memory_space<vmem>> -> memref<1x128xi32, #tpu.memory_space<vmem>>
    %dma_start3A_66 = tpu.memref_squeeze %dma_start3A_65 : memref<1x128xi32, #tpu.memory_space<vmem>> -> memref<128xi32, #tpu.memory_space<vmem>>
    %dma_start3A_67 = arith.constant 0 : i32
    %dma_start3A_68 = arith.constant 0 : i32
    %dma_start3A_69 = tpu.memref_slice %arg4[%arg1, %dma_start3A_67, %dma_start3A_68] : memref<16x160x128xi32, #tpu.memory_space<hbm>> -> memref<1x160x128xi32, #tpu.memory_space<hbm>>
    %dma_start3A_70 = tpu.memref_squeeze %dma_start3A_69 : memref<1x160x128xi32, #tpu.memory_space<hbm>> -> memref<160x128xi32, #tpu.memory_space<hbm>>
    %dma_start3A_71 = arith.constant 0 : i32
    %dma_start3A_72 = tpu.memref_slice %dma_start3A_70[%dma_start3A_52, %dma_start3A_71] : memref<160x128xi32, #tpu.memory_space<hbm>> -> memref<1x128xi32, #tpu.memory_space<hbm>>
    %dma_start3A_73 = tpu.memref_squeeze %dma_start3A_72 : memref<1x128xi32, #tpu.memory_space<hbm>> -> memref<128xi32, #tpu.memory_space<hbm>>
    tpu.enqueue_dma source(%dma_start3A_73 : memref<128xi32, #tpu.memory_space<hbm>>) target(%dma_start3A_66 : memref<128xi32, #tpu.memory_space<vmem>>) target_semaphore(%arg31 : memref<!tpu.dma_semaphore, #tpu.memory_space<semaphore_mem>>)
    %dma_start3A_74 = arith.constant 1 : i32
    %dma_start3A_75 = arith.constant 1 : i32
    %dma_start3A_76 = arith.constant 0 : i32
    %dma_start3A_77 = tpu.memref_slice %arg6[%dma_start3A_75, %dma_start3A_76] : memref<10x128xi32, #tpu.memory_space<vmem>> -> memref<1x128xi32, #tpu.memory_space<vmem>>
    %dma_start3A_78 = tpu.memref_squeeze %dma_start3A_77 : memref<1x128xi32, #tpu.memory_space<vmem>> -> memref<128xi32, #tpu.memory_space<vmem>>
    %dma_start3A_79 = arith.constant 0 : i32
    %dma_start3A_80 = arith.constant 0 : i32
    %dma_start3A_81 = tpu.memref_slice %arg3[%arg1, %dma_start3A_79, %dma_start3A_80] : memref<16x160x128xi32, #tpu.memory_space<hbm>> -> memref<1x160x128xi32, #tpu.memory_space<hbm>>
    %dma_start3A_82 = tpu.memref_squeeze %dma_start3A_81 : memref<1x160x128xi32, #tpu.memory_space<hbm>> -> memref<160x128xi32, #tpu.memory_space<hbm>>
    %dma_start3A_83 = arith.constant 0 : i32
    %dma_start3A_84 = tpu.memref_slice %dma_start3A_82[%dma_start3A_74, %dma_start3A_83] : memref<160x128xi32, #tpu.memory_space<hbm>> -> memref<1x128xi32, #tpu.memory_space<hbm>>
    %dma_start3A_85 = tpu.memref_squeeze %dma_start3A_84 : memref<1x128xi32, #tpu.memory_space<hbm>> -> memref<128xi32, #tpu.memory_space<hbm>>
    %dma_start3A_86 = arith.constant 0 : i32
    %dma_start3A_87 = tpu.memref_slice %arg6[%dma_start3A_75, %dma_start3A_86] : memref<10x128xi32, #tpu.memory_space<vmem>> -> memref<1x128xi32, #tpu.memory_space<vmem>>
    %dma_start3A_88 = tpu.memref_squeeze %dma_start3A_87 : memref<1x128xi32, #tpu.memory_space<vmem>> -> memref<128xi32, #tpu.memory_space<vmem>>
    %dma_start3A_89 = arith.constant 0 : i32
    %dma_start3A_90 = arith.constant 0 : i32
    %dma_start3A_91 = tpu.memref_slice %arg3[%arg1, %dma_start3A_89, %dma_start3A_90] : memref<16x160x128xi32, #tpu.memory_space<hbm>> -> memref<1x160x128xi32, #tpu.memory_space<hbm>>
    %dma_start3A_92 = tpu.memref_squeeze %dma_start3A_91 : memref<1x160x128xi32, #tpu.memory_space<hbm>> -> memref<160x128xi32, #tpu.memory_space<hbm>>
    %dma_start3A_93 = arith.constant 0 : i32
    %dma_start3A_94 = tpu.memref_slice %dma_start3A_92[%dma_start3A_74, %dma_start3A_93] : memref<160x128xi32, #tpu.memory_space<hbm>> -> memref<1x128xi32, #tpu.memory_space<hbm>>
    %dma_start3A_95 = tpu.memref_squeeze %dma_start3A_94 : memref<1x128xi32, #tpu.memory_space<hbm>> -> memref<128xi32, #tpu.memory_space<hbm>>
    tpu.enqueue_dma source(%dma_start3A_95 : memref<128xi32, #tpu.memory_space<hbm>>) target(%dma_start3A_88 : memref<128xi32, #tpu.memory_space<vmem>>) target_semaphore(%arg22 : memref<!tpu.dma_semaphore, #tpu.memory_space<semaphore_mem>>)
    %dma_start3A_96 = arith.constant 1 : i32
    %dma_start3A_97 = arith.constant 1 : i32
    %dma_start3A_98 = arith.constant 0 : i32
    %dma_start3A_99 = tpu.memref_slice %arg7[%dma_start3A_97, %dma_start3A_98] : memref<10x128xi32, #tpu.memory_space<vmem>> -> memref<1x128xi32, #tpu.memory_space<vmem>>
    %dma_start3A_100 = tpu.memref_squeeze %dma_start3A_99 : memref<1x128xi32, #tpu.memory_space<vmem>> -> memref<128xi32, #tpu.memory_space<vmem>>
    %dma_start3A_101 = arith.constant 0 : i32
    %dma_start3A_102 = arith.constant 0 : i32
    %dma_start3A_103 = tpu.memref_slice %arg4[%arg1, %dma_start3A_101, %dma_start3A_102] : memref<16x160x128xi32, #tpu.memory_space<hbm>> -> memref<1x160x128xi32, #tpu.memory_space<hbm>>
    %dma_start3A_104 = tpu.memref_squeeze %dma_start3A_103 : memref<1x160x128xi32, #tpu.memory_space<hbm>> -> memref<160x128xi32, #tpu.memory_space<hbm>>
    %dma_start3A_105 = arith.constant 0 : i32
    %dma_start3A_106 = tpu.memref_slice %dma_start3A_104[%dma_start3A_96, %dma_start3A_105] : memref<160x128xi32, #tpu.memory_space<hbm>> -> memref<1x128xi32, #tpu.memory_space<hbm>>
    %dma_start3A_107 = tpu.memref_squeeze %dma_start3A_106 : memref<1x128xi32, #tpu.memory_space<hbm>> -> memref<128xi32, #tpu.memory_space<hbm>>
    %dma_start3A_108 = arith.constant 0 : i32
    %dma_start3A_109 = tpu.memref_slice %arg7[%dma_start3A_97, %dma_start3A_108] : memref<10x128xi32, #tpu.memory_space<vmem>> -> memref<1x128xi32, #tpu.memory_space<vmem>>
    %dma_start3A_110 = tpu.memref_squeeze %dma_start3A_109 : memref<1x128xi32, #tpu.memory_space<vmem>> -> memref<128xi32, #tpu.memory_space<vmem>>
    %dma_start3A_111 = arith.constant 0 : i32
    %dma_start3A_112 = arith.constant 0 : i32
    %dma_start3A_113 = tpu.memref_slice %arg4[%arg1, %dma_start3A_111, %dma_start3A_112] : memref<16x160x128xi32, #tpu.memory_space<hbm>> -> memref<1x160x128xi32, #tpu.memory_space<hbm>>
    %dma_start3A_114 = tpu.memref_squeeze %dma_start3A_113 : memref<1x160x128xi32, #tpu.memory_space<hbm>> -> memref<160x128xi32, #tpu.memory_space<hbm>>
    %dma_start3A_115 = arith.constant 0 : i32
    %dma_start3A_116 = tpu.memref_slice %dma_start3A_114[%dma_start3A_96, %dma_start3A_115] : memref<160x128xi32, #tpu.memory_space<hbm>> -> memref<1x128xi32, #tpu.memory_space<hbm>>
    %dma_start3A_117 = tpu.memref_squeeze %dma_start3A_116 : memref<1x128xi32, #tpu.memory_space<hbm>> -> memref<128xi32, #tpu.memory_space<hbm>>
    tpu.enqueue_dma source(%dma_start3A_117 : memref<128xi32, #tpu.memory_space<hbm>>) target(%dma_start3A_110 : memref<128xi32, #tpu.memory_space<vmem>>) target_semaphore(%arg32 : memref<!tpu.dma_semaphore, #tpu.memory_space<semaphore_mem>>)
    %dma_start3A_118 = arith.constant 2 : i32
    %dma_start3A_119 = arith.constant 2 : i32
    %dma_start3A_120 = arith.constant 0 : i32
    %dma_start3A_121 = tpu.memref_slice %arg6[%dma_start3A_119, %dma_start3A_120] : memref<10x128xi32, #tpu.memory_space<vmem>> -> memref<1x128xi32, #tpu.memory_space<vmem>>
    %dma_start3A_122 = tpu.memref_squeeze %dma_start3A_121 : memref<1x128xi32, #tpu.memory_space<vmem>> -> memref<128xi32, #tpu.memory_space<vmem>>
    %dma_start3A_123 = arith.constant 0 : i32
    %dma_start3A_124 = arith.constant 0 : i32
    %dma_start3A_125 = tpu.memref_slice %arg3[%arg1, %dma_start3A_123, %dma_start3A_124] : memref<16x160x128xi32, #tpu.memory_space<hbm>> -> memref<1x160x128xi32, #tpu.memory_space<hbm>>
    %dma_start3A_126 = tpu.memref_squeeze %dma_start3A_125 : memref<1x160x128xi32, #tpu.memory_space<hbm>> -> memref<160x128xi32, #tpu.memory_space<hbm>>
    %dma_start3A_127 = arith.constant 0 : i32
    %dma_start3A_128 = tpu.memref_slice %dma_start3A_126[%dma_start3A_118, %dma_start3A_127] : memref<160x128xi32, #tpu.memory_space<hbm>> -> memref<1x128xi32, #tpu.memory_space<hbm>>
    %dma_start3A_129 = tpu.memref_squeeze %dma_start3A_128 : memref<1x128xi32, #tpu.memory_space<hbm>> -> memref<128xi32, #tpu.memory_space<hbm>>
    %dma_start3A_130 = arith.constant 0 : i32
    %dma_start3A_131 = tpu.memref_slice %arg6[%dma_start3A_119, %dma_start3A_130] : memref<10x128xi32, #tpu.memory_space<vmem>> -> memref<1x128xi32, #tpu.memory_space<vmem>>
    %dma_start3A_132 = tpu.memref_squeeze %dma_start3A_131 : memref<1x128xi32, #tpu.memory_space<vmem>> -> memref<128xi32, #tpu.memory_space<vmem>>
    %dma_start3A_133 = arith.constant 0 : i32
    %dma_start3A_134 = arith.constant 0 : i32
    %dma_start3A_135 = tpu.memref_slice %arg3[%arg1, %dma_start3A_133, %dma_start3A_134] : memref<16x160x128xi32, #tpu.memory_space<hbm>> -> memref<1x160x128xi32, #tpu.memory_space<hbm>>
    %dma_start3A_136 = tpu.memref_squeeze %dma_start3A_135 : memref<1x160x128xi32, #tpu.memory_space<hbm>> -> memref<160x128xi32, #tpu.memory_space<hbm>>
    %dma_start3A_137 = arith.constant 0 : i32
    %dma_start3A_138 = tpu.memref_slice %dma_start3A_136[%dma_start3A_118, %dma_start3A_137] : memref<160x128xi32, #tpu.memory_space<hbm>> -> memref<1x128xi32, #tpu.memory_space<hbm>>
    %dma_start3A_139 = tpu.memref_squeeze %dma_start3A_138 : memref<1x128xi32, #tpu.memory_space<hbm>> -> memref<128xi32, #tpu.memory_space<hbm>>
    tpu.enqueue_dma source(%dma_start3A_139 : memref<128xi32, #tpu.memory_space<hbm>>) target(%dma_start3A_132 : memref<128xi32, #tpu.memory_space<vmem>>) target_semaphore(%arg23 : memref<!tpu.dma_semaphore, #tpu.memory_space<semaphore_mem>>)
    %dma_start3A_140 = arith.constant 2 : i32
    %dma_start3A_141 = arith.constant 2 : i32
    %dma_start3A_142 = arith.constant 0 : i32
    %dma_start3A_143 = tpu.memref_slice %arg7[%dma_start3A_141, %dma_start3A_142] : memref<10x128xi32, #tpu.memory_space<vmem>> -> memref<1x128xi32, #tpu.memory_space<vmem>>
    %dma_start3A_144 = tpu.memref_squeeze %dma_start3A_143 : memref<1x128xi32, #tpu.memory_space<vmem>> -> memref<128xi32, #tpu.memory_space<vmem>>
    %dma_start3A_145 = arith.constant 0 : i32
    %dma_start3A_146 = arith.constant 0 : i32
    %dma_start3A_147 = tpu.memref_slice %arg4[%arg1, %dma_start3A_145, %dma_start3A_146] : memref<16x160x128xi32, #tpu.memory_space<hbm>> -> memref<1x160x128xi32, #tpu.memory_space<hbm>>
    %dma_start3A_148 = tpu.memref_squeeze %dma_start3A_147 : memref<1x160x128xi32, #tpu.memory_space<hbm>> -> memref<160x128xi32, #tpu.memory_space<hbm>>
    %dma_start3A_149 = arith.constant 0 : i32
    %dma_start3A_150 = tpu.memref_slice %dma_start3A_148[%dma_start3A_140, %dma_start3A_149] : memref<160x128xi32, #tpu.memory_space<hbm>> -> memref<1x128xi32, #tpu.memory_space<hbm>>
    %dma_start3A_151 = tpu.memref_squeeze %dma_start3A_150 : memref<1x128xi32, #tpu.memory_space<hbm>> -> memref<128xi32, #tpu.memory_space<hbm>>
    %dma_start3A_152 = arith.constant 0 : i32
    %dma_start3A_153 = tpu.memref_slice %arg7[%dma_start3A_141, %dma_start3A_152] : memref<10x128xi32, #tpu.memory_space<vmem>> -> memref<1x128xi32, #tpu.memory_space<vmem>>
    %dma_start3A_154 = tpu.memref_squeeze %dma_start3A_153 : memref<1x128xi32, #tpu.memory_space<vmem>> -> memref<128xi32, #tpu.memory_space<vmem>>
    %dma_start3A_155 = arith.constant 0 : i32
    %dma_start3A_156 = arith.constant 0 : i32
    %dma_start3A_157 = tpu.memref_slice %arg4[%arg1, %dma_start3A_155, %dma_start3A_156] : memref<16x160x128xi32, #tpu.memory_space<hbm>> -> memref<1x160x128xi32, #tpu.memory_space<hbm>>
    %dma_start3A_158 = tpu.memref_squeeze %dma_start3A_157 : memref<1x160x128xi32, #tpu.memory_space<hbm>> -> memref<160x128xi32, #tpu.memory_space<hbm>>
    %dma_start3A_159 = arith.constant 0 : i32
    %dma_start3A_160 = tpu.memref_slice %dma_start3A_158[%dma_start3A_140, %dma_start3A_159] : memref<160x128xi32, #tpu.memory_space<hbm>> -> memref<1x128xi32, #tpu.memory_space<hbm>>
    %dma_start3A_161 = tpu.memref_squeeze %dma_start3A_160 : memref<1x128xi32, #tpu.memory_space<hbm>> -> memref<128xi32, #tpu.memory_space<hbm>>
    tpu.enqueue_dma source(%dma_start3A_161 : memref<128xi32, #tpu.memory_space<hbm>>) target(%dma_start3A_154 : memref<128xi32, #tpu.memory_space<vmem>>) target_semaphore(%arg33 : memref<!tpu.dma_semaphore, #tpu.memory_space<semaphore_mem>>)
    %dma_start3A_162 = arith.constant 3 : i32
    %dma_start3A_163 = arith.constant 3 : i32
    %dma_start3A_164 = arith.constant 0 : i32
    %dma_start3A_165 = tpu.memref_slice %arg6[%dma_start3A_163, %dma_start3A_164] : memref<10x128xi32, #tpu.memory_space<vmem>> -> memref<1x128xi32, #tpu.memory_space<vmem>>
    %dma_start3A_166 = tpu.memref_squeeze %dma_start3A_165 : memref<1x128xi32, #tpu.memory_space<vmem>> -> memref<128xi32, #tpu.memory_space<vmem>>
    %dma_start3A_167 = arith.constant 0 : i32
    %dma_start3A_168 = arith.constant 0 : i32
    %dma_start3A_169 = tpu.memref_slice %arg3[%arg1, %dma_start3A_167, %dma_start3A_168] : memref<16x160x128xi32, #tpu.memory_space<hbm>> -> memref<1x160x128xi32, #tpu.memory_space<hbm>>
    %dma_start3A_170 = tpu.memref_squeeze %dma_start3A_169 : memref<1x160x128xi32, #tpu.memory_space<hbm>> -> memref<160x128xi32, #tpu.memory_space<hbm>>
    %dma_start3A_171 = arith.constant 0 : i32
    %dma_start3A_172 = tpu.memref_slice %dma_start3A_170[%dma_start3A_162, %dma_start3A_171] : memref<160x128xi32, #tpu.memory_space<hbm>> -> memref<1x128xi32, #tpu.memory_space<hbm>>
    %dma_start3A_173 = tpu.memref_squeeze %dma_start3A_172 : memref<1x128xi32, #tpu.memory_space<hbm>> -> memref<128xi32, #tpu.memory_space<hbm>>
    %dma_start3A_174 = arith.constant 0 : i32
    %dma_start3A_175 = tpu.memref_slice %arg6[%dma_start3A_163, %dma_start3A_174] : memref<10x128xi32, #tpu.memory_space<vmem>> -> memref<1x128xi32, #tpu.memory_space<vmem>>
    %dma_start3A_176 = tpu.memref_squeeze %dma_start3A_175 : memref<1x128xi32, #tpu.memory_space<vmem>> -> memref<128xi32, #tpu.memory_space<vmem>>
    %dma_start3A_177 = arith.constant 0 : i32
    %dma_start3A_178 = arith.constant 0 : i32
    %dma_start3A_179 = tpu.memref_slice %arg3[%arg1, %dma_start3A_177, %dma_start3A_178] : memref<16x160x128xi32, #tpu.memory_space<hbm>> -> memref<1x160x128xi32, #tpu.memory_space<hbm>>
    %dma_start3A_180 = tpu.memref_squeeze %dma_start3A_179 : memref<1x160x128xi32, #tpu.memory_space<hbm>> -> memref<160x128xi32, #tpu.memory_space<hbm>>
    %dma_start3A_181 = arith.constant 0 : i32
    %dma_start3A_182 = tpu.memref_slice %dma_start3A_180[%dma_start3A_162, %dma_start3A_181] : memref<160x128xi32, #tpu.memory_space<hbm>> -> memref<1x128xi32, #tpu.memory_space<hbm>>
    %dma_start3A_183 = tpu.memref_squeeze %dma_start3A_182 : memref<1x128xi32, #tpu.memory_space<hbm>> -> memref<128xi32, #tpu.memory_space<hbm>>
    tpu.enqueue_dma source(%dma_start3A_183 : memref<128xi32, #tpu.memory_space<hbm>>) target(%dma_start3A_176 : memref<128xi32, #tpu.memory_space<vmem>>) target_semaphore(%arg24 : memref<!tpu.dma_semaphore, #tpu.memory_space<semaphore_mem>>)
    %dma_start3A_184 = arith.constant 3 : i32
    %dma_start3A_185 = arith.constant 3 : i32
    %dma_start3A_186 = arith.constant 0 : i32
    %dma_start3A_187 = tpu.memref_slice %arg7[%dma_start3A_185, %dma_start3A_186] : memref<10x128xi32, #tpu.memory_space<vmem>> -> memref<1x128xi32, #tpu.memory_space<vmem>>
    %dma_start3A_188 = tpu.memref_squeeze %dma_start3A_187 : memref<1x128xi32, #tpu.memory_space<vmem>> -> memref<128xi32, #tpu.memory_space<vmem>>
    %dma_start3A_189 = arith.constant 0 : i32
    %dma_start3A_190 = arith.constant 0 : i32
    %dma_start3A_191 = tpu.memref_slice %arg4[%arg1, %dma_start3A_189, %dma_start3A_190] : memref<16x160x128xi32, #tpu.memory_space<hbm>> -> memref<1x160x128xi32, #tpu.memory_space<hbm>>
    %dma_start3A_192 = tpu.memref_squeeze %dma_start3A_191 : memref<1x160x128xi32, #tpu.memory_space<hbm>> -> memref<160x128xi32, #tpu.memory_space<hbm>>
    %dma_start3A_193 = arith.constant 0 : i32
    %dma_start3A_194 = tpu.memref_slice %dma_start3A_192[%dma_start3A_184, %dma_start3A_193] : memref<160x128xi32, #tpu.memory_space<hbm>> -> memref<1x128xi32, #tpu.memory_space<hbm>>
    %dma_start3A_195 = tpu.memref_squeeze %dma_start3A_194 : memref<1x128xi32, #tpu.memory_space<hbm>> -> memref<128xi32, #tpu.memory_space<hbm>>
    %dma_start3A_196 = arith.constant 0 : i32
    %dma_start3A_197 = tpu.memref_slice %arg7[%dma_start3A_185, %dma_start3A_196] : memref<10x128xi32, #tpu.memory_space<vmem>> -> memref<1x128xi32, #tpu.memory_space<vmem>>
    %dma_start3A_198 = tpu.memref_squeeze %dma_start3A_197 : memref<1x128xi32, #tpu.memory_space<vmem>> -> memref<128xi32, #tpu.memory_space<vmem>>
    %dma_start3A_199 = arith.constant 0 : i32
    %dma_start3A_200 = arith.constant 0 : i32
    %dma_start3A_201 = tpu.memref_slice %arg4[%arg1, %dma_start3A_199, %dma_start3A_200] : memref<16x160x128xi32, #tpu.memory_space<hbm>> -> memref<1x160x128xi32, #tpu.memory_space<hbm>>
    %dma_start3A_202 = tpu.memref_squeeze %dma_start3A_201 : memref<1x160x128xi32, #tpu.memory_space<hbm>> -> memref<160x128xi32, #tpu.memory_space<hbm>>
    %dma_start3A_203 = arith.constant 0 : i32
    %dma_start3A_204 = tpu.memref_slice %dma_start3A_202[%dma_start3A_184, %dma_start3A_203] : memref<160x128xi32, #tpu.memory_space<hbm>> -> memref<1x128xi32, #tpu.memory_space<hbm>>
    %dma_start3A_205 = tpu.memref_squeeze %dma_start3A_204 : memref<1x128xi32, #tpu.memory_space<hbm>> -> memref<128xi32, #tpu.memory_space<hbm>>
    tpu.enqueue_dma source(%dma_start3A_205 : memref<128xi32, #tpu.memory_space<hbm>>) target(%dma_start3A_198 : memref<128xi32, #tpu.memory_space<vmem>>) target_semaphore(%arg34 : memref<!tpu.dma_semaphore, #tpu.memory_space<semaphore_mem>>)
    %dma_wait3A = arith.constant 0 : i32
    %dma_wait3A_206 = arith.constant 0 : i32
    %dma_wait3A_207 = arith.constant 0 : i32
    %dma_wait3A_208 = tpu.memref_slice %arg6[%dma_wait3A_206, %dma_wait3A_207] : memref<10x128xi32, #tpu.memory_space<vmem>> -> memref<1x128xi32, #tpu.memory_space<vmem>>
    %dma_wait3A_209 = tpu.memref_squeeze %dma_wait3A_208 : memref<1x128xi32, #tpu.memory_space<vmem>> -> memref<128xi32, #tpu.memory_space<vmem>>
    %dma_wait3A_210 = arith.constant 0 : i32
    %dma_wait3A_211 = arith.constant 0 : i32
    %dma_wait3A_212 = tpu.memref_slice %arg3[%arg1, %dma_wait3A_210, %dma_wait3A_211] : memref<16x160x128xi32, #tpu.memory_space<hbm>> -> memref<1x160x128xi32, #tpu.memory_space<hbm>>
    %dma_wait3A_213 = tpu.memref_squeeze %dma_wait3A_212 : memref<1x160x128xi32, #tpu.memory_space<hbm>> -> memref<160x128xi32, #tpu.memory_space<hbm>>
    %dma_wait3A_214 = arith.constant 0 : i32
    %dma_wait3A_215 = tpu.memref_slice %dma_wait3A_213[%dma_wait3A, %dma_wait3A_214] : memref<160x128xi32, #tpu.memory_space<hbm>> -> memref<1x128xi32, #tpu.memory_space<hbm>>
    %dma_wait3A_216 = tpu.memref_squeeze %dma_wait3A_215 : memref<1x128xi32, #tpu.memory_space<hbm>> -> memref<128xi32, #tpu.memory_space<hbm>>
    %dma_wait3A_217 = arith.constant 0 : i32
    %dma_wait3A_218 = tpu.memref_slice %arg6[%dma_wait3A_206, %dma_wait3A_217] : memref<10x128xi32, #tpu.memory_space<vmem>> -> memref<1x128xi32, #tpu.memory_space<vmem>>
    %dma_wait3A_219 = tpu.memref_squeeze %dma_wait3A_218 : memref<1x128xi32, #tpu.memory_space<vmem>> -> memref<128xi32, #tpu.memory_space<vmem>>
    %dma_wait3A_220 = arith.constant 0 : i32
    %dma_wait3A_221 = arith.constant 0 : i32
    %dma_wait3A_222 = tpu.memref_slice %arg3[%arg1, %dma_wait3A_220, %dma_wait3A_221] : memref<16x160x128xi32, #tpu.memory_space<hbm>> -> memref<1x160x128xi32, #tpu.memory_space<hbm>>
    %dma_wait3A_223 = tpu.memref_squeeze %dma_wait3A_222 : memref<1x160x128xi32, #tpu.memory_space<hbm>> -> memref<160x128xi32, #tpu.memory_space<hbm>>
    %dma_wait3A_224 = arith.constant 0 : i32
    %dma_wait3A_225 = tpu.memref_slice %dma_wait3A_223[%dma_wait3A, %dma_wait3A_224] : memref<160x128xi32, #tpu.memory_space<hbm>> -> memref<1x128xi32, #tpu.memory_space<hbm>>
    %dma_wait3A_226 = tpu.memref_squeeze %dma_wait3A_225 : memref<1x128xi32, #tpu.memory_space<hbm>> -> memref<128xi32, #tpu.memory_space<hbm>>
    tpu.wait_dma2 semaphore(%arg21 : memref<!tpu.dma_semaphore, #tpu.memory_space<semaphore_mem>>) src(%dma_wait3A_226 : memref<128xi32, #tpu.memory_space<hbm>>) dst(%dma_wait3A_219 : memref<128xi32, #tpu.memory_space<vmem>>)
    %dma_start3A_227 = arith.constant 0 : i32
    %dma_start3A_228 = arith.constant 0 : i32
    %dma_start3A_229 = arith.constant 0 : i32
    %dma_start3A_230 = arith.constant 0 : i32
    %dma_start3A_231 = tpu.memref_slice %arg8[%dma_start3A_228, %dma_start3A_229, %dma_start3A_230] : memref<5x128x64xf32, #tpu.memory_space<vmem>> -> memref<1x128x64xf32, #tpu.memory_space<vmem>>
    %dma_start3A_232 = tpu.memref_squeeze %dma_start3A_231 : memref<1x128x64xf32, #tpu.memory_space<vmem>> -> memref<128x64xf32, #tpu.memory_space<vmem>>
    %dma_start3A_233 = arith.constant 0 : i32
    %dma_start3A_234 = tpu.memref_slice %arg6[%dma_start3A_227, %dma_start3A_233] : memref<10x128xi32, #tpu.memory_space<vmem>> -> memref<1x128xi32, #tpu.memory_space<vmem>>
    %dma_start3A_235 = tpu.memref_squeeze %dma_start3A_234 : memref<1x128xi32, #tpu.memory_space<vmem>> -> memref<128xi32, #tpu.memory_space<vmem>>
    %dma_start3A_236 = arith.constant 0 : i32
    %dma_start3A_237 = arith.constant 0 : i32
    %dma_start3A_238 = tpu.memref_slice %arg10[%dma_start3A_236, %dma_start3A_237] : memref<10240x64xf32, #tpu.memory_space<vmem_shared>> -> memref<10240x64xf32, #tpu.memory_space<vmem_shared>>
    tpu.enqueue_indirect_dma source(%dma_start3A_238 : memref<10240x64xf32, #tpu.memory_space<vmem_shared>>) target(%dma_start3A_232 : memref<128x64xf32, #tpu.memory_space<vmem>>) offsets(%dma_start3A_235 : memref<128xi32, #tpu.memory_space<vmem>>) semaphore(%arg11 : memref<!tpu.dma_semaphore, #tpu.memory_space<semaphore_mem>>)
    %dma_wait3A_239 = arith.constant 1 : i32
    %dma_wait3A_240 = arith.constant 1 : i32
    %dma_wait3A_241 = arith.constant 0 : i32
    %dma_wait3A_242 = tpu.memref_slice %arg6[%dma_wait3A_240, %dma_wait3A_241] : memref<10x128xi32, #tpu.memory_space<vmem>> -> memref<1x128xi32, #tpu.memory_space<vmem>>
    %dma_wait3A_243 = tpu.memref_squeeze %dma_wait3A_242 : memref<1x128xi32, #tpu.memory_space<vmem>> -> memref<128xi32, #tpu.memory_space<vmem>>
    %dma_wait3A_244 = arith.constant 0 : i32
    %dma_wait3A_245 = arith.constant 0 : i32
    %dma_wait3A_246 = tpu.memref_slice %arg3[%arg1, %dma_wait3A_244, %dma_wait3A_245] : memref<16x160x128xi32, #tpu.memory_space<hbm>> -> memref<1x160x128xi32, #tpu.memory_space<hbm>>
    %dma_wait3A_247 = tpu.memref_squeeze %dma_wait3A_246 : memref<1x160x128xi32, #tpu.memory_space<hbm>> -> memref<160x128xi32, #tpu.memory_space<hbm>>
    %dma_wait3A_248 = arith.constant 0 : i32
    %dma_wait3A_249 = tpu.memref_slice %dma_wait3A_247[%dma_wait3A_239, %dma_wait3A_248] : memref<160x128xi32, #tpu.memory_space<hbm>> -> memref<1x128xi32, #tpu.memory_space<hbm>>
    %dma_wait3A_250 = tpu.memref_squeeze %dma_wait3A_249 : memref<1x128xi32, #tpu.memory_space<hbm>> -> memref<128xi32, #tpu.memory_space<hbm>>
    %dma_wait3A_251 = arith.constant 0 : i32
    %dma_wait3A_252 = tpu.memref_slice %arg6[%dma_wait3A_240, %dma_wait3A_251] : memref<10x128xi32, #tpu.memory_space<vmem>> -> memref<1x128xi32, #tpu.memory_space<vmem>>
    %dma_wait3A_253 = tpu.memref_squeeze %dma_wait3A_252 : memref<1x128xi32, #tpu.memory_space<vmem>> -> memref<128xi32, #tpu.memory_space<vmem>>
    %dma_wait3A_254 = arith.constant 0 : i32
    %dma_wait3A_255 = arith.constant 0 : i32
    %dma_wait3A_256 = tpu.memref_slice %arg3[%arg1, %dma_wait3A_254, %dma_wait3A_255] : memref<16x160x128xi32, #tpu.memory_space<hbm>> -> memref<1x160x128xi32, #tpu.memory_space<hbm>>
    %dma_wait3A_257 = tpu.memref_squeeze %dma_wait3A_256 : memref<1x160x128xi32, #tpu.memory_space<hbm>> -> memref<160x128xi32, #tpu.memory_space<hbm>>
    %dma_wait3A_258 = arith.constant 0 : i32
    %dma_wait3A_259 = tpu.memref_slice %dma_wait3A_257[%dma_wait3A_239, %dma_wait3A_258] : memref<160x128xi32, #tpu.memory_space<hbm>> -> memref<1x128xi32, #tpu.memory_space<hbm>>
    %dma_wait3A_260 = tpu.memref_squeeze %dma_wait3A_259 : memref<1x128xi32, #tpu.memory_space<hbm>> -> memref<128xi32, #tpu.memory_space<hbm>>
    tpu.wait_dma2 semaphore(%arg22 : memref<!tpu.dma_semaphore, #tpu.memory_space<semaphore_mem>>) src(%dma_wait3A_260 : memref<128xi32, #tpu.memory_space<hbm>>) dst(%dma_wait3A_253 : memref<128xi32, #tpu.memory_space<vmem>>)
    %dma_start3A_261 = arith.constant 1 : i32
    %dma_start3A_262 = arith.constant 1 : i32
    %dma_start3A_263 = arith.constant 0 : i32
    %dma_start3A_264 = arith.constant 0 : i32
    %dma_start3A_265 = tpu.memref_slice %arg8[%dma_start3A_262, %dma_start3A_263, %dma_start3A_264] : memref<5x128x64xf32, #tpu.memory_space<vmem>> -> memref<1x128x64xf32, #tpu.memory_space<vmem>>
    %dma_start3A_266 = tpu.memref_squeeze %dma_start3A_265 : memref<1x128x64xf32, #tpu.memory_space<vmem>> -> memref<128x64xf32, #tpu.memory_space<vmem>>
    %dma_start3A_267 = arith.constant 0 : i32
    %dma_start3A_268 = tpu.memref_slice %arg6[%dma_start3A_261, %dma_start3A_267] : memref<10x128xi32, #tpu.memory_space<vmem>> -> memref<1x128xi32, #tpu.memory_space<vmem>>
    %dma_start3A_269 = tpu.memref_squeeze %dma_start3A_268 : memref<1x128xi32, #tpu.memory_space<vmem>> -> memref<128xi32, #tpu.memory_space<vmem>>
    %dma_start3A_270 = arith.constant 0 : i32
    %dma_start3A_271 = arith.constant 0 : i32
    %dma_start3A_272 = tpu.memref_slice %arg10[%dma_start3A_270, %dma_start3A_271] : memref<10240x64xf32, #tpu.memory_space<vmem_shared>> -> memref<10240x64xf32, #tpu.memory_space<vmem_shared>>
    tpu.enqueue_indirect_dma source(%dma_start3A_272 : memref<10240x64xf32, #tpu.memory_space<vmem_shared>>) target(%dma_start3A_266 : memref<128x64xf32, #tpu.memory_space<vmem>>) offsets(%dma_start3A_269 : memref<128xi32, #tpu.memory_space<vmem>>) semaphore(%arg12 : memref<!tpu.dma_semaphore, #tpu.memory_space<semaphore_mem>>)
    %scan3A_273 = arith.constant 0 : i32
    %scan3A_274 = arith.constant 0 : i32
    %scan3A_275 = arith.constant 16 : i32
    %scan3A_276 = arith.addi %scan3A_274, %scan3A_275 : i32
    %scan3A_277 = arith.constant 1 : i32
    scf.for %scan3A_308 = %scan3A_274 to %scan3A_276 step %scan3A_277  : i32 {
      %mul3A_309 = arith.constant 10 : i32
      %mul3A_310 = arith.muli %scan3A_308, %mul3A_309 : i32
      %add3A_311 = arith.constant 0 : i32
      %add3A_312 = arith.addi %mul3A_310, %add3A_311 : i32
      %ge3A = arith.constant 2 : i32
      %ge3A_313 = arith.cmpi sge, %add3A_312, %ge3A : i32
      %convert_element_type3A = arith.extui %ge3A_313 : i1 to i32
      %cond3A = arith.constant 0 : i32
      %cond3A_314 = arith.cmpi ne, %convert_element_type3A, %cond3A : i32
      scf.if %cond3A_314 {
        %sub3A = arith.constant 2 : i32
        %sub3A_985 = arith.subi %add3A_312, %sub3A : i32
        %dma_wait3A_986 = arith.constant 3 : i32
        %dma_wait3A_987 = arith.constant 8 : i32
        %dma_wait3A_988 = arith.constant 0 : i32
        %dma_wait3A_989 = arith.constant 0 : i32
        %dma_wait3A_990 = tpu.memref_slice %arg8[%dma_wait3A_986, %dma_wait3A_988, %dma_wait3A_989] : memref<5x128x64xf32, #tpu.memory_space<vmem>> -> memref<1x128x64xf32, #tpu.memory_space<vmem>>
        %dma_wait3A_991 = tpu.memref_squeeze %dma_wait3A_990 : memref<1x128x64xf32, #tpu.memory_space<vmem>> -> memref<128x64xf32, #tpu.memory_space<vmem>>
        %dma_wait3A_992 = arith.constant 0 : i32
        %dma_wait3A_993 = tpu.memref_slice %arg7[%dma_wait3A_987, %dma_wait3A_992] : memref<10x128xi32, #tpu.memory_space<vmem>> -> memref<1x128xi32, #tpu.memory_space<vmem>>
        %dma_wait3A_994 = tpu.memref_squeeze %dma_wait3A_993 : memref<1x128xi32, #tpu.memory_space<vmem>> -> memref<128xi32, #tpu.memory_space<vmem>>
        %dma_wait3A_995 = arith.constant 0 : i32
        %dma_wait3A_996 = arith.constant 0 : i32
        %dma_wait3A_997 = tpu.memref_slice %arg9[%dma_wait3A_995, %dma_wait3A_996] : memref<10240x64xf32, #tpu.memory_space<vmem_shared>> -> memref<10240x64xf32, #tpu.memory_space<vmem_shared>>
        tpu.wait_indirect_dma semaphore(%arg19 : memref<!tpu.dma_semaphore, #tpu.memory_space<semaphore_mem>>) src(%dma_wait3A_991 : memref<128x64xf32, #tpu.memory_space<vmem>>) dst(%dma_wait3A_997 : memref<10240x64xf32, #tpu.memory_space<vmem_shared>>)
      } else {
      }
      %add3A_315 = arith.constant 4 : i32
      %add3A_316 = arith.addi %add3A_312, %add3A_315 : i32
      %lt3A = arith.constant 160 : i32
      %lt3A_317 = arith.cmpi slt, %add3A_316, %lt3A : i32
      %convert_element_type3A_318 = arith.extui %lt3A_317 : i1 to i32
      %cond3A_319 = arith.constant 0 : i32
      %cond3A_320 = arith.cmpi ne, %convert_element_type3A_318, %cond3A_319 : i32
      scf.if %cond3A_320 {
        %add3A_985 = arith.constant 4 : i32
        %add3A_986 = arith.addi %add3A_312, %add3A_985 : i32
        %dma_start3A_987 = arith.constant 4 : i32
        %dma_start3A_988 = arith.constant 0 : i32
        %dma_start3A_989 = tpu.memref_slice %arg6[%dma_start3A_987, %dma_start3A_988] : memref<10x128xi32, #tpu.memory_space<vmem>> -> memref<1x128xi32, #tpu.memory_space<vmem>>
        %dma_start3A_990 = tpu.memref_squeeze %dma_start3A_989 : memref<1x128xi32, #tpu.memory_space<vmem>> -> memref<128xi32, #tpu.memory_space<vmem>>
        %dma_start3A_991 = arith.constant 0 : i32
        %dma_start3A_992 = arith.constant 0 : i32
        %dma_start3A_993 = tpu.memref_slice %arg3[%arg1, %dma_start3A_991, %dma_start3A_992] : memref<16x160x128xi32, #tpu.memory_space<hbm>> -> memref<1x160x128xi32, #tpu.memory_space<hbm>>
        %dma_start3A_994 = tpu.memref_squeeze %dma_start3A_993 : memref<1x160x128xi32, #tpu.memory_space<hbm>> -> memref<160x128xi32, #tpu.memory_space<hbm>>
        %dma_start3A_995 = arith.constant 0 : i32
        %dma_start3A_996 = tpu.memref_slice %dma_start3A_994[%add3A_986, %dma_start3A_995] : memref<160x128xi32, #tpu.memory_space<hbm>> -> memref<1x128xi32, #tpu.memory_space<hbm>>
        %dma_start3A_997 = tpu.memref_squeeze %dma_start3A_996 : memref<1x128xi32, #tpu.memory_space<hbm>> -> memref<128xi32, #tpu.memory_space<hbm>>
        %dma_start3A_998 = arith.constant 0 : i32
        %dma_start3A_999 = tpu.memref_slice %arg6[%dma_start3A_987, %dma_start3A_998] : memref<10x128xi32, #tpu.memory_space<vmem>> -> memref<1x128xi32, #tpu.memory_space<vmem>>
        %dma_start3A_1000 = tpu.memref_squeeze %dma_start3A_999 : memref<1x128xi32, #tpu.memory_space<vmem>> -> memref<128xi32, #tpu.memory_space<vmem>>
        %dma_start3A_1001 = arith.constant 0 : i32
        %dma_start3A_1002 = arith.constant 0 : i32
        %dma_start3A_1003 = tpu.memref_slice %arg3[%arg1, %dma_start3A_1001, %dma_start3A_1002] : memref<16x160x128xi32, #tpu.memory_space<hbm>> -> memref<1x160x128xi32, #tpu.memory_space<hbm>>
        %dma_start3A_1004 = tpu.memref_squeeze %dma_start3A_1003 : memref<1x160x128xi32, #tpu.memory_space<hbm>> -> memref<160x128xi32, #tpu.memory_space<hbm>>
        %dma_start3A_1005 = arith.constant 0 : i32
        %dma_start3A_1006 = tpu.memref_slice %dma_start3A_1004[%add3A_986, %dma_start3A_1005] : memref<160x128xi32, #tpu.memory_space<hbm>> -> memref<1x128xi32, #tpu.memory_space<hbm>>
        %dma_start3A_1007 = tpu.memref_squeeze %dma_start3A_1006 : memref<1x128xi32, #tpu.memory_space<hbm>> -> memref<128xi32, #tpu.memory_space<hbm>>
        tpu.enqueue_dma source(%dma_start3A_1007 : memref<128xi32, #tpu.memory_space<hbm>>) target(%dma_start3A_1000 : memref<128xi32, #tpu.memory_space<vmem>>) target_semaphore(%arg25 : memref<!tpu.dma_semaphore, #tpu.memory_space<semaphore_mem>>)
        %dma_start3A_1008 = arith.constant 4 : i32
        %dma_start3A_1009 = arith.constant 0 : i32
        %dma_start3A_1010 = tpu.memref_slice %arg7[%dma_start3A_1008, %dma_start3A_1009] : memref<10x128xi32, #tpu.memory_space<vmem>> -> memref<1x128xi32, #tpu.memory_space<vmem>>
        %dma_start3A_1011 = tpu.memref_squeeze %dma_start3A_1010 : memref<1x128xi32, #tpu.memory_space<vmem>> -> memref<128xi32, #tpu.memory_space<vmem>>
        %dma_start3A_1012 = arith.constant 0 : i32
        %dma_start3A_1013 = arith.constant 0 : i32
        %dma_start3A_1014 = tpu.memref_slice %arg4[%arg1, %dma_start3A_1012, %dma_start3A_1013] : memref<16x160x128xi32, #tpu.memory_space<hbm>> -> memref<1x160x128xi32, #tpu.memory_space<hbm>>
        %dma_start3A_1015 = tpu.memref_squeeze %dma_start3A_1014 : memref<1x160x128xi32, #tpu.memory_space<hbm>> -> memref<160x128xi32, #tpu.memory_space<hbm>>
        %dma_start3A_1016 = arith.constant 0 : i32
        %dma_start3A_1017 = tpu.memref_slice %dma_start3A_1015[%add3A_986, %dma_start3A_1016] : memref<160x128xi32, #tpu.memory_space<hbm>> -> memref<1x128xi32, #tpu.memory_space<hbm>>
        %dma_start3A_1018 = tpu.memref_squeeze %dma_start3A_1017 : memref<1x128xi32, #tpu.memory_space<hbm>> -> memref<128xi32, #tpu.memory_space<hbm>>
        %dma_start3A_1019 = arith.constant 0 : i32
        %dma_start3A_1020 = tpu.memref_slice %arg7[%dma_start3A_1008, %dma_start3A_1019] : memref<10x128xi32, #tpu.memory_space<vmem>> -> memref<1x128xi32, #tpu.memory_space<vmem>>
        %dma_start3A_1021 = tpu.memref_squeeze %dma_start3A_1020 : memref<1x128xi32, #tpu.memory_space<vmem>> -> memref<128xi32, #tpu.memory_space<vmem>>
        %dma_start3A_1022 = arith.constant 0 : i32
        %dma_start3A_1023 = arith.constant 0 : i32
        %dma_start3A_1024 = tpu.memref_slice %arg4[%arg1, %dma_start3A_1022, %dma_start3A_1023] : memref<16x160x128xi32, #tpu.memory_space<hbm>> -> memref<1x160x128xi32, #tpu.memory_space<hbm>>
        %dma_start3A_1025 = tpu.memref_squeeze %dma_start3A_1024 : memref<1x160x128xi32, #tpu.memory_space<hbm>> -> memref<160x128xi32, #tpu.memory_space<hbm>>
        %dma_start3A_1026 = arith.constant 0 : i32
        %dma_start3A_1027 = tpu.memref_slice %dma_start3A_1025[%add3A_986, %dma_start3A_1026] : memref<160x128xi32, #tpu.memory_space<hbm>> -> memref<1x128xi32, #tpu.memory_space<hbm>>
        %dma_start3A_1028 = tpu.memref_squeeze %dma_start3A_1027 : memref<1x128xi32, #tpu.memory_space<hbm>> -> memref<128xi32, #tpu.memory_space<hbm>>
        tpu.enqueue_dma source(%dma_start3A_1028 : memref<128xi32, #tpu.memory_space<hbm>>) target(%dma_start3A_1021 : memref<128xi32, #tpu.memory_space<vmem>>) target_semaphore(%arg35 : memref<!tpu.dma_semaphore, #tpu.memory_space<semaphore_mem>>)
      } else {
      }
      %add3A_321 = arith.constant 2 : i32
      %add3A_322 = arith.addi %add3A_312, %add3A_321 : i32
      %lt3A_323 = arith.constant 160 : i32
      %lt3A_324 = arith.cmpi slt, %add3A_322, %lt3A_323 : i32
      %convert_element_type3A_325 = arith.extui %lt3A_324 : i1 to i32
      %cond3A_326 = arith.constant 0 : i32
      %cond3A_327 = arith.cmpi ne, %convert_element_type3A_325, %cond3A_326 : i32
      scf.if %cond3A_327 {
        %add3A_985 = arith.constant 2 : i32
        %add3A_986 = arith.addi %add3A_312, %add3A_985 : i32
        %dma_wait3A_987 = arith.constant 2 : i32
        %dma_wait3A_988 = arith.constant 0 : i32
        %dma_wait3A_989 = tpu.memref_slice %arg6[%dma_wait3A_987, %dma_wait3A_988] : memref<10x128xi32, #tpu.memory_space<vmem>> -> memref<1x128xi32, #tpu.memory_space<vmem>>
        %dma_wait3A_990 = tpu.memref_squeeze %dma_wait3A_989 : memref<1x128xi32, #tpu.memory_space<vmem>> -> memref<128xi32, #tpu.memory_space<vmem>>
        %dma_wait3A_991 = arith.constant 0 : i32
        %dma_wait3A_992 = arith.constant 0 : i32
        %dma_wait3A_993 = tpu.memref_slice %arg3[%arg1, %dma_wait3A_991, %dma_wait3A_992] : memref<16x160x128xi32, #tpu.memory_space<hbm>> -> memref<1x160x128xi32, #tpu.memory_space<hbm>>
        %dma_wait3A_994 = tpu.memref_squeeze %dma_wait3A_993 : memref<1x160x128xi32, #tpu.memory_space<hbm>> -> memref<160x128xi32, #tpu.memory_space<hbm>>
        %dma_wait3A_995 = arith.constant 0 : i32
        %dma_wait3A_996 = tpu.memref_slice %dma_wait3A_994[%add3A_986, %dma_wait3A_995] : memref<160x128xi32, #tpu.memory_space<hbm>> -> memref<1x128xi32, #tpu.memory_space<hbm>>
        %dma_wait3A_997 = tpu.memref_squeeze %dma_wait3A_996 : memref<1x128xi32, #tpu.memory_space<hbm>> -> memref<128xi32, #tpu.memory_space<hbm>>
        %dma_wait3A_998 = arith.constant 0 : i32
        %dma_wait3A_999 = tpu.memref_slice %arg6[%dma_wait3A_987, %dma_wait3A_998] : memref<10x128xi32, #tpu.memory_space<vmem>> -> memref<1x128xi32, #tpu.memory_space<vmem>>
        %dma_wait3A_1000 = tpu.memref_squeeze %dma_wait3A_999 : memref<1x128xi32, #tpu.memory_space<vmem>> -> memref<128xi32, #tpu.memory_space<vmem>>
        %dma_wait3A_1001 = arith.constant 0 : i32
        %dma_wait3A_1002 = arith.constant 0 : i32
        %dma_wait3A_1003 = tpu.memref_slice %arg3[%arg1, %dma_wait3A_1001, %dma_wait3A_1002] : memref<16x160x128xi32, #tpu.memory_space<hbm>> -> memref<1x160x128xi32, #tpu.memory_space<hbm>>
        %dma_wait3A_1004 = tpu.memref_squeeze %dma_wait3A_1003 : memref<1x160x128xi32, #tpu.memory_space<hbm>> -> memref<160x128xi32, #tpu.memory_space<hbm>>
        %dma_wait3A_1005 = arith.constant 0 : i32
        %dma_wait3A_1006 = tpu.memref_slice %dma_wait3A_1004[%add3A_986, %dma_wait3A_1005] : memref<160x128xi32, #tpu.memory_space<hbm>> -> memref<1x128xi32, #tpu.memory_space<hbm>>
        %dma_wait3A_1007 = tpu.memref_squeeze %dma_wait3A_1006 : memref<1x128xi32, #tpu.memory_space<hbm>> -> memref<128xi32, #tpu.memory_space<hbm>>
        tpu.wait_dma2 semaphore(%arg23 : memref<!tpu.dma_semaphore, #tpu.memory_space<semaphore_mem>>) src(%dma_wait3A_1007 : memref<128xi32, #tpu.memory_space<hbm>>) dst(%dma_wait3A_1000 : memref<128xi32, #tpu.memory_space<vmem>>)
        %add3A_1008 = arith.constant 2 : i32
        %add3A_1009 = arith.addi %add3A_312, %add3A_1008 : i32
        %dma_start3A_1010 = arith.constant 2 : i32
        %dma_start3A_1011 = arith.constant 2 : i32
        %dma_start3A_1012 = arith.constant 0 : i32
        %dma_start3A_1013 = arith.constant 0 : i32
        %dma_start3A_1014 = tpu.memref_slice %arg8[%dma_start3A_1011, %dma_start3A_1012, %dma_start3A_1013] : memref<5x128x64xf32, #tpu.memory_space<vmem>> -> memref<1x128x64xf32, #tpu.memory_space<vmem>>
        %dma_start3A_1015 = tpu.memref_squeeze %dma_start3A_1014 : memref<1x128x64xf32, #tpu.memory_space<vmem>> -> memref<128x64xf32, #tpu.memory_space<vmem>>
        %dma_start3A_1016 = arith.constant 0 : i32
        %dma_start3A_1017 = tpu.memref_slice %arg6[%dma_start3A_1010, %dma_start3A_1016] : memref<10x128xi32, #tpu.memory_space<vmem>> -> memref<1x128xi32, #tpu.memory_space<vmem>>
        %dma_start3A_1018 = tpu.memref_squeeze %dma_start3A_1017 : memref<1x128xi32, #tpu.memory_space<vmem>> -> memref<128xi32, #tpu.memory_space<vmem>>
        %dma_start3A_1019 = arith.constant 0 : i32
        %dma_start3A_1020 = arith.constant 0 : i32
        %dma_start3A_1021 = tpu.memref_slice %arg10[%dma_start3A_1019, %dma_start3A_1020] : memref<10240x64xf32, #tpu.memory_space<vmem_shared>> -> memref<10240x64xf32, #tpu.memory_space<vmem_shared>>
        tpu.enqueue_indirect_dma source(%dma_start3A_1021 : memref<10240x64xf32, #tpu.memory_space<vmem_shared>>) target(%dma_start3A_1015 : memref<128x64xf32, #tpu.memory_space<vmem>>) offsets(%dma_start3A_1018 : memref<128xi32, #tpu.memory_space<vmem>>) semaphore(%arg13 : memref<!tpu.dma_semaphore, #tpu.memory_space<semaphore_mem>>)
      } else {
      }
      %dma_wait3A_328 = arith.constant 0 : i32
      %dma_wait3A_329 = arith.constant 0 : i32
      %dma_wait3A_330 = arith.constant 0 : i32
      %dma_wait3A_331 = arith.constant 0 : i32
      %dma_wait3A_332 = tpu.memref_slice %arg8[%dma_wait3A_329, %dma_wait3A_330, %dma_wait3A_331] : memref<5x128x64xf32, #tpu.memory_space<vmem>> -> memref<1x128x64xf32, #tpu.memory_space<vmem>>
      %dma_wait3A_333 = tpu.memref_squeeze %dma_wait3A_332 : memref<1x128x64xf32, #tpu.memory_space<vmem>> -> memref<128x64xf32, #tpu.memory_space<vmem>>
      %dma_wait3A_334 = arith.constant 0 : i32
      %dma_wait3A_335 = tpu.memref_slice %arg6[%dma_wait3A_328, %dma_wait3A_334] : memref<10x128xi32, #tpu.memory_space<vmem>> -> memref<1x128xi32, #tpu.memory_space<vmem>>
      %dma_wait3A_336 = tpu.memref_squeeze %dma_wait3A_335 : memref<1x128xi32, #tpu.memory_space<vmem>> -> memref<128xi32, #tpu.memory_space<vmem>>
      %dma_wait3A_337 = arith.constant 0 : i32
      %dma_wait3A_338 = arith.constant 0 : i32
      %dma_wait3A_339 = tpu.memref_slice %arg10[%dma_wait3A_337, %dma_wait3A_338] : memref<10240x64xf32, #tpu.memory_space<vmem_shared>> -> memref<10240x64xf32, #tpu.memory_space<vmem_shared>>
      tpu.wait_indirect_dma semaphore(%arg11 : memref<!tpu.dma_semaphore, #tpu.memory_space<semaphore_mem>>) src(%dma_wait3A_339 : memref<10240x64xf32, #tpu.memory_space<vmem_shared>>) dst(%dma_wait3A_333 : memref<128x64xf32, #tpu.memory_space<vmem>>)
      %dma_wait3A_340 = arith.constant 0 : i32
      %dma_wait3A_341 = arith.constant 0 : i32
      %dma_wait3A_342 = tpu.memref_slice %arg7[%dma_wait3A_340, %dma_wait3A_341] : memref<10x128xi32, #tpu.memory_space<vmem>> -> memref<1x128xi32, #tpu.memory_space<vmem>>
      %dma_wait3A_343 = tpu.memref_squeeze %dma_wait3A_342 : memref<1x128xi32, #tpu.memory_space<vmem>> -> memref<128xi32, #tpu.memory_space<vmem>>
      %dma_wait3A_344 = arith.constant 0 : i32
      %dma_wait3A_345 = arith.constant 0 : i32
      %dma_wait3A_346 = tpu.memref_slice %arg4[%arg1, %dma_wait3A_344, %dma_wait3A_345] : memref<16x160x128xi32, #tpu.memory_space<hbm>> -> memref<1x160x128xi32, #tpu.memory_space<hbm>>
      %dma_wait3A_347 = tpu.memref_squeeze %dma_wait3A_346 : memref<1x160x128xi32, #tpu.memory_space<hbm>> -> memref<160x128xi32, #tpu.memory_space<hbm>>
      %dma_wait3A_348 = arith.constant 0 : i32
      %dma_wait3A_349 = tpu.memref_slice %dma_wait3A_347[%add3A_312, %dma_wait3A_348] : memref<160x128xi32, #tpu.memory_space<hbm>> -> memref<1x128xi32, #tpu.memory_space<hbm>>
      %dma_wait3A_350 = tpu.memref_squeeze %dma_wait3A_349 : memref<1x128xi32, #tpu.memory_space<hbm>> -> memref<128xi32, #tpu.memory_space<hbm>>
      %dma_wait3A_351 = arith.constant 0 : i32
      %dma_wait3A_352 = tpu.memref_slice %arg7[%dma_wait3A_340, %dma_wait3A_351] : memref<10x128xi32, #tpu.memory_space<vmem>> -> memref<1x128xi32, #tpu.memory_space<vmem>>
      %dma_wait3A_353 = tpu.memref_squeeze %dma_wait3A_352 : memref<1x128xi32, #tpu.memory_space<vmem>> -> memref<128xi32, #tpu.memory_space<vmem>>
      %dma_wait3A_354 = arith.constant 0 : i32
      %dma_wait3A_355 = arith.constant 0 : i32
      %dma_wait3A_356 = tpu.memref_slice %arg4[%arg1, %dma_wait3A_354, %dma_wait3A_355] : memref<16x160x128xi32, #tpu.memory_space<hbm>> -> memref<1x160x128xi32, #tpu.memory_space<hbm>>
      %dma_wait3A_357 = tpu.memref_squeeze %dma_wait3A_356 : memref<1x160x128xi32, #tpu.memory_space<hbm>> -> memref<160x128xi32, #tpu.memory_space<hbm>>
      %dma_wait3A_358 = arith.constant 0 : i32
      %dma_wait3A_359 = tpu.memref_slice %dma_wait3A_357[%add3A_312, %dma_wait3A_358] : memref<160x128xi32, #tpu.memory_space<hbm>> -> memref<1x128xi32, #tpu.memory_space<hbm>>
      %dma_wait3A_360 = tpu.memref_squeeze %dma_wait3A_359 : memref<1x128xi32, #tpu.memory_space<hbm>> -> memref<128xi32, #tpu.memory_space<hbm>>
      tpu.wait_dma2 semaphore(%arg31 : memref<!tpu.dma_semaphore, #tpu.memory_space<semaphore_mem>>) src(%dma_wait3A_360 : memref<128xi32, #tpu.memory_space<hbm>>) dst(%dma_wait3A_353 : memref<128xi32, #tpu.memory_space<vmem>>)
      %dma_start3A_361 = arith.constant 0 : i32
      %dma_start3A_362 = arith.constant 0 : i32
      %dma_start3A_363 = arith.constant 0 : i32
      %dma_start3A_364 = arith.constant 0 : i32
      %dma_start3A_365 = tpu.memref_slice %arg8[%dma_start3A_361, %dma_start3A_363, %dma_start3A_364] : memref<5x128x64xf32, #tpu.memory_space<vmem>> -> memref<1x128x64xf32, #tpu.memory_space<vmem>>
      %dma_start3A_366 = tpu.memref_squeeze %dma_start3A_365 : memref<1x128x64xf32, #tpu.memory_space<vmem>> -> memref<128x64xf32, #tpu.memory_space<vmem>>
      %dma_start3A_367 = arith.constant 0 : i32
      %dma_start3A_368 = tpu.memref_slice %arg7[%dma_start3A_362, %dma_start3A_367] : memref<10x128xi32, #tpu.memory_space<vmem>> -> memref<1x128xi32, #tpu.memory_space<vmem>>
      %dma_start3A_369 = tpu.memref_squeeze %dma_start3A_368 : memref<1x128xi32, #tpu.memory_space<vmem>> -> memref<128xi32, #tpu.memory_space<vmem>>
      %dma_start3A_370 = arith.constant 0 : i32
      %dma_start3A_371 = arith.constant 0 : i32
      %dma_start3A_372 = tpu.memref_slice %arg9[%dma_start3A_370, %dma_start3A_371] : memref<10240x64xf32, #tpu.memory_space<vmem_shared>> -> memref<10240x64xf32, #tpu.memory_space<vmem_shared>>
      tpu.enqueue_indirect_dma source(%dma_start3A_366 : memref<128x64xf32, #tpu.memory_space<vmem>>) target(%dma_start3A_372 : memref<10240x64xf32, #tpu.memory_space<vmem_shared>>) offsets(%dma_start3A_369 : memref<128xi32, #tpu.memory_space<vmem>>) semaphore(%arg16 : memref<!tpu.dma_semaphore, #tpu.memory_space<semaphore_mem>>) {add = true}
      %mul3A_373 = arith.constant 10 : i32
      %mul3A_374 = arith.muli %scan3A_308, %mul3A_373 : i32
      %add3A_375 = arith.constant 1 : i32
      %add3A_376 = arith.addi %mul3A_374, %add3A_375 : i32
      %ge3A_377 = arith.constant 2 : i32
      %ge3A_378 = arith.cmpi sge, %add3A_376, %ge3A_377 : i32
      %convert_element_type3A_379 = arith.extui %ge3A_378 : i1 to i32
      %cond3A_380 = arith.constant 0 : i32
      %cond3A_381 = arith.cmpi ne, %convert_element_type3A_379, %cond3A_380 : i32
      scf.if %cond3A_381 {
        %sub3A = arith.constant 2 : i32
        %sub3A_985 = arith.subi %add3A_376, %sub3A : i32
        %dma_wait3A_986 = arith.constant 4 : i32
        %dma_wait3A_987 = arith.constant 9 : i32
        %dma_wait3A_988 = arith.constant 0 : i32
        %dma_wait3A_989 = arith.constant 0 : i32
        %dma_wait3A_990 = tpu.memref_slice %arg8[%dma_wait3A_986, %dma_wait3A_988, %dma_wait3A_989] : memref<5x128x64xf32, #tpu.memory_space<vmem>> -> memref<1x128x64xf32, #tpu.memory_space<vmem>>
        %dma_wait3A_991 = tpu.memref_squeeze %dma_wait3A_990 : memref<1x128x64xf32, #tpu.memory_space<vmem>> -> memref<128x64xf32, #tpu.memory_space<vmem>>
        %dma_wait3A_992 = arith.constant 0 : i32
        %dma_wait3A_993 = tpu.memref_slice %arg7[%dma_wait3A_987, %dma_wait3A_992] : memref<10x128xi32, #tpu.memory_space<vmem>> -> memref<1x128xi32, #tpu.memory_space<vmem>>
        %dma_wait3A_994 = tpu.memref_squeeze %dma_wait3A_993 : memref<1x128xi32, #tpu.memory_space<vmem>> -> memref<128xi32, #tpu.memory_space<vmem>>
        %dma_wait3A_995 = arith.constant 0 : i32
        %dma_wait3A_996 = arith.constant 0 : i32
        %dma_wait3A_997 = tpu.memref_slice %arg9[%dma_wait3A_995, %dma_wait3A_996] : memref<10240x64xf32, #tpu.memory_space<vmem_shared>> -> memref<10240x64xf32, #tpu.memory_space<vmem_shared>>
        tpu.wait_indirect_dma semaphore(%arg20 : memref<!tpu.dma_semaphore, #tpu.memory_space<semaphore_mem>>) src(%dma_wait3A_991 : memref<128x64xf32, #tpu.memory_space<vmem>>) dst(%dma_wait3A_997 : memref<10240x64xf32, #tpu.memory_space<vmem_shared>>)
      } else {
      }
      %add3A_382 = arith.constant 4 : i32
      %add3A_383 = arith.addi %add3A_376, %add3A_382 : i32
      %lt3A_384 = arith.constant 160 : i32
      %lt3A_385 = arith.cmpi slt, %add3A_383, %lt3A_384 : i32
      %convert_element_type3A_386 = arith.extui %lt3A_385 : i1 to i32
      %cond3A_387 = arith.constant 0 : i32
      %cond3A_388 = arith.cmpi ne, %convert_element_type3A_386, %cond3A_387 : i32
      scf.if %cond3A_388 {
        %add3A_985 = arith.constant 4 : i32
        %add3A_986 = arith.addi %add3A_376, %add3A_985 : i32
        %dma_start3A_987 = arith.constant 5 : i32
        %dma_start3A_988 = arith.constant 0 : i32
        %dma_start3A_989 = tpu.memref_slice %arg6[%dma_start3A_987, %dma_start3A_988] : memref<10x128xi32, #tpu.memory_space<vmem>> -> memref<1x128xi32, #tpu.memory_space<vmem>>
        %dma_start3A_990 = tpu.memref_squeeze %dma_start3A_989 : memref<1x128xi32, #tpu.memory_space<vmem>> -> memref<128xi32, #tpu.memory_space<vmem>>
        %dma_start3A_991 = arith.constant 0 : i32
        %dma_start3A_992 = arith.constant 0 : i32
        %dma_start3A_993 = tpu.memref_slice %arg3[%arg1, %dma_start3A_991, %dma_start3A_992] : memref<16x160x128xi32, #tpu.memory_space<hbm>> -> memref<1x160x128xi32, #tpu.memory_space<hbm>>
        %dma_start3A_994 = tpu.memref_squeeze %dma_start3A_993 : memref<1x160x128xi32, #tpu.memory_space<hbm>> -> memref<160x128xi32, #tpu.memory_space<hbm>>
        %dma_start3A_995 = arith.constant 0 : i32
        %dma_start3A_996 = tpu.memref_slice %dma_start3A_994[%add3A_986, %dma_start3A_995] : memref<160x128xi32, #tpu.memory_space<hbm>> -> memref<1x128xi32, #tpu.memory_space<hbm>>
        %dma_start3A_997 = tpu.memref_squeeze %dma_start3A_996 : memref<1x128xi32, #tpu.memory_space<hbm>> -> memref<128xi32, #tpu.memory_space<hbm>>
        %dma_start3A_998 = arith.constant 0 : i32
        %dma_start3A_999 = tpu.memref_slice %arg6[%dma_start3A_987, %dma_start3A_998] : memref<10x128xi32, #tpu.memory_space<vmem>> -> memref<1x128xi32, #tpu.memory_space<vmem>>
        %dma_start3A_1000 = tpu.memref_squeeze %dma_start3A_999 : memref<1x128xi32, #tpu.memory_space<vmem>> -> memref<128xi32, #tpu.memory_space<vmem>>
        %dma_start3A_1001 = arith.constant 0 : i32
        %dma_start3A_1002 = arith.constant 0 : i32
        %dma_start3A_1003 = tpu.memref_slice %arg3[%arg1, %dma_start3A_1001, %dma_start3A_1002] : memref<16x160x128xi32, #tpu.memory_space<hbm>> -> memref<1x160x128xi32, #tpu.memory_space<hbm>>
        %dma_start3A_1004 = tpu.memref_squeeze %dma_start3A_1003 : memref<1x160x128xi32, #tpu.memory_space<hbm>> -> memref<160x128xi32, #tpu.memory_space<hbm>>
        %dma_start3A_1005 = arith.constant 0 : i32
        %dma_start3A_1006 = tpu.memref_slice %dma_start3A_1004[%add3A_986, %dma_start3A_1005] : memref<160x128xi32, #tpu.memory_space<hbm>> -> memref<1x128xi32, #tpu.memory_space<hbm>>
        %dma_start3A_1007 = tpu.memref_squeeze %dma_start3A_1006 : memref<1x128xi32, #tpu.memory_space<hbm>> -> memref<128xi32, #tpu.memory_space<hbm>>
        tpu.enqueue_dma source(%dma_start3A_1007 : memref<128xi32, #tpu.memory_space<hbm>>) target(%dma_start3A_1000 : memref<128xi32, #tpu.memory_space<vmem>>) target_semaphore(%arg26 : memref<!tpu.dma_semaphore, #tpu.memory_space<semaphore_mem>>)
        %dma_start3A_1008 = arith.constant 5 : i32
        %dma_start3A_1009 = arith.constant 0 : i32
        %dma_start3A_1010 = tpu.memref_slice %arg7[%dma_start3A_1008, %dma_start3A_1009] : memref<10x128xi32, #tpu.memory_space<vmem>> -> memref<1x128xi32, #tpu.memory_space<vmem>>
        %dma_start3A_1011 = tpu.memref_squeeze %dma_start3A_1010 : memref<1x128xi32, #tpu.memory_space<vmem>> -> memref<128xi32, #tpu.memory_space<vmem>>
        %dma_start3A_1012 = arith.constant 0 : i32
        %dma_start3A_1013 = arith.constant 0 : i32
        %dma_start3A_1014 = tpu.memref_slice %arg4[%arg1, %dma_start3A_1012, %dma_start3A_1013] : memref<16x160x128xi32, #tpu.memory_space<hbm>> -> memref<1x160x128xi32, #tpu.memory_space<hbm>>
        %dma_start3A_1015 = tpu.memref_squeeze %dma_start3A_1014 : memref<1x160x128xi32, #tpu.memory_space<hbm>> -> memref<160x128xi32, #tpu.memory_space<hbm>>
        %dma_start3A_1016 = arith.constant 0 : i32
        %dma_start3A_1017 = tpu.memref_slice %dma_start3A_1015[%add3A_986, %dma_start3A_1016] : memref<160x128xi32, #tpu.memory_space<hbm>> -> memref<1x128xi32, #tpu.memory_space<hbm>>
        %dma_start3A_1018 = tpu.memref_squeeze %dma_start3A_1017 : memref<1x128xi32, #tpu.memory_space<hbm>> -> memref<128xi32, #tpu.memory_space<hbm>>
        %dma_start3A_1019 = arith.constant 0 : i32
        %dma_start3A_1020 = tpu.memref_slice %arg7[%dma_start3A_1008, %dma_start3A_1019] : memref<10x128xi32, #tpu.memory_space<vmem>> -> memref<1x128xi32, #tpu.memory_space<vmem>>
        %dma_start3A_1021 = tpu.memref_squeeze %dma_start3A_1020 : memref<1x128xi32, #tpu.memory_space<vmem>> -> memref<128xi32, #tpu.memory_space<vmem>>
        %dma_start3A_1022 = arith.constant 0 : i32
        %dma_start3A_1023 = arith.constant 0 : i32
        %dma_start3A_1024 = tpu.memref_slice %arg4[%arg1, %dma_start3A_1022, %dma_start3A_1023] : memref<16x160x128xi32, #tpu.memory_space<hbm>> -> memref<1x160x128xi32, #tpu.memory_space<hbm>>
        %dma_start3A_1025 = tpu.memref_squeeze %dma_start3A_1024 : memref<1x160x128xi32, #tpu.memory_space<hbm>> -> memref<160x128xi32, #tpu.memory_space<hbm>>
        %dma_start3A_1026 = arith.constant 0 : i32
        %dma_start3A_1027 = tpu.memref_slice %dma_start3A_1025[%add3A_986, %dma_start3A_1026] : memref<160x128xi32, #tpu.memory_space<hbm>> -> memref<1x128xi32, #tpu.memory_space<hbm>>
        %dma_start3A_1028 = tpu.memref_squeeze %dma_start3A_1027 : memref<1x128xi32, #tpu.memory_space<hbm>> -> memref<128xi32, #tpu.memory_space<hbm>>
        tpu.enqueue_dma source(%dma_start3A_1028 : memref<128xi32, #tpu.memory_space<hbm>>) target(%dma_start3A_1021 : memref<128xi32, #tpu.memory_space<vmem>>) target_semaphore(%arg36 : memref<!tpu.dma_semaphore, #tpu.memory_space<semaphore_mem>>)
      } else {
      }
      %add3A_389 = arith.constant 2 : i32
      %add3A_390 = arith.addi %add3A_376, %add3A_389 : i32
      %lt3A_391 = arith.constant 160 : i32
      %lt3A_392 = arith.cmpi slt, %add3A_390, %lt3A_391 : i32
      %convert_element_type3A_393 = arith.extui %lt3A_392 : i1 to i32
      %cond3A_394 = arith.constant 0 : i32
      %cond3A_395 = arith.cmpi ne, %convert_element_type3A_393, %cond3A_394 : i32
      scf.if %cond3A_395 {
        %add3A_985 = arith.constant 2 : i32
        %add3A_986 = arith.addi %add3A_376, %add3A_985 : i32
        %dma_wait3A_987 = arith.constant 3 : i32
        %dma_wait3A_988 = arith.constant 0 : i32
        %dma_wait3A_989 = tpu.memref_slice %arg6[%dma_wait3A_987, %dma_wait3A_988] : memref<10x128xi32, #tpu.memory_space<vmem>> -> memref<1x128xi32, #tpu.memory_space<vmem>>
        %dma_wait3A_990 = tpu.memref_squeeze %dma_wait3A_989 : memref<1x128xi32, #tpu.memory_space<vmem>> -> memref<128xi32, #tpu.memory_space<vmem>>
        %dma_wait3A_991 = arith.constant 0 : i32
        %dma_wait3A_992 = arith.constant 0 : i32
        %dma_wait3A_993 = tpu.memref_slice %arg3[%arg1, %dma_wait3A_991, %dma_wait3A_992] : memref<16x160x128xi32, #tpu.memory_space<hbm>> -> memref<1x160x128xi32, #tpu.memory_space<hbm>>
        %dma_wait3A_994 = tpu.memref_squeeze %dma_wait3A_993 : memref<1x160x128xi32, #tpu.memory_space<hbm>> -> memref<160x128xi32, #tpu.memory_space<hbm>>
        %dma_wait3A_995 = arith.constant 0 : i32
        %dma_wait3A_996 = tpu.memref_slice %dma_wait3A_994[%add3A_986, %dma_wait3A_995] : memref<160x128xi32, #tpu.memory_space<hbm>> -> memref<1x128xi32, #tpu.memory_space<hbm>>
        %dma_wait3A_997 = tpu.memref_squeeze %dma_wait3A_996 : memref<1x128xi32, #tpu.memory_space<hbm>> -> memref<128xi32, #tpu.memory_space<hbm>>
        %dma_wait3A_998 = arith.constant 0 : i32
        %dma_wait3A_999 = tpu.memref_slice %arg6[%dma_wait3A_987, %dma_wait3A_998] : memref<10x128xi32, #tpu.memory_space<vmem>> -> memref<1x128xi32, #tpu.memory_space<vmem>>
        %dma_wait3A_1000 = tpu.memref_squeeze %dma_wait3A_999 : memref<1x128xi32, #tpu.memory_space<vmem>> -> memref<128xi32, #tpu.memory_space<vmem>>
        %dma_wait3A_1001 = arith.constant 0 : i32
        %dma_wait3A_1002 = arith.constant 0 : i32
        %dma_wait3A_1003 = tpu.memref_slice %arg3[%arg1, %dma_wait3A_1001, %dma_wait3A_1002] : memref<16x160x128xi32, #tpu.memory_space<hbm>> -> memref<1x160x128xi32, #tpu.memory_space<hbm>>
        %dma_wait3A_1004 = tpu.memref_squeeze %dma_wait3A_1003 : memref<1x160x128xi32, #tpu.memory_space<hbm>> -> memref<160x128xi32, #tpu.memory_space<hbm>>
        %dma_wait3A_1005 = arith.constant 0 : i32
        %dma_wait3A_1006 = tpu.memref_slice %dma_wait3A_1004[%add3A_986, %dma_wait3A_1005] : memref<160x128xi32, #tpu.memory_space<hbm>> -> memref<1x128xi32, #tpu.memory_space<hbm>>
        %dma_wait3A_1007 = tpu.memref_squeeze %dma_wait3A_1006 : memref<1x128xi32, #tpu.memory_space<hbm>> -> memref<128xi32, #tpu.memory_space<hbm>>
        tpu.wait_dma2 semaphore(%arg24 : memref<!tpu.dma_semaphore, #tpu.memory_space<semaphore_mem>>) src(%dma_wait3A_1007 : memref<128xi32, #tpu.memory_space<hbm>>) dst(%dma_wait3A_1000 : memref<128xi32, #tpu.memory_space<vmem>>)
        %add3A_1008 = arith.constant 2 : i32
        %add3A_1009 = arith.addi %add3A_376, %add3A_1008 : i32
        %dma_start3A_1010 = arith.constant 3 : i32
        %dma_start3A_1011 = arith.constant 3 : i32
        %dma_start3A_1012 = arith.constant 0 : i32
        %dma_start3A_1013 = arith.constant 0 : i32
        %dma_start3A_1014 = tpu.memref_slice %arg8[%dma_start3A_1011, %dma_start3A_1012, %dma_start3A_1013] : memref<5x128x64xf32, #tpu.memory_space<vmem>> -> memref<1x128x64xf32, #tpu.memory_space<vmem>>
        %dma_start3A_1015 = tpu.memref_squeeze %dma_start3A_1014 : memref<1x128x64xf32, #tpu.memory_space<vmem>> -> memref<128x64xf32, #tpu.memory_space<vmem>>
        %dma_start3A_1016 = arith.constant 0 : i32
        %dma_start3A_1017 = tpu.memref_slice %arg6[%dma_start3A_1010, %dma_start3A_1016] : memref<10x128xi32, #tpu.memory_space<vmem>> -> memref<1x128xi32, #tpu.memory_space<vmem>>
        %dma_start3A_1018 = tpu.memref_squeeze %dma_start3A_1017 : memref<1x128xi32, #tpu.memory_space<vmem>> -> memref<128xi32, #tpu.memory_space<vmem>>
        %dma_start3A_1019 = arith.constant 0 : i32
        %dma_start3A_1020 = arith.constant 0 : i32
        %dma_start3A_1021 = tpu.memref_slice %arg10[%dma_start3A_1019, %dma_start3A_1020] : memref<10240x64xf32, #tpu.memory_space<vmem_shared>> -> memref<10240x64xf32, #tpu.memory_space<vmem_shared>>
        tpu.enqueue_indirect_dma source(%dma_start3A_1021 : memref<10240x64xf32, #tpu.memory_space<vmem_shared>>) target(%dma_start3A_1015 : memref<128x64xf32, #tpu.memory_space<vmem>>) offsets(%dma_start3A_1018 : memref<128xi32, #tpu.memory_space<vmem>>) semaphore(%arg14 : memref<!tpu.dma_semaphore, #tpu.memory_space<semaphore_mem>>)
      } else {
      }
      %dma_wait3A_396 = arith.constant 1 : i32
      %dma_wait3A_397 = arith.constant 1 : i32
      %dma_wait3A_398 = arith.constant 0 : i32
      %dma_wait3A_399 = arith.constant 0 : i32
      %dma_wait3A_400 = tpu.memref_slice %arg8[%dma_wait3A_397, %dma_wait3A_398, %dma_wait3A_399] : memref<5x128x64xf32, #tpu.memory_space<vmem>> -> memref<1x128x64xf32, #tpu.memory_space<vmem>>
      %dma_wait3A_401 = tpu.memref_squeeze %dma_wait3A_400 : memref<1x128x64xf32, #tpu.memory_space<vmem>> -> memref<128x64xf32, #tpu.memory_space<vmem>>
      %dma_wait3A_402 = arith.constant 0 : i32
      %dma_wait3A_403 = tpu.memref_slice %arg6[%dma_wait3A_396, %dma_wait3A_402] : memref<10x128xi32, #tpu.memory_space<vmem>> -> memref<1x128xi32, #tpu.memory_space<vmem>>
      %dma_wait3A_404 = tpu.memref_squeeze %dma_wait3A_403 : memref<1x128xi32, #tpu.memory_space<vmem>> -> memref<128xi32, #tpu.memory_space<vmem>>
      %dma_wait3A_405 = arith.constant 0 : i32
      %dma_wait3A_406 = arith.constant 0 : i32
      %dma_wait3A_407 = tpu.memref_slice %arg10[%dma_wait3A_405, %dma_wait3A_406] : memref<10240x64xf32, #tpu.memory_space<vmem_shared>> -> memref<10240x64xf32, #tpu.memory_space<vmem_shared>>
      tpu.wait_indirect_dma semaphore(%arg12 : memref<!tpu.dma_semaphore, #tpu.memory_space<semaphore_mem>>) src(%dma_wait3A_407 : memref<10240x64xf32, #tpu.memory_space<vmem_shared>>) dst(%dma_wait3A_401 : memref<128x64xf32, #tpu.memory_space<vmem>>)
      %dma_wait3A_408 = arith.constant 1 : i32
      %dma_wait3A_409 = arith.constant 0 : i32
      %dma_wait3A_410 = tpu.memref_slice %arg7[%dma_wait3A_408, %dma_wait3A_409] : memref<10x128xi32, #tpu.memory_space<vmem>> -> memref<1x128xi32, #tpu.memory_space<vmem>>
      %dma_wait3A_411 = tpu.memref_squeeze %dma_wait3A_410 : memref<1x128xi32, #tpu.memory_space<vmem>> -> memref<128xi32, #tpu.memory_space<vmem>>
      %dma_wait3A_412 = arith.constant 0 : i32
      %dma_wait3A_413 = arith.constant 0 : i32
      %dma_wait3A_414 = tpu.memref_slice %arg4[%arg1, %dma_wait3A_412, %dma_wait3A_413] : memref<16x160x128xi32, #tpu.memory_space<hbm>> -> memref<1x160x128xi32, #tpu.memory_space<hbm>>
      %dma_wait3A_415 = tpu.memref_squeeze %dma_wait3A_414 : memref<1x160x128xi32, #tpu.memory_space<hbm>> -> memref<160x128xi32, #tpu.memory_space<hbm>>
      %dma_wait3A_416 = arith.constant 0 : i32
      %dma_wait3A_417 = tpu.memref_slice %dma_wait3A_415[%add3A_376, %dma_wait3A_416] : memref<160x128xi32, #tpu.memory_space<hbm>> -> memref<1x128xi32, #tpu.memory_space<hbm>>
      %dma_wait3A_418 = tpu.memref_squeeze %dma_wait3A_417 : memref<1x128xi32, #tpu.memory_space<hbm>> -> memref<128xi32, #tpu.memory_space<hbm>>
      %dma_wait3A_419 = arith.constant 0 : i32
      %dma_wait3A_420 = tpu.memref_slice %arg7[%dma_wait3A_408, %dma_wait3A_419] : memref<10x128xi32, #tpu.memory_space<vmem>> -> memref<1x128xi32, #tpu.memory_space<vmem>>
      %dma_wait3A_421 = tpu.memref_squeeze %dma_wait3A_420 : memref<1x128xi32, #tpu.memory_space<vmem>> -> memref<128xi32, #tpu.memory_space<vmem>>
      %dma_wait3A_422 = arith.constant 0 : i32
      %dma_wait3A_423 = arith.constant 0 : i32
      %dma_wait3A_424 = tpu.memref_slice %arg4[%arg1, %dma_wait3A_422, %dma_wait3A_423] : memref<16x160x128xi32, #tpu.memory_space<hbm>> -> memref<1x160x128xi32, #tpu.memory_space<hbm>>
      %dma_wait3A_425 = tpu.memref_squeeze %dma_wait3A_424 : memref<1x160x128xi32, #tpu.memory_space<hbm>> -> memref<160x128xi32, #tpu.memory_space<hbm>>
      %dma_wait3A_426 = arith.constant 0 : i32
      %dma_wait3A_427 = tpu.memref_slice %dma_wait3A_425[%add3A_376, %dma_wait3A_426] : memref<160x128xi32, #tpu.memory_space<hbm>> -> memref<1x128xi32, #tpu.memory_space<hbm>>
      %dma_wait3A_428 = tpu.memref_squeeze %dma_wait3A_427 : memref<1x128xi32, #tpu.memory_space<hbm>> -> memref<128xi32, #tpu.memory_space<hbm>>
      tpu.wait_dma2 semaphore(%arg32 : memref<!tpu.dma_semaphore, #tpu.memory_space<semaphore_mem>>) src(%dma_wait3A_428 : memref<128xi32, #tpu.memory_space<hbm>>) dst(%dma_wait3A_421 : memref<128xi32, #tpu.memory_space<vmem>>)
      %dma_start3A_429 = arith.constant 1 : i32
      %dma_start3A_430 = arith.constant 1 : i32
      %dma_start3A_431 = arith.constant 0 : i32
      %dma_start3A_432 = arith.constant 0 : i32
      %dma_start3A_433 = tpu.memref_slice %arg8[%dma_start3A_429, %dma_start3A_431, %dma_start3A_432] : memref<5x128x64xf32, #tpu.memory_space<vmem>> -> memref<1x128x64xf32, #tpu.memory_space<vmem>>
      %dma_start3A_434 = tpu.memref_squeeze %dma_start3A_433 : memref<1x128x64xf32, #tpu.memory_space<vmem>> -> memref<128x64xf32, #tpu.memory_space<vmem>>
      %dma_start3A_435 = arith.constant 0 : i32
      %dma_start3A_436 = tpu.memref_slice %arg7[%dma_start3A_430, %dma_start3A_435] : memref<10x128xi32, #tpu.memory_space<vmem>> -> memref<1x128xi32, #tpu.memory_space<vmem>>
      %dma_start3A_437 = tpu.memref_squeeze %dma_start3A_436 : memref<1x128xi32, #tpu.memory_space<vmem>> -> memref<128xi32, #tpu.memory_space<vmem>>
      %dma_start3A_438 = arith.constant 0 : i32
      %dma_start3A_439 = arith.constant 0 : i32
      %dma_start3A_440 = tpu.memref_slice %arg9[%dma_start3A_438, %dma_start3A_439] : memref<10240x64xf32, #tpu.memory_space<vmem_shared>> -> memref<10240x64xf32, #tpu.memory_space<vmem_shared>>
      tpu.enqueue_indirect_dma source(%dma_start3A_434 : memref<128x64xf32, #tpu.memory_space<vmem>>) target(%dma_start3A_440 : memref<10240x64xf32, #tpu.memory_space<vmem_shared>>) offsets(%dma_start3A_437 : memref<128xi32, #tpu.memory_space<vmem>>) semaphore(%arg17 : memref<!tpu.dma_semaphore, #tpu.memory_space<semaphore_mem>>) {add = true}
      %mul3A_441 = arith.constant 10 : i32
      %mul3A_442 = arith.muli %scan3A_308, %mul3A_441 : i32
      %add3A_443 = arith.constant 2 : i32
      %add3A_444 = arith.addi %mul3A_442, %add3A_443 : i32
      %ge3A_445 = arith.constant 2 : i32
      %ge3A_446 = arith.cmpi sge, %add3A_444, %ge3A_445 : i32
      %convert_element_type3A_447 = arith.extui %ge3A_446 : i1 to i32
      %cond3A_448 = arith.constant 0 : i32
      %cond3A_449 = arith.cmpi ne, %convert_element_type3A_447, %cond3A_448 : i32
      scf.if %cond3A_449 {
        %sub3A = arith.constant 2 : i32
        %sub3A_985 = arith.subi %add3A_444, %sub3A : i32
        %dma_wait3A_986 = arith.constant 0 : i32
        %dma_wait3A_987 = arith.constant 0 : i32
        %dma_wait3A_988 = arith.constant 0 : i32
        %dma_wait3A_989 = arith.constant 0 : i32
        %dma_wait3A_990 = tpu.memref_slice %arg8[%dma_wait3A_986, %dma_wait3A_988, %dma_wait3A_989] : memref<5x128x64xf32, #tpu.memory_space<vmem>> -> memref<1x128x64xf32, #tpu.memory_space<vmem>>
        %dma_wait3A_991 = tpu.memref_squeeze %dma_wait3A_990 : memref<1x128x64xf32, #tpu.memory_space<vmem>> -> memref<128x64xf32, #tpu.memory_space<vmem>>
        %dma_wait3A_992 = arith.constant 0 : i32
        %dma_wait3A_993 = tpu.memref_slice %arg7[%dma_wait3A_987, %dma_wait3A_992] : memref<10x128xi32, #tpu.memory_space<vmem>> -> memref<1x128xi32, #tpu.memory_space<vmem>>
        %dma_wait3A_994 = tpu.memref_squeeze %dma_wait3A_993 : memref<1x128xi32, #tpu.memory_space<vmem>> -> memref<128xi32, #tpu.memory_space<vmem>>
        %dma_wait3A_995 = arith.constant 0 : i32
        %dma_wait3A_996 = arith.constant 0 : i32
        %dma_wait3A_997 = tpu.memref_slice %arg9[%dma_wait3A_995, %dma_wait3A_996] : memref<10240x64xf32, #tpu.memory_space<vmem_shared>> -> memref<10240x64xf32, #tpu.memory_space<vmem_shared>>
        tpu.wait_indirect_dma semaphore(%arg16 : memref<!tpu.dma_semaphore, #tpu.memory_space<semaphore_mem>>) src(%dma_wait3A_991 : memref<128x64xf32, #tpu.memory_space<vmem>>) dst(%dma_wait3A_997 : memref<10240x64xf32, #tpu.memory_space<vmem_shared>>)
      } else {
      }
      %add3A_450 = arith.constant 4 : i32
      %add3A_451 = arith.addi %add3A_444, %add3A_450 : i32
      %lt3A_452 = arith.constant 160 : i32
      %lt3A_453 = arith.cmpi slt, %add3A_451, %lt3A_452 : i32
      %convert_element_type3A_454 = arith.extui %lt3A_453 : i1 to i32
      %cond3A_455 = arith.constant 0 : i32
      %cond3A_456 = arith.cmpi ne, %convert_element_type3A_454, %cond3A_455 : i32
      scf.if %cond3A_456 {
        %add3A_985 = arith.constant 4 : i32
        %add3A_986 = arith.addi %add3A_444, %add3A_985 : i32
        %dma_start3A_987 = arith.constant 6 : i32
        %dma_start3A_988 = arith.constant 0 : i32
        %dma_start3A_989 = tpu.memref_slice %arg6[%dma_start3A_987, %dma_start3A_988] : memref<10x128xi32, #tpu.memory_space<vmem>> -> memref<1x128xi32, #tpu.memory_space<vmem>>
        %dma_start3A_990 = tpu.memref_squeeze %dma_start3A_989 : memref<1x128xi32, #tpu.memory_space<vmem>> -> memref<128xi32, #tpu.memory_space<vmem>>
        %dma_start3A_991 = arith.constant 0 : i32
        %dma_start3A_992 = arith.constant 0 : i32
        %dma_start3A_993 = tpu.memref_slice %arg3[%arg1, %dma_start3A_991, %dma_start3A_992] : memref<16x160x128xi32, #tpu.memory_space<hbm>> -> memref<1x160x128xi32, #tpu.memory_space<hbm>>
        %dma_start3A_994 = tpu.memref_squeeze %dma_start3A_993 : memref<1x160x128xi32, #tpu.memory_space<hbm>> -> memref<160x128xi32, #tpu.memory_space<hbm>>
        %dma_start3A_995 = arith.constant 0 : i32
        %dma_start3A_996 = tpu.memref_slice %dma_start3A_994[%add3A_986, %dma_start3A_995] : memref<160x128xi32, #tpu.memory_space<hbm>> -> memref<1x128xi32, #tpu.memory_space<hbm>>
        %dma_start3A_997 = tpu.memref_squeeze %dma_start3A_996 : memref<1x128xi32, #tpu.memory_space<hbm>> -> memref<128xi32, #tpu.memory_space<hbm>>
        %dma_start3A_998 = arith.constant 0 : i32
        %dma_start3A_999 = tpu.memref_slice %arg6[%dma_start3A_987, %dma_start3A_998] : memref<10x128xi32, #tpu.memory_space<vmem>> -> memref<1x128xi32, #tpu.memory_space<vmem>>
        %dma_start3A_1000 = tpu.memref_squeeze %dma_start3A_999 : memref<1x128xi32, #tpu.memory_space<vmem>> -> memref<128xi32, #tpu.memory_space<vmem>>
        %dma_start3A_1001 = arith.constant 0 : i32
        %dma_start3A_1002 = arith.constant 0 : i32
        %dma_start3A_1003 = tpu.memref_slice %arg3[%arg1, %dma_start3A_1001, %dma_start3A_1002] : memref<16x160x128xi32, #tpu.memory_space<hbm>> -> memref<1x160x128xi32, #tpu.memory_space<hbm>>
        %dma_start3A_1004 = tpu.memref_squeeze %dma_start3A_1003 : memref<1x160x128xi32, #tpu.memory_space<hbm>> -> memref<160x128xi32, #tpu.memory_space<hbm>>
        %dma_start3A_1005 = arith.constant 0 : i32
        %dma_start3A_1006 = tpu.memref_slice %dma_start3A_1004[%add3A_986, %dma_start3A_1005] : memref<160x128xi32, #tpu.memory_space<hbm>> -> memref<1x128xi32, #tpu.memory_space<hbm>>
        %dma_start3A_1007 = tpu.memref_squeeze %dma_start3A_1006 : memref<1x128xi32, #tpu.memory_space<hbm>> -> memref<128xi32, #tpu.memory_space<hbm>>
        tpu.enqueue_dma source(%dma_start3A_1007 : memref<128xi32, #tpu.memory_space<hbm>>) target(%dma_start3A_1000 : memref<128xi32, #tpu.memory_space<vmem>>) target_semaphore(%arg27 : memref<!tpu.dma_semaphore, #tpu.memory_space<semaphore_mem>>)
        %dma_start3A_1008 = arith.constant 6 : i32
        %dma_start3A_1009 = arith.constant 0 : i32
        %dma_start3A_1010 = tpu.memref_slice %arg7[%dma_start3A_1008, %dma_start3A_1009] : memref<10x128xi32, #tpu.memory_space<vmem>> -> memref<1x128xi32, #tpu.memory_space<vmem>>
        %dma_start3A_1011 = tpu.memref_squeeze %dma_start3A_1010 : memref<1x128xi32, #tpu.memory_space<vmem>> -> memref<128xi32, #tpu.memory_space<vmem>>
        %dma_start3A_1012 = arith.constant 0 : i32
        %dma_start3A_1013 = arith.constant 0 : i32
        %dma_start3A_1014 = tpu.memref_slice %arg4[%arg1, %dma_start3A_1012, %dma_start3A_1013] : memref<16x160x128xi32, #tpu.memory_space<hbm>> -> memref<1x160x128xi32, #tpu.memory_space<hbm>>
        %dma_start3A_1015 = tpu.memref_squeeze %dma_start3A_1014 : memref<1x160x128xi32, #tpu.memory_space<hbm>> -> memref<160x128xi32, #tpu.memory_space<hbm>>
        %dma_start3A_1016 = arith.constant 0 : i32
        %dma_start3A_1017 = tpu.memref_slice %dma_start3A_1015[%add3A_986, %dma_start3A_1016] : memref<160x128xi32, #tpu.memory_space<hbm>> -> memref<1x128xi32, #tpu.memory_space<hbm>>
        %dma_start3A_1018 = tpu.memref_squeeze %dma_start3A_1017 : memref<1x128xi32, #tpu.memory_space<hbm>> -> memref<128xi32, #tpu.memory_space<hbm>>
        %dma_start3A_1019 = arith.constant 0 : i32
        %dma_start3A_1020 = tpu.memref_slice %arg7[%dma_start3A_1008, %dma_start3A_1019] : memref<10x128xi32, #tpu.memory_space<vmem>> -> memref<1x128xi32, #tpu.memory_space<vmem>>
        %dma_start3A_1021 = tpu.memref_squeeze %dma_start3A_1020 : memref<1x128xi32, #tpu.memory_space<vmem>> -> memref<128xi32, #tpu.memory_space<vmem>>
        %dma_start3A_1022 = arith.constant 0 : i32
        %dma_start3A_1023 = arith.constant 0 : i32
        %dma_start3A_1024 = tpu.memref_slice %arg4[%arg1, %dma_start3A_1022, %dma_start3A_1023] : memref<16x160x128xi32, #tpu.memory_space<hbm>> -> memref<1x160x128xi32, #tpu.memory_space<hbm>>
        %dma_start3A_1025 = tpu.memref_squeeze %dma_start3A_1024 : memref<1x160x128xi32, #tpu.memory_space<hbm>> -> memref<160x128xi32, #tpu.memory_space<hbm>>
        %dma_start3A_1026 = arith.constant 0 : i32
        %dma_start3A_1027 = tpu.memref_slice %dma_start3A_1025[%add3A_986, %dma_start3A_1026] : memref<160x128xi32, #tpu.memory_space<hbm>> -> memref<1x128xi32, #tpu.memory_space<hbm>>
        %dma_start3A_1028 = tpu.memref_squeeze %dma_start3A_1027 : memref<1x128xi32, #tpu.memory_space<hbm>> -> memref<128xi32, #tpu.memory_space<hbm>>
        tpu.enqueue_dma source(%dma_start3A_1028 : memref<128xi32, #tpu.memory_space<hbm>>) target(%dma_start3A_1021 : memref<128xi32, #tpu.memory_space<vmem>>) target_semaphore(%arg37 : memref<!tpu.dma_semaphore, #tpu.memory_space<semaphore_mem>>)
      } else {
      }
      %add3A_457 = arith.constant 2 : i32
      %add3A_458 = arith.addi %add3A_444, %add3A_457 : i32
      %lt3A_459 = arith.constant 160 : i32
      %lt3A_460 = arith.cmpi slt, %add3A_458, %lt3A_459 : i32
      %convert_element_type3A_461 = arith.extui %lt3A_460 : i1 to i32
      %cond3A_462 = arith.constant 0 : i32
      %cond3A_463 = arith.cmpi ne, %convert_element_type3A_461, %cond3A_462 : i32
      scf.if %cond3A_463 {
        %add3A_985 = arith.constant 2 : i32
        %add3A_986 = arith.addi %add3A_444, %add3A_985 : i32
        %dma_wait3A_987 = arith.constant 4 : i32
        %dma_wait3A_988 = arith.constant 0 : i32
        %dma_wait3A_989 = tpu.memref_slice %arg6[%dma_wait3A_987, %dma_wait3A_988] : memref<10x128xi32, #tpu.memory_space<vmem>> -> memref<1x128xi32, #tpu.memory_space<vmem>>
        %dma_wait3A_990 = tpu.memref_squeeze %dma_wait3A_989 : memref<1x128xi32, #tpu.memory_space<vmem>> -> memref<128xi32, #tpu.memory_space<vmem>>
        %dma_wait3A_991 = arith.constant 0 : i32
        %dma_wait3A_992 = arith.constant 0 : i32
        %dma_wait3A_993 = tpu.memref_slice %arg3[%arg1, %dma_wait3A_991, %dma_wait3A_992] : memref<16x160x128xi32, #tpu.memory_space<hbm>> -> memref<1x160x128xi32, #tpu.memory_space<hbm>>
        %dma_wait3A_994 = tpu.memref_squeeze %dma_wait3A_993 : memref<1x160x128xi32, #tpu.memory_space<hbm>> -> memref<160x128xi32, #tpu.memory_space<hbm>>
        %dma_wait3A_995 = arith.constant 0 : i32
        %dma_wait3A_996 = tpu.memref_slice %dma_wait3A_994[%add3A_986, %dma_wait3A_995] : memref<160x128xi32, #tpu.memory_space<hbm>> -> memref<1x128xi32, #tpu.memory_space<hbm>>
        %dma_wait3A_997 = tpu.memref_squeeze %dma_wait3A_996 : memref<1x128xi32, #tpu.memory_space<hbm>> -> memref<128xi32, #tpu.memory_space<hbm>>
        %dma_wait3A_998 = arith.constant 0 : i32
        %dma_wait3A_999 = tpu.memref_slice %arg6[%dma_wait3A_987, %dma_wait3A_998] : memref<10x128xi32, #tpu.memory_space<vmem>> -> memref<1x128xi32, #tpu.memory_space<vmem>>
        %dma_wait3A_1000 = tpu.memref_squeeze %dma_wait3A_999 : memref<1x128xi32, #tpu.memory_space<vmem>> -> memref<128xi32, #tpu.memory_space<vmem>>
        %dma_wait3A_1001 = arith.constant 0 : i32
        %dma_wait3A_1002 = arith.constant 0 : i32
        %dma_wait3A_1003 = tpu.memref_slice %arg3[%arg1, %dma_wait3A_1001, %dma_wait3A_1002] : memref<16x160x128xi32, #tpu.memory_space<hbm>> -> memref<1x160x128xi32, #tpu.memory_space<hbm>>
        %dma_wait3A_1004 = tpu.memref_squeeze %dma_wait3A_1003 : memref<1x160x128xi32, #tpu.memory_space<hbm>> -> memref<160x128xi32, #tpu.memory_space<hbm>>
        %dma_wait3A_1005 = arith.constant 0 : i32
        %dma_wait3A_1006 = tpu.memref_slice %dma_wait3A_1004[%add3A_986, %dma_wait3A_1005] : memref<160x128xi32, #tpu.memory_space<hbm>> -> memref<1x128xi32, #tpu.memory_space<hbm>>
        %dma_wait3A_1007 = tpu.memref_squeeze %dma_wait3A_1006 : memref<1x128xi32, #tpu.memory_space<hbm>> -> memref<128xi32, #tpu.memory_space<hbm>>
        tpu.wait_dma2 semaphore(%arg25 : memref<!tpu.dma_semaphore, #tpu.memory_space<semaphore_mem>>) src(%dma_wait3A_1007 : memref<128xi32, #tpu.memory_space<hbm>>) dst(%dma_wait3A_1000 : memref<128xi32, #tpu.memory_space<vmem>>)
        %add3A_1008 = arith.constant 2 : i32
        %add3A_1009 = arith.addi %add3A_444, %add3A_1008 : i32
        %dma_start3A_1010 = arith.constant 4 : i32
        %dma_start3A_1011 = arith.constant 4 : i32
        %dma_start3A_1012 = arith.constant 0 : i32
        %dma_start3A_1013 = arith.constant 0 : i32
        %dma_start3A_1014 = tpu.memref_slice %arg8[%dma_start3A_1011, %dma_start3A_1012, %dma_start3A_1013] : memref<5x128x64xf32, #tpu.memory_space<vmem>> -> memref<1x128x64xf32, #tpu.memory_space<vmem>>
        %dma_start3A_1015 = tpu.memref_squeeze %dma_start3A_1014 : memref<1x128x64xf32, #tpu.memory_space<vmem>> -> memref<128x64xf32, #tpu.memory_space<vmem>>
        %dma_start3A_1016 = arith.constant 0 : i32
        %dma_start3A_1017 = tpu.memref_slice %arg6[%dma_start3A_1010, %dma_start3A_1016] : memref<10x128xi32, #tpu.memory_space<vmem>> -> memref<1x128xi32, #tpu.memory_space<vmem>>
        %dma_start3A_1018 = tpu.memref_squeeze %dma_start3A_1017 : memref<1x128xi32, #tpu.memory_space<vmem>> -> memref<128xi32, #tpu.memory_space<vmem>>
        %dma_start3A_1019 = arith.constant 0 : i32
        %dma_start3A_1020 = arith.constant 0 : i32
        %dma_start3A_1021 = tpu.memref_slice %arg10[%dma_start3A_1019, %dma_start3A_1020] : memref<10240x64xf32, #tpu.memory_space<vmem_shared>> -> memref<10240x64xf32, #tpu.memory_space<vmem_shared>>
        tpu.enqueue_indirect_dma source(%dma_start3A_1021 : memref<10240x64xf32, #tpu.memory_space<vmem_shared>>) target(%dma_start3A_1015 : memref<128x64xf32, #tpu.memory_space<vmem>>) offsets(%dma_start3A_1018 : memref<128xi32, #tpu.memory_space<vmem>>) semaphore(%arg15 : memref<!tpu.dma_semaphore, #tpu.memory_space<semaphore_mem>>)
      } else {
      }
      %dma_wait3A_464 = arith.constant 2 : i32
      %dma_wait3A_465 = arith.constant 2 : i32
      %dma_wait3A_466 = arith.constant 0 : i32
      %dma_wait3A_467 = arith.constant 0 : i32
      %dma_wait3A_468 = tpu.memref_slice %arg8[%dma_wait3A_465, %dma_wait3A_466, %dma_wait3A_467] : memref<5x128x64xf32, #tpu.memory_space<vmem>> -> memref<1x128x64xf32, #tpu.memory_space<vmem>>
      %dma_wait3A_469 = tpu.memref_squeeze %dma_wait3A_468 : memref<1x128x64xf32, #tpu.memory_space<vmem>> -> memref<128x64xf32, #tpu.memory_space<vmem>>
      %dma_wait3A_470 = arith.constant 0 : i32
      %dma_wait3A_471 = tpu.memref_slice %arg6[%dma_wait3A_464, %dma_wait3A_470] : memref<10x128xi32, #tpu.memory_space<vmem>> -> memref<1x128xi32, #tpu.memory_space<vmem>>
      %dma_wait3A_472 = tpu.memref_squeeze %dma_wait3A_471 : memref<1x128xi32, #tpu.memory_space<vmem>> -> memref<128xi32, #tpu.memory_space<vmem>>
      %dma_wait3A_473 = arith.constant 0 : i32
      %dma_wait3A_474 = arith.constant 0 : i32
      %dma_wait3A_475 = tpu.memref_slice %arg10[%dma_wait3A_473, %dma_wait3A_474] : memref<10240x64xf32, #tpu.memory_space<vmem_shared>> -> memref<10240x64xf32, #tpu.memory_space<vmem_shared>>
      tpu.wait_indirect_dma semaphore(%arg13 : memref<!tpu.dma_semaphore, #tpu.memory_space<semaphore_mem>>) src(%dma_wait3A_475 : memref<10240x64xf32, #tpu.memory_space<vmem_shared>>) dst(%dma_wait3A_469 : memref<128x64xf32, #tpu.memory_space<vmem>>)
      %dma_wait3A_476 = arith.constant 2 : i32
      %dma_wait3A_477 = arith.constant 0 : i32
      %dma_wait3A_478 = tpu.memref_slice %arg7[%dma_wait3A_476, %dma_wait3A_477] : memref<10x128xi32, #tpu.memory_space<vmem>> -> memref<1x128xi32, #tpu.memory_space<vmem>>
      %dma_wait3A_479 = tpu.memref_squeeze %dma_wait3A_478 : memref<1x128xi32, #tpu.memory_space<vmem>> -> memref<128xi32, #tpu.memory_space<vmem>>
      %dma_wait3A_480 = arith.constant 0 : i32
      %dma_wait3A_481 = arith.constant 0 : i32
      %dma_wait3A_482 = tpu.memref_slice %arg4[%arg1, %dma_wait3A_480, %dma_wait3A_481] : memref<16x160x128xi32, #tpu.memory_space<hbm>> -> memref<1x160x128xi32, #tpu.memory_space<hbm>>
      %dma_wait3A_483 = tpu.memref_squeeze %dma_wait3A_482 : memref<1x160x128xi32, #tpu.memory_space<hbm>> -> memref<160x128xi32, #tpu.memory_space<hbm>>
      %dma_wait3A_484 = arith.constant 0 : i32
      %dma_wait3A_485 = tpu.memref_slice %dma_wait3A_483[%add3A_444, %dma_wait3A_484] : memref<160x128xi32, #tpu.memory_space<hbm>> -> memref<1x128xi32, #tpu.memory_space<hbm>>
      %dma_wait3A_486 = tpu.memref_squeeze %dma_wait3A_485 : memref<1x128xi32, #tpu.memory_space<hbm>> -> memref<128xi32, #tpu.memory_space<hbm>>
      %dma_wait3A_487 = arith.constant 0 : i32
      %dma_wait3A_488 = tpu.memref_slice %arg7[%dma_wait3A_476, %dma_wait3A_487] : memref<10x128xi32, #tpu.memory_space<vmem>> -> memref<1x128xi32, #tpu.memory_space<vmem>>
      %dma_wait3A_489 = tpu.memref_squeeze %dma_wait3A_488 : memref<1x128xi32, #tpu.memory_space<vmem>> -> memref<128xi32, #tpu.memory_space<vmem>>
      %dma_wait3A_490 = arith.constant 0 : i32
      %dma_wait3A_491 = arith.constant 0 : i32
      %dma_wait3A_492 = tpu.memref_slice %arg4[%arg1, %dma_wait3A_490, %dma_wait3A_491] : memref<16x160x128xi32, #tpu.memory_space<hbm>> -> memref<1x160x128xi32, #tpu.memory_space<hbm>>
      %dma_wait3A_493 = tpu.memref_squeeze %dma_wait3A_492 : memref<1x160x128xi32, #tpu.memory_space<hbm>> -> memref<160x128xi32, #tpu.memory_space<hbm>>
      %dma_wait3A_494 = arith.constant 0 : i32
      %dma_wait3A_495 = tpu.memref_slice %dma_wait3A_493[%add3A_444, %dma_wait3A_494] : memref<160x128xi32, #tpu.memory_space<hbm>> -> memref<1x128xi32, #tpu.memory_space<hbm>>
      %dma_wait3A_496 = tpu.memref_squeeze %dma_wait3A_495 : memref<1x128xi32, #tpu.memory_space<hbm>> -> memref<128xi32, #tpu.memory_space<hbm>>
      tpu.wait_dma2 semaphore(%arg33 : memref<!tpu.dma_semaphore, #tpu.memory_space<semaphore_mem>>) src(%dma_wait3A_496 : memref<128xi32, #tpu.memory_space<hbm>>) dst(%dma_wait3A_489 : memref<128xi32, #tpu.memory_space<vmem>>)
      %dma_start3A_497 = arith.constant 2 : i32
      %dma_start3A_498 = arith.constant 2 : i32
      %dma_start3A_499 = arith.constant 0 : i32
      %dma_start3A_500 = arith.constant 0 : i32
      %dma_start3A_501 = tpu.memref_slice %arg8[%dma_start3A_497, %dma_start3A_499, %dma_start3A_500] : memref<5x128x64xf32, #tpu.memory_space<vmem>> -> memref<1x128x64xf32, #tpu.memory_space<vmem>>
      %dma_start3A_502 = tpu.memref_squeeze %dma_start3A_501 : memref<1x128x64xf32, #tpu.memory_space<vmem>> -> memref<128x64xf32, #tpu.memory_space<vmem>>
      %dma_start3A_503 = arith.constant 0 : i32
      %dma_start3A_504 = tpu.memref_slice %arg7[%dma_start3A_498, %dma_start3A_503] : memref<10x128xi32, #tpu.memory_space<vmem>> -> memref<1x128xi32, #tpu.memory_space<vmem>>
      %dma_start3A_505 = tpu.memref_squeeze %dma_start3A_504 : memref<1x128xi32, #tpu.memory_space<vmem>> -> memref<128xi32, #tpu.memory_space<vmem>>
      %dma_start3A_506 = arith.constant 0 : i32
      %dma_start3A_507 = arith.constant 0 : i32
      %dma_start3A_508 = tpu.memref_slice %arg9[%dma_start3A_506, %dma_start3A_507] : memref<10240x64xf32, #tpu.memory_space<vmem_shared>> -> memref<10240x64xf32, #tpu.memory_space<vmem_shared>>
      tpu.enqueue_indirect_dma source(%dma_start3A_502 : memref<128x64xf32, #tpu.memory_space<vmem>>) target(%dma_start3A_508 : memref<10240x64xf32, #tpu.memory_space<vmem_shared>>) offsets(%dma_start3A_505 : memref<128xi32, #tpu.memory_space<vmem>>) semaphore(%arg18 : memref<!tpu.dma_semaphore, #tpu.memory_space<semaphore_mem>>) {add = true}
      %mul3A_509 = arith.constant 10 : i32
      %mul3A_510 = arith.muli %scan3A_308, %mul3A_509 : i32
      %add3A_511 = arith.constant 3 : i32
      %add3A_512 = arith.addi %mul3A_510, %add3A_511 : i32
      %ge3A_513 = arith.constant 2 : i32
      %ge3A_514 = arith.cmpi sge, %add3A_512, %ge3A_513 : i32
      %convert_element_type3A_515 = arith.extui %ge3A_514 : i1 to i32
      %cond3A_516 = arith.constant 0 : i32
      %cond3A_517 = arith.cmpi ne, %convert_element_type3A_515, %cond3A_516 : i32
      scf.if %cond3A_517 {
        %sub3A = arith.constant 2 : i32
        %sub3A_985 = arith.subi %add3A_512, %sub3A : i32
        %dma_wait3A_986 = arith.constant 1 : i32
        %dma_wait3A_987 = arith.constant 1 : i32
        %dma_wait3A_988 = arith.constant 0 : i32
        %dma_wait3A_989 = arith.constant 0 : i32
        %dma_wait3A_990 = tpu.memref_slice %arg8[%dma_wait3A_986, %dma_wait3A_988, %dma_wait3A_989] : memref<5x128x64xf32, #tpu.memory_space<vmem>> -> memref<1x128x64xf32, #tpu.memory_space<vmem>>
        %dma_wait3A_991 = tpu.memref_squeeze %dma_wait3A_990 : memref<1x128x64xf32, #tpu.memory_space<vmem>> -> memref<128x64xf32, #tpu.memory_space<vmem>>
        %dma_wait3A_992 = arith.constant 0 : i32
        %dma_wait3A_993 = tpu.memref_slice %arg7[%dma_wait3A_987, %dma_wait3A_992] : memref<10x128xi32, #tpu.memory_space<vmem>> -> memref<1x128xi32, #tpu.memory_space<vmem>>
        %dma_wait3A_994 = tpu.memref_squeeze %dma_wait3A_993 : memref<1x128xi32, #tpu.memory_space<vmem>> -> memref<128xi32, #tpu.memory_space<vmem>>
        %dma_wait3A_995 = arith.constant 0 : i32
        %dma_wait3A_996 = arith.constant 0 : i32
        %dma_wait3A_997 = tpu.memref_slice %arg9[%dma_wait3A_995, %dma_wait3A_996] : memref<10240x64xf32, #tpu.memory_space<vmem_shared>> -> memref<10240x64xf32, #tpu.memory_space<vmem_shared>>
        tpu.wait_indirect_dma semaphore(%arg17 : memref<!tpu.dma_semaphore, #tpu.memory_space<semaphore_mem>>) src(%dma_wait3A_991 : memref<128x64xf32, #tpu.memory_space<vmem>>) dst(%dma_wait3A_997 : memref<10240x64xf32, #tpu.memory_space<vmem_shared>>)
      } else {
      }
      %add3A_518 = arith.constant 4 : i32
      %add3A_519 = arith.addi %add3A_512, %add3A_518 : i32
      %lt3A_520 = arith.constant 160 : i32
      %lt3A_521 = arith.cmpi slt, %add3A_519, %lt3A_520 : i32
      %convert_element_type3A_522 = arith.extui %lt3A_521 : i1 to i32
      %cond3A_523 = arith.constant 0 : i32
      %cond3A_524 = arith.cmpi ne, %convert_element_type3A_522, %cond3A_523 : i32
      scf.if %cond3A_524 {
        %add3A_985 = arith.constant 4 : i32
        %add3A_986 = arith.addi %add3A_512, %add3A_985 : i32
        %dma_start3A_987 = arith.constant 7 : i32
        %dma_start3A_988 = arith.constant 0 : i32
        %dma_start3A_989 = tpu.memref_slice %arg6[%dma_start3A_987, %dma_start3A_988] : memref<10x128xi32, #tpu.memory_space<vmem>> -> memref<1x128xi32, #tpu.memory_space<vmem>>
        %dma_start3A_990 = tpu.memref_squeeze %dma_start3A_989 : memref<1x128xi32, #tpu.memory_space<vmem>> -> memref<128xi32, #tpu.memory_space<vmem>>
        %dma_start3A_991 = arith.constant 0 : i32
        %dma_start3A_992 = arith.constant 0 : i32
        %dma_start3A_993 = tpu.memref_slice %arg3[%arg1, %dma_start3A_991, %dma_start3A_992] : memref<16x160x128xi32, #tpu.memory_space<hbm>> -> memref<1x160x128xi32, #tpu.memory_space<hbm>>
        %dma_start3A_994 = tpu.memref_squeeze %dma_start3A_993 : memref<1x160x128xi32, #tpu.memory_space<hbm>> -> memref<160x128xi32, #tpu.memory_space<hbm>>
        %dma_start3A_995 = arith.constant 0 : i32
        %dma_start3A_996 = tpu.memref_slice %dma_start3A_994[%add3A_986, %dma_start3A_995] : memref<160x128xi32, #tpu.memory_space<hbm>> -> memref<1x128xi32, #tpu.memory_space<hbm>>
        %dma_start3A_997 = tpu.memref_squeeze %dma_start3A_996 : memref<1x128xi32, #tpu.memory_space<hbm>> -> memref<128xi32, #tpu.memory_space<hbm>>
        %dma_start3A_998 = arith.constant 0 : i32
        %dma_start3A_999 = tpu.memref_slice %arg6[%dma_start3A_987, %dma_start3A_998] : memref<10x128xi32, #tpu.memory_space<vmem>> -> memref<1x128xi32, #tpu.memory_space<vmem>>
        %dma_start3A_1000 = tpu.memref_squeeze %dma_start3A_999 : memref<1x128xi32, #tpu.memory_space<vmem>> -> memref<128xi32, #tpu.memory_space<vmem>>
        %dma_start3A_1001 = arith.constant 0 : i32
        %dma_start3A_1002 = arith.constant 0 : i32
        %dma_start3A_1003 = tpu.memref_slice %arg3[%arg1, %dma_start3A_1001, %dma_start3A_1002] : memref<16x160x128xi32, #tpu.memory_space<hbm>> -> memref<1x160x128xi32, #tpu.memory_space<hbm>>
        %dma_start3A_1004 = tpu.memref_squeeze %dma_start3A_1003 : memref<1x160x128xi32, #tpu.memory_space<hbm>> -> memref<160x128xi32, #tpu.memory_space<hbm>>
        %dma_start3A_1005 = arith.constant 0 : i32
        %dma_start3A_1006 = tpu.memref_slice %dma_start3A_1004[%add3A_986, %dma_start3A_1005] : memref<160x128xi32, #tpu.memory_space<hbm>> -> memref<1x128xi32, #tpu.memory_space<hbm>>
        %dma_start3A_1007 = tpu.memref_squeeze %dma_start3A_1006 : memref<1x128xi32, #tpu.memory_space<hbm>> -> memref<128xi32, #tpu.memory_space<hbm>>
        tpu.enqueue_dma source(%dma_start3A_1007 : memref<128xi32, #tpu.memory_space<hbm>>) target(%dma_start3A_1000 : memref<128xi32, #tpu.memory_space<vmem>>) target_semaphore(%arg28 : memref<!tpu.dma_semaphore, #tpu.memory_space<semaphore_mem>>)
        %dma_start3A_1008 = arith.constant 7 : i32
        %dma_start3A_1009 = arith.constant 0 : i32
        %dma_start3A_1010 = tpu.memref_slice %arg7[%dma_start3A_1008, %dma_start3A_1009] : memref<10x128xi32, #tpu.memory_space<vmem>> -> memref<1x128xi32, #tpu.memory_space<vmem>>
        %dma_start3A_1011 = tpu.memref_squeeze %dma_start3A_1010 : memref<1x128xi32, #tpu.memory_space<vmem>> -> memref<128xi32, #tpu.memory_space<vmem>>
        %dma_start3A_1012 = arith.constant 0 : i32
        %dma_start3A_1013 = arith.constant 0 : i32
        %dma_start3A_1014 = tpu.memref_slice %arg4[%arg1, %dma_start3A_1012, %dma_start3A_1013] : memref<16x160x128xi32, #tpu.memory_space<hbm>> -> memref<1x160x128xi32, #tpu.memory_space<hbm>>
        %dma_start3A_1015 = tpu.memref_squeeze %dma_start3A_1014 : memref<1x160x128xi32, #tpu.memory_space<hbm>> -> memref<160x128xi32, #tpu.memory_space<hbm>>
        %dma_start3A_1016 = arith.constant 0 : i32
        %dma_start3A_1017 = tpu.memref_slice %dma_start3A_1015[%add3A_986, %dma_start3A_1016] : memref<160x128xi32, #tpu.memory_space<hbm>> -> memref<1x128xi32, #tpu.memory_space<hbm>>
        %dma_start3A_1018 = tpu.memref_squeeze %dma_start3A_1017 : memref<1x128xi32, #tpu.memory_space<hbm>> -> memref<128xi32, #tpu.memory_space<hbm>>
        %dma_start3A_1019 = arith.constant 0 : i32
        %dma_start3A_1020 = tpu.memref_slice %arg7[%dma_start3A_1008, %dma_start3A_1019] : memref<10x128xi32, #tpu.memory_space<vmem>> -> memref<1x128xi32, #tpu.memory_space<vmem>>
        %dma_start3A_1021 = tpu.memref_squeeze %dma_start3A_1020 : memref<1x128xi32, #tpu.memory_space<vmem>> -> memref<128xi32, #tpu.memory_space<vmem>>
        %dma_start3A_1022 = arith.constant 0 : i32
        %dma_start3A_1023 = arith.constant 0 : i32
        %dma_start3A_1024 = tpu.memref_slice %arg4[%arg1, %dma_start3A_1022, %dma_start3A_1023] : memref<16x160x128xi32, #tpu.memory_space<hbm>> -> memref<1x160x128xi32, #tpu.memory_space<hbm>>
        %dma_start3A_1025 = tpu.memref_squeeze %dma_start3A_1024 : memref<1x160x128xi32, #tpu.memory_space<hbm>> -> memref<160x128xi32, #tpu.memory_space<hbm>>
        %dma_start3A_1026 = arith.constant 0 : i32
        %dma_start3A_1027 = tpu.memref_slice %dma_start3A_1025[%add3A_986, %dma_start3A_1026] : memref<160x128xi32, #tpu.memory_space<hbm>> -> memref<1x128xi32, #tpu.memory_space<hbm>>
        %dma_start3A_1028 = tpu.memref_squeeze %dma_start3A_1027 : memref<1x128xi32, #tpu.memory_space<hbm>> -> memref<128xi32, #tpu.memory_space<hbm>>
        tpu.enqueue_dma source(%dma_start3A_1028 : memref<128xi32, #tpu.memory_space<hbm>>) target(%dma_start3A_1021 : memref<128xi32, #tpu.memory_space<vmem>>) target_semaphore(%arg38 : memref<!tpu.dma_semaphore, #tpu.memory_space<semaphore_mem>>)
      } else {
      }
      %add3A_525 = arith.constant 2 : i32
      %add3A_526 = arith.addi %add3A_512, %add3A_525 : i32
      %lt3A_527 = arith.constant 160 : i32
      %lt3A_528 = arith.cmpi slt, %add3A_526, %lt3A_527 : i32
      %convert_element_type3A_529 = arith.extui %lt3A_528 : i1 to i32
      %cond3A_530 = arith.constant 0 : i32
      %cond3A_531 = arith.cmpi ne, %convert_element_type3A_529, %cond3A_530 : i32
      scf.if %cond3A_531 {
        %add3A_985 = arith.constant 2 : i32
        %add3A_986 = arith.addi %add3A_512, %add3A_985 : i32
        %dma_wait3A_987 = arith.constant 5 : i32
        %dma_wait3A_988 = arith.constant 0 : i32
        %dma_wait3A_989 = tpu.memref_slice %arg6[%dma_wait3A_987, %dma_wait3A_988] : memref<10x128xi32, #tpu.memory_space<vmem>> -> memref<1x128xi32, #tpu.memory_space<vmem>>
        %dma_wait3A_990 = tpu.memref_squeeze %dma_wait3A_989 : memref<1x128xi32, #tpu.memory_space<vmem>> -> memref<128xi32, #tpu.memory_space<vmem>>
        %dma_wait3A_991 = arith.constant 0 : i32
        %dma_wait3A_992 = arith.constant 0 : i32
        %dma_wait3A_993 = tpu.memref_slice %arg3[%arg1, %dma_wait3A_991, %dma_wait3A_992] : memref<16x160x128xi32, #tpu.memory_space<hbm>> -> memref<1x160x128xi32, #tpu.memory_space<hbm>>
        %dma_wait3A_994 = tpu.memref_squeeze %dma_wait3A_993 : memref<1x160x128xi32, #tpu.memory_space<hbm>> -> memref<160x128xi32, #tpu.memory_space<hbm>>
        %dma_wait3A_995 = arith.constant 0 : i32
        %dma_wait3A_996 = tpu.memref_slice %dma_wait3A_994[%add3A_986, %dma_wait3A_995] : memref<160x128xi32, #tpu.memory_space<hbm>> -> memref<1x128xi32, #tpu.memory_space<hbm>>
        %dma_wait3A_997 = tpu.memref_squeeze %dma_wait3A_996 : memref<1x128xi32, #tpu.memory_space<hbm>> -> memref<128xi32, #tpu.memory_space<hbm>>
        %dma_wait3A_998 = arith.constant 0 : i32
        %dma_wait3A_999 = tpu.memref_slice %arg6[%dma_wait3A_987, %dma_wait3A_998] : memref<10x128xi32, #tpu.memory_space<vmem>> -> memref<1x128xi32, #tpu.memory_space<vmem>>
        %dma_wait3A_1000 = tpu.memref_squeeze %dma_wait3A_999 : memref<1x128xi32, #tpu.memory_space<vmem>> -> memref<128xi32, #tpu.memory_space<vmem>>
        %dma_wait3A_1001 = arith.constant 0 : i32
        %dma_wait3A_1002 = arith.constant 0 : i32
        %dma_wait3A_1003 = tpu.memref_slice %arg3[%arg1, %dma_wait3A_1001, %dma_wait3A_1002] : memref<16x160x128xi32, #tpu.memory_space<hbm>> -> memref<1x160x128xi32, #tpu.memory_space<hbm>>
        %dma_wait3A_1004 = tpu.memref_squeeze %dma_wait3A_1003 : memref<1x160x128xi32, #tpu.memory_space<hbm>> -> memref<160x128xi32, #tpu.memory_space<hbm>>
        %dma_wait3A_1005 = arith.constant 0 : i32
        %dma_wait3A_1006 = tpu.memref_slice %dma_wait3A_1004[%add3A_986, %dma_wait3A_1005] : memref<160x128xi32, #tpu.memory_space<hbm>> -> memref<1x128xi32, #tpu.memory_space<hbm>>
        %dma_wait3A_1007 = tpu.memref_squeeze %dma_wait3A_1006 : memref<1x128xi32, #tpu.memory_space<hbm>> -> memref<128xi32, #tpu.memory_space<hbm>>
        tpu.wait_dma2 semaphore(%arg26 : memref<!tpu.dma_semaphore, #tpu.memory_space<semaphore_mem>>) src(%dma_wait3A_1007 : memref<128xi32, #tpu.memory_space<hbm>>) dst(%dma_wait3A_1000 : memref<128xi32, #tpu.memory_space<vmem>>)
        %add3A_1008 = arith.constant 2 : i32
        %add3A_1009 = arith.addi %add3A_512, %add3A_1008 : i32
        %dma_start3A_1010 = arith.constant 5 : i32
        %dma_start3A_1011 = arith.constant 0 : i32
        %dma_start3A_1012 = arith.constant 0 : i32
        %dma_start3A_1013 = arith.constant 0 : i32
        %dma_start3A_1014 = tpu.memref_slice %arg8[%dma_start3A_1011, %dma_start3A_1012, %dma_start3A_1013] : memref<5x128x64xf32, #tpu.memory_space<vmem>> -> memref<1x128x64xf32, #tpu.memory_space<vmem>>
        %dma_start3A_1015 = tpu.memref_squeeze %dma_start3A_1014 : memref<1x128x64xf32, #tpu.memory_space<vmem>> -> memref<128x64xf32, #tpu.memory_space<vmem>>
        %dma_start3A_1016 = arith.constant 0 : i32
        %dma_start3A_1017 = tpu.memref_slice %arg6[%dma_start3A_1010, %dma_start3A_1016] : memref<10x128xi32, #tpu.memory_space<vmem>> -> memref<1x128xi32, #tpu.memory_space<vmem>>
        %dma_start3A_1018 = tpu.memref_squeeze %dma_start3A_1017 : memref<1x128xi32, #tpu.memory_space<vmem>> -> memref<128xi32, #tpu.memory_space<vmem>>
        %dma_start3A_1019 = arith.constant 0 : i32
        %dma_start3A_1020 = arith.constant 0 : i32
        %dma_start3A_1021 = tpu.memref_slice %arg10[%dma_start3A_1019, %dma_start3A_1020] : memref<10240x64xf32, #tpu.memory_space<vmem_shared>> -> memref<10240x64xf32, #tpu.memory_space<vmem_shared>>
        tpu.enqueue_indirect_dma source(%dma_start3A_1021 : memref<10240x64xf32, #tpu.memory_space<vmem_shared>>) target(%dma_start3A_1015 : memref<128x64xf32, #tpu.memory_space<vmem>>) offsets(%dma_start3A_1018 : memref<128xi32, #tpu.memory_space<vmem>>) semaphore(%arg11 : memref<!tpu.dma_semaphore, #tpu.memory_space<semaphore_mem>>)
      } else {
      }
      %dma_wait3A_532 = arith.constant 3 : i32
      %dma_wait3A_533 = arith.constant 3 : i32
      %dma_wait3A_534 = arith.constant 0 : i32
      %dma_wait3A_535 = arith.constant 0 : i32
      %dma_wait3A_536 = tpu.memref_slice %arg8[%dma_wait3A_533, %dma_wait3A_534, %dma_wait3A_535] : memref<5x128x64xf32, #tpu.memory_space<vmem>> -> memref<1x128x64xf32, #tpu.memory_space<vmem>>
      %dma_wait3A_537 = tpu.memref_squeeze %dma_wait3A_536 : memref<1x128x64xf32, #tpu.memory_space<vmem>> -> memref<128x64xf32, #tpu.memory_space<vmem>>
      %dma_wait3A_538 = arith.constant 0 : i32
      %dma_wait3A_539 = tpu.memref_slice %arg6[%dma_wait3A_532, %dma_wait3A_538] : memref<10x128xi32, #tpu.memory_space<vmem>> -> memref<1x128xi32, #tpu.memory_space<vmem>>
      %dma_wait3A_540 = tpu.memref_squeeze %dma_wait3A_539 : memref<1x128xi32, #tpu.memory_space<vmem>> -> memref<128xi32, #tpu.memory_space<vmem>>
      %dma_wait3A_541 = arith.constant 0 : i32
      %dma_wait3A_542 = arith.constant 0 : i32
      %dma_wait3A_543 = tpu.memref_slice %arg10[%dma_wait3A_541, %dma_wait3A_542] : memref<10240x64xf32, #tpu.memory_space<vmem_shared>> -> memref<10240x64xf32, #tpu.memory_space<vmem_shared>>
      tpu.wait_indirect_dma semaphore(%arg14 : memref<!tpu.dma_semaphore, #tpu.memory_space<semaphore_mem>>) src(%dma_wait3A_543 : memref<10240x64xf32, #tpu.memory_space<vmem_shared>>) dst(%dma_wait3A_537 : memref<128x64xf32, #tpu.memory_space<vmem>>)
      %dma_wait3A_544 = arith.constant 3 : i32
      %dma_wait3A_545 = arith.constant 0 : i32
      %dma_wait3A_546 = tpu.memref_slice %arg7[%dma_wait3A_544, %dma_wait3A_545] : memref<10x128xi32, #tpu.memory_space<vmem>> -> memref<1x128xi32, #tpu.memory_space<vmem>>
      %dma_wait3A_547 = tpu.memref_squeeze %dma_wait3A_546 : memref<1x128xi32, #tpu.memory_space<vmem>> -> memref<128xi32, #tpu.memory_space<vmem>>
      %dma_wait3A_548 = arith.constant 0 : i32
      %dma_wait3A_549 = arith.constant 0 : i32
      %dma_wait3A_550 = tpu.memref_slice %arg4[%arg1, %dma_wait3A_548, %dma_wait3A_549] : memref<16x160x128xi32, #tpu.memory_space<hbm>> -> memref<1x160x128xi32, #tpu.memory_space<hbm>>
      %dma_wait3A_551 = tpu.memref_squeeze %dma_wait3A_550 : memref<1x160x128xi32, #tpu.memory_space<hbm>> -> memref<160x128xi32, #tpu.memory_space<hbm>>
      %dma_wait3A_552 = arith.constant 0 : i32
      %dma_wait3A_553 = tpu.memref_slice %dma_wait3A_551[%add3A_512, %dma_wait3A_552] : memref<160x128xi32, #tpu.memory_space<hbm>> -> memref<1x128xi32, #tpu.memory_space<hbm>>
      %dma_wait3A_554 = tpu.memref_squeeze %dma_wait3A_553 : memref<1x128xi32, #tpu.memory_space<hbm>> -> memref<128xi32, #tpu.memory_space<hbm>>
      %dma_wait3A_555 = arith.constant 0 : i32
      %dma_wait3A_556 = tpu.memref_slice %arg7[%dma_wait3A_544, %dma_wait3A_555] : memref<10x128xi32, #tpu.memory_space<vmem>> -> memref<1x128xi32, #tpu.memory_space<vmem>>
      %dma_wait3A_557 = tpu.memref_squeeze %dma_wait3A_556 : memref<1x128xi32, #tpu.memory_space<vmem>> -> memref<128xi32, #tpu.memory_space<vmem>>
      %dma_wait3A_558 = arith.constant 0 : i32
      %dma_wait3A_559 = arith.constant 0 : i32
      %dma_wait3A_560 = tpu.memref_slice %arg4[%arg1, %dma_wait3A_558, %dma_wait3A_559] : memref<16x160x128xi32, #tpu.memory_space<hbm>> -> memref<1x160x128xi32, #tpu.memory_space<hbm>>
      %dma_wait3A_561 = tpu.memref_squeeze %dma_wait3A_560 : memref<1x160x128xi32, #tpu.memory_space<hbm>> -> memref<160x128xi32, #tpu.memory_space<hbm>>
      %dma_wait3A_562 = arith.constant 0 : i32
      %dma_wait3A_563 = tpu.memref_slice %dma_wait3A_561[%add3A_512, %dma_wait3A_562] : memref<160x128xi32, #tpu.memory_space<hbm>> -> memref<1x128xi32, #tpu.memory_space<hbm>>
      %dma_wait3A_564 = tpu.memref_squeeze %dma_wait3A_563 : memref<1x128xi32, #tpu.memory_space<hbm>> -> memref<128xi32, #tpu.memory_space<hbm>>
      tpu.wait_dma2 semaphore(%arg34 : memref<!tpu.dma_semaphore, #tpu.memory_space<semaphore_mem>>) src(%dma_wait3A_564 : memref<128xi32, #tpu.memory_space<hbm>>) dst(%dma_wait3A_557 : memref<128xi32, #tpu.memory_space<vmem>>)
      %dma_start3A_565 = arith.constant 3 : i32
      %dma_start3A_566 = arith.constant 3 : i32
      %dma_start3A_567 = arith.constant 0 : i32
      %dma_start3A_568 = arith.constant 0 : i32
      %dma_start3A_569 = tpu.memref_slice %arg8[%dma_start3A_565, %dma_start3A_567, %dma_start3A_568] : memref<5x128x64xf32, #tpu.memory_space<vmem>> -> memref<1x128x64xf32, #tpu.memory_space<vmem>>
      %dma_start3A_570 = tpu.memref_squeeze %dma_start3A_569 : memref<1x128x64xf32, #tpu.memory_space<vmem>> -> memref<128x64xf32, #tpu.memory_space<vmem>>
      %dma_start3A_571 = arith.constant 0 : i32
      %dma_start3A_572 = tpu.memref_slice %arg7[%dma_start3A_566, %dma_start3A_571] : memref<10x128xi32, #tpu.memory_space<vmem>> -> memref<1x128xi32, #tpu.memory_space<vmem>>
      %dma_start3A_573 = tpu.memref_squeeze %dma_start3A_572 : memref<1x128xi32, #tpu.memory_space<vmem>> -> memref<128xi32, #tpu.memory_space<vmem>>
      %dma_start3A_574 = arith.constant 0 : i32
      %dma_start3A_575 = arith.constant 0 : i32
      %dma_start3A_576 = tpu.memref_slice %arg9[%dma_start3A_574, %dma_start3A_575] : memref<10240x64xf32, #tpu.memory_space<vmem_shared>> -> memref<10240x64xf32, #tpu.memory_space<vmem_shared>>
      tpu.enqueue_indirect_dma source(%dma_start3A_570 : memref<128x64xf32, #tpu.memory_space<vmem>>) target(%dma_start3A_576 : memref<10240x64xf32, #tpu.memory_space<vmem_shared>>) offsets(%dma_start3A_573 : memref<128xi32, #tpu.memory_space<vmem>>) semaphore(%arg19 : memref<!tpu.dma_semaphore, #tpu.memory_space<semaphore_mem>>) {add = true}
      %mul3A_577 = arith.constant 10 : i32
      %mul3A_578 = arith.muli %scan3A_308, %mul3A_577 : i32
      %add3A_579 = arith.constant 4 : i32
      %add3A_580 = arith.addi %mul3A_578, %add3A_579 : i32
      %ge3A_581 = arith.constant 2 : i32
      %ge3A_582 = arith.cmpi sge, %add3A_580, %ge3A_581 : i32
      %convert_element_type3A_583 = arith.extui %ge3A_582 : i1 to i32
      %cond3A_584 = arith.constant 0 : i32
      %cond3A_585 = arith.cmpi ne, %convert_element_type3A_583, %cond3A_584 : i32
      scf.if %cond3A_585 {
        %sub3A = arith.constant 2 : i32
        %sub3A_985 = arith.subi %add3A_580, %sub3A : i32
        %dma_wait3A_986 = arith.constant 2 : i32
        %dma_wait3A_987 = arith.constant 2 : i32
        %dma_wait3A_988 = arith.constant 0 : i32
        %dma_wait3A_989 = arith.constant 0 : i32
        %dma_wait3A_990 = tpu.memref_slice %arg8[%dma_wait3A_986, %dma_wait3A_988, %dma_wait3A_989] : memref<5x128x64xf32, #tpu.memory_space<vmem>> -> memref<1x128x64xf32, #tpu.memory_space<vmem>>
        %dma_wait3A_991 = tpu.memref_squeeze %dma_wait3A_990 : memref<1x128x64xf32, #tpu.memory_space<vmem>> -> memref<128x64xf32, #tpu.memory_space<vmem>>
        %dma_wait3A_992 = arith.constant 0 : i32
        %dma_wait3A_993 = tpu.memref_slice %arg7[%dma_wait3A_987, %dma_wait3A_992] : memref<10x128xi32, #tpu.memory_space<vmem>> -> memref<1x128xi32, #tpu.memory_space<vmem>>
        %dma_wait3A_994 = tpu.memref_squeeze %dma_wait3A_993 : memref<1x128xi32, #tpu.memory_space<vmem>> -> memref<128xi32, #tpu.memory_space<vmem>>
        %dma_wait3A_995 = arith.constant 0 : i32
        %dma_wait3A_996 = arith.constant 0 : i32
        %dma_wait3A_997 = tpu.memref_slice %arg9[%dma_wait3A_995, %dma_wait3A_996] : memref<10240x64xf32, #tpu.memory_space<vmem_shared>> -> memref<10240x64xf32, #tpu.memory_space<vmem_shared>>
        tpu.wait_indirect_dma semaphore(%arg18 : memref<!tpu.dma_semaphore, #tpu.memory_space<semaphore_mem>>) src(%dma_wait3A_991 : memref<128x64xf32, #tpu.memory_space<vmem>>) dst(%dma_wait3A_997 : memref<10240x64xf32, #tpu.memory_space<vmem_shared>>)
      } else {
      }
      %add3A_586 = arith.constant 4 : i32
      %add3A_587 = arith.addi %add3A_580, %add3A_586 : i32
      %lt3A_588 = arith.constant 160 : i32
      %lt3A_589 = arith.cmpi slt, %add3A_587, %lt3A_588 : i32
      %convert_element_type3A_590 = arith.extui %lt3A_589 : i1 to i32
      %cond3A_591 = arith.constant 0 : i32
      %cond3A_592 = arith.cmpi ne, %convert_element_type3A_590, %cond3A_591 : i32
      scf.if %cond3A_592 {
        %add3A_985 = arith.constant 4 : i32
        %add3A_986 = arith.addi %add3A_580, %add3A_985 : i32
        %dma_start3A_987 = arith.constant 8 : i32
        %dma_start3A_988 = arith.constant 0 : i32
        %dma_start3A_989 = tpu.memref_slice %arg6[%dma_start3A_987, %dma_start3A_988] : memref<10x128xi32, #tpu.memory_space<vmem>> -> memref<1x128xi32, #tpu.memory_space<vmem>>
        %dma_start3A_990 = tpu.memref_squeeze %dma_start3A_989 : memref<1x128xi32, #tpu.memory_space<vmem>> -> memref<128xi32, #tpu.memory_space<vmem>>
        %dma_start3A_991 = arith.constant 0 : i32
        %dma_start3A_992 = arith.constant 0 : i32
        %dma_start3A_993 = tpu.memref_slice %arg3[%arg1, %dma_start3A_991, %dma_start3A_992] : memref<16x160x128xi32, #tpu.memory_space<hbm>> -> memref<1x160x128xi32, #tpu.memory_space<hbm>>
        %dma_start3A_994 = tpu.memref_squeeze %dma_start3A_993 : memref<1x160x128xi32, #tpu.memory_space<hbm>> -> memref<160x128xi32, #tpu.memory_space<hbm>>
        %dma_start3A_995 = arith.constant 0 : i32
        %dma_start3A_996 = tpu.memref_slice %dma_start3A_994[%add3A_986, %dma_start3A_995] : memref<160x128xi32, #tpu.memory_space<hbm>> -> memref<1x128xi32, #tpu.memory_space<hbm>>
        %dma_start3A_997 = tpu.memref_squeeze %dma_start3A_996 : memref<1x128xi32, #tpu.memory_space<hbm>> -> memref<128xi32, #tpu.memory_space<hbm>>
        %dma_start3A_998 = arith.constant 0 : i32
        %dma_start3A_999 = tpu.memref_slice %arg6[%dma_start3A_987, %dma_start3A_998] : memref<10x128xi32, #tpu.memory_space<vmem>> -> memref<1x128xi32, #tpu.memory_space<vmem>>
        %dma_start3A_1000 = tpu.memref_squeeze %dma_start3A_999 : memref<1x128xi32, #tpu.memory_space<vmem>> -> memref<128xi32, #tpu.memory_space<vmem>>
        %dma_start3A_1001 = arith.constant 0 : i32
        %dma_start3A_1002 = arith.constant 0 : i32
        %dma_start3A_1003 = tpu.memref_slice %arg3[%arg1, %dma_start3A_1001, %dma_start3A_1002] : memref<16x160x128xi32, #tpu.memory_space<hbm>> -> memref<1x160x128xi32, #tpu.memory_space<hbm>>
        %dma_start3A_1004 = tpu.memref_squeeze %dma_start3A_1003 : memref<1x160x128xi32, #tpu.memory_space<hbm>> -> memref<160x128xi32, #tpu.memory_space<hbm>>
        %dma_start3A_1005 = arith.constant 0 : i32
        %dma_start3A_1006 = tpu.memref_slice %dma_start3A_1004[%add3A_986, %dma_start3A_1005] : memref<160x128xi32, #tpu.memory_space<hbm>> -> memref<1x128xi32, #tpu.memory_space<hbm>>
        %dma_start3A_1007 = tpu.memref_squeeze %dma_start3A_1006 : memref<1x128xi32, #tpu.memory_space<hbm>> -> memref<128xi32, #tpu.memory_space<hbm>>
        tpu.enqueue_dma source(%dma_start3A_1007 : memref<128xi32, #tpu.memory_space<hbm>>) target(%dma_start3A_1000 : memref<128xi32, #tpu.memory_space<vmem>>) target_semaphore(%arg29 : memref<!tpu.dma_semaphore, #tpu.memory_space<semaphore_mem>>)
        %dma_start3A_1008 = arith.constant 8 : i32
        %dma_start3A_1009 = arith.constant 0 : i32
        %dma_start3A_1010 = tpu.memref_slice %arg7[%dma_start3A_1008, %dma_start3A_1009] : memref<10x128xi32, #tpu.memory_space<vmem>> -> memref<1x128xi32, #tpu.memory_space<vmem>>
        %dma_start3A_1011 = tpu.memref_squeeze %dma_start3A_1010 : memref<1x128xi32, #tpu.memory_space<vmem>> -> memref<128xi32, #tpu.memory_space<vmem>>
        %dma_start3A_1012 = arith.constant 0 : i32
        %dma_start3A_1013 = arith.constant 0 : i32
        %dma_start3A_1014 = tpu.memref_slice %arg4[%arg1, %dma_start3A_1012, %dma_start3A_1013] : memref<16x160x128xi32, #tpu.memory_space<hbm>> -> memref<1x160x128xi32, #tpu.memory_space<hbm>>
        %dma_start3A_1015 = tpu.memref_squeeze %dma_start3A_1014 : memref<1x160x128xi32, #tpu.memory_space<hbm>> -> memref<160x128xi32, #tpu.memory_space<hbm>>
        %dma_start3A_1016 = arith.constant 0 : i32
        %dma_start3A_1017 = tpu.memref_slice %dma_start3A_1015[%add3A_986, %dma_start3A_1016] : memref<160x128xi32, #tpu.memory_space<hbm>> -> memref<1x128xi32, #tpu.memory_space<hbm>>
        %dma_start3A_1018 = tpu.memref_squeeze %dma_start3A_1017 : memref<1x128xi32, #tpu.memory_space<hbm>> -> memref<128xi32, #tpu.memory_space<hbm>>
        %dma_start3A_1019 = arith.constant 0 : i32
        %dma_start3A_1020 = tpu.memref_slice %arg7[%dma_start3A_1008, %dma_start3A_1019] : memref<10x128xi32, #tpu.memory_space<vmem>> -> memref<1x128xi32, #tpu.memory_space<vmem>>
        %dma_start3A_1021 = tpu.memref_squeeze %dma_start3A_1020 : memref<1x128xi32, #tpu.memory_space<vmem>> -> memref<128xi32, #tpu.memory_space<vmem>>
        %dma_start3A_1022 = arith.constant 0 : i32
        %dma_start3A_1023 = arith.constant 0 : i32
        %dma_start3A_1024 = tpu.memref_slice %arg4[%arg1, %dma_start3A_1022, %dma_start3A_1023] : memref<16x160x128xi32, #tpu.memory_space<hbm>> -> memref<1x160x128xi32, #tpu.memory_space<hbm>>
        %dma_start3A_1025 = tpu.memref_squeeze %dma_start3A_1024 : memref<1x160x128xi32, #tpu.memory_space<hbm>> -> memref<160x128xi32, #tpu.memory_space<hbm>>
        %dma_start3A_1026 = arith.constant 0 : i32
        %dma_start3A_1027 = tpu.memref_slice %dma_start3A_1025[%add3A_986, %dma_start3A_1026] : memref<160x128xi32, #tpu.memory_space<hbm>> -> memref<1x128xi32, #tpu.memory_space<hbm>>
        %dma_start3A_1028 = tpu.memref_squeeze %dma_start3A_1027 : memref<1x128xi32, #tpu.memory_space<hbm>> -> memref<128xi32, #tpu.memory_space<hbm>>
        tpu.enqueue_dma source(%dma_start3A_1028 : memref<128xi32, #tpu.memory_space<hbm>>) target(%dma_start3A_1021 : memref<128xi32, #tpu.memory_space<vmem>>) target_semaphore(%arg39 : memref<!tpu.dma_semaphore, #tpu.memory_space<semaphore_mem>>)
      } else {
      }
      %add3A_593 = arith.constant 2 : i32
      %add3A_594 = arith.addi %add3A_580, %add3A_593 : i32
      %lt3A_595 = arith.constant 160 : i32
      %lt3A_596 = arith.cmpi slt, %add3A_594, %lt3A_595 : i32
      %convert_element_type3A_597 = arith.extui %lt3A_596 : i1 to i32
      %cond3A_598 = arith.constant 0 : i32
      %cond3A_599 = arith.cmpi ne, %convert_element_type3A_597, %cond3A_598 : i32
      scf.if %cond3A_599 {
        %add3A_985 = arith.constant 2 : i32
        %add3A_986 = arith.addi %add3A_580, %add3A_985 : i32
        %dma_wait3A_987 = arith.constant 6 : i32
        %dma_wait3A_988 = arith.constant 0 : i32
        %dma_wait3A_989 = tpu.memref_slice %arg6[%dma_wait3A_987, %dma_wait3A_988] : memref<10x128xi32, #tpu.memory_space<vmem>> -> memref<1x128xi32, #tpu.memory_space<vmem>>
        %dma_wait3A_990 = tpu.memref_squeeze %dma_wait3A_989 : memref<1x128xi32, #tpu.memory_space<vmem>> -> memref<128xi32, #tpu.memory_space<vmem>>
        %dma_wait3A_991 = arith.constant 0 : i32
        %dma_wait3A_992 = arith.constant 0 : i32
        %dma_wait3A_993 = tpu.memref_slice %arg3[%arg1, %dma_wait3A_991, %dma_wait3A_992] : memref<16x160x128xi32, #tpu.memory_space<hbm>> -> memref<1x160x128xi32, #tpu.memory_space<hbm>>
        %dma_wait3A_994 = tpu.memref_squeeze %dma_wait3A_993 : memref<1x160x128xi32, #tpu.memory_space<hbm>> -> memref<160x128xi32, #tpu.memory_space<hbm>>
        %dma_wait3A_995 = arith.constant 0 : i32
        %dma_wait3A_996 = tpu.memref_slice %dma_wait3A_994[%add3A_986, %dma_wait3A_995] : memref<160x128xi32, #tpu.memory_space<hbm>> -> memref<1x128xi32, #tpu.memory_space<hbm>>
        %dma_wait3A_997 = tpu.memref_squeeze %dma_wait3A_996 : memref<1x128xi32, #tpu.memory_space<hbm>> -> memref<128xi32, #tpu.memory_space<hbm>>
        %dma_wait3A_998 = arith.constant 0 : i32
        %dma_wait3A_999 = tpu.memref_slice %arg6[%dma_wait3A_987, %dma_wait3A_998] : memref<10x128xi32, #tpu.memory_space<vmem>> -> memref<1x128xi32, #tpu.memory_space<vmem>>
        %dma_wait3A_1000 = tpu.memref_squeeze %dma_wait3A_999 : memref<1x128xi32, #tpu.memory_space<vmem>> -> memref<128xi32, #tpu.memory_space<vmem>>
        %dma_wait3A_1001 = arith.constant 0 : i32
        %dma_wait3A_1002 = arith.constant 0 : i32
        %dma_wait3A_1003 = tpu.memref_slice %arg3[%arg1, %dma_wait3A_1001, %dma_wait3A_1002] : memref<16x160x128xi32, #tpu.memory_space<hbm>> -> memref<1x160x128xi32, #tpu.memory_space<hbm>>
        %dma_wait3A_1004 = tpu.memref_squeeze %dma_wait3A_1003 : memref<1x160x128xi32, #tpu.memory_space<hbm>> -> memref<160x128xi32, #tpu.memory_space<hbm>>
        %dma_wait3A_1005 = arith.constant 0 : i32
        %dma_wait3A_1006 = tpu.memref_slice %dma_wait3A_1004[%add3A_986, %dma_wait3A_1005] : memref<160x128xi32, #tpu.memory_space<hbm>> -> memref<1x128xi32, #tpu.memory_space<hbm>>
        %dma_wait3A_1007 = tpu.memref_squeeze %dma_wait3A_1006 : memref<1x128xi32, #tpu.memory_space<hbm>> -> memref<128xi32, #tpu.memory_space<hbm>>
        tpu.wait_dma2 semaphore(%arg27 : memref<!tpu.dma_semaphore, #tpu.memory_space<semaphore_mem>>) src(%dma_wait3A_1007 : memref<128xi32, #tpu.memory_space<hbm>>) dst(%dma_wait3A_1000 : memref<128xi32, #tpu.memory_space<vmem>>)
        %add3A_1008 = arith.constant 2 : i32
        %add3A_1009 = arith.addi %add3A_580, %add3A_1008 : i32
        %dma_start3A_1010 = arith.constant 6 : i32
        %dma_start3A_1011 = arith.constant 1 : i32
        %dma_start3A_1012 = arith.constant 0 : i32
        %dma_start3A_1013 = arith.constant 0 : i32
        %dma_start3A_1014 = tpu.memref_slice %arg8[%dma_start3A_1011, %dma_start3A_1012, %dma_start3A_1013] : memref<5x128x64xf32, #tpu.memory_space<vmem>> -> memref<1x128x64xf32, #tpu.memory_space<vmem>>
        %dma_start3A_1015 = tpu.memref_squeeze %dma_start3A_1014 : memref<1x128x64xf32, #tpu.memory_space<vmem>> -> memref<128x64xf32, #tpu.memory_space<vmem>>
        %dma_start3A_1016 = arith.constant 0 : i32
        %dma_start3A_1017 = tpu.memref_slice %arg6[%dma_start3A_1010, %dma_start3A_1016] : memref<10x128xi32, #tpu.memory_space<vmem>> -> memref<1x128xi32, #tpu.memory_space<vmem>>
        %dma_start3A_1018 = tpu.memref_squeeze %dma_start3A_1017 : memref<1x128xi32, #tpu.memory_space<vmem>> -> memref<128xi32, #tpu.memory_space<vmem>>
        %dma_start3A_1019 = arith.constant 0 : i32
        %dma_start3A_1020 = arith.constant 0 : i32
        %dma_start3A_1021 = tpu.memref_slice %arg10[%dma_start3A_1019, %dma_start3A_1020] : memref<10240x64xf32, #tpu.memory_space<vmem_shared>> -> memref<10240x64xf32, #tpu.memory_space<vmem_shared>>
        tpu.enqueue_indirect_dma source(%dma_start3A_1021 : memref<10240x64xf32, #tpu.memory_space<vmem_shared>>) target(%dma_start3A_1015 : memref<128x64xf32, #tpu.memory_space<vmem>>) offsets(%dma_start3A_1018 : memref<128xi32, #tpu.memory_space<vmem>>) semaphore(%arg12 : memref<!tpu.dma_semaphore, #tpu.memory_space<semaphore_mem>>)
      } else {
      }
      %dma_wait3A_600 = arith.constant 4 : i32
      %dma_wait3A_601 = arith.constant 4 : i32
      %dma_wait3A_602 = arith.constant 0 : i32
      %dma_wait3A_603 = arith.constant 0 : i32
      %dma_wait3A_604 = tpu.memref_slice %arg8[%dma_wait3A_601, %dma_wait3A_602, %dma_wait3A_603] : memref<5x128x64xf32, #tpu.memory_space<vmem>> -> memref<1x128x64xf32, #tpu.memory_space<vmem>>
      %dma_wait3A_605 = tpu.memref_squeeze %dma_wait3A_604 : memref<1x128x64xf32, #tpu.memory_space<vmem>> -> memref<128x64xf32, #tpu.memory_space<vmem>>
      %dma_wait3A_606 = arith.constant 0 : i32
      %dma_wait3A_607 = tpu.memref_slice %arg6[%dma_wait3A_600, %dma_wait3A_606] : memref<10x128xi32, #tpu.memory_space<vmem>> -> memref<1x128xi32, #tpu.memory_space<vmem>>
      %dma_wait3A_608 = tpu.memref_squeeze %dma_wait3A_607 : memref<1x128xi32, #tpu.memory_space<vmem>> -> memref<128xi32, #tpu.memory_space<vmem>>
      %dma_wait3A_609 = arith.constant 0 : i32
      %dma_wait3A_610 = arith.constant 0 : i32
      %dma_wait3A_611 = tpu.memref_slice %arg10[%dma_wait3A_609, %dma_wait3A_610] : memref<10240x64xf32, #tpu.memory_space<vmem_shared>> -> memref<10240x64xf32, #tpu.memory_space<vmem_shared>>
      tpu.wait_indirect_dma semaphore(%arg15 : memref<!tpu.dma_semaphore, #tpu.memory_space<semaphore_mem>>) src(%dma_wait3A_611 : memref<10240x64xf32, #tpu.memory_space<vmem_shared>>) dst(%dma_wait3A_605 : memref<128x64xf32, #tpu.memory_space<vmem>>)
      %dma_wait3A_612 = arith.constant 4 : i32
      %dma_wait3A_613 = arith.constant 0 : i32
      %dma_wait3A_614 = tpu.memref_slice %arg7[%dma_wait3A_612, %dma_wait3A_613] : memref<10x128xi32, #tpu.memory_space<vmem>> -> memref<1x128xi32, #tpu.memory_space<vmem>>
      %dma_wait3A_615 = tpu.memref_squeeze %dma_wait3A_614 : memref<1x128xi32, #tpu.memory_space<vmem>> -> memref<128xi32, #tpu.memory_space<vmem>>
      %dma_wait3A_616 = arith.constant 0 : i32
      %dma_wait3A_617 = arith.constant 0 : i32
      %dma_wait3A_618 = tpu.memref_slice %arg4[%arg1, %dma_wait3A_616, %dma_wait3A_617] : memref<16x160x128xi32, #tpu.memory_space<hbm>> -> memref<1x160x128xi32, #tpu.memory_space<hbm>>
      %dma_wait3A_619 = tpu.memref_squeeze %dma_wait3A_618 : memref<1x160x128xi32, #tpu.memory_space<hbm>> -> memref<160x128xi32, #tpu.memory_space<hbm>>
      %dma_wait3A_620 = arith.constant 0 : i32
      %dma_wait3A_621 = tpu.memref_slice %dma_wait3A_619[%add3A_580, %dma_wait3A_620] : memref<160x128xi32, #tpu.memory_space<hbm>> -> memref<1x128xi32, #tpu.memory_space<hbm>>
      %dma_wait3A_622 = tpu.memref_squeeze %dma_wait3A_621 : memref<1x128xi32, #tpu.memory_space<hbm>> -> memref<128xi32, #tpu.memory_space<hbm>>
      %dma_wait3A_623 = arith.constant 0 : i32
      %dma_wait3A_624 = tpu.memref_slice %arg7[%dma_wait3A_612, %dma_wait3A_623] : memref<10x128xi32, #tpu.memory_space<vmem>> -> memref<1x128xi32, #tpu.memory_space<vmem>>
      %dma_wait3A_625 = tpu.memref_squeeze %dma_wait3A_624 : memref<1x128xi32, #tpu.memory_space<vmem>> -> memref<128xi32, #tpu.memory_space<vmem>>
      %dma_wait3A_626 = arith.constant 0 : i32
      %dma_wait3A_627 = arith.constant 0 : i32
      %dma_wait3A_628 = tpu.memref_slice %arg4[%arg1, %dma_wait3A_626, %dma_wait3A_627] : memref<16x160x128xi32, #tpu.memory_space<hbm>> -> memref<1x160x128xi32, #tpu.memory_space<hbm>>
      %dma_wait3A_629 = tpu.memref_squeeze %dma_wait3A_628 : memref<1x160x128xi32, #tpu.memory_space<hbm>> -> memref<160x128xi32, #tpu.memory_space<hbm>>
      %dma_wait3A_630 = arith.constant 0 : i32
      %dma_wait3A_631 = tpu.memref_slice %dma_wait3A_629[%add3A_580, %dma_wait3A_630] : memref<160x128xi32, #tpu.memory_space<hbm>> -> memref<1x128xi32, #tpu.memory_space<hbm>>
      %dma_wait3A_632 = tpu.memref_squeeze %dma_wait3A_631 : memref<1x128xi32, #tpu.memory_space<hbm>> -> memref<128xi32, #tpu.memory_space<hbm>>
      tpu.wait_dma2 semaphore(%arg35 : memref<!tpu.dma_semaphore, #tpu.memory_space<semaphore_mem>>) src(%dma_wait3A_632 : memref<128xi32, #tpu.memory_space<hbm>>) dst(%dma_wait3A_625 : memref<128xi32, #tpu.memory_space<vmem>>)
      %dma_start3A_633 = arith.constant 4 : i32
      %dma_start3A_634 = arith.constant 4 : i32
      %dma_start3A_635 = arith.constant 0 : i32
      %dma_start3A_636 = arith.constant 0 : i32
      %dma_start3A_637 = tpu.memref_slice %arg8[%dma_start3A_633, %dma_start3A_635, %dma_start3A_636] : memref<5x128x64xf32, #tpu.memory_space<vmem>> -> memref<1x128x64xf32, #tpu.memory_space<vmem>>
      %dma_start3A_638 = tpu.memref_squeeze %dma_start3A_637 : memref<1x128x64xf32, #tpu.memory_space<vmem>> -> memref<128x64xf32, #tpu.memory_space<vmem>>
      %dma_start3A_639 = arith.constant 0 : i32
      %dma_start3A_640 = tpu.memref_slice %arg7[%dma_start3A_634, %dma_start3A_639] : memref<10x128xi32, #tpu.memory_space<vmem>> -> memref<1x128xi32, #tpu.memory_space<vmem>>
      %dma_start3A_641 = tpu.memref_squeeze %dma_start3A_640 : memref<1x128xi32, #tpu.memory_space<vmem>> -> memref<128xi32, #tpu.memory_space<vmem>>
      %dma_start3A_642 = arith.constant 0 : i32
      %dma_start3A_643 = arith.constant 0 : i32
      %dma_start3A_644 = tpu.memref_slice %arg9[%dma_start3A_642, %dma_start3A_643] : memref<10240x64xf32, #tpu.memory_space<vmem_shared>> -> memref<10240x64xf32, #tpu.memory_space<vmem_shared>>
      tpu.enqueue_indirect_dma source(%dma_start3A_638 : memref<128x64xf32, #tpu.memory_space<vmem>>) target(%dma_start3A_644 : memref<10240x64xf32, #tpu.memory_space<vmem_shared>>) offsets(%dma_start3A_641 : memref<128xi32, #tpu.memory_space<vmem>>) semaphore(%arg20 : memref<!tpu.dma_semaphore, #tpu.memory_space<semaphore_mem>>) {add = true}
      %mul3A_645 = arith.constant 10 : i32
      %mul3A_646 = arith.muli %scan3A_308, %mul3A_645 : i32
      %add3A_647 = arith.constant 5 : i32
      %add3A_648 = arith.addi %mul3A_646, %add3A_647 : i32
      %ge3A_649 = arith.constant 2 : i32
      %ge3A_650 = arith.cmpi sge, %add3A_648, %ge3A_649 : i32
      %convert_element_type3A_651 = arith.extui %ge3A_650 : i1 to i32
      %cond3A_652 = arith.constant 0 : i32
      %cond3A_653 = arith.cmpi ne, %convert_element_type3A_651, %cond3A_652 : i32
      scf.if %cond3A_653 {
        %sub3A = arith.constant 2 : i32
        %sub3A_985 = arith.subi %add3A_648, %sub3A : i32
        %dma_wait3A_986 = arith.constant 3 : i32
        %dma_wait3A_987 = arith.constant 3 : i32
        %dma_wait3A_988 = arith.constant 0 : i32
        %dma_wait3A_989 = arith.constant 0 : i32
        %dma_wait3A_990 = tpu.memref_slice %arg8[%dma_wait3A_986, %dma_wait3A_988, %dma_wait3A_989] : memref<5x128x64xf32, #tpu.memory_space<vmem>> -> memref<1x128x64xf32, #tpu.memory_space<vmem>>
        %dma_wait3A_991 = tpu.memref_squeeze %dma_wait3A_990 : memref<1x128x64xf32, #tpu.memory_space<vmem>> -> memref<128x64xf32, #tpu.memory_space<vmem>>
        %dma_wait3A_992 = arith.constant 0 : i32
        %dma_wait3A_993 = tpu.memref_slice %arg7[%dma_wait3A_987, %dma_wait3A_992] : memref<10x128xi32, #tpu.memory_space<vmem>> -> memref<1x128xi32, #tpu.memory_space<vmem>>
        %dma_wait3A_994 = tpu.memref_squeeze %dma_wait3A_993 : memref<1x128xi32, #tpu.memory_space<vmem>> -> memref<128xi32, #tpu.memory_space<vmem>>
        %dma_wait3A_995 = arith.constant 0 : i32
        %dma_wait3A_996 = arith.constant 0 : i32
        %dma_wait3A_997 = tpu.memref_slice %arg9[%dma_wait3A_995, %dma_wait3A_996] : memref<10240x64xf32, #tpu.memory_space<vmem_shared>> -> memref<10240x64xf32, #tpu.memory_space<vmem_shared>>
        tpu.wait_indirect_dma semaphore(%arg19 : memref<!tpu.dma_semaphore, #tpu.memory_space<semaphore_mem>>) src(%dma_wait3A_991 : memref<128x64xf32, #tpu.memory_space<vmem>>) dst(%dma_wait3A_997 : memref<10240x64xf32, #tpu.memory_space<vmem_shared>>)
      } else {
      }
      %add3A_654 = arith.constant 4 : i32
      %add3A_655 = arith.addi %add3A_648, %add3A_654 : i32
      %lt3A_656 = arith.constant 160 : i32
      %lt3A_657 = arith.cmpi slt, %add3A_655, %lt3A_656 : i32
      %convert_element_type3A_658 = arith.extui %lt3A_657 : i1 to i32
      %cond3A_659 = arith.constant 0 : i32
      %cond3A_660 = arith.cmpi ne, %convert_element_type3A_658, %cond3A_659 : i32
      scf.if %cond3A_660 {
        %add3A_985 = arith.constant 4 : i32
        %add3A_986 = arith.addi %add3A_648, %add3A_985 : i32
        %dma_start3A_987 = arith.constant 9 : i32
        %dma_start3A_988 = arith.constant 0 : i32
        %dma_start3A_989 = tpu.memref_slice %arg6[%dma_start3A_987, %dma_start3A_988] : memref<10x128xi32, #tpu.memory_space<vmem>> -> memref<1x128xi32, #tpu.memory_space<vmem>>
        %dma_start3A_990 = tpu.memref_squeeze %dma_start3A_989 : memref<1x128xi32, #tpu.memory_space<vmem>> -> memref<128xi32, #tpu.memory_space<vmem>>
        %dma_start3A_991 = arith.constant 0 : i32
        %dma_start3A_992 = arith.constant 0 : i32
        %dma_start3A_993 = tpu.memref_slice %arg3[%arg1, %dma_start3A_991, %dma_start3A_992] : memref<16x160x128xi32, #tpu.memory_space<hbm>> -> memref<1x160x128xi32, #tpu.memory_space<hbm>>
        %dma_start3A_994 = tpu.memref_squeeze %dma_start3A_993 : memref<1x160x128xi32, #tpu.memory_space<hbm>> -> memref<160x128xi32, #tpu.memory_space<hbm>>
        %dma_start3A_995 = arith.constant 0 : i32
        %dma_start3A_996 = tpu.memref_slice %dma_start3A_994[%add3A_986, %dma_start3A_995] : memref<160x128xi32, #tpu.memory_space<hbm>> -> memref<1x128xi32, #tpu.memory_space<hbm>>
        %dma_start3A_997 = tpu.memref_squeeze %dma_start3A_996 : memref<1x128xi32, #tpu.memory_space<hbm>> -> memref<128xi32, #tpu.memory_space<hbm>>
        %dma_start3A_998 = arith.constant 0 : i32
        %dma_start3A_999 = tpu.memref_slice %arg6[%dma_start3A_987, %dma_start3A_998] : memref<10x128xi32, #tpu.memory_space<vmem>> -> memref<1x128xi32, #tpu.memory_space<vmem>>
        %dma_start3A_1000 = tpu.memref_squeeze %dma_start3A_999 : memref<1x128xi32, #tpu.memory_space<vmem>> -> memref<128xi32, #tpu.memory_space<vmem>>
        %dma_start3A_1001 = arith.constant 0 : i32
        %dma_start3A_1002 = arith.constant 0 : i32
        %dma_start3A_1003 = tpu.memref_slice %arg3[%arg1, %dma_start3A_1001, %dma_start3A_1002] : memref<16x160x128xi32, #tpu.memory_space<hbm>> -> memref<1x160x128xi32, #tpu.memory_space<hbm>>
        %dma_start3A_1004 = tpu.memref_squeeze %dma_start3A_1003 : memref<1x160x128xi32, #tpu.memory_space<hbm>> -> memref<160x128xi32, #tpu.memory_space<hbm>>
        %dma_start3A_1005 = arith.constant 0 : i32
        %dma_start3A_1006 = tpu.memref_slice %dma_start3A_1004[%add3A_986, %dma_start3A_1005] : memref<160x128xi32, #tpu.memory_space<hbm>> -> memref<1x128xi32, #tpu.memory_space<hbm>>
        %dma_start3A_1007 = tpu.memref_squeeze %dma_start3A_1006 : memref<1x128xi32, #tpu.memory_space<hbm>> -> memref<128xi32, #tpu.memory_space<hbm>>
        tpu.enqueue_dma source(%dma_start3A_1007 : memref<128xi32, #tpu.memory_space<hbm>>) target(%dma_start3A_1000 : memref<128xi32, #tpu.memory_space<vmem>>) target_semaphore(%arg30 : memref<!tpu.dma_semaphore, #tpu.memory_space<semaphore_mem>>)
        %dma_start3A_1008 = arith.constant 9 : i32
        %dma_start3A_1009 = arith.constant 0 : i32
        %dma_start3A_1010 = tpu.memref_slice %arg7[%dma_start3A_1008, %dma_start3A_1009] : memref<10x128xi32, #tpu.memory_space<vmem>> -> memref<1x128xi32, #tpu.memory_space<vmem>>
        %dma_start3A_1011 = tpu.memref_squeeze %dma_start3A_1010 : memref<1x128xi32, #tpu.memory_space<vmem>> -> memref<128xi32, #tpu.memory_space<vmem>>
        %dma_start3A_1012 = arith.constant 0 : i32
        %dma_start3A_1013 = arith.constant 0 : i32
        %dma_start3A_1014 = tpu.memref_slice %arg4[%arg1, %dma_start3A_1012, %dma_start3A_1013] : memref<16x160x128xi32, #tpu.memory_space<hbm>> -> memref<1x160x128xi32, #tpu.memory_space<hbm>>
        %dma_start3A_1015 = tpu.memref_squeeze %dma_start3A_1014 : memref<1x160x128xi32, #tpu.memory_space<hbm>> -> memref<160x128xi32, #tpu.memory_space<hbm>>
        %dma_start3A_1016 = arith.constant 0 : i32
        %dma_start3A_1017 = tpu.memref_slice %dma_start3A_1015[%add3A_986, %dma_start3A_1016] : memref<160x128xi32, #tpu.memory_space<hbm>> -> memref<1x128xi32, #tpu.memory_space<hbm>>
        %dma_start3A_1018 = tpu.memref_squeeze %dma_start3A_1017 : memref<1x128xi32, #tpu.memory_space<hbm>> -> memref<128xi32, #tpu.memory_space<hbm>>
        %dma_start3A_1019 = arith.constant 0 : i32
        %dma_start3A_1020 = tpu.memref_slice %arg7[%dma_start3A_1008, %dma_start3A_1019] : memref<10x128xi32, #tpu.memory_space<vmem>> -> memref<1x128xi32, #tpu.memory_space<vmem>>
        %dma_start3A_1021 = tpu.memref_squeeze %dma_start3A_1020 : memref<1x128xi32, #tpu.memory_space<vmem>> -> memref<128xi32, #tpu.memory_space<vmem>>
        %dma_start3A_1022 = arith.constant 0 : i32
        %dma_start3A_1023 = arith.constant 0 : i32
        %dma_start3A_1024 = tpu.memref_slice %arg4[%arg1, %dma_start3A_1022, %dma_start3A_1023] : memref<16x160x128xi32, #tpu.memory_space<hbm>> -> memref<1x160x128xi32, #tpu.memory_space<hbm>>
        %dma_start3A_1025 = tpu.memref_squeeze %dma_start3A_1024 : memref<1x160x128xi32, #tpu.memory_space<hbm>> -> memref<160x128xi32, #tpu.memory_space<hbm>>
        %dma_start3A_1026 = arith.constant 0 : i32
        %dma_start3A_1027 = tpu.memref_slice %dma_start3A_1025[%add3A_986, %dma_start3A_1026] : memref<160x128xi32, #tpu.memory_space<hbm>> -> memref<1x128xi32, #tpu.memory_space<hbm>>
        %dma_start3A_1028 = tpu.memref_squeeze %dma_start3A_1027 : memref<1x128xi32, #tpu.memory_space<hbm>> -> memref<128xi32, #tpu.memory_space<hbm>>
        tpu.enqueue_dma source(%dma_start3A_1028 : memref<128xi32, #tpu.memory_space<hbm>>) target(%dma_start3A_1021 : memref<128xi32, #tpu.memory_space<vmem>>) target_semaphore(%arg40 : memref<!tpu.dma_semaphore, #tpu.memory_space<semaphore_mem>>)
      } else {
      }
      %add3A_661 = arith.constant 2 : i32
      %add3A_662 = arith.addi %add3A_648, %add3A_661 : i32
      %lt3A_663 = arith.constant 160 : i32
      %lt3A_664 = arith.cmpi slt, %add3A_662, %lt3A_663 : i32
      %convert_element_type3A_665 = arith.extui %lt3A_664 : i1 to i32
      %cond3A_666 = arith.constant 0 : i32
      %cond3A_667 = arith.cmpi ne, %convert_element_type3A_665, %cond3A_666 : i32
      scf.if %cond3A_667 {
        %add3A_985 = arith.constant 2 : i32
        %add3A_986 = arith.addi %add3A_648, %add3A_985 : i32
        %dma_wait3A_987 = arith.constant 7 : i32
        %dma_wait3A_988 = arith.constant 0 : i32
        %dma_wait3A_989 = tpu.memref_slice %arg6[%dma_wait3A_987, %dma_wait3A_988] : memref<10x128xi32, #tpu.memory_space<vmem>> -> memref<1x128xi32, #tpu.memory_space<vmem>>
        %dma_wait3A_990 = tpu.memref_squeeze %dma_wait3A_989 : memref<1x128xi32, #tpu.memory_space<vmem>> -> memref<128xi32, #tpu.memory_space<vmem>>
        %dma_wait3A_991 = arith.constant 0 : i32
        %dma_wait3A_992 = arith.constant 0 : i32
        %dma_wait3A_993 = tpu.memref_slice %arg3[%arg1, %dma_wait3A_991, %dma_wait3A_992] : memref<16x160x128xi32, #tpu.memory_space<hbm>> -> memref<1x160x128xi32, #tpu.memory_space<hbm>>
        %dma_wait3A_994 = tpu.memref_squeeze %dma_wait3A_993 : memref<1x160x128xi32, #tpu.memory_space<hbm>> -> memref<160x128xi32, #tpu.memory_space<hbm>>
        %dma_wait3A_995 = arith.constant 0 : i32
        %dma_wait3A_996 = tpu.memref_slice %dma_wait3A_994[%add3A_986, %dma_wait3A_995] : memref<160x128xi32, #tpu.memory_space<hbm>> -> memref<1x128xi32, #tpu.memory_space<hbm>>
        %dma_wait3A_997 = tpu.memref_squeeze %dma_wait3A_996 : memref<1x128xi32, #tpu.memory_space<hbm>> -> memref<128xi32, #tpu.memory_space<hbm>>
        %dma_wait3A_998 = arith.constant 0 : i32
        %dma_wait3A_999 = tpu.memref_slice %arg6[%dma_wait3A_987, %dma_wait3A_998] : memref<10x128xi32, #tpu.memory_space<vmem>> -> memref<1x128xi32, #tpu.memory_space<vmem>>
        %dma_wait3A_1000 = tpu.memref_squeeze %dma_wait3A_999 : memref<1x128xi32, #tpu.memory_space<vmem>> -> memref<128xi32, #tpu.memory_space<vmem>>
        %dma_wait3A_1001 = arith.constant 0 : i32
        %dma_wait3A_1002 = arith.constant 0 : i32
        %dma_wait3A_1003 = tpu.memref_slice %arg3[%arg1, %dma_wait3A_1001, %dma_wait3A_1002] : memref<16x160x128xi32, #tpu.memory_space<hbm>> -> memref<1x160x128xi32, #tpu.memory_space<hbm>>
        %dma_wait3A_1004 = tpu.memref_squeeze %dma_wait3A_1003 : memref<1x160x128xi32, #tpu.memory_space<hbm>> -> memref<160x128xi32, #tpu.memory_space<hbm>>
        %dma_wait3A_1005 = arith.constant 0 : i32
        %dma_wait3A_1006 = tpu.memref_slice %dma_wait3A_1004[%add3A_986, %dma_wait3A_1005] : memref<160x128xi32, #tpu.memory_space<hbm>> -> memref<1x128xi32, #tpu.memory_space<hbm>>
        %dma_wait3A_1007 = tpu.memref_squeeze %dma_wait3A_1006 : memref<1x128xi32, #tpu.memory_space<hbm>> -> memref<128xi32, #tpu.memory_space<hbm>>
        tpu.wait_dma2 semaphore(%arg28 : memref<!tpu.dma_semaphore, #tpu.memory_space<semaphore_mem>>) src(%dma_wait3A_1007 : memref<128xi32, #tpu.memory_space<hbm>>) dst(%dma_wait3A_1000 : memref<128xi32, #tpu.memory_space<vmem>>)
        %add3A_1008 = arith.constant 2 : i32
        %add3A_1009 = arith.addi %add3A_648, %add3A_1008 : i32
        %dma_start3A_1010 = arith.constant 7 : i32
        %dma_start3A_1011 = arith.constant 2 : i32
        %dma_start3A_1012 = arith.constant 0 : i32
        %dma_start3A_1013 = arith.constant 0 : i32
        %dma_start3A_1014 = tpu.memref_slice %arg8[%dma_start3A_1011, %dma_start3A_1012, %dma_start3A_1013] : memref<5x128x64xf32, #tpu.memory_space<vmem>> -> memref<1x128x64xf32, #tpu.memory_space<vmem>>
        %dma_start3A_1015 = tpu.memref_squeeze %dma_start3A_1014 : memref<1x128x64xf32, #tpu.memory_space<vmem>> -> memref<128x64xf32, #tpu.memory_space<vmem>>
        %dma_start3A_1016 = arith.constant 0 : i32
        %dma_start3A_1017 = tpu.memref_slice %arg6[%dma_start3A_1010, %dma_start3A_1016] : memref<10x128xi32, #tpu.memory_space<vmem>> -> memref<1x128xi32, #tpu.memory_space<vmem>>
        %dma_start3A_1018 = tpu.memref_squeeze %dma_start3A_1017 : memref<1x128xi32, #tpu.memory_space<vmem>> -> memref<128xi32, #tpu.memory_space<vmem>>
        %dma_start3A_1019 = arith.constant 0 : i32
        %dma_start3A_1020 = arith.constant 0 : i32
        %dma_start3A_1021 = tpu.memref_slice %arg10[%dma_start3A_1019, %dma_start3A_1020] : memref<10240x64xf32, #tpu.memory_space<vmem_shared>> -> memref<10240x64xf32, #tpu.memory_space<vmem_shared>>
        tpu.enqueue_indirect_dma source(%dma_start3A_1021 : memref<10240x64xf32, #tpu.memory_space<vmem_shared>>) target(%dma_start3A_1015 : memref<128x64xf32, #tpu.memory_space<vmem>>) offsets(%dma_start3A_1018 : memref<128xi32, #tpu.memory_space<vmem>>) semaphore(%arg13 : memref<!tpu.dma_semaphore, #tpu.memory_space<semaphore_mem>>)
      } else {
      }
      %dma_wait3A_668 = arith.constant 5 : i32
      %dma_wait3A_669 = arith.constant 0 : i32
      %dma_wait3A_670 = arith.constant 0 : i32
      %dma_wait3A_671 = arith.constant 0 : i32
      %dma_wait3A_672 = tpu.memref_slice %arg8[%dma_wait3A_669, %dma_wait3A_670, %dma_wait3A_671] : memref<5x128x64xf32, #tpu.memory_space<vmem>> -> memref<1x128x64xf32, #tpu.memory_space<vmem>>
      %dma_wait3A_673 = tpu.memref_squeeze %dma_wait3A_672 : memref<1x128x64xf32, #tpu.memory_space<vmem>> -> memref<128x64xf32, #tpu.memory_space<vmem>>
      %dma_wait3A_674 = arith.constant 0 : i32
      %dma_wait3A_675 = tpu.memref_slice %arg6[%dma_wait3A_668, %dma_wait3A_674] : memref<10x128xi32, #tpu.memory_space<vmem>> -> memref<1x128xi32, #tpu.memory_space<vmem>>
      %dma_wait3A_676 = tpu.memref_squeeze %dma_wait3A_675 : memref<1x128xi32, #tpu.memory_space<vmem>> -> memref<128xi32, #tpu.memory_space<vmem>>
      %dma_wait3A_677 = arith.constant 0 : i32
      %dma_wait3A_678 = arith.constant 0 : i32
      %dma_wait3A_679 = tpu.memref_slice %arg10[%dma_wait3A_677, %dma_wait3A_678] : memref<10240x64xf32, #tpu.memory_space<vmem_shared>> -> memref<10240x64xf32, #tpu.memory_space<vmem_shared>>
      tpu.wait_indirect_dma semaphore(%arg11 : memref<!tpu.dma_semaphore, #tpu.memory_space<semaphore_mem>>) src(%dma_wait3A_679 : memref<10240x64xf32, #tpu.memory_space<vmem_shared>>) dst(%dma_wait3A_673 : memref<128x64xf32, #tpu.memory_space<vmem>>)
      %dma_wait3A_680 = arith.constant 5 : i32
      %dma_wait3A_681 = arith.constant 0 : i32
      %dma_wait3A_682 = tpu.memref_slice %arg7[%dma_wait3A_680, %dma_wait3A_681] : memref<10x128xi32, #tpu.memory_space<vmem>> -> memref<1x128xi32, #tpu.memory_space<vmem>>
      %dma_wait3A_683 = tpu.memref_squeeze %dma_wait3A_682 : memref<1x128xi32, #tpu.memory_space<vmem>> -> memref<128xi32, #tpu.memory_space<vmem>>
      %dma_wait3A_684 = arith.constant 0 : i32
      %dma_wait3A_685 = arith.constant 0 : i32
      %dma_wait3A_686 = tpu.memref_slice %arg4[%arg1, %dma_wait3A_684, %dma_wait3A_685] : memref<16x160x128xi32, #tpu.memory_space<hbm>> -> memref<1x160x128xi32, #tpu.memory_space<hbm>>
      %dma_wait3A_687 = tpu.memref_squeeze %dma_wait3A_686 : memref<1x160x128xi32, #tpu.memory_space<hbm>> -> memref<160x128xi32, #tpu.memory_space<hbm>>
      %dma_wait3A_688 = arith.constant 0 : i32
      %dma_wait3A_689 = tpu.memref_slice %dma_wait3A_687[%add3A_648, %dma_wait3A_688] : memref<160x128xi32, #tpu.memory_space<hbm>> -> memref<1x128xi32, #tpu.memory_space<hbm>>
      %dma_wait3A_690 = tpu.memref_squeeze %dma_wait3A_689 : memref<1x128xi32, #tpu.memory_space<hbm>> -> memref<128xi32, #tpu.memory_space<hbm>>
      %dma_wait3A_691 = arith.constant 0 : i32
      %dma_wait3A_692 = tpu.memref_slice %arg7[%dma_wait3A_680, %dma_wait3A_691] : memref<10x128xi32, #tpu.memory_space<vmem>> -> memref<1x128xi32, #tpu.memory_space<vmem>>
      %dma_wait3A_693 = tpu.memref_squeeze %dma_wait3A_692 : memref<1x128xi32, #tpu.memory_space<vmem>> -> memref<128xi32, #tpu.memory_space<vmem>>
      %dma_wait3A_694 = arith.constant 0 : i32
      %dma_wait3A_695 = arith.constant 0 : i32
      %dma_wait3A_696 = tpu.memref_slice %arg4[%arg1, %dma_wait3A_694, %dma_wait3A_695] : memref<16x160x128xi32, #tpu.memory_space<hbm>> -> memref<1x160x128xi32, #tpu.memory_space<hbm>>
      %dma_wait3A_697 = tpu.memref_squeeze %dma_wait3A_696 : memref<1x160x128xi32, #tpu.memory_space<hbm>> -> memref<160x128xi32, #tpu.memory_space<hbm>>
      %dma_wait3A_698 = arith.constant 0 : i32
      %dma_wait3A_699 = tpu.memref_slice %dma_wait3A_697[%add3A_648, %dma_wait3A_698] : memref<160x128xi32, #tpu.memory_space<hbm>> -> memref<1x128xi32, #tpu.memory_space<hbm>>
      %dma_wait3A_700 = tpu.memref_squeeze %dma_wait3A_699 : memref<1x128xi32, #tpu.memory_space<hbm>> -> memref<128xi32, #tpu.memory_space<hbm>>
      tpu.wait_dma2 semaphore(%arg36 : memref<!tpu.dma_semaphore, #tpu.memory_space<semaphore_mem>>) src(%dma_wait3A_700 : memref<128xi32, #tpu.memory_space<hbm>>) dst(%dma_wait3A_693 : memref<128xi32, #tpu.memory_space<vmem>>)
      %dma_start3A_701 = arith.constant 0 : i32
      %dma_start3A_702 = arith.constant 5 : i32
      %dma_start3A_703 = arith.constant 0 : i32
      %dma_start3A_704 = arith.constant 0 : i32
      %dma_start3A_705 = tpu.memref_slice %arg8[%dma_start3A_701, %dma_start3A_703, %dma_start3A_704] : memref<5x128x64xf32, #tpu.memory_space<vmem>> -> memref<1x128x64xf32, #tpu.memory_space<vmem>>
      %dma_start3A_706 = tpu.memref_squeeze %dma_start3A_705 : memref<1x128x64xf32, #tpu.memory_space<vmem>> -> memref<128x64xf32, #tpu.memory_space<vmem>>
      %dma_start3A_707 = arith.constant 0 : i32
      %dma_start3A_708 = tpu.memref_slice %arg7[%dma_start3A_702, %dma_start3A_707] : memref<10x128xi32, #tpu.memory_space<vmem>> -> memref<1x128xi32, #tpu.memory_space<vmem>>
      %dma_start3A_709 = tpu.memref_squeeze %dma_start3A_708 : memref<1x128xi32, #tpu.memory_space<vmem>> -> memref<128xi32, #tpu.memory_space<vmem>>
      %dma_start3A_710 = arith.constant 0 : i32
      %dma_start3A_711 = arith.constant 0 : i32
      %dma_start3A_712 = tpu.memref_slice %arg9[%dma_start3A_710, %dma_start3A_711] : memref<10240x64xf32, #tpu.memory_space<vmem_shared>> -> memref<10240x64xf32, #tpu.memory_space<vmem_shared>>
      tpu.enqueue_indirect_dma source(%dma_start3A_706 : memref<128x64xf32, #tpu.memory_space<vmem>>) target(%dma_start3A_712 : memref<10240x64xf32, #tpu.memory_space<vmem_shared>>) offsets(%dma_start3A_709 : memref<128xi32, #tpu.memory_space<vmem>>) semaphore(%arg16 : memref<!tpu.dma_semaphore, #tpu.memory_space<semaphore_mem>>) {add = true}
      %mul3A_713 = arith.constant 10 : i32
      %mul3A_714 = arith.muli %scan3A_308, %mul3A_713 : i32
      %add3A_715 = arith.constant 6 : i32
      %add3A_716 = arith.addi %mul3A_714, %add3A_715 : i32
      %ge3A_717 = arith.constant 2 : i32
      %ge3A_718 = arith.cmpi sge, %add3A_716, %ge3A_717 : i32
      %convert_element_type3A_719 = arith.extui %ge3A_718 : i1 to i32
      %cond3A_720 = arith.constant 0 : i32
      %cond3A_721 = arith.cmpi ne, %convert_element_type3A_719, %cond3A_720 : i32
      scf.if %cond3A_721 {
        %sub3A = arith.constant 2 : i32
        %sub3A_985 = arith.subi %add3A_716, %sub3A : i32
        %dma_wait3A_986 = arith.constant 4 : i32
        %dma_wait3A_987 = arith.constant 4 : i32
        %dma_wait3A_988 = arith.constant 0 : i32
        %dma_wait3A_989 = arith.constant 0 : i32
        %dma_wait3A_990 = tpu.memref_slice %arg8[%dma_wait3A_986, %dma_wait3A_988, %dma_wait3A_989] : memref<5x128x64xf32, #tpu.memory_space<vmem>> -> memref<1x128x64xf32, #tpu.memory_space<vmem>>
        %dma_wait3A_991 = tpu.memref_squeeze %dma_wait3A_990 : memref<1x128x64xf32, #tpu.memory_space<vmem>> -> memref<128x64xf32, #tpu.memory_space<vmem>>
        %dma_wait3A_992 = arith.constant 0 : i32
        %dma_wait3A_993 = tpu.memref_slice %arg7[%dma_wait3A_987, %dma_wait3A_992] : memref<10x128xi32, #tpu.memory_space<vmem>> -> memref<1x128xi32, #tpu.memory_space<vmem>>
        %dma_wait3A_994 = tpu.memref_squeeze %dma_wait3A_993 : memref<1x128xi32, #tpu.memory_space<vmem>> -> memref<128xi32, #tpu.memory_space<vmem>>
        %dma_wait3A_995 = arith.constant 0 : i32
        %dma_wait3A_996 = arith.constant 0 : i32
        %dma_wait3A_997 = tpu.memref_slice %arg9[%dma_wait3A_995, %dma_wait3A_996] : memref<10240x64xf32, #tpu.memory_space<vmem_shared>> -> memref<10240x64xf32, #tpu.memory_space<vmem_shared>>
        tpu.wait_indirect_dma semaphore(%arg20 : memref<!tpu.dma_semaphore, #tpu.memory_space<semaphore_mem>>) src(%dma_wait3A_991 : memref<128x64xf32, #tpu.memory_space<vmem>>) dst(%dma_wait3A_997 : memref<10240x64xf32, #tpu.memory_space<vmem_shared>>)
      } else {
      }
      %add3A_722 = arith.constant 4 : i32
      %add3A_723 = arith.addi %add3A_716, %add3A_722 : i32
      %lt3A_724 = arith.constant 160 : i32
      %lt3A_725 = arith.cmpi slt, %add3A_723, %lt3A_724 : i32
      %convert_element_type3A_726 = arith.extui %lt3A_725 : i1 to i32
      %cond3A_727 = arith.constant 0 : i32
      %cond3A_728 = arith.cmpi ne, %convert_element_type3A_726, %cond3A_727 : i32
      scf.if %cond3A_728 {
        %add3A_985 = arith.constant 4 : i32
        %add3A_986 = arith.addi %add3A_716, %add3A_985 : i32
        %dma_start3A_987 = arith.constant 0 : i32
        %dma_start3A_988 = arith.constant 0 : i32
        %dma_start3A_989 = tpu.memref_slice %arg6[%dma_start3A_987, %dma_start3A_988] : memref<10x128xi32, #tpu.memory_space<vmem>> -> memref<1x128xi32, #tpu.memory_space<vmem>>
        %dma_start3A_990 = tpu.memref_squeeze %dma_start3A_989 : memref<1x128xi32, #tpu.memory_space<vmem>> -> memref<128xi32, #tpu.memory_space<vmem>>
        %dma_start3A_991 = arith.constant 0 : i32
        %dma_start3A_992 = arith.constant 0 : i32
        %dma_start3A_993 = tpu.memref_slice %arg3[%arg1, %dma_start3A_991, %dma_start3A_992] : memref<16x160x128xi32, #tpu.memory_space<hbm>> -> memref<1x160x128xi32, #tpu.memory_space<hbm>>
        %dma_start3A_994 = tpu.memref_squeeze %dma_start3A_993 : memref<1x160x128xi32, #tpu.memory_space<hbm>> -> memref<160x128xi32, #tpu.memory_space<hbm>>
        %dma_start3A_995 = arith.constant 0 : i32
        %dma_start3A_996 = tpu.memref_slice %dma_start3A_994[%add3A_986, %dma_start3A_995] : memref<160x128xi32, #tpu.memory_space<hbm>> -> memref<1x128xi32, #tpu.memory_space<hbm>>
        %dma_start3A_997 = tpu.memref_squeeze %dma_start3A_996 : memref<1x128xi32, #tpu.memory_space<hbm>> -> memref<128xi32, #tpu.memory_space<hbm>>
        %dma_start3A_998 = arith.constant 0 : i32
        %dma_start3A_999 = tpu.memref_slice %arg6[%dma_start3A_987, %dma_start3A_998] : memref<10x128xi32, #tpu.memory_space<vmem>> -> memref<1x128xi32, #tpu.memory_space<vmem>>
        %dma_start3A_1000 = tpu.memref_squeeze %dma_start3A_999 : memref<1x128xi32, #tpu.memory_space<vmem>> -> memref<128xi32, #tpu.memory_space<vmem>>
        %dma_start3A_1001 = arith.constant 0 : i32
        %dma_start3A_1002 = arith.constant 0 : i32
        %dma_start3A_1003 = tpu.memref_slice %arg3[%arg1, %dma_start3A_1001, %dma_start3A_1002] : memref<16x160x128xi32, #tpu.memory_space<hbm>> -> memref<1x160x128xi32, #tpu.memory_space<hbm>>
        %dma_start3A_1004 = tpu.memref_squeeze %dma_start3A_1003 : memref<1x160x128xi32, #tpu.memory_space<hbm>> -> memref<160x128xi32, #tpu.memory_space<hbm>>
        %dma_start3A_1005 = arith.constant 0 : i32
        %dma_start3A_1006 = tpu.memref_slice %dma_start3A_1004[%add3A_986, %dma_start3A_1005] : memref<160x128xi32, #tpu.memory_space<hbm>> -> memref<1x128xi32, #tpu.memory_space<hbm>>
        %dma_start3A_1007 = tpu.memref_squeeze %dma_start3A_1006 : memref<1x128xi32, #tpu.memory_space<hbm>> -> memref<128xi32, #tpu.memory_space<hbm>>
        tpu.enqueue_dma source(%dma_start3A_1007 : memref<128xi32, #tpu.memory_space<hbm>>) target(%dma_start3A_1000 : memref<128xi32, #tpu.memory_space<vmem>>) target_semaphore(%arg21 : memref<!tpu.dma_semaphore, #tpu.memory_space<semaphore_mem>>)
        %dma_start3A_1008 = arith.constant 0 : i32
        %dma_start3A_1009 = arith.constant 0 : i32
        %dma_start3A_1010 = tpu.memref_slice %arg7[%dma_start3A_1008, %dma_start3A_1009] : memref<10x128xi32, #tpu.memory_space<vmem>> -> memref<1x128xi32, #tpu.memory_space<vmem>>
        %dma_start3A_1011 = tpu.memref_squeeze %dma_start3A_1010 : memref<1x128xi32, #tpu.memory_space<vmem>> -> memref<128xi32, #tpu.memory_space<vmem>>
        %dma_start3A_1012 = arith.constant 0 : i32
        %dma_start3A_1013 = arith.constant 0 : i32
        %dma_start3A_1014 = tpu.memref_slice %arg4[%arg1, %dma_start3A_1012, %dma_start3A_1013] : memref<16x160x128xi32, #tpu.memory_space<hbm>> -> memref<1x160x128xi32, #tpu.memory_space<hbm>>
        %dma_start3A_1015 = tpu.memref_squeeze %dma_start3A_1014 : memref<1x160x128xi32, #tpu.memory_space<hbm>> -> memref<160x128xi32, #tpu.memory_space<hbm>>
        %dma_start3A_1016 = arith.constant 0 : i32
        %dma_start3A_1017 = tpu.memref_slice %dma_start3A_1015[%add3A_986, %dma_start3A_1016] : memref<160x128xi32, #tpu.memory_space<hbm>> -> memref<1x128xi32, #tpu.memory_space<hbm>>
        %dma_start3A_1018 = tpu.memref_squeeze %dma_start3A_1017 : memref<1x128xi32, #tpu.memory_space<hbm>> -> memref<128xi32, #tpu.memory_space<hbm>>
        %dma_start3A_1019 = arith.constant 0 : i32
        %dma_start3A_1020 = tpu.memref_slice %arg7[%dma_start3A_1008, %dma_start3A_1019] : memref<10x128xi32, #tpu.memory_space<vmem>> -> memref<1x128xi32, #tpu.memory_space<vmem>>
        %dma_start3A_1021 = tpu.memref_squeeze %dma_start3A_1020 : memref<1x128xi32, #tpu.memory_space<vmem>> -> memref<128xi32, #tpu.memory_space<vmem>>
        %dma_start3A_1022 = arith.constant 0 : i32
        %dma_start3A_1023 = arith.constant 0 : i32
        %dma_start3A_1024 = tpu.memref_slice %arg4[%arg1, %dma_start3A_1022, %dma_start3A_1023] : memref<16x160x128xi32, #tpu.memory_space<hbm>> -> memref<1x160x128xi32, #tpu.memory_space<hbm>>
        %dma_start3A_1025 = tpu.memref_squeeze %dma_start3A_1024 : memref<1x160x128xi32, #tpu.memory_space<hbm>> -> memref<160x128xi32, #tpu.memory_space<hbm>>
        %dma_start3A_1026 = arith.constant 0 : i32
        %dma_start3A_1027 = tpu.memref_slice %dma_start3A_1025[%add3A_986, %dma_start3A_1026] : memref<160x128xi32, #tpu.memory_space<hbm>> -> memref<1x128xi32, #tpu.memory_space<hbm>>
        %dma_start3A_1028 = tpu.memref_squeeze %dma_start3A_1027 : memref<1x128xi32, #tpu.memory_space<hbm>> -> memref<128xi32, #tpu.memory_space<hbm>>
        tpu.enqueue_dma source(%dma_start3A_1028 : memref<128xi32, #tpu.memory_space<hbm>>) target(%dma_start3A_1021 : memref<128xi32, #tpu.memory_space<vmem>>) target_semaphore(%arg31 : memref<!tpu.dma_semaphore, #tpu.memory_space<semaphore_mem>>)
      } else {
      }
      %add3A_729 = arith.constant 2 : i32
      %add3A_730 = arith.addi %add3A_716, %add3A_729 : i32
      %lt3A_731 = arith.constant 160 : i32
      %lt3A_732 = arith.cmpi slt, %add3A_730, %lt3A_731 : i32
      %convert_element_type3A_733 = arith.extui %lt3A_732 : i1 to i32
      %cond3A_734 = arith.constant 0 : i32
      %cond3A_735 = arith.cmpi ne, %convert_element_type3A_733, %cond3A_734 : i32
      scf.if %cond3A_735 {
        %add3A_985 = arith.constant 2 : i32
        %add3A_986 = arith.addi %add3A_716, %add3A_985 : i32
        %dma_wait3A_987 = arith.constant 8 : i32
        %dma_wait3A_988 = arith.constant 0 : i32
        %dma_wait3A_989 = tpu.memref_slice %arg6[%dma_wait3A_987, %dma_wait3A_988] : memref<10x128xi32, #tpu.memory_space<vmem>> -> memref<1x128xi32, #tpu.memory_space<vmem>>
        %dma_wait3A_990 = tpu.memref_squeeze %dma_wait3A_989 : memref<1x128xi32, #tpu.memory_space<vmem>> -> memref<128xi32, #tpu.memory_space<vmem>>
        %dma_wait3A_991 = arith.constant 0 : i32
        %dma_wait3A_992 = arith.constant 0 : i32
        %dma_wait3A_993 = tpu.memref_slice %arg3[%arg1, %dma_wait3A_991, %dma_wait3A_992] : memref<16x160x128xi32, #tpu.memory_space<hbm>> -> memref<1x160x128xi32, #tpu.memory_space<hbm>>
        %dma_wait3A_994 = tpu.memref_squeeze %dma_wait3A_993 : memref<1x160x128xi32, #tpu.memory_space<hbm>> -> memref<160x128xi32, #tpu.memory_space<hbm>>
        %dma_wait3A_995 = arith.constant 0 : i32
        %dma_wait3A_996 = tpu.memref_slice %dma_wait3A_994[%add3A_986, %dma_wait3A_995] : memref<160x128xi32, #tpu.memory_space<hbm>> -> memref<1x128xi32, #tpu.memory_space<hbm>>
        %dma_wait3A_997 = tpu.memref_squeeze %dma_wait3A_996 : memref<1x128xi32, #tpu.memory_space<hbm>> -> memref<128xi32, #tpu.memory_space<hbm>>
        %dma_wait3A_998 = arith.constant 0 : i32
        %dma_wait3A_999 = tpu.memref_slice %arg6[%dma_wait3A_987, %dma_wait3A_998] : memref<10x128xi32, #tpu.memory_space<vmem>> -> memref<1x128xi32, #tpu.memory_space<vmem>>
        %dma_wait3A_1000 = tpu.memref_squeeze %dma_wait3A_999 : memref<1x128xi32, #tpu.memory_space<vmem>> -> memref<128xi32, #tpu.memory_space<vmem>>
        %dma_wait3A_1001 = arith.constant 0 : i32
        %dma_wait3A_1002 = arith.constant 0 : i32
        %dma_wait3A_1003 = tpu.memref_slice %arg3[%arg1, %dma_wait3A_1001, %dma_wait3A_1002] : memref<16x160x128xi32, #tpu.memory_space<hbm>> -> memref<1x160x128xi32, #tpu.memory_space<hbm>>
        %dma_wait3A_1004 = tpu.memref_squeeze %dma_wait3A_1003 : memref<1x160x128xi32, #tpu.memory_space<hbm>> -> memref<160x128xi32, #tpu.memory_space<hbm>>
        %dma_wait3A_1005 = arith.constant 0 : i32
        %dma_wait3A_1006 = tpu.memref_slice %dma_wait3A_1004[%add3A_986, %dma_wait3A_1005] : memref<160x128xi32, #tpu.memory_space<hbm>> -> memref<1x128xi32, #tpu.memory_space<hbm>>
        %dma_wait3A_1007 = tpu.memref_squeeze %dma_wait3A_1006 : memref<1x128xi32, #tpu.memory_space<hbm>> -> memref<128xi32, #tpu.memory_space<hbm>>
        tpu.wait_dma2 semaphore(%arg29 : memref<!tpu.dma_semaphore, #tpu.memory_space<semaphore_mem>>) src(%dma_wait3A_1007 : memref<128xi32, #tpu.memory_space<hbm>>) dst(%dma_wait3A_1000 : memref<128xi32, #tpu.memory_space<vmem>>)
        %add3A_1008 = arith.constant 2 : i32
        %add3A_1009 = arith.addi %add3A_716, %add3A_1008 : i32
        %dma_start3A_1010 = arith.constant 8 : i32
        %dma_start3A_1011 = arith.constant 3 : i32
        %dma_start3A_1012 = arith.constant 0 : i32
        %dma_start3A_1013 = arith.constant 0 : i32
        %dma_start3A_1014 = tpu.memref_slice %arg8[%dma_start3A_1011, %dma_start3A_1012, %dma_start3A_1013] : memref<5x128x64xf32, #tpu.memory_space<vmem>> -> memref<1x128x64xf32, #tpu.memory_space<vmem>>
        %dma_start3A_1015 = tpu.memref_squeeze %dma_start3A_1014 : memref<1x128x64xf32, #tpu.memory_space<vmem>> -> memref<128x64xf32, #tpu.memory_space<vmem>>
        %dma_start3A_1016 = arith.constant 0 : i32
        %dma_start3A_1017 = tpu.memref_slice %arg6[%dma_start3A_1010, %dma_start3A_1016] : memref<10x128xi32, #tpu.memory_space<vmem>> -> memref<1x128xi32, #tpu.memory_space<vmem>>
        %dma_start3A_1018 = tpu.memref_squeeze %dma_start3A_1017 : memref<1x128xi32, #tpu.memory_space<vmem>> -> memref<128xi32, #tpu.memory_space<vmem>>
        %dma_start3A_1019 = arith.constant 0 : i32
        %dma_start3A_1020 = arith.constant 0 : i32
        %dma_start3A_1021 = tpu.memref_slice %arg10[%dma_start3A_1019, %dma_start3A_1020] : memref<10240x64xf32, #tpu.memory_space<vmem_shared>> -> memref<10240x64xf32, #tpu.memory_space<vmem_shared>>
        tpu.enqueue_indirect_dma source(%dma_start3A_1021 : memref<10240x64xf32, #tpu.memory_space<vmem_shared>>) target(%dma_start3A_1015 : memref<128x64xf32, #tpu.memory_space<vmem>>) offsets(%dma_start3A_1018 : memref<128xi32, #tpu.memory_space<vmem>>) semaphore(%arg14 : memref<!tpu.dma_semaphore, #tpu.memory_space<semaphore_mem>>)
      } else {
      }
      %dma_wait3A_736 = arith.constant 6 : i32
      %dma_wait3A_737 = arith.constant 1 : i32
      %dma_wait3A_738 = arith.constant 0 : i32
      %dma_wait3A_739 = arith.constant 0 : i32
      %dma_wait3A_740 = tpu.memref_slice %arg8[%dma_wait3A_737, %dma_wait3A_738, %dma_wait3A_739] : memref<5x128x64xf32, #tpu.memory_space<vmem>> -> memref<1x128x64xf32, #tpu.memory_space<vmem>>
      %dma_wait3A_741 = tpu.memref_squeeze %dma_wait3A_740 : memref<1x128x64xf32, #tpu.memory_space<vmem>> -> memref<128x64xf32, #tpu.memory_space<vmem>>
      %dma_wait3A_742 = arith.constant 0 : i32
      %dma_wait3A_743 = tpu.memref_slice %arg6[%dma_wait3A_736, %dma_wait3A_742] : memref<10x128xi32, #tpu.memory_space<vmem>> -> memref<1x128xi32, #tpu.memory_space<vmem>>
      %dma_wait3A_744 = tpu.memref_squeeze %dma_wait3A_743 : memref<1x128xi32, #tpu.memory_space<vmem>> -> memref<128xi32, #tpu.memory_space<vmem>>
      %dma_wait3A_745 = arith.constant 0 : i32
      %dma_wait3A_746 = arith.constant 0 : i32
      %dma_wait3A_747 = tpu.memref_slice %arg10[%dma_wait3A_745, %dma_wait3A_746] : memref<10240x64xf32, #tpu.memory_space<vmem_shared>> -> memref<10240x64xf32, #tpu.memory_space<vmem_shared>>
      tpu.wait_indirect_dma semaphore(%arg12 : memref<!tpu.dma_semaphore, #tpu.memory_space<semaphore_mem>>) src(%dma_wait3A_747 : memref<10240x64xf32, #tpu.memory_space<vmem_shared>>) dst(%dma_wait3A_741 : memref<128x64xf32, #tpu.memory_space<vmem>>)
      %dma_wait3A_748 = arith.constant 6 : i32
      %dma_wait3A_749 = arith.constant 0 : i32
      %dma_wait3A_750 = tpu.memref_slice %arg7[%dma_wait3A_748, %dma_wait3A_749] : memref<10x128xi32, #tpu.memory_space<vmem>> -> memref<1x128xi32, #tpu.memory_space<vmem>>
      %dma_wait3A_751 = tpu.memref_squeeze %dma_wait3A_750 : memref<1x128xi32, #tpu.memory_space<vmem>> -> memref<128xi32, #tpu.memory_space<vmem>>
      %dma_wait3A_752 = arith.constant 0 : i32
      %dma_wait3A_753 = arith.constant 0 : i32
      %dma_wait3A_754 = tpu.memref_slice %arg4[%arg1, %dma_wait3A_752, %dma_wait3A_753] : memref<16x160x128xi32, #tpu.memory_space<hbm>> -> memref<1x160x128xi32, #tpu.memory_space<hbm>>
      %dma_wait3A_755 = tpu.memref_squeeze %dma_wait3A_754 : memref<1x160x128xi32, #tpu.memory_space<hbm>> -> memref<160x128xi32, #tpu.memory_space<hbm>>
      %dma_wait3A_756 = arith.constant 0 : i32
      %dma_wait3A_757 = tpu.memref_slice %dma_wait3A_755[%add3A_716, %dma_wait3A_756] : memref<160x128xi32, #tpu.memory_space<hbm>> -> memref<1x128xi32, #tpu.memory_space<hbm>>
      %dma_wait3A_758 = tpu.memref_squeeze %dma_wait3A_757 : memref<1x128xi32, #tpu.memory_space<hbm>> -> memref<128xi32, #tpu.memory_space<hbm>>
      %dma_wait3A_759 = arith.constant 0 : i32
      %dma_wait3A_760 = tpu.memref_slice %arg7[%dma_wait3A_748, %dma_wait3A_759] : memref<10x128xi32, #tpu.memory_space<vmem>> -> memref<1x128xi32, #tpu.memory_space<vmem>>
      %dma_wait3A_761 = tpu.memref_squeeze %dma_wait3A_760 : memref<1x128xi32, #tpu.memory_space<vmem>> -> memref<128xi32, #tpu.memory_space<vmem>>
      %dma_wait3A_762 = arith.constant 0 : i32
      %dma_wait3A_763 = arith.constant 0 : i32
      %dma_wait3A_764 = tpu.memref_slice %arg4[%arg1, %dma_wait3A_762, %dma_wait3A_763] : memref<16x160x128xi32, #tpu.memory_space<hbm>> -> memref<1x160x128xi32, #tpu.memory_space<hbm>>
      %dma_wait3A_765 = tpu.memref_squeeze %dma_wait3A_764 : memref<1x160x128xi32, #tpu.memory_space<hbm>> -> memref<160x128xi32, #tpu.memory_space<hbm>>
      %dma_wait3A_766 = arith.constant 0 : i32
      %dma_wait3A_767 = tpu.memref_slice %dma_wait3A_765[%add3A_716, %dma_wait3A_766] : memref<160x128xi32, #tpu.memory_space<hbm>> -> memref<1x128xi32, #tpu.memory_space<hbm>>
      %dma_wait3A_768 = tpu.memref_squeeze %dma_wait3A_767 : memref<1x128xi32, #tpu.memory_space<hbm>> -> memref<128xi32, #tpu.memory_space<hbm>>
      tpu.wait_dma2 semaphore(%arg37 : memref<!tpu.dma_semaphore, #tpu.memory_space<semaphore_mem>>) src(%dma_wait3A_768 : memref<128xi32, #tpu.memory_space<hbm>>) dst(%dma_wait3A_761 : memref<128xi32, #tpu.memory_space<vmem>>)
      %dma_start3A_769 = arith.constant 1 : i32
      %dma_start3A_770 = arith.constant 6 : i32
      %dma_start3A_771 = arith.constant 0 : i32
      %dma_start3A_772 = arith.constant 0 : i32
      %dma_start3A_773 = tpu.memref_slice %arg8[%dma_start3A_769, %dma_start3A_771, %dma_start3A_772] : memref<5x128x64xf32, #tpu.memory_space<vmem>> -> memref<1x128x64xf32, #tpu.memory_space<vmem>>
      %dma_start3A_774 = tpu.memref_squeeze %dma_start3A_773 : memref<1x128x64xf32, #tpu.memory_space<vmem>> -> memref<128x64xf32, #tpu.memory_space<vmem>>
      %dma_start3A_775 = arith.constant 0 : i32
      %dma_start3A_776 = tpu.memref_slice %arg7[%dma_start3A_770, %dma_start3A_775] : memref<10x128xi32, #tpu.memory_space<vmem>> -> memref<1x128xi32, #tpu.memory_space<vmem>>
      %dma_start3A_777 = tpu.memref_squeeze %dma_start3A_776 : memref<1x128xi32, #tpu.memory_space<vmem>> -> memref<128xi32, #tpu.memory_space<vmem>>
      %dma_start3A_778 = arith.constant 0 : i32
      %dma_start3A_779 = arith.constant 0 : i32
      %dma_start3A_780 = tpu.memref_slice %arg9[%dma_start3A_778, %dma_start3A_779] : memref<10240x64xf32, #tpu.memory_space<vmem_shared>> -> memref<10240x64xf32, #tpu.memory_space<vmem_shared>>
      tpu.enqueue_indirect_dma source(%dma_start3A_774 : memref<128x64xf32, #tpu.memory_space<vmem>>) target(%dma_start3A_780 : memref<10240x64xf32, #tpu.memory_space<vmem_shared>>) offsets(%dma_start3A_777 : memref<128xi32, #tpu.memory_space<vmem>>) semaphore(%arg17 : memref<!tpu.dma_semaphore, #tpu.memory_space<semaphore_mem>>) {add = true}
      %mul3A_781 = arith.constant 10 : i32
      %mul3A_782 = arith.muli %scan3A_308, %mul3A_781 : i32
      %add3A_783 = arith.constant 7 : i32
      %add3A_784 = arith.addi %mul3A_782, %add3A_783 : i32
      %ge3A_785 = arith.constant 2 : i32
      %ge3A_786 = arith.cmpi sge, %add3A_784, %ge3A_785 : i32
      %convert_element_type3A_787 = arith.extui %ge3A_786 : i1 to i32
      %cond3A_788 = arith.constant 0 : i32
      %cond3A_789 = arith.cmpi ne, %convert_element_type3A_787, %cond3A_788 : i32
      scf.if %cond3A_789 {
        %sub3A = arith.constant 2 : i32
        %sub3A_985 = arith.subi %add3A_784, %sub3A : i32
        %dma_wait3A_986 = arith.constant 0 : i32
        %dma_wait3A_987 = arith.constant 5 : i32
        %dma_wait3A_988 = arith.constant 0 : i32
        %dma_wait3A_989 = arith.constant 0 : i32
        %dma_wait3A_990 = tpu.memref_slice %arg8[%dma_wait3A_986, %dma_wait3A_988, %dma_wait3A_989] : memref<5x128x64xf32, #tpu.memory_space<vmem>> -> memref<1x128x64xf32, #tpu.memory_space<vmem>>
        %dma_wait3A_991 = tpu.memref_squeeze %dma_wait3A_990 : memref<1x128x64xf32, #tpu.memory_space<vmem>> -> memref<128x64xf32, #tpu.memory_space<vmem>>
        %dma_wait3A_992 = arith.constant 0 : i32
        %dma_wait3A_993 = tpu.memref_slice %arg7[%dma_wait3A_987, %dma_wait3A_992] : memref<10x128xi32, #tpu.memory_space<vmem>> -> memref<1x128xi32, #tpu.memory_space<vmem>>
        %dma_wait3A_994 = tpu.memref_squeeze %dma_wait3A_993 : memref<1x128xi32, #tpu.memory_space<vmem>> -> memref<128xi32, #tpu.memory_space<vmem>>
        %dma_wait3A_995 = arith.constant 0 : i32
        %dma_wait3A_996 = arith.constant 0 : i32
        %dma_wait3A_997 = tpu.memref_slice %arg9[%dma_wait3A_995, %dma_wait3A_996] : memref<10240x64xf32, #tpu.memory_space<vmem_shared>> -> memref<10240x64xf32, #tpu.memory_space<vmem_shared>>
        tpu.wait_indirect_dma semaphore(%arg16 : memref<!tpu.dma_semaphore, #tpu.memory_space<semaphore_mem>>) src(%dma_wait3A_991 : memref<128x64xf32, #tpu.memory_space<vmem>>) dst(%dma_wait3A_997 : memref<10240x64xf32, #tpu.memory_space<vmem_shared>>)
      } else {
      }
      %add3A_790 = arith.constant 4 : i32
      %add3A_791 = arith.addi %add3A_784, %add3A_790 : i32
      %lt3A_792 = arith.constant 160 : i32
      %lt3A_793 = arith.cmpi slt, %add3A_791, %lt3A_792 : i32
      %convert_element_type3A_794 = arith.extui %lt3A_793 : i1 to i32
      %cond3A_795 = arith.constant 0 : i32
      %cond3A_796 = arith.cmpi ne, %convert_element_type3A_794, %cond3A_795 : i32
      scf.if %cond3A_796 {
        %add3A_985 = arith.constant 4 : i32
        %add3A_986 = arith.addi %add3A_784, %add3A_985 : i32
        %dma_start3A_987 = arith.constant 1 : i32
        %dma_start3A_988 = arith.constant 0 : i32
        %dma_start3A_989 = tpu.memref_slice %arg6[%dma_start3A_987, %dma_start3A_988] : memref<10x128xi32, #tpu.memory_space<vmem>> -> memref<1x128xi32, #tpu.memory_space<vmem>>
        %dma_start3A_990 = tpu.memref_squeeze %dma_start3A_989 : memref<1x128xi32, #tpu.memory_space<vmem>> -> memref<128xi32, #tpu.memory_space<vmem>>
        %dma_start3A_991 = arith.constant 0 : i32
        %dma_start3A_992 = arith.constant 0 : i32
        %dma_start3A_993 = tpu.memref_slice %arg3[%arg1, %dma_start3A_991, %dma_start3A_992] : memref<16x160x128xi32, #tpu.memory_space<hbm>> -> memref<1x160x128xi32, #tpu.memory_space<hbm>>
        %dma_start3A_994 = tpu.memref_squeeze %dma_start3A_993 : memref<1x160x128xi32, #tpu.memory_space<hbm>> -> memref<160x128xi32, #tpu.memory_space<hbm>>
        %dma_start3A_995 = arith.constant 0 : i32
        %dma_start3A_996 = tpu.memref_slice %dma_start3A_994[%add3A_986, %dma_start3A_995] : memref<160x128xi32, #tpu.memory_space<hbm>> -> memref<1x128xi32, #tpu.memory_space<hbm>>
        %dma_start3A_997 = tpu.memref_squeeze %dma_start3A_996 : memref<1x128xi32, #tpu.memory_space<hbm>> -> memref<128xi32, #tpu.memory_space<hbm>>
        %dma_start3A_998 = arith.constant 0 : i32
        %dma_start3A_999 = tpu.memref_slice %arg6[%dma_start3A_987, %dma_start3A_998] : memref<10x128xi32, #tpu.memory_space<vmem>> -> memref<1x128xi32, #tpu.memory_space<vmem>>
        %dma_start3A_1000 = tpu.memref_squeeze %dma_start3A_999 : memref<1x128xi32, #tpu.memory_space<vmem>> -> memref<128xi32, #tpu.memory_space<vmem>>
        %dma_start3A_1001 = arith.constant 0 : i32
        %dma_start3A_1002 = arith.constant 0 : i32
        %dma_start3A_1003 = tpu.memref_slice %arg3[%arg1, %dma_start3A_1001, %dma_start3A_1002] : memref<16x160x128xi32, #tpu.memory_space<hbm>> -> memref<1x160x128xi32, #tpu.memory_space<hbm>>
        %dma_start3A_1004 = tpu.memref_squeeze %dma_start3A_1003 : memref<1x160x128xi32, #tpu.memory_space<hbm>> -> memref<160x128xi32, #tpu.memory_space<hbm>>
        %dma_start3A_1005 = arith.constant 0 : i32
        %dma_start3A_1006 = tpu.memref_slice %dma_start3A_1004[%add3A_986, %dma_start3A_1005] : memref<160x128xi32, #tpu.memory_space<hbm>> -> memref<1x128xi32, #tpu.memory_space<hbm>>
        %dma_start3A_1007 = tpu.memref_squeeze %dma_start3A_1006 : memref<1x128xi32, #tpu.memory_space<hbm>> -> memref<128xi32, #tpu.memory_space<hbm>>
        tpu.enqueue_dma source(%dma_start3A_1007 : memref<128xi32, #tpu.memory_space<hbm>>) target(%dma_start3A_1000 : memref<128xi32, #tpu.memory_space<vmem>>) target_semaphore(%arg22 : memref<!tpu.dma_semaphore, #tpu.memory_space<semaphore_mem>>)
        %dma_start3A_1008 = arith.constant 1 : i32
        %dma_start3A_1009 = arith.constant 0 : i32
        %dma_start3A_1010 = tpu.memref_slice %arg7[%dma_start3A_1008, %dma_start3A_1009] : memref<10x128xi32, #tpu.memory_space<vmem>> -> memref<1x128xi32, #tpu.memory_space<vmem>>
        %dma_start3A_1011 = tpu.memref_squeeze %dma_start3A_1010 : memref<1x128xi32, #tpu.memory_space<vmem>> -> memref<128xi32, #tpu.memory_space<vmem>>
        %dma_start3A_1012 = arith.constant 0 : i32
        %dma_start3A_1013 = arith.constant 0 : i32
        %dma_start3A_1014 = tpu.memref_slice %arg4[%arg1, %dma_start3A_1012, %dma_start3A_1013] : memref<16x160x128xi32, #tpu.memory_space<hbm>> -> memref<1x160x128xi32, #tpu.memory_space<hbm>>
        %dma_start3A_1015 = tpu.memref_squeeze %dma_start3A_1014 : memref<1x160x128xi32, #tpu.memory_space<hbm>> -> memref<160x128xi32, #tpu.memory_space<hbm>>
        %dma_start3A_1016 = arith.constant 0 : i32
        %dma_start3A_1017 = tpu.memref_slice %dma_start3A_1015[%add3A_986, %dma_start3A_1016] : memref<160x128xi32, #tpu.memory_space<hbm>> -> memref<1x128xi32, #tpu.memory_space<hbm>>
        %dma_start3A_1018 = tpu.memref_squeeze %dma_start3A_1017 : memref<1x128xi32, #tpu.memory_space<hbm>> -> memref<128xi32, #tpu.memory_space<hbm>>
        %dma_start3A_1019 = arith.constant 0 : i32
        %dma_start3A_1020 = tpu.memref_slice %arg7[%dma_start3A_1008, %dma_start3A_1019] : memref<10x128xi32, #tpu.memory_space<vmem>> -> memref<1x128xi32, #tpu.memory_space<vmem>>
        %dma_start3A_1021 = tpu.memref_squeeze %dma_start3A_1020 : memref<1x128xi32, #tpu.memory_space<vmem>> -> memref<128xi32, #tpu.memory_space<vmem>>
        %dma_start3A_1022 = arith.constant 0 : i32
        %dma_start3A_1023 = arith.constant 0 : i32
        %dma_start3A_1024 = tpu.memref_slice %arg4[%arg1, %dma_start3A_1022, %dma_start3A_1023] : memref<16x160x128xi32, #tpu.memory_space<hbm>> -> memref<1x160x128xi32, #tpu.memory_space<hbm>>
        %dma_start3A_1025 = tpu.memref_squeeze %dma_start3A_1024 : memref<1x160x128xi32, #tpu.memory_space<hbm>> -> memref<160x128xi32, #tpu.memory_space<hbm>>
        %dma_start3A_1026 = arith.constant 0 : i32
        %dma_start3A_1027 = tpu.memref_slice %dma_start3A_1025[%add3A_986, %dma_start3A_1026] : memref<160x128xi32, #tpu.memory_space<hbm>> -> memref<1x128xi32, #tpu.memory_space<hbm>>
        %dma_start3A_1028 = tpu.memref_squeeze %dma_start3A_1027 : memref<1x128xi32, #tpu.memory_space<hbm>> -> memref<128xi32, #tpu.memory_space<hbm>>
        tpu.enqueue_dma source(%dma_start3A_1028 : memref<128xi32, #tpu.memory_space<hbm>>) target(%dma_start3A_1021 : memref<128xi32, #tpu.memory_space<vmem>>) target_semaphore(%arg32 : memref<!tpu.dma_semaphore, #tpu.memory_space<semaphore_mem>>)
      } else {
      }
      %add3A_797 = arith.constant 2 : i32
      %add3A_798 = arith.addi %add3A_784, %add3A_797 : i32
      %lt3A_799 = arith.constant 160 : i32
      %lt3A_800 = arith.cmpi slt, %add3A_798, %lt3A_799 : i32
      %convert_element_type3A_801 = arith.extui %lt3A_800 : i1 to i32
      %cond3A_802 = arith.constant 0 : i32
      %cond3A_803 = arith.cmpi ne, %convert_element_type3A_801, %cond3A_802 : i32
      scf.if %cond3A_803 {
        %add3A_985 = arith.constant 2 : i32
        %add3A_986 = arith.addi %add3A_784, %add3A_985 : i32
        %dma_wait3A_987 = arith.constant 9 : i32
        %dma_wait3A_988 = arith.constant 0 : i32
        %dma_wait3A_989 = tpu.memref_slice %arg6[%dma_wait3A_987, %dma_wait3A_988] : memref<10x128xi32, #tpu.memory_space<vmem>> -> memref<1x128xi32, #tpu.memory_space<vmem>>
        %dma_wait3A_990 = tpu.memref_squeeze %dma_wait3A_989 : memref<1x128xi32, #tpu.memory_space<vmem>> -> memref<128xi32, #tpu.memory_space<vmem>>
        %dma_wait3A_991 = arith.constant 0 : i32
        %dma_wait3A_992 = arith.constant 0 : i32
        %dma_wait3A_993 = tpu.memref_slice %arg3[%arg1, %dma_wait3A_991, %dma_wait3A_992] : memref<16x160x128xi32, #tpu.memory_space<hbm>> -> memref<1x160x128xi32, #tpu.memory_space<hbm>>
        %dma_wait3A_994 = tpu.memref_squeeze %dma_wait3A_993 : memref<1x160x128xi32, #tpu.memory_space<hbm>> -> memref<160x128xi32, #tpu.memory_space<hbm>>
        %dma_wait3A_995 = arith.constant 0 : i32
        %dma_wait3A_996 = tpu.memref_slice %dma_wait3A_994[%add3A_986, %dma_wait3A_995] : memref<160x128xi32, #tpu.memory_space<hbm>> -> memref<1x128xi32, #tpu.memory_space<hbm>>
        %dma_wait3A_997 = tpu.memref_squeeze %dma_wait3A_996 : memref<1x128xi32, #tpu.memory_space<hbm>> -> memref<128xi32, #tpu.memory_space<hbm>>
        %dma_wait3A_998 = arith.constant 0 : i32
        %dma_wait3A_999 = tpu.memref_slice %arg6[%dma_wait3A_987, %dma_wait3A_998] : memref<10x128xi32, #tpu.memory_space<vmem>> -> memref<1x128xi32, #tpu.memory_space<vmem>>
        %dma_wait3A_1000 = tpu.memref_squeeze %dma_wait3A_999 : memref<1x128xi32, #tpu.memory_space<vmem>> -> memref<128xi32, #tpu.memory_space<vmem>>
        %dma_wait3A_1001 = arith.constant 0 : i32
        %dma_wait3A_1002 = arith.constant 0 : i32
        %dma_wait3A_1003 = tpu.memref_slice %arg3[%arg1, %dma_wait3A_1001, %dma_wait3A_1002] : memref<16x160x128xi32, #tpu.memory_space<hbm>> -> memref<1x160x128xi32, #tpu.memory_space<hbm>>
        %dma_wait3A_1004 = tpu.memref_squeeze %dma_wait3A_1003 : memref<1x160x128xi32, #tpu.memory_space<hbm>> -> memref<160x128xi32, #tpu.memory_space<hbm>>
        %dma_wait3A_1005 = arith.constant 0 : i32
        %dma_wait3A_1006 = tpu.memref_slice %dma_wait3A_1004[%add3A_986, %dma_wait3A_1005] : memref<160x128xi32, #tpu.memory_space<hbm>> -> memref<1x128xi32, #tpu.memory_space<hbm>>
        %dma_wait3A_1007 = tpu.memref_squeeze %dma_wait3A_1006 : memref<1x128xi32, #tpu.memory_space<hbm>> -> memref<128xi32, #tpu.memory_space<hbm>>
        tpu.wait_dma2 semaphore(%arg30 : memref<!tpu.dma_semaphore, #tpu.memory_space<semaphore_mem>>) src(%dma_wait3A_1007 : memref<128xi32, #tpu.memory_space<hbm>>) dst(%dma_wait3A_1000 : memref<128xi32, #tpu.memory_space<vmem>>)
        %add3A_1008 = arith.constant 2 : i32
        %add3A_1009 = arith.addi %add3A_784, %add3A_1008 : i32
        %dma_start3A_1010 = arith.constant 9 : i32
        %dma_start3A_1011 = arith.constant 4 : i32
        %dma_start3A_1012 = arith.constant 0 : i32
        %dma_start3A_1013 = arith.constant 0 : i32
        %dma_start3A_1014 = tpu.memref_slice %arg8[%dma_start3A_1011, %dma_start3A_1012, %dma_start3A_1013] : memref<5x128x64xf32, #tpu.memory_space<vmem>> -> memref<1x128x64xf32, #tpu.memory_space<vmem>>
        %dma_start3A_1015 = tpu.memref_squeeze %dma_start3A_1014 : memref<1x128x64xf32, #tpu.memory_space<vmem>> -> memref<128x64xf32, #tpu.memory_space<vmem>>
        %dma_start3A_1016 = arith.constant 0 : i32
        %dma_start3A_1017 = tpu.memref_slice %arg6[%dma_start3A_1010, %dma_start3A_1016] : memref<10x128xi32, #tpu.memory_space<vmem>> -> memref<1x128xi32, #tpu.memory_space<vmem>>
        %dma_start3A_1018 = tpu.memref_squeeze %dma_start3A_1017 : memref<1x128xi32, #tpu.memory_space<vmem>> -> memref<128xi32, #tpu.memory_space<vmem>>
        %dma_start3A_1019 = arith.constant 0 : i32
        %dma_start3A_1020 = arith.constant 0 : i32
        %dma_start3A_1021 = tpu.memref_slice %arg10[%dma_start3A_1019, %dma_start3A_1020] : memref<10240x64xf32, #tpu.memory_space<vmem_shared>> -> memref<10240x64xf32, #tpu.memory_space<vmem_shared>>
        tpu.enqueue_indirect_dma source(%dma_start3A_1021 : memref<10240x64xf32, #tpu.memory_space<vmem_shared>>) target(%dma_start3A_1015 : memref<128x64xf32, #tpu.memory_space<vmem>>) offsets(%dma_start3A_1018 : memref<128xi32, #tpu.memory_space<vmem>>) semaphore(%arg15 : memref<!tpu.dma_semaphore, #tpu.memory_space<semaphore_mem>>)
      } else {
      }
      %dma_wait3A_804 = arith.constant 7 : i32
      %dma_wait3A_805 = arith.constant 2 : i32
      %dma_wait3A_806 = arith.constant 0 : i32
      %dma_wait3A_807 = arith.constant 0 : i32
      %dma_wait3A_808 = tpu.memref_slice %arg8[%dma_wait3A_805, %dma_wait3A_806, %dma_wait3A_807] : memref<5x128x64xf32, #tpu.memory_space<vmem>> -> memref<1x128x64xf32, #tpu.memory_space<vmem>>
      %dma_wait3A_809 = tpu.memref_squeeze %dma_wait3A_808 : memref<1x128x64xf32, #tpu.memory_space<vmem>> -> memref<128x64xf32, #tpu.memory_space<vmem>>
      %dma_wait3A_810 = arith.constant 0 : i32
      %dma_wait3A_811 = tpu.memref_slice %arg6[%dma_wait3A_804, %dma_wait3A_810] : memref<10x128xi32, #tpu.memory_space<vmem>> -> memref<1x128xi32, #tpu.memory_space<vmem>>
      %dma_wait3A_812 = tpu.memref_squeeze %dma_wait3A_811 : memref<1x128xi32, #tpu.memory_space<vmem>> -> memref<128xi32, #tpu.memory_space<vmem>>
      %dma_wait3A_813 = arith.constant 0 : i32
      %dma_wait3A_814 = arith.constant 0 : i32
      %dma_wait3A_815 = tpu.memref_slice %arg10[%dma_wait3A_813, %dma_wait3A_814] : memref<10240x64xf32, #tpu.memory_space<vmem_shared>> -> memref<10240x64xf32, #tpu.memory_space<vmem_shared>>
      tpu.wait_indirect_dma semaphore(%arg13 : memref<!tpu.dma_semaphore, #tpu.memory_space<semaphore_mem>>) src(%dma_wait3A_815 : memref<10240x64xf32, #tpu.memory_space<vmem_shared>>) dst(%dma_wait3A_809 : memref<128x64xf32, #tpu.memory_space<vmem>>)
      %dma_wait3A_816 = arith.constant 7 : i32
      %dma_wait3A_817 = arith.constant 0 : i32
      %dma_wait3A_818 = tpu.memref_slice %arg7[%dma_wait3A_816, %dma_wait3A_817] : memref<10x128xi32, #tpu.memory_space<vmem>> -> memref<1x128xi32, #tpu.memory_space<vmem>>
      %dma_wait3A_819 = tpu.memref_squeeze %dma_wait3A_818 : memref<1x128xi32, #tpu.memory_space<vmem>> -> memref<128xi32, #tpu.memory_space<vmem>>
      %dma_wait3A_820 = arith.constant 0 : i32
      %dma_wait3A_821 = arith.constant 0 : i32
      %dma_wait3A_822 = tpu.memref_slice %arg4[%arg1, %dma_wait3A_820, %dma_wait3A_821] : memref<16x160x128xi32, #tpu.memory_space<hbm>> -> memref<1x160x128xi32, #tpu.memory_space<hbm>>
      %dma_wait3A_823 = tpu.memref_squeeze %dma_wait3A_822 : memref<1x160x128xi32, #tpu.memory_space<hbm>> -> memref<160x128xi32, #tpu.memory_space<hbm>>
      %dma_wait3A_824 = arith.constant 0 : i32
      %dma_wait3A_825 = tpu.memref_slice %dma_wait3A_823[%add3A_784, %dma_wait3A_824] : memref<160x128xi32, #tpu.memory_space<hbm>> -> memref<1x128xi32, #tpu.memory_space<hbm>>
      %dma_wait3A_826 = tpu.memref_squeeze %dma_wait3A_825 : memref<1x128xi32, #tpu.memory_space<hbm>> -> memref<128xi32, #tpu.memory_space<hbm>>
      %dma_wait3A_827 = arith.constant 0 : i32
      %dma_wait3A_828 = tpu.memref_slice %arg7[%dma_wait3A_816, %dma_wait3A_827] : memref<10x128xi32, #tpu.memory_space<vmem>> -> memref<1x128xi32, #tpu.memory_space<vmem>>
      %dma_wait3A_829 = tpu.memref_squeeze %dma_wait3A_828 : memref<1x128xi32, #tpu.memory_space<vmem>> -> memref<128xi32, #tpu.memory_space<vmem>>
      %dma_wait3A_830 = arith.constant 0 : i32
      %dma_wait3A_831 = arith.constant 0 : i32
      %dma_wait3A_832 = tpu.memref_slice %arg4[%arg1, %dma_wait3A_830, %dma_wait3A_831] : memref<16x160x128xi32, #tpu.memory_space<hbm>> -> memref<1x160x128xi32, #tpu.memory_space<hbm>>
      %dma_wait3A_833 = tpu.memref_squeeze %dma_wait3A_832 : memref<1x160x128xi32, #tpu.memory_space<hbm>> -> memref<160x128xi32, #tpu.memory_space<hbm>>
      %dma_wait3A_834 = arith.constant 0 : i32
      %dma_wait3A_835 = tpu.memref_slice %dma_wait3A_833[%add3A_784, %dma_wait3A_834] : memref<160x128xi32, #tpu.memory_space<hbm>> -> memref<1x128xi32, #tpu.memory_space<hbm>>
      %dma_wait3A_836 = tpu.memref_squeeze %dma_wait3A_835 : memref<1x128xi32, #tpu.memory_space<hbm>> -> memref<128xi32, #tpu.memory_space<hbm>>
      tpu.wait_dma2 semaphore(%arg38 : memref<!tpu.dma_semaphore, #tpu.memory_space<semaphore_mem>>) src(%dma_wait3A_836 : memref<128xi32, #tpu.memory_space<hbm>>) dst(%dma_wait3A_829 : memref<128xi32, #tpu.memory_space<vmem>>)
      %dma_start3A_837 = arith.constant 2 : i32
      %dma_start3A_838 = arith.constant 7 : i32
      %dma_start3A_839 = arith.constant 0 : i32
      %dma_start3A_840 = arith.constant 0 : i32
      %dma_start3A_841 = tpu.memref_slice %arg8[%dma_start3A_837, %dma_start3A_839, %dma_start3A_840] : memref<5x128x64xf32, #tpu.memory_space<vmem>> -> memref<1x128x64xf32, #tpu.memory_space<vmem>>
      %dma_start3A_842 = tpu.memref_squeeze %dma_start3A_841 : memref<1x128x64xf32, #tpu.memory_space<vmem>> -> memref<128x64xf32, #tpu.memory_space<vmem>>
      %dma_start3A_843 = arith.constant 0 : i32
      %dma_start3A_844 = tpu.memref_slice %arg7[%dma_start3A_838, %dma_start3A_843] : memref<10x128xi32, #tpu.memory_space<vmem>> -> memref<1x128xi32, #tpu.memory_space<vmem>>
      %dma_start3A_845 = tpu.memref_squeeze %dma_start3A_844 : memref<1x128xi32, #tpu.memory_space<vmem>> -> memref<128xi32, #tpu.memory_space<vmem>>
      %dma_start3A_846 = arith.constant 0 : i32
      %dma_start3A_847 = arith.constant 0 : i32
      %dma_start3A_848 = tpu.memref_slice %arg9[%dma_start3A_846, %dma_start3A_847] : memref<10240x64xf32, #tpu.memory_space<vmem_shared>> -> memref<10240x64xf32, #tpu.memory_space<vmem_shared>>
      tpu.enqueue_indirect_dma source(%dma_start3A_842 : memref<128x64xf32, #tpu.memory_space<vmem>>) target(%dma_start3A_848 : memref<10240x64xf32, #tpu.memory_space<vmem_shared>>) offsets(%dma_start3A_845 : memref<128xi32, #tpu.memory_space<vmem>>) semaphore(%arg18 : memref<!tpu.dma_semaphore, #tpu.memory_space<semaphore_mem>>) {add = true}
      %mul3A_849 = arith.constant 10 : i32
      %mul3A_850 = arith.muli %scan3A_308, %mul3A_849 : i32
      %add3A_851 = arith.constant 8 : i32
      %add3A_852 = arith.addi %mul3A_850, %add3A_851 : i32
      %ge3A_853 = arith.constant 2 : i32
      %ge3A_854 = arith.cmpi sge, %add3A_852, %ge3A_853 : i32
      %convert_element_type3A_855 = arith.extui %ge3A_854 : i1 to i32
      %cond3A_856 = arith.constant 0 : i32
      %cond3A_857 = arith.cmpi ne, %convert_element_type3A_855, %cond3A_856 : i32
      scf.if %cond3A_857 {
        %sub3A = arith.constant 2 : i32
        %sub3A_985 = arith.subi %add3A_852, %sub3A : i32
        %dma_wait3A_986 = arith.constant 1 : i32
        %dma_wait3A_987 = arith.constant 6 : i32
        %dma_wait3A_988 = arith.constant 0 : i32
        %dma_wait3A_989 = arith.constant 0 : i32
        %dma_wait3A_990 = tpu.memref_slice %arg8[%dma_wait3A_986, %dma_wait3A_988, %dma_wait3A_989] : memref<5x128x64xf32, #tpu.memory_space<vmem>> -> memref<1x128x64xf32, #tpu.memory_space<vmem>>
        %dma_wait3A_991 = tpu.memref_squeeze %dma_wait3A_990 : memref<1x128x64xf32, #tpu.memory_space<vmem>> -> memref<128x64xf32, #tpu.memory_space<vmem>>
        %dma_wait3A_992 = arith.constant 0 : i32
        %dma_wait3A_993 = tpu.memref_slice %arg7[%dma_wait3A_987, %dma_wait3A_992] : memref<10x128xi32, #tpu.memory_space<vmem>> -> memref<1x128xi32, #tpu.memory_space<vmem>>
        %dma_wait3A_994 = tpu.memref_squeeze %dma_wait3A_993 : memref<1x128xi32, #tpu.memory_space<vmem>> -> memref<128xi32, #tpu.memory_space<vmem>>
        %dma_wait3A_995 = arith.constant 0 : i32
        %dma_wait3A_996 = arith.constant 0 : i32
        %dma_wait3A_997 = tpu.memref_slice %arg9[%dma_wait3A_995, %dma_wait3A_996] : memref<10240x64xf32, #tpu.memory_space<vmem_shared>> -> memref<10240x64xf32, #tpu.memory_space<vmem_shared>>
        tpu.wait_indirect_dma semaphore(%arg17 : memref<!tpu.dma_semaphore, #tpu.memory_space<semaphore_mem>>) src(%dma_wait3A_991 : memref<128x64xf32, #tpu.memory_space<vmem>>) dst(%dma_wait3A_997 : memref<10240x64xf32, #tpu.memory_space<vmem_shared>>)
      } else {
      }
      %add3A_858 = arith.constant 4 : i32
      %add3A_859 = arith.addi %add3A_852, %add3A_858 : i32
      %lt3A_860 = arith.constant 160 : i32
      %lt3A_861 = arith.cmpi slt, %add3A_859, %lt3A_860 : i32
      %convert_element_type3A_862 = arith.extui %lt3A_861 : i1 to i32
      %cond3A_863 = arith.constant 0 : i32
      %cond3A_864 = arith.cmpi ne, %convert_element_type3A_862, %cond3A_863 : i32
      scf.if %cond3A_864 {
        %add3A_985 = arith.constant 4 : i32
        %add3A_986 = arith.addi %add3A_852, %add3A_985 : i32
        %dma_start3A_987 = arith.constant 2 : i32
        %dma_start3A_988 = arith.constant 0 : i32
        %dma_start3A_989 = tpu.memref_slice %arg6[%dma_start3A_987, %dma_start3A_988] : memref<10x128xi32, #tpu.memory_space<vmem>> -> memref<1x128xi32, #tpu.memory_space<vmem>>
        %dma_start3A_990 = tpu.memref_squeeze %dma_start3A_989 : memref<1x128xi32, #tpu.memory_space<vmem>> -> memref<128xi32, #tpu.memory_space<vmem>>
        %dma_start3A_991 = arith.constant 0 : i32
        %dma_start3A_992 = arith.constant 0 : i32
        %dma_start3A_993 = tpu.memref_slice %arg3[%arg1, %dma_start3A_991, %dma_start3A_992] : memref<16x160x128xi32, #tpu.memory_space<hbm>> -> memref<1x160x128xi32, #tpu.memory_space<hbm>>
        %dma_start3A_994 = tpu.memref_squeeze %dma_start3A_993 : memref<1x160x128xi32, #tpu.memory_space<hbm>> -> memref<160x128xi32, #tpu.memory_space<hbm>>
        %dma_start3A_995 = arith.constant 0 : i32
        %dma_start3A_996 = tpu.memref_slice %dma_start3A_994[%add3A_986, %dma_start3A_995] : memref<160x128xi32, #tpu.memory_space<hbm>> -> memref<1x128xi32, #tpu.memory_space<hbm>>
        %dma_start3A_997 = tpu.memref_squeeze %dma_start3A_996 : memref<1x128xi32, #tpu.memory_space<hbm>> -> memref<128xi32, #tpu.memory_space<hbm>>
        %dma_start3A_998 = arith.constant 0 : i32
        %dma_start3A_999 = tpu.memref_slice %arg6[%dma_start3A_987, %dma_start3A_998] : memref<10x128xi32, #tpu.memory_space<vmem>> -> memref<1x128xi32, #tpu.memory_space<vmem>>
        %dma_start3A_1000 = tpu.memref_squeeze %dma_start3A_999 : memref<1x128xi32, #tpu.memory_space<vmem>> -> memref<128xi32, #tpu.memory_space<vmem>>
        %dma_start3A_1001 = arith.constant 0 : i32
        %dma_start3A_1002 = arith.constant 0 : i32
        %dma_start3A_1003 = tpu.memref_slice %arg3[%arg1, %dma_start3A_1001, %dma_start3A_1002] : memref<16x160x128xi32, #tpu.memory_space<hbm>> -> memref<1x160x128xi32, #tpu.memory_space<hbm>>
        %dma_start3A_1004 = tpu.memref_squeeze %dma_start3A_1003 : memref<1x160x128xi32, #tpu.memory_space<hbm>> -> memref<160x128xi32, #tpu.memory_space<hbm>>
        %dma_start3A_1005 = arith.constant 0 : i32
        %dma_start3A_1006 = tpu.memref_slice %dma_start3A_1004[%add3A_986, %dma_start3A_1005] : memref<160x128xi32, #tpu.memory_space<hbm>> -> memref<1x128xi32, #tpu.memory_space<hbm>>
        %dma_start3A_1007 = tpu.memref_squeeze %dma_start3A_1006 : memref<1x128xi32, #tpu.memory_space<hbm>> -> memref<128xi32, #tpu.memory_space<hbm>>
        tpu.enqueue_dma source(%dma_start3A_1007 : memref<128xi32, #tpu.memory_space<hbm>>) target(%dma_start3A_1000 : memref<128xi32, #tpu.memory_space<vmem>>) target_semaphore(%arg23 : memref<!tpu.dma_semaphore, #tpu.memory_space<semaphore_mem>>)
        %dma_start3A_1008 = arith.constant 2 : i32
        %dma_start3A_1009 = arith.constant 0 : i32
        %dma_start3A_1010 = tpu.memref_slice %arg7[%dma_start3A_1008, %dma_start3A_1009] : memref<10x128xi32, #tpu.memory_space<vmem>> -> memref<1x128xi32, #tpu.memory_space<vmem>>
        %dma_start3A_1011 = tpu.memref_squeeze %dma_start3A_1010 : memref<1x128xi32, #tpu.memory_space<vmem>> -> memref<128xi32, #tpu.memory_space<vmem>>
        %dma_start3A_1012 = arith.constant 0 : i32
        %dma_start3A_1013 = arith.constant 0 : i32
        %dma_start3A_1014 = tpu.memref_slice %arg4[%arg1, %dma_start3A_1012, %dma_start3A_1013] : memref<16x160x128xi32, #tpu.memory_space<hbm>> -> memref<1x160x128xi32, #tpu.memory_space<hbm>>
        %dma_start3A_1015 = tpu.memref_squeeze %dma_start3A_1014 : memref<1x160x128xi32, #tpu.memory_space<hbm>> -> memref<160x128xi32, #tpu.memory_space<hbm>>
        %dma_start3A_1016 = arith.constant 0 : i32
        %dma_start3A_1017 = tpu.memref_slice %dma_start3A_1015[%add3A_986, %dma_start3A_1016] : memref<160x128xi32, #tpu.memory_space<hbm>> -> memref<1x128xi32, #tpu.memory_space<hbm>>
        %dma_start3A_1018 = tpu.memref_squeeze %dma_start3A_1017 : memref<1x128xi32, #tpu.memory_space<hbm>> -> memref<128xi32, #tpu.memory_space<hbm>>
        %dma_start3A_1019 = arith.constant 0 : i32
        %dma_start3A_1020 = tpu.memref_slice %arg7[%dma_start3A_1008, %dma_start3A_1019] : memref<10x128xi32, #tpu.memory_space<vmem>> -> memref<1x128xi32, #tpu.memory_space<vmem>>
        %dma_start3A_1021 = tpu.memref_squeeze %dma_start3A_1020 : memref<1x128xi32, #tpu.memory_space<vmem>> -> memref<128xi32, #tpu.memory_space<vmem>>
        %dma_start3A_1022 = arith.constant 0 : i32
        %dma_start3A_1023 = arith.constant 0 : i32
        %dma_start3A_1024 = tpu.memref_slice %arg4[%arg1, %dma_start3A_1022, %dma_start3A_1023] : memref<16x160x128xi32, #tpu.memory_space<hbm>> -> memref<1x160x128xi32, #tpu.memory_space<hbm>>
        %dma_start3A_1025 = tpu.memref_squeeze %dma_start3A_1024 : memref<1x160x128xi32, #tpu.memory_space<hbm>> -> memref<160x128xi32, #tpu.memory_space<hbm>>
        %dma_start3A_1026 = arith.constant 0 : i32
        %dma_start3A_1027 = tpu.memref_slice %dma_start3A_1025[%add3A_986, %dma_start3A_1026] : memref<160x128xi32, #tpu.memory_space<hbm>> -> memref<1x128xi32, #tpu.memory_space<hbm>>
        %dma_start3A_1028 = tpu.memref_squeeze %dma_start3A_1027 : memref<1x128xi32, #tpu.memory_space<hbm>> -> memref<128xi32, #tpu.memory_space<hbm>>
        tpu.enqueue_dma source(%dma_start3A_1028 : memref<128xi32, #tpu.memory_space<hbm>>) target(%dma_start3A_1021 : memref<128xi32, #tpu.memory_space<vmem>>) target_semaphore(%arg33 : memref<!tpu.dma_semaphore, #tpu.memory_space<semaphore_mem>>)
      } else {
      }
      %add3A_865 = arith.constant 2 : i32
      %add3A_866 = arith.addi %add3A_852, %add3A_865 : i32
      %lt3A_867 = arith.constant 160 : i32
      %lt3A_868 = arith.cmpi slt, %add3A_866, %lt3A_867 : i32
      %convert_element_type3A_869 = arith.extui %lt3A_868 : i1 to i32
      %cond3A_870 = arith.constant 0 : i32
      %cond3A_871 = arith.cmpi ne, %convert_element_type3A_869, %cond3A_870 : i32
      scf.if %cond3A_871 {
        %add3A_985 = arith.constant 2 : i32
        %add3A_986 = arith.addi %add3A_852, %add3A_985 : i32
        %dma_wait3A_987 = arith.constant 0 : i32
        %dma_wait3A_988 = arith.constant 0 : i32
        %dma_wait3A_989 = tpu.memref_slice %arg6[%dma_wait3A_987, %dma_wait3A_988] : memref<10x128xi32, #tpu.memory_space<vmem>> -> memref<1x128xi32, #tpu.memory_space<vmem>>
        %dma_wait3A_990 = tpu.memref_squeeze %dma_wait3A_989 : memref<1x128xi32, #tpu.memory_space<vmem>> -> memref<128xi32, #tpu.memory_space<vmem>>
        %dma_wait3A_991 = arith.constant 0 : i32
        %dma_wait3A_992 = arith.constant 0 : i32
        %dma_wait3A_993 = tpu.memref_slice %arg3[%arg1, %dma_wait3A_991, %dma_wait3A_992] : memref<16x160x128xi32, #tpu.memory_space<hbm>> -> memref<1x160x128xi32, #tpu.memory_space<hbm>>
        %dma_wait3A_994 = tpu.memref_squeeze %dma_wait3A_993 : memref<1x160x128xi32, #tpu.memory_space<hbm>> -> memref<160x128xi32, #tpu.memory_space<hbm>>
        %dma_wait3A_995 = arith.constant 0 : i32
        %dma_wait3A_996 = tpu.memref_slice %dma_wait3A_994[%add3A_986, %dma_wait3A_995] : memref<160x128xi32, #tpu.memory_space<hbm>> -> memref<1x128xi32, #tpu.memory_space<hbm>>
        %dma_wait3A_997 = tpu.memref_squeeze %dma_wait3A_996 : memref<1x128xi32, #tpu.memory_space<hbm>> -> memref<128xi32, #tpu.memory_space<hbm>>
        %dma_wait3A_998 = arith.constant 0 : i32
        %dma_wait3A_999 = tpu.memref_slice %arg6[%dma_wait3A_987, %dma_wait3A_998] : memref<10x128xi32, #tpu.memory_space<vmem>> -> memref<1x128xi32, #tpu.memory_space<vmem>>
        %dma_wait3A_1000 = tpu.memref_squeeze %dma_wait3A_999 : memref<1x128xi32, #tpu.memory_space<vmem>> -> memref<128xi32, #tpu.memory_space<vmem>>
        %dma_wait3A_1001 = arith.constant 0 : i32
        %dma_wait3A_1002 = arith.constant 0 : i32
        %dma_wait3A_1003 = tpu.memref_slice %arg3[%arg1, %dma_wait3A_1001, %dma_wait3A_1002] : memref<16x160x128xi32, #tpu.memory_space<hbm>> -> memref<1x160x128xi32, #tpu.memory_space<hbm>>
        %dma_wait3A_1004 = tpu.memref_squeeze %dma_wait3A_1003 : memref<1x160x128xi32, #tpu.memory_space<hbm>> -> memref<160x128xi32, #tpu.memory_space<hbm>>
        %dma_wait3A_1005 = arith.constant 0 : i32
        %dma_wait3A_1006 = tpu.memref_slice %dma_wait3A_1004[%add3A_986, %dma_wait3A_1005] : memref<160x128xi32, #tpu.memory_space<hbm>> -> memref<1x128xi32, #tpu.memory_space<hbm>>
        %dma_wait3A_1007 = tpu.memref_squeeze %dma_wait3A_1006 : memref<1x128xi32, #tpu.memory_space<hbm>> -> memref<128xi32, #tpu.memory_space<hbm>>
        tpu.wait_dma2 semaphore(%arg21 : memref<!tpu.dma_semaphore, #tpu.memory_space<semaphore_mem>>) src(%dma_wait3A_1007 : memref<128xi32, #tpu.memory_space<hbm>>) dst(%dma_wait3A_1000 : memref<128xi32, #tpu.memory_space<vmem>>)
        %add3A_1008 = arith.constant 2 : i32
        %add3A_1009 = arith.addi %add3A_852, %add3A_1008 : i32
        %dma_start3A_1010 = arith.constant 0 : i32
        %dma_start3A_1011 = arith.constant 0 : i32
        %dma_start3A_1012 = arith.constant 0 : i32
        %dma_start3A_1013 = arith.constant 0 : i32
        %dma_start3A_1014 = tpu.memref_slice %arg8[%dma_start3A_1011, %dma_start3A_1012, %dma_start3A_1013] : memref<5x128x64xf32, #tpu.memory_space<vmem>> -> memref<1x128x64xf32, #tpu.memory_space<vmem>>
        %dma_start3A_1015 = tpu.memref_squeeze %dma_start3A_1014 : memref<1x128x64xf32, #tpu.memory_space<vmem>> -> memref<128x64xf32, #tpu.memory_space<vmem>>
        %dma_start3A_1016 = arith.constant 0 : i32
        %dma_start3A_1017 = tpu.memref_slice %arg6[%dma_start3A_1010, %dma_start3A_1016] : memref<10x128xi32, #tpu.memory_space<vmem>> -> memref<1x128xi32, #tpu.memory_space<vmem>>
        %dma_start3A_1018 = tpu.memref_squeeze %dma_start3A_1017 : memref<1x128xi32, #tpu.memory_space<vmem>> -> memref<128xi32, #tpu.memory_space<vmem>>
        %dma_start3A_1019 = arith.constant 0 : i32
        %dma_start3A_1020 = arith.constant 0 : i32
        %dma_start3A_1021 = tpu.memref_slice %arg10[%dma_start3A_1019, %dma_start3A_1020] : memref<10240x64xf32, #tpu.memory_space<vmem_shared>> -> memref<10240x64xf32, #tpu.memory_space<vmem_shared>>
        tpu.enqueue_indirect_dma source(%dma_start3A_1021 : memref<10240x64xf32, #tpu.memory_space<vmem_shared>>) target(%dma_start3A_1015 : memref<128x64xf32, #tpu.memory_space<vmem>>) offsets(%dma_start3A_1018 : memref<128xi32, #tpu.memory_space<vmem>>) semaphore(%arg11 : memref<!tpu.dma_semaphore, #tpu.memory_space<semaphore_mem>>)
      } else {
      }
      %dma_wait3A_872 = arith.constant 8 : i32
      %dma_wait3A_873 = arith.constant 3 : i32
      %dma_wait3A_874 = arith.constant 0 : i32
      %dma_wait3A_875 = arith.constant 0 : i32
      %dma_wait3A_876 = tpu.memref_slice %arg8[%dma_wait3A_873, %dma_wait3A_874, %dma_wait3A_875] : memref<5x128x64xf32, #tpu.memory_space<vmem>> -> memref<1x128x64xf32, #tpu.memory_space<vmem>>
      %dma_wait3A_877 = tpu.memref_squeeze %dma_wait3A_876 : memref<1x128x64xf32, #tpu.memory_space<vmem>> -> memref<128x64xf32, #tpu.memory_space<vmem>>
      %dma_wait3A_878 = arith.constant 0 : i32
      %dma_wait3A_879 = tpu.memref_slice %arg6[%dma_wait3A_872, %dma_wait3A_878] : memref<10x128xi32, #tpu.memory_space<vmem>> -> memref<1x128xi32, #tpu.memory_space<vmem>>
      %dma_wait3A_880 = tpu.memref_squeeze %dma_wait3A_879 : memref<1x128xi32, #tpu.memory_space<vmem>> -> memref<128xi32, #tpu.memory_space<vmem>>
      %dma_wait3A_881 = arith.constant 0 : i32
      %dma_wait3A_882 = arith.constant 0 : i32
      %dma_wait3A_883 = tpu.memref_slice %arg10[%dma_wait3A_881, %dma_wait3A_882] : memref<10240x64xf32, #tpu.memory_space<vmem_shared>> -> memref<10240x64xf32, #tpu.memory_space<vmem_shared>>
      tpu.wait_indirect_dma semaphore(%arg14 : memref<!tpu.dma_semaphore, #tpu.memory_space<semaphore_mem>>) src(%dma_wait3A_883 : memref<10240x64xf32, #tpu.memory_space<vmem_shared>>) dst(%dma_wait3A_877 : memref<128x64xf32, #tpu.memory_space<vmem>>)
      %dma_wait3A_884 = arith.constant 8 : i32
      %dma_wait3A_885 = arith.constant 0 : i32
      %dma_wait3A_886 = tpu.memref_slice %arg7[%dma_wait3A_884, %dma_wait3A_885] : memref<10x128xi32, #tpu.memory_space<vmem>> -> memref<1x128xi32, #tpu.memory_space<vmem>>
      %dma_wait3A_887 = tpu.memref_squeeze %dma_wait3A_886 : memref<1x128xi32, #tpu.memory_space<vmem>> -> memref<128xi32, #tpu.memory_space<vmem>>
      %dma_wait3A_888 = arith.constant 0 : i32
      %dma_wait3A_889 = arith.constant 0 : i32
      %dma_wait3A_890 = tpu.memref_slice %arg4[%arg1, %dma_wait3A_888, %dma_wait3A_889] : memref<16x160x128xi32, #tpu.memory_space<hbm>> -> memref<1x160x128xi32, #tpu.memory_space<hbm>>
      %dma_wait3A_891 = tpu.memref_squeeze %dma_wait3A_890 : memref<1x160x128xi32, #tpu.memory_space<hbm>> -> memref<160x128xi32, #tpu.memory_space<hbm>>
      %dma_wait3A_892 = arith.constant 0 : i32
      %dma_wait3A_893 = tpu.memref_slice %dma_wait3A_891[%add3A_852, %dma_wait3A_892] : memref<160x128xi32, #tpu.memory_space<hbm>> -> memref<1x128xi32, #tpu.memory_space<hbm>>
      %dma_wait3A_894 = tpu.memref_squeeze %dma_wait3A_893 : memref<1x128xi32, #tpu.memory_space<hbm>> -> memref<128xi32, #tpu.memory_space<hbm>>
      %dma_wait3A_895 = arith.constant 0 : i32
      %dma_wait3A_896 = tpu.memref_slice %arg7[%dma_wait3A_884, %dma_wait3A_895] : memref<10x128xi32, #tpu.memory_space<vmem>> -> memref<1x128xi32, #tpu.memory_space<vmem>>
      %dma_wait3A_897 = tpu.memref_squeeze %dma_wait3A_896 : memref<1x128xi32, #tpu.memory_space<vmem>> -> memref<128xi32, #tpu.memory_space<vmem>>
      %dma_wait3A_898 = arith.constant 0 : i32
      %dma_wait3A_899 = arith.constant 0 : i32
      %dma_wait3A_900 = tpu.memref_slice %arg4[%arg1, %dma_wait3A_898, %dma_wait3A_899] : memref<16x160x128xi32, #tpu.memory_space<hbm>> -> memref<1x160x128xi32, #tpu.memory_space<hbm>>
      %dma_wait3A_901 = tpu.memref_squeeze %dma_wait3A_900 : memref<1x160x128xi32, #tpu.memory_space<hbm>> -> memref<160x128xi32, #tpu.memory_space<hbm>>
      %dma_wait3A_902 = arith.constant 0 : i32
      %dma_wait3A_903 = tpu.memref_slice %dma_wait3A_901[%add3A_852, %dma_wait3A_902] : memref<160x128xi32, #tpu.memory_space<hbm>> -> memref<1x128xi32, #tpu.memory_space<hbm>>
      %dma_wait3A_904 = tpu.memref_squeeze %dma_wait3A_903 : memref<1x128xi32, #tpu.memory_space<hbm>> -> memref<128xi32, #tpu.memory_space<hbm>>
      tpu.wait_dma2 semaphore(%arg39 : memref<!tpu.dma_semaphore, #tpu.memory_space<semaphore_mem>>) src(%dma_wait3A_904 : memref<128xi32, #tpu.memory_space<hbm>>) dst(%dma_wait3A_897 : memref<128xi32, #tpu.memory_space<vmem>>)
      %dma_start3A_905 = arith.constant 3 : i32
      %dma_start3A_906 = arith.constant 8 : i32
      %dma_start3A_907 = arith.constant 0 : i32
      %dma_start3A_908 = arith.constant 0 : i32
      %dma_start3A_909 = tpu.memref_slice %arg8[%dma_start3A_905, %dma_start3A_907, %dma_start3A_908] : memref<5x128x64xf32, #tpu.memory_space<vmem>> -> memref<1x128x64xf32, #tpu.memory_space<vmem>>
      %dma_start3A_910 = tpu.memref_squeeze %dma_start3A_909 : memref<1x128x64xf32, #tpu.memory_space<vmem>> -> memref<128x64xf32, #tpu.memory_space<vmem>>
      %dma_start3A_911 = arith.constant 0 : i32
      %dma_start3A_912 = tpu.memref_slice %arg7[%dma_start3A_906, %dma_start3A_911] : memref<10x128xi32, #tpu.memory_space<vmem>> -> memref<1x128xi32, #tpu.memory_space<vmem>>
      %dma_start3A_913 = tpu.memref_squeeze %dma_start3A_912 : memref<1x128xi32, #tpu.memory_space<vmem>> -> memref<128xi32, #tpu.memory_space<vmem>>
      %dma_start3A_914 = arith.constant 0 : i32
      %dma_start3A_915 = arith.constant 0 : i32
      %dma_start3A_916 = tpu.memref_slice %arg9[%dma_start3A_914, %dma_start3A_915] : memref<10240x64xf32, #tpu.memory_space<vmem_shared>> -> memref<10240x64xf32, #tpu.memory_space<vmem_shared>>
      tpu.enqueue_indirect_dma source(%dma_start3A_910 : memref<128x64xf32, #tpu.memory_space<vmem>>) target(%dma_start3A_916 : memref<10240x64xf32, #tpu.memory_space<vmem_shared>>) offsets(%dma_start3A_913 : memref<128xi32, #tpu.memory_space<vmem>>) semaphore(%arg19 : memref<!tpu.dma_semaphore, #tpu.memory_space<semaphore_mem>>) {add = true}
      %mul3A_917 = arith.constant 10 : i32
      %mul3A_918 = arith.muli %scan3A_308, %mul3A_917 : i32
      %add3A_919 = arith.constant 9 : i32
      %add3A_920 = arith.addi %mul3A_918, %add3A_919 : i32
      %ge3A_921 = arith.constant 2 : i32
      %ge3A_922 = arith.cmpi sge, %add3A_920, %ge3A_921 : i32
      %convert_element_type3A_923 = arith.extui %ge3A_922 : i1 to i32
      %cond3A_924 = arith.constant 0 : i32
      %cond3A_925 = arith.cmpi ne, %convert_element_type3A_923, %cond3A_924 : i32
      scf.if %cond3A_925 {
        %sub3A = arith.constant 2 : i32
        %sub3A_985 = arith.subi %add3A_920, %sub3A : i32
        %dma_wait3A_986 = arith.constant 2 : i32
        %dma_wait3A_987 = arith.constant 7 : i32
        %dma_wait3A_988 = arith.constant 0 : i32
        %dma_wait3A_989 = arith.constant 0 : i32
        %dma_wait3A_990 = tpu.memref_slice %arg8[%dma_wait3A_986, %dma_wait3A_988, %dma_wait3A_989] : memref<5x128x64xf32, #tpu.memory_space<vmem>> -> memref<1x128x64xf32, #tpu.memory_space<vmem>>
        %dma_wait3A_991 = tpu.memref_squeeze %dma_wait3A_990 : memref<1x128x64xf32, #tpu.memory_space<vmem>> -> memref<128x64xf32, #tpu.memory_space<vmem>>
        %dma_wait3A_992 = arith.constant 0 : i32
        %dma_wait3A_993 = tpu.memref_slice %arg7[%dma_wait3A_987, %dma_wait3A_992] : memref<10x128xi32, #tpu.memory_space<vmem>> -> memref<1x128xi32, #tpu.memory_space<vmem>>
        %dma_wait3A_994 = tpu.memref_squeeze %dma_wait3A_993 : memref<1x128xi32, #tpu.memory_space<vmem>> -> memref<128xi32, #tpu.memory_space<vmem>>
        %dma_wait3A_995 = arith.constant 0 : i32
        %dma_wait3A_996 = arith.constant 0 : i32
        %dma_wait3A_997 = tpu.memref_slice %arg9[%dma_wait3A_995, %dma_wait3A_996] : memref<10240x64xf32, #tpu.memory_space<vmem_shared>> -> memref<10240x64xf32, #tpu.memory_space<vmem_shared>>
        tpu.wait_indirect_dma semaphore(%arg18 : memref<!tpu.dma_semaphore, #tpu.memory_space<semaphore_mem>>) src(%dma_wait3A_991 : memref<128x64xf32, #tpu.memory_space<vmem>>) dst(%dma_wait3A_997 : memref<10240x64xf32, #tpu.memory_space<vmem_shared>>)
      } else {
      }
      %add3A_926 = arith.constant 4 : i32
      %add3A_927 = arith.addi %add3A_920, %add3A_926 : i32
      %lt3A_928 = arith.constant 160 : i32
      %lt3A_929 = arith.cmpi slt, %add3A_927, %lt3A_928 : i32
      %convert_element_type3A_930 = arith.extui %lt3A_929 : i1 to i32
      %cond3A_931 = arith.constant 0 : i32
      %cond3A_932 = arith.cmpi ne, %convert_element_type3A_930, %cond3A_931 : i32
      scf.if %cond3A_932 {
        %add3A_985 = arith.constant 4 : i32
        %add3A_986 = arith.addi %add3A_920, %add3A_985 : i32
        %dma_start3A_987 = arith.constant 3 : i32
        %dma_start3A_988 = arith.constant 0 : i32
        %dma_start3A_989 = tpu.memref_slice %arg6[%dma_start3A_987, %dma_start3A_988] : memref<10x128xi32, #tpu.memory_space<vmem>> -> memref<1x128xi32, #tpu.memory_space<vmem>>
        %dma_start3A_990 = tpu.memref_squeeze %dma_start3A_989 : memref<1x128xi32, #tpu.memory_space<vmem>> -> memref<128xi32, #tpu.memory_space<vmem>>
        %dma_start3A_991 = arith.constant 0 : i32
        %dma_start3A_992 = arith.constant 0 : i32
        %dma_start3A_993 = tpu.memref_slice %arg3[%arg1, %dma_start3A_991, %dma_start3A_992] : memref<16x160x128xi32, #tpu.memory_space<hbm>> -> memref<1x160x128xi32, #tpu.memory_space<hbm>>
        %dma_start3A_994 = tpu.memref_squeeze %dma_start3A_993 : memref<1x160x128xi32, #tpu.memory_space<hbm>> -> memref<160x128xi32, #tpu.memory_space<hbm>>
        %dma_start3A_995 = arith.constant 0 : i32
        %dma_start3A_996 = tpu.memref_slice %dma_start3A_994[%add3A_986, %dma_start3A_995] : memref<160x128xi32, #tpu.memory_space<hbm>> -> memref<1x128xi32, #tpu.memory_space<hbm>>
        %dma_start3A_997 = tpu.memref_squeeze %dma_start3A_996 : memref<1x128xi32, #tpu.memory_space<hbm>> -> memref<128xi32, #tpu.memory_space<hbm>>
        %dma_start3A_998 = arith.constant 0 : i32
        %dma_start3A_999 = tpu.memref_slice %arg6[%dma_start3A_987, %dma_start3A_998] : memref<10x128xi32, #tpu.memory_space<vmem>> -> memref<1x128xi32, #tpu.memory_space<vmem>>
        %dma_start3A_1000 = tpu.memref_squeeze %dma_start3A_999 : memref<1x128xi32, #tpu.memory_space<vmem>> -> memref<128xi32, #tpu.memory_space<vmem>>
        %dma_start3A_1001 = arith.constant 0 : i32
        %dma_start3A_1002 = arith.constant 0 : i32
        %dma_start3A_1003 = tpu.memref_slice %arg3[%arg1, %dma_start3A_1001, %dma_start3A_1002] : memref<16x160x128xi32, #tpu.memory_space<hbm>> -> memref<1x160x128xi32, #tpu.memory_space<hbm>>
        %dma_start3A_1004 = tpu.memref_squeeze %dma_start3A_1003 : memref<1x160x128xi32, #tpu.memory_space<hbm>> -> memref<160x128xi32, #tpu.memory_space<hbm>>
        %dma_start3A_1005 = arith.constant 0 : i32
        %dma_start3A_1006 = tpu.memref_slice %dma_start3A_1004[%add3A_986, %dma_start3A_1005] : memref<160x128xi32, #tpu.memory_space<hbm>> -> memref<1x128xi32, #tpu.memory_space<hbm>>
        %dma_start3A_1007 = tpu.memref_squeeze %dma_start3A_1006 : memref<1x128xi32, #tpu.memory_space<hbm>> -> memref<128xi32, #tpu.memory_space<hbm>>
        tpu.enqueue_dma source(%dma_start3A_1007 : memref<128xi32, #tpu.memory_space<hbm>>) target(%dma_start3A_1000 : memref<128xi32, #tpu.memory_space<vmem>>) target_semaphore(%arg24 : memref<!tpu.dma_semaphore, #tpu.memory_space<semaphore_mem>>)
        %dma_start3A_1008 = arith.constant 3 : i32
        %dma_start3A_1009 = arith.constant 0 : i32
        %dma_start3A_1010 = tpu.memref_slice %arg7[%dma_start3A_1008, %dma_start3A_1009] : memref<10x128xi32, #tpu.memory_space<vmem>> -> memref<1x128xi32, #tpu.memory_space<vmem>>
        %dma_start3A_1011 = tpu.memref_squeeze %dma_start3A_1010 : memref<1x128xi32, #tpu.memory_space<vmem>> -> memref<128xi32, #tpu.memory_space<vmem>>
        %dma_start3A_1012 = arith.constant 0 : i32
        %dma_start3A_1013 = arith.constant 0 : i32
        %dma_start3A_1014 = tpu.memref_slice %arg4[%arg1, %dma_start3A_1012, %dma_start3A_1013] : memref<16x160x128xi32, #tpu.memory_space<hbm>> -> memref<1x160x128xi32, #tpu.memory_space<hbm>>
        %dma_start3A_1015 = tpu.memref_squeeze %dma_start3A_1014 : memref<1x160x128xi32, #tpu.memory_space<hbm>> -> memref<160x128xi32, #tpu.memory_space<hbm>>
        %dma_start3A_1016 = arith.constant 0 : i32
        %dma_start3A_1017 = tpu.memref_slice %dma_start3A_1015[%add3A_986, %dma_start3A_1016] : memref<160x128xi32, #tpu.memory_space<hbm>> -> memref<1x128xi32, #tpu.memory_space<hbm>>
        %dma_start3A_1018 = tpu.memref_squeeze %dma_start3A_1017 : memref<1x128xi32, #tpu.memory_space<hbm>> -> memref<128xi32, #tpu.memory_space<hbm>>
        %dma_start3A_1019 = arith.constant 0 : i32
        %dma_start3A_1020 = tpu.memref_slice %arg7[%dma_start3A_1008, %dma_start3A_1019] : memref<10x128xi32, #tpu.memory_space<vmem>> -> memref<1x128xi32, #tpu.memory_space<vmem>>
        %dma_start3A_1021 = tpu.memref_squeeze %dma_start3A_1020 : memref<1x128xi32, #tpu.memory_space<vmem>> -> memref<128xi32, #tpu.memory_space<vmem>>
        %dma_start3A_1022 = arith.constant 0 : i32
        %dma_start3A_1023 = arith.constant 0 : i32
        %dma_start3A_1024 = tpu.memref_slice %arg4[%arg1, %dma_start3A_1022, %dma_start3A_1023] : memref<16x160x128xi32, #tpu.memory_space<hbm>> -> memref<1x160x128xi32, #tpu.memory_space<hbm>>
        %dma_start3A_1025 = tpu.memref_squeeze %dma_start3A_1024 : memref<1x160x128xi32, #tpu.memory_space<hbm>> -> memref<160x128xi32, #tpu.memory_space<hbm>>
        %dma_start3A_1026 = arith.constant 0 : i32
        %dma_start3A_1027 = tpu.memref_slice %dma_start3A_1025[%add3A_986, %dma_start3A_1026] : memref<160x128xi32, #tpu.memory_space<hbm>> -> memref<1x128xi32, #tpu.memory_space<hbm>>
        %dma_start3A_1028 = tpu.memref_squeeze %dma_start3A_1027 : memref<1x128xi32, #tpu.memory_space<hbm>> -> memref<128xi32, #tpu.memory_space<hbm>>
        tpu.enqueue_dma source(%dma_start3A_1028 : memref<128xi32, #tpu.memory_space<hbm>>) target(%dma_start3A_1021 : memref<128xi32, #tpu.memory_space<vmem>>) target_semaphore(%arg34 : memref<!tpu.dma_semaphore, #tpu.memory_space<semaphore_mem>>)
      } else {
      }
      %add3A_933 = arith.constant 2 : i32
      %add3A_934 = arith.addi %add3A_920, %add3A_933 : i32
      %lt3A_935 = arith.constant 160 : i32
      %lt3A_936 = arith.cmpi slt, %add3A_934, %lt3A_935 : i32
      %convert_element_type3A_937 = arith.extui %lt3A_936 : i1 to i32
      %cond3A_938 = arith.constant 0 : i32
      %cond3A_939 = arith.cmpi ne, %convert_element_type3A_937, %cond3A_938 : i32
      scf.if %cond3A_939 {
        %add3A_985 = arith.constant 2 : i32
        %add3A_986 = arith.addi %add3A_920, %add3A_985 : i32
        %dma_wait3A_987 = arith.constant 1 : i32
        %dma_wait3A_988 = arith.constant 0 : i32
        %dma_wait3A_989 = tpu.memref_slice %arg6[%dma_wait3A_987, %dma_wait3A_988] : memref<10x128xi32, #tpu.memory_space<vmem>> -> memref<1x128xi32, #tpu.memory_space<vmem>>
        %dma_wait3A_990 = tpu.memref_squeeze %dma_wait3A_989 : memref<1x128xi32, #tpu.memory_space<vmem>> -> memref<128xi32, #tpu.memory_space<vmem>>
        %dma_wait3A_991 = arith.constant 0 : i32
        %dma_wait3A_992 = arith.constant 0 : i32
        %dma_wait3A_993 = tpu.memref_slice %arg3[%arg1, %dma_wait3A_991, %dma_wait3A_992] : memref<16x160x128xi32, #tpu.memory_space<hbm>> -> memref<1x160x128xi32, #tpu.memory_space<hbm>>
        %dma_wait3A_994 = tpu.memref_squeeze %dma_wait3A_993 : memref<1x160x128xi32, #tpu.memory_space<hbm>> -> memref<160x128xi32, #tpu.memory_space<hbm>>
        %dma_wait3A_995 = arith.constant 0 : i32
        %dma_wait3A_996 = tpu.memref_slice %dma_wait3A_994[%add3A_986, %dma_wait3A_995] : memref<160x128xi32, #tpu.memory_space<hbm>> -> memref<1x128xi32, #tpu.memory_space<hbm>>
        %dma_wait3A_997 = tpu.memref_squeeze %dma_wait3A_996 : memref<1x128xi32, #tpu.memory_space<hbm>> -> memref<128xi32, #tpu.memory_space<hbm>>
        %dma_wait3A_998 = arith.constant 0 : i32
        %dma_wait3A_999 = tpu.memref_slice %arg6[%dma_wait3A_987, %dma_wait3A_998] : memref<10x128xi32, #tpu.memory_space<vmem>> -> memref<1x128xi32, #tpu.memory_space<vmem>>
        %dma_wait3A_1000 = tpu.memref_squeeze %dma_wait3A_999 : memref<1x128xi32, #tpu.memory_space<vmem>> -> memref<128xi32, #tpu.memory_space<vmem>>
        %dma_wait3A_1001 = arith.constant 0 : i32
        %dma_wait3A_1002 = arith.constant 0 : i32
        %dma_wait3A_1003 = tpu.memref_slice %arg3[%arg1, %dma_wait3A_1001, %dma_wait3A_1002] : memref<16x160x128xi32, #tpu.memory_space<hbm>> -> memref<1x160x128xi32, #tpu.memory_space<hbm>>
        %dma_wait3A_1004 = tpu.memref_squeeze %dma_wait3A_1003 : memref<1x160x128xi32, #tpu.memory_space<hbm>> -> memref<160x128xi32, #tpu.memory_space<hbm>>
        %dma_wait3A_1005 = arith.constant 0 : i32
        %dma_wait3A_1006 = tpu.memref_slice %dma_wait3A_1004[%add3A_986, %dma_wait3A_1005] : memref<160x128xi32, #tpu.memory_space<hbm>> -> memref<1x128xi32, #tpu.memory_space<hbm>>
        %dma_wait3A_1007 = tpu.memref_squeeze %dma_wait3A_1006 : memref<1x128xi32, #tpu.memory_space<hbm>> -> memref<128xi32, #tpu.memory_space<hbm>>
        tpu.wait_dma2 semaphore(%arg22 : memref<!tpu.dma_semaphore, #tpu.memory_space<semaphore_mem>>) src(%dma_wait3A_1007 : memref<128xi32, #tpu.memory_space<hbm>>) dst(%dma_wait3A_1000 : memref<128xi32, #tpu.memory_space<vmem>>)
        %add3A_1008 = arith.constant 2 : i32
        %add3A_1009 = arith.addi %add3A_920, %add3A_1008 : i32
        %dma_start3A_1010 = arith.constant 1 : i32
        %dma_start3A_1011 = arith.constant 1 : i32
        %dma_start3A_1012 = arith.constant 0 : i32
        %dma_start3A_1013 = arith.constant 0 : i32
        %dma_start3A_1014 = tpu.memref_slice %arg8[%dma_start3A_1011, %dma_start3A_1012, %dma_start3A_1013] : memref<5x128x64xf32, #tpu.memory_space<vmem>> -> memref<1x128x64xf32, #tpu.memory_space<vmem>>
        %dma_start3A_1015 = tpu.memref_squeeze %dma_start3A_1014 : memref<1x128x64xf32, #tpu.memory_space<vmem>> -> memref<128x64xf32, #tpu.memory_space<vmem>>
        %dma_start3A_1016 = arith.constant 0 : i32
        %dma_start3A_1017 = tpu.memref_slice %arg6[%dma_start3A_1010, %dma_start3A_1016] : memref<10x128xi32, #tpu.memory_space<vmem>> -> memref<1x128xi32, #tpu.memory_space<vmem>>
        %dma_start3A_1018 = tpu.memref_squeeze %dma_start3A_1017 : memref<1x128xi32, #tpu.memory_space<vmem>> -> memref<128xi32, #tpu.memory_space<vmem>>
        %dma_start3A_1019 = arith.constant 0 : i32
        %dma_start3A_1020 = arith.constant 0 : i32
        %dma_start3A_1021 = tpu.memref_slice %arg10[%dma_start3A_1019, %dma_start3A_1020] : memref<10240x64xf32, #tpu.memory_space<vmem_shared>> -> memref<10240x64xf32, #tpu.memory_space<vmem_shared>>
        tpu.enqueue_indirect_dma source(%dma_start3A_1021 : memref<10240x64xf32, #tpu.memory_space<vmem_shared>>) target(%dma_start3A_1015 : memref<128x64xf32, #tpu.memory_space<vmem>>) offsets(%dma_start3A_1018 : memref<128xi32, #tpu.memory_space<vmem>>) semaphore(%arg12 : memref<!tpu.dma_semaphore, #tpu.memory_space<semaphore_mem>>)
      } else {
      }
      %dma_wait3A_940 = arith.constant 9 : i32
      %dma_wait3A_941 = arith.constant 4 : i32
      %dma_wait3A_942 = arith.constant 0 : i32
      %dma_wait3A_943 = arith.constant 0 : i32
      %dma_wait3A_944 = tpu.memref_slice %arg8[%dma_wait3A_941, %dma_wait3A_942, %dma_wait3A_943] : memref<5x128x64xf32, #tpu.memory_space<vmem>> -> memref<1x128x64xf32, #tpu.memory_space<vmem>>
      %dma_wait3A_945 = tpu.memref_squeeze %dma_wait3A_944 : memref<1x128x64xf32, #tpu.memory_space<vmem>> -> memref<128x64xf32, #tpu.memory_space<vmem>>
      %dma_wait3A_946 = arith.constant 0 : i32
      %dma_wait3A_947 = tpu.memref_slice %arg6[%dma_wait3A_940, %dma_wait3A_946] : memref<10x128xi32, #tpu.memory_space<vmem>> -> memref<1x128xi32, #tpu.memory_space<vmem>>
      %dma_wait3A_948 = tpu.memref_squeeze %dma_wait3A_947 : memref<1x128xi32, #tpu.memory_space<vmem>> -> memref<128xi32, #tpu.memory_space<vmem>>
      %dma_wait3A_949 = arith.constant 0 : i32
      %dma_wait3A_950 = arith.constant 0 : i32
      %dma_wait3A_951 = tpu.memref_slice %arg10[%dma_wait3A_949, %dma_wait3A_950] : memref<10240x64xf32, #tpu.memory_space<vmem_shared>> -> memref<10240x64xf32, #tpu.memory_space<vmem_shared>>
      tpu.wait_indirect_dma semaphore(%arg15 : memref<!tpu.dma_semaphore, #tpu.memory_space<semaphore_mem>>) src(%dma_wait3A_951 : memref<10240x64xf32, #tpu.memory_space<vmem_shared>>) dst(%dma_wait3A_945 : memref<128x64xf32, #tpu.memory_space<vmem>>)
      %dma_wait3A_952 = arith.constant 9 : i32
      %dma_wait3A_953 = arith.constant 0 : i32
      %dma_wait3A_954 = tpu.memref_slice %arg7[%dma_wait3A_952, %dma_wait3A_953] : memref<10x128xi32, #tpu.memory_space<vmem>> -> memref<1x128xi32, #tpu.memory_space<vmem>>
      %dma_wait3A_955 = tpu.memref_squeeze %dma_wait3A_954 : memref<1x128xi32, #tpu.memory_space<vmem>> -> memref<128xi32, #tpu.memory_space<vmem>>
      %dma_wait3A_956 = arith.constant 0 : i32
      %dma_wait3A_957 = arith.constant 0 : i32
      %dma_wait3A_958 = tpu.memref_slice %arg4[%arg1, %dma_wait3A_956, %dma_wait3A_957] : memref<16x160x128xi32, #tpu.memory_space<hbm>> -> memref<1x160x128xi32, #tpu.memory_space<hbm>>
      %dma_wait3A_959 = tpu.memref_squeeze %dma_wait3A_958 : memref<1x160x128xi32, #tpu.memory_space<hbm>> -> memref<160x128xi32, #tpu.memory_space<hbm>>
      %dma_wait3A_960 = arith.constant 0 : i32
      %dma_wait3A_961 = tpu.memref_slice %dma_wait3A_959[%add3A_920, %dma_wait3A_960] : memref<160x128xi32, #tpu.memory_space<hbm>> -> memref<1x128xi32, #tpu.memory_space<hbm>>
      %dma_wait3A_962 = tpu.memref_squeeze %dma_wait3A_961 : memref<1x128xi32, #tpu.memory_space<hbm>> -> memref<128xi32, #tpu.memory_space<hbm>>
      %dma_wait3A_963 = arith.constant 0 : i32
      %dma_wait3A_964 = tpu.memref_slice %arg7[%dma_wait3A_952, %dma_wait3A_963] : memref<10x128xi32, #tpu.memory_space<vmem>> -> memref<1x128xi32, #tpu.memory_space<vmem>>
      %dma_wait3A_965 = tpu.memref_squeeze %dma_wait3A_964 : memref<1x128xi32, #tpu.memory_space<vmem>> -> memref<128xi32, #tpu.memory_space<vmem>>
      %dma_wait3A_966 = arith.constant 0 : i32
      %dma_wait3A_967 = arith.constant 0 : i32
      %dma_wait3A_968 = tpu.memref_slice %arg4[%arg1, %dma_wait3A_966, %dma_wait3A_967] : memref<16x160x128xi32, #tpu.memory_space<hbm>> -> memref<1x160x128xi32, #tpu.memory_space<hbm>>
      %dma_wait3A_969 = tpu.memref_squeeze %dma_wait3A_968 : memref<1x160x128xi32, #tpu.memory_space<hbm>> -> memref<160x128xi32, #tpu.memory_space<hbm>>
      %dma_wait3A_970 = arith.constant 0 : i32
      %dma_wait3A_971 = tpu.memref_slice %dma_wait3A_969[%add3A_920, %dma_wait3A_970] : memref<160x128xi32, #tpu.memory_space<hbm>> -> memref<1x128xi32, #tpu.memory_space<hbm>>
      %dma_wait3A_972 = tpu.memref_squeeze %dma_wait3A_971 : memref<1x128xi32, #tpu.memory_space<hbm>> -> memref<128xi32, #tpu.memory_space<hbm>>
      tpu.wait_dma2 semaphore(%arg40 : memref<!tpu.dma_semaphore, #tpu.memory_space<semaphore_mem>>) src(%dma_wait3A_972 : memref<128xi32, #tpu.memory_space<hbm>>) dst(%dma_wait3A_965 : memref<128xi32, #tpu.memory_space<vmem>>)
      %dma_start3A_973 = arith.constant 4 : i32
      %dma_start3A_974 = arith.constant 9 : i32
      %dma_start3A_975 = arith.constant 0 : i32
      %dma_start3A_976 = arith.constant 0 : i32
      %dma_start3A_977 = tpu.memref_slice %arg8[%dma_start3A_973, %dma_start3A_975, %dma_start3A_976] : memref<5x128x64xf32, #tpu.memory_space<vmem>> -> memref<1x128x64xf32, #tpu.memory_space<vmem>>
      %dma_start3A_978 = tpu.memref_squeeze %dma_start3A_977 : memref<1x128x64xf32, #tpu.memory_space<vmem>> -> memref<128x64xf32, #tpu.memory_space<vmem>>
      %dma_start3A_979 = arith.constant 0 : i32
      %dma_start3A_980 = tpu.memref_slice %arg7[%dma_start3A_974, %dma_start3A_979] : memref<10x128xi32, #tpu.memory_space<vmem>> -> memref<1x128xi32, #tpu.memory_space<vmem>>
      %dma_start3A_981 = tpu.memref_squeeze %dma_start3A_980 : memref<1x128xi32, #tpu.memory_space<vmem>> -> memref<128xi32, #tpu.memory_space<vmem>>
      %dma_start3A_982 = arith.constant 0 : i32
      %dma_start3A_983 = arith.constant 0 : i32
      %dma_start3A_984 = tpu.memref_slice %arg9[%dma_start3A_982, %dma_start3A_983] : memref<10240x64xf32, #tpu.memory_space<vmem_shared>> -> memref<10240x64xf32, #tpu.memory_space<vmem_shared>>
      tpu.enqueue_indirect_dma source(%dma_start3A_978 : memref<128x64xf32, #tpu.memory_space<vmem>>) target(%dma_start3A_984 : memref<10240x64xf32, #tpu.memory_space<vmem_shared>>) offsets(%dma_start3A_981 : memref<128xi32, #tpu.memory_space<vmem>>) semaphore(%arg20 : memref<!tpu.dma_semaphore, #tpu.memory_space<semaphore_mem>>) {add = true}
    }
    %scan3A_278 = arith.constant 16 : i32
    %dma_wait3A_279 = arith.constant 3 : i32
    %dma_wait3A_280 = arith.constant 8 : i32
    %dma_wait3A_281 = arith.constant 0 : i32
    %dma_wait3A_282 = arith.constant 0 : i32
    %dma_wait3A_283 = tpu.memref_slice %arg8[%dma_wait3A_279, %dma_wait3A_281, %dma_wait3A_282] : memref<5x128x64xf32, #tpu.memory_space<vmem>> -> memref<1x128x64xf32, #tpu.memory_space<vmem>>
    %dma_wait3A_284 = tpu.memref_squeeze %dma_wait3A_283 : memref<1x128x64xf32, #tpu.memory_space<vmem>> -> memref<128x64xf32, #tpu.memory_space<vmem>>
    %dma_wait3A_285 = arith.constant 0 : i32
    %dma_wait3A_286 = tpu.memref_slice %arg7[%dma_wait3A_280, %dma_wait3A_285] : memref<10x128xi32, #tpu.memory_space<vmem>> -> memref<1x128xi32, #tpu.memory_space<vmem>>
    %dma_wait3A_287 = tpu.memref_squeeze %dma_wait3A_286 : memref<1x128xi32, #tpu.memory_space<vmem>> -> memref<128xi32, #tpu.memory_space<vmem>>
    %dma_wait3A_288 = arith.constant 0 : i32
    %dma_wait3A_289 = arith.constant 0 : i32
    %dma_wait3A_290 = tpu.memref_slice %arg9[%dma_wait3A_288, %dma_wait3A_289] : memref<10240x64xf32, #tpu.memory_space<vmem_shared>> -> memref<10240x64xf32, #tpu.memory_space<vmem_shared>>
    tpu.wait_indirect_dma semaphore(%arg19 : memref<!tpu.dma_semaphore, #tpu.memory_space<semaphore_mem>>) src(%dma_wait3A_284 : memref<128x64xf32, #tpu.memory_space<vmem>>) dst(%dma_wait3A_290 : memref<10240x64xf32, #tpu.memory_space<vmem_shared>>)
    %dma_wait3A_291 = arith.constant 4 : i32
    %dma_wait3A_292 = arith.constant 9 : i32
    %dma_wait3A_293 = arith.constant 0 : i32
    %dma_wait3A_294 = arith.constant 0 : i32
    %dma_wait3A_295 = tpu.memref_slice %arg8[%dma_wait3A_291, %dma_wait3A_293, %dma_wait3A_294] : memref<5x128x64xf32, #tpu.memory_space<vmem>> -> memref<1x128x64xf32, #tpu.memory_space<vmem>>
    %dma_wait3A_296 = tpu.memref_squeeze %dma_wait3A_295 : memref<1x128x64xf32, #tpu.memory_space<vmem>> -> memref<128x64xf32, #tpu.memory_space<vmem>>
    %dma_wait3A_297 = arith.constant 0 : i32
    %dma_wait3A_298 = tpu.memref_slice %arg7[%dma_wait3A_292, %dma_wait3A_297] : memref<10x128xi32, #tpu.memory_space<vmem>> -> memref<1x128xi32, #tpu.memory_space<vmem>>
    %dma_wait3A_299 = tpu.memref_squeeze %dma_wait3A_298 : memref<1x128xi32, #tpu.memory_space<vmem>> -> memref<128xi32, #tpu.memory_space<vmem>>
    %dma_wait3A_300 = arith.constant 0 : i32
    %dma_wait3A_301 = arith.constant 0 : i32
    %dma_wait3A_302 = tpu.memref_slice %arg9[%dma_wait3A_300, %dma_wait3A_301] : memref<10240x64xf32, #tpu.memory_space<vmem_shared>> -> memref<10240x64xf32, #tpu.memory_space<vmem_shared>>
    tpu.wait_indirect_dma semaphore(%arg20 : memref<!tpu.dma_semaphore, #tpu.memory_space<semaphore_mem>>) src(%dma_wait3A_296 : memref<128x64xf32, #tpu.memory_space<vmem>>) dst(%dma_wait3A_302 : memref<10240x64xf32, #tpu.memory_space<vmem_shared>>)
    %barrier3A_303 = arith.constant 0 : index
    tpu.barrier barrier_id(%barrier3A_303)
    %mul3A_304 = arith.constant 640 : i32
    %mul3A_305 = arith.muli %arg1, %mul3A_304 : i32
    %mul3A_306 = arith.constant 640 : i32
    %mul3A_307 = arith.muli %arg1, %mul3A_306 : i32
    "tpu.region"() ({
      %run_scoped3A_308 = tpu.sem_alloc : memref<!tpu.dma_semaphore, #tpu.memory_space<semaphore_mem>>
      %dma_start3A_309 = arith.constant 0 : i32
      %dma_start3A_310 = arith.constant 0 : i32
      %dma_start3A_311 = tpu.memref_slice %arg5[%arg0, %dma_start3A_309, %dma_start3A_310] : memref<2x10240x64xf32, #tpu.memory_space<hbm>> -> memref<1x10240x64xf32, #tpu.memory_space<hbm>>
      %dma_start3A_312 = tpu.memref_squeeze %dma_start3A_311 : memref<1x10240x64xf32, #tpu.memory_space<hbm>> -> memref<10240x64xf32, #tpu.memory_space<hbm>>
      %dma_start3A_313 = arith.constant 0 : i32
      %dma_start3A_314 = tpu.memref_slice %dma_start3A_312[%mul3A_307, %dma_start3A_313] : memref<10240x64xf32, #tpu.memory_space<hbm>> -> memref<640x64xf32, #tpu.memory_space<hbm>>
      %dma_start3A_315 = arith.constant 0 : i32
      %dma_start3A_316 = tpu.memref_slice %arg9[%mul3A_305, %dma_start3A_315] : memref<10240x64xf32, #tpu.memory_space<vmem_shared>> -> memref<640x64xf32, #tpu.memory_space<vmem_shared>>
      tpu.enqueue_dma source(%dma_start3A_316 : memref<640x64xf32, #tpu.memory_space<vmem_shared>>) target(%dma_start3A_314 : memref<640x64xf32, #tpu.memory_space<hbm>>) target_semaphore(%run_scoped3A_308 : memref<!tpu.dma_semaphore, #tpu.memory_space<semaphore_mem>>)
      %dma_wait3A_317 = arith.constant 0 : i32
      %dma_wait3A_318 = arith.constant 0 : i32
      %dma_wait3A_319 = tpu.memref_slice %arg5[%arg0, %dma_wait3A_317, %dma_wait3A_318] : memref<2x10240x64xf32, #tpu.memory_space<hbm>> -> memref<1x10240x64xf32, #tpu.memory_space<hbm>>
      %dma_wait3A_320 = tpu.memref_squeeze %dma_wait3A_319 : memref<1x10240x64xf32, #tpu.memory_space<hbm>> -> memref<10240x64xf32, #tpu.memory_space<hbm>>
      %dma_wait3A_321 = arith.constant 0 : i32
      %dma_wait3A_322 = tpu.memref_slice %dma_wait3A_320[%mul3A_307, %dma_wait3A_321] : memref<10240x64xf32, #tpu.memory_space<hbm>> -> memref<640x64xf32, #tpu.memory_space<hbm>>
      %dma_wait3A_323 = arith.constant 0 : i32
      %dma_wait3A_324 = tpu.memref_slice %arg9[%mul3A_305, %dma_wait3A_323] : memref<10240x64xf32, #tpu.memory_space<vmem_shared>> -> memref<640x64xf32, #tpu.memory_space<vmem_shared>>
      tpu.wait_dma2 semaphore(%run_scoped3A_308 : memref<!tpu.dma_semaphore, #tpu.memory_space<semaphore_mem>>) src(%dma_wait3A_324 : memref<640x64xf32, #tpu.memory_space<vmem_shared>>) dst(%dma_wait3A_322 : memref<640x64xf32, #tpu.memory_space<hbm>>)
      tpu.yield
    }) : () -> ()
    return
  }
}

#map = affine_map<(d0, d1) -> (0, 0, 0)>
#map1 = affine_map<(d0, d1) -> (0, 0)>
module attributes {stable_mosaic.version = 14 : i64} {
  func.func @_sc_degree(%arg0: i32, %arg1: i32, %arg2: memref<32x80x128xi32, #tpu.memory_space<hbm>>, %arg3: memref<2x10240xf32, #tpu.memory_space<hbm>>, %arg4: memref<80x128xi32, #tpu.memory_space<vmem>>, %arg5: memref<128xf32, #tpu.memory_space<vmem>>, %arg6: memref<640xf32, #tpu.memory_space<vmem>>, %arg7: memref<10240xf32, #tpu.memory_space<vmem_shared>>) attributes {dimension_semantics = [#tpu.dimension_semantics<core_parallel>, #tpu.dimension_semantics<subcore_parallel>], iteration_bounds = array<i64: 2, 16>, scalar_prefetch = 0 : i64, scratch_operands = 4 : i64, tpu.core_type = #tpu.core_type<sc_vector_subcore>, window_params = [{transform_indices = #map}, {transform_indices = #map1}]} {
    %mul3A = arith.constant 16 : i32
    %mul3A_0 = arith.muli %arg0, %mul3A : i32
    %add3A = arith.addi %mul3A_0, %arg1 : i32
    %scan3A = arith.constant 0 : i32
    %scan3A_1 = arith.constant 0 : i32
    %scan3A_2 = arith.constant 40 : i32
    %scan3A_3 = arith.addi %scan3A_1, %scan3A_2 : i32
    %scan3A_4 = arith.constant 1 : i32
    scf.for %scan3A_19 = %scan3A_1 to %scan3A_3 step %scan3A_4  : i32 {
      %broadcast_in_dim3A = arith.constant 0.000000e+00 : f32
      %broadcast_in_dim3A_20 = vector.broadcast %broadcast_in_dim3A : f32 to vector<16xf32>
      %mul3A_21 = arith.constant 16 : i32
      %mul3A_22 = arith.muli %scan3A_19, %mul3A_21 : i32
      %swap3A = arith.index_cast %mul3A_22 : i32 to index
      %swap3A_23 = tpu.vector_load %arg6[%swap3A] {strides = array<i32>} : memref<640xf32, #tpu.memory_space<vmem>>, vector<16xf32>,
      %swap3A_24 = vector.shape_cast %swap3A_23 : vector<16xf32> to vector<16xf32>
      %swap3A_25 = vector.shape_cast %broadcast_in_dim3A_20 : vector<16xf32> to vector<16xf32>
      tpu.vector_store %arg6[%swap3A], %swap3A_25 {strides = array<i32>} : memref<640xf32, #tpu.memory_space<vmem>>, vector<16xf32>,
      %broadcast_in_dim3A_26 = arith.constant 1.000000e+00 : f32
      %broadcast_in_dim3A_27 = vector.broadcast %broadcast_in_dim3A_26 : f32 to vector<16xf32>
      %rem3A = arith.constant 8 : i32
      %rem3A_28 = arith.remsi %scan3A_19, %rem3A : i32
      %mul3A_29 = arith.constant 16 : i32
      %mul3A_30 = arith.muli %rem3A_28, %mul3A_29 : i32
      %swap3A_31 = arith.index_cast %mul3A_30 : i32 to index
      %swap3A_32 = tpu.vector_load %arg5[%swap3A_31] {strides = array<i32>} : memref<128xf32, #tpu.memory_space<vmem>>, vector<16xf32>,
      %swap3A_33 = vector.shape_cast %swap3A_32 : vector<16xf32> to vector<16xf32>
      %swap3A_34 = vector.shape_cast %broadcast_in_dim3A_27 : vector<16xf32> to vector<16xf32>
      tpu.vector_store %arg5[%swap3A_31], %swap3A_34 {strides = array<i32>} : memref<128xf32, #tpu.memory_space<vmem>>, vector<16xf32>,
    }
    %scan3A_5 = arith.constant 40 : i32
    %mul3A_6 = arith.constant 640 : i32
    %mul3A_7 = arith.muli %arg1, %mul3A_6 : i32
    "tpu.region"() ({
      %run_scoped3A = tpu.sem_alloc : memref<!tpu.dma_semaphore, #tpu.memory_space<semaphore_mem>>
      %dma_start3A = tpu.memref_slice %arg7[%mul3A_7] : memref<10240xf32, #tpu.memory_space<vmem_shared>> -> memref<640xf32, #tpu.memory_space<vmem_shared>>
      %dma_start3A_19 = tpu.memref_slice %arg7[%mul3A_7] : memref<10240xf32, #tpu.memory_space<vmem_shared>> -> memref<640xf32, #tpu.memory_space<vmem_shared>>
      tpu.enqueue_dma source(%arg6 : memref<640xf32, #tpu.memory_space<vmem>>) target(%dma_start3A_19 : memref<640xf32, #tpu.memory_space<vmem_shared>>) target_semaphore(%run_scoped3A : memref<!tpu.dma_semaphore, #tpu.memory_space<semaphore_mem>>)
      %dma_wait3A = tpu.memref_slice %arg7[%mul3A_7] : memref<10240xf32, #tpu.memory_space<vmem_shared>> -> memref<640xf32, #tpu.memory_space<vmem_shared>>
      %dma_wait3A_20 = tpu.memref_slice %arg7[%mul3A_7] : memref<10240xf32, #tpu.memory_space<vmem_shared>> -> memref<640xf32, #tpu.memory_space<vmem_shared>>
      tpu.wait_dma2 semaphore(%run_scoped3A : memref<!tpu.dma_semaphore, #tpu.memory_space<semaphore_mem>>) src(%arg6 : memref<640xf32, #tpu.memory_space<vmem>>) dst(%dma_wait3A_20 : memref<640xf32, #tpu.memory_space<vmem_shared>>)
      tpu.yield
    }) : () -> ()
    %barrier3A = arith.constant 0 : index
    tpu.barrier barrier_id(%barrier3A)
    "tpu.region"() ({
      %run_scoped3A = tpu.sem_alloc : memref<!tpu.dma_semaphore, #tpu.memory_space<semaphore_mem>>
      %dma_start3A = arith.constant 0 : i32
      %dma_start3A_19 = arith.constant 0 : i32
      %dma_start3A_20 = tpu.memref_slice %arg2[%add3A, %dma_start3A, %dma_start3A_19] : memref<32x80x128xi32, #tpu.memory_space<hbm>> -> memref<1x80x128xi32, #tpu.memory_space<hbm>>
      %dma_start3A_21 = tpu.memref_squeeze %dma_start3A_20 : memref<1x80x128xi32, #tpu.memory_space<hbm>> -> memref<80x128xi32, #tpu.memory_space<hbm>>
      %dma_start3A_22 = arith.constant 0 : i32
      %dma_start3A_23 = arith.constant 0 : i32
      %dma_start3A_24 = tpu.memref_slice %arg2[%add3A, %dma_start3A_22, %dma_start3A_23] : memref<32x80x128xi32, #tpu.memory_space<hbm>> -> memref<1x80x128xi32, #tpu.memory_space<hbm>>
      %dma_start3A_25 = tpu.memref_squeeze %dma_start3A_24 : memref<1x80x128xi32, #tpu.memory_space<hbm>> -> memref<80x128xi32, #tpu.memory_space<hbm>>
      tpu.enqueue_dma source(%dma_start3A_25 : memref<80x128xi32, #tpu.memory_space<hbm>>) target(%arg4 : memref<80x128xi32, #tpu.memory_space<vmem>>) target_semaphore(%run_scoped3A : memref<!tpu.dma_semaphore, #tpu.memory_space<semaphore_mem>>)
      %dma_wait3A = arith.constant 0 : i32
      %dma_wait3A_26 = arith.constant 0 : i32
      %dma_wait3A_27 = tpu.memref_slice %arg2[%add3A, %dma_wait3A, %dma_wait3A_26] : memref<32x80x128xi32, #tpu.memory_space<hbm>> -> memref<1x80x128xi32, #tpu.memory_space<hbm>>
      %dma_wait3A_28 = tpu.memref_squeeze %dma_wait3A_27 : memref<1x80x128xi32, #tpu.memory_space<hbm>> -> memref<80x128xi32, #tpu.memory_space<hbm>>
      %dma_wait3A_29 = arith.constant 0 : i32
      %dma_wait3A_30 = arith.constant 0 : i32
      %dma_wait3A_31 = tpu.memref_slice %arg2[%add3A, %dma_wait3A_29, %dma_wait3A_30] : memref<32x80x128xi32, #tpu.memory_space<hbm>> -> memref<1x80x128xi32, #tpu.memory_space<hbm>>
      %dma_wait3A_32 = tpu.memref_squeeze %dma_wait3A_31 : memref<1x80x128xi32, #tpu.memory_space<hbm>> -> memref<80x128xi32, #tpu.memory_space<hbm>>
      tpu.wait_dma2 semaphore(%run_scoped3A : memref<!tpu.dma_semaphore, #tpu.memory_space<semaphore_mem>>) src(%dma_wait3A_32 : memref<80x128xi32, #tpu.memory_space<hbm>>) dst(%arg4 : memref<80x128xi32, #tpu.memory_space<vmem>>)
      tpu.yield
    }) : () -> ()
    %scan3A_8 = arith.constant 0 : i32
    %scan3A_9 = arith.constant 0 : i32
    %scan3A_10 = arith.constant 80 : i32
    %scan3A_11 = arith.addi %scan3A_9, %scan3A_10 : i32
    %scan3A_12 = arith.constant 1 : i32
    scf.for %scan3A_19 = %scan3A_9 to %scan3A_11 step %scan3A_12  : i32 {
      "tpu.region"() ({
        %run_scoped3A = tpu.sem_alloc : memref<!tpu.dma_semaphore, #tpu.memory_space<semaphore_mem>>
        %dma_start3A = arith.constant 0 : i32
        %dma_start3A_20 = tpu.memref_slice %arg4[%scan3A_19, %dma_start3A] : memref<80x128xi32, #tpu.memory_space<vmem>> -> memref<1x128xi32, #tpu.memory_space<vmem>>
        %dma_start3A_21 = tpu.memref_squeeze %dma_start3A_20 : memref<1x128xi32, #tpu.memory_space<vmem>> -> memref<128xi32, #tpu.memory_space<vmem>>
        %dma_start3A_22 = arith.constant 0 : i32
        %dma_start3A_23 = tpu.memref_slice %arg7[%dma_start3A_22] : memref<10240xf32, #tpu.memory_space<vmem_shared>> -> memref<10240xf32, #tpu.memory_space<vmem_shared>>
        tpu.enqueue_indirect_dma source(%arg5 : memref<128xf32, #tpu.memory_space<vmem>>) target(%dma_start3A_23 : memref<10240xf32, #tpu.memory_space<vmem_shared>>) offsets(%dma_start3A_21 : memref<128xi32, #tpu.memory_space<vmem>>) semaphore(%run_scoped3A : memref<!tpu.dma_semaphore, #tpu.memory_space<semaphore_mem>>) {add = true}
        %dma_wait3A = arith.constant 0 : i32
        %dma_wait3A_24 = tpu.memref_slice %arg4[%scan3A_19, %dma_wait3A] : memref<80x128xi32, #tpu.memory_space<vmem>> -> memref<1x128xi32, #tpu.memory_space<vmem>>
        %dma_wait3A_25 = tpu.memref_squeeze %dma_wait3A_24 : memref<1x128xi32, #tpu.memory_space<vmem>> -> memref<128xi32, #tpu.memory_space<vmem>>
        %dma_wait3A_26 = arith.constant 0 : i32
        %dma_wait3A_27 = tpu.memref_slice %arg7[%dma_wait3A_26] : memref<10240xf32, #tpu.memory_space<vmem_shared>> -> memref<10240xf32, #tpu.memory_space<vmem_shared>>
        tpu.wait_indirect_dma semaphore(%run_scoped3A : memref<!tpu.dma_semaphore, #tpu.memory_space<semaphore_mem>>) src(%arg5 : memref<128xf32, #tpu.memory_space<vmem>>) dst(%dma_wait3A_27 : memref<10240xf32, #tpu.memory_space<vmem_shared>>)
        tpu.yield
      }) : () -> ()
    }
    %scan3A_13 = arith.constant 80 : i32
    %barrier3A_14 = arith.constant 0 : index
    tpu.barrier barrier_id(%barrier3A_14)
    %mul3A_15 = arith.constant 640 : i32
    %mul3A_16 = arith.muli %arg1, %mul3A_15 : i32
    %mul3A_17 = arith.constant 640 : i32
    %mul3A_18 = arith.muli %arg1, %mul3A_17 : i32
    "tpu.region"() ({
      %run_scoped3A = tpu.sem_alloc : memref<!tpu.dma_semaphore, #tpu.memory_space<semaphore_mem>>
      %dma_start3A = arith.constant 0 : i32
      %dma_start3A_19 = tpu.memref_slice %arg3[%arg0, %dma_start3A] : memref<2x10240xf32, #tpu.memory_space<hbm>> -> memref<1x10240xf32, #tpu.memory_space<hbm>>
      %dma_start3A_20 = tpu.memref_squeeze %dma_start3A_19 : memref<1x10240xf32, #tpu.memory_space<hbm>> -> memref<10240xf32, #tpu.memory_space<hbm>>
      %dma_start3A_21 = tpu.memref_slice %dma_start3A_20[%mul3A_18] : memref<10240xf32, #tpu.memory_space<hbm>> -> memref<640xf32, #tpu.memory_space<hbm>>
      %dma_start3A_22 = tpu.memref_slice %arg7[%mul3A_16] : memref<10240xf32, #tpu.memory_space<vmem_shared>> -> memref<640xf32, #tpu.memory_space<vmem_shared>>
      tpu.enqueue_dma source(%dma_start3A_22 : memref<640xf32, #tpu.memory_space<vmem_shared>>) target(%dma_start3A_21 : memref<640xf32, #tpu.memory_space<hbm>>) target_semaphore(%run_scoped3A : memref<!tpu.dma_semaphore, #tpu.memory_space<semaphore_mem>>)
      %dma_wait3A = arith.constant 0 : i32
      %dma_wait3A_23 = tpu.memref_slice %arg3[%arg0, %dma_wait3A] : memref<2x10240xf32, #tpu.memory_space<hbm>> -> memref<1x10240xf32, #tpu.memory_space<hbm>>
      %dma_wait3A_24 = tpu.memref_squeeze %dma_wait3A_23 : memref<1x10240xf32, #tpu.memory_space<hbm>> -> memref<10240xf32, #tpu.memory_space<hbm>>
      %dma_wait3A_25 = tpu.memref_slice %dma_wait3A_24[%mul3A_18] : memref<10240xf32, #tpu.memory_space<hbm>> -> memref<640xf32, #tpu.memory_space<hbm>>
      %dma_wait3A_26 = tpu.memref_slice %arg7[%mul3A_16] : memref<10240xf32, #tpu.memory_space<vmem_shared>> -> memref<640xf32, #tpu.memory_space<vmem_shared>>
      tpu.wait_dma2 semaphore(%run_scoped3A : memref<!tpu.dma_semaphore, #tpu.memory_space<semaphore_mem>>) src(%dma_wait3A_26 : memref<640xf32, #tpu.memory_space<vmem_shared>>) dst(%dma_wait3A_25 : memref<640xf32, #tpu.memory_space<hbm>>)
      tpu.yield
    }) : () -> ()
    return
  }
}

module attributes {stable_mosaic.version = 14 : i64} {
  func.func @_tc_scale_body(%arg0: i32, %arg1: memref<1024x128xf32, #tpu.memory_space<vmem>>, %arg2: memref<128x128xf32, #tpu.memory_space<vmem>>, %arg3: memref<2x1024xf32, #tpu.memory_space<vmem>>, %arg4: memref<2x1024x64xf32, #tpu.memory_space<vmem>>, %arg5: memref<1024x1xf32, #tpu.memory_space<vmem>>) attributes {dimension_semantics = [#tpu.dimension_semantics<arbitrary>], iteration_bounds = array<i64: 10>, scalar_prefetch = 0 : i64, scratch_operands = 0 : i64, tpu.core_type = #tpu.core_type<tc>, window_params = [{transform_indices = @transform_0, window_bounds = array<i64: 1024, 128>}, {pipeline_mode = #tpu.pipeline_mode<synchronous>, transform_indices = @transform_1, window_bounds = array<i64: 128, 128>}, {transform_indices = @transform_2, window_bounds = array<i64: 2, 1024>}, {transform_indices = @transform_3, window_bounds = array<i64: 2, 1024, 64>}, {transform_indices = @transform_4, window_bounds = array<i64: 1024, 1>}]} {
    %get3A = arith.constant 0 : index
    %get3A_0 = arith.constant 0 : index
    %get3A_1 = vector.load %arg3[%get3A, %get3A_0] : memref<2x1024xf32, #tpu.memory_space<vmem>>, vector<1x1024xf32>
    %get3A_2 = vector.shape_cast %get3A_1 : vector<1x1024xf32> to vector<1024xf32>
    %get3A_3 = arith.constant 1 : index
    %get3A_4 = arith.constant 0 : index
    %get3A_5 = vector.load %arg3[%get3A_3, %get3A_4] : memref<2x1024xf32, #tpu.memory_space<vmem>>, vector<1x1024xf32>
    %get3A_6 = vector.shape_cast %get3A_5 : vector<1x1024xf32> to vector<1024xf32>
    %add3A = arith.addf %get3A_2, %get3A_6 : vector<1024xf32>
    %add3A_7 = arith.constant 1.000000e+00 : f32
    %add3A_8 = vector.broadcast %add3A_7 : f32 to vector<1024xf32>
    %add3A_9 = arith.addf %add3A, %add3A_8 : vector<1024xf32>
    %rsqrt3A = math.rsqrt %add3A_9 : vector<1024xf32>
    %get3A_10 = arith.constant 0 : index
    %get3A_11 = arith.constant 0 : index
    %get3A_12 = vector.load %arg1[%get3A_10, %get3A_11] : memref<1024x128xf32, #tpu.memory_space<vmem>>, vector<1024x128xf32>
    %get3A_13 = arith.constant 0 : index
    %get3A_14 = arith.constant 0 : index
    %get3A_15 = vector.load %arg2[%get3A_13, %get3A_14] : memref<128x128xf32, #tpu.memory_space<vmem>>, vector<128x128xf32>
    %dot_general3A = arith.constant dense<0.000000e+00> : vector<1024x128xf32>
    %dot_general3A_16 = tpu.matmul %get3A_12, %get3A_15, %dot_general3A {dimension_numbers = #tpu.dot_dimension_numbers<[1], [0], [0], [1], [0, 0, 1, 1], [], []>, transpose_lhs_hint = false} : vector<1024x128xf32>, vector<128x128xf32>, vector<1024x128xf32> -> vector<1024x128xf32>
    %broadcast_in_dim3A = vector.shape_cast %rsqrt3A : vector<1024xf32> to vector<1024x1xf32>
    %mul3A = vector.broadcast %broadcast_in_dim3A : vector<1024x1xf32> to vector<1024x128xf32>
    %mul3A_17 = arith.mulf %dot_general3A_16, %mul3A : vector<1024x128xf32>
    %slice3A = vector.extract_strided_slice %mul3A_17 {offsets = [0, 0], sizes = [1024, 64], strides = [1, 1]} : vector<1024x128xf32> to vector<1024x64xf32>
    %swap3A = arith.constant 0 : index
    %swap3A_18 = arith.constant 0 : index
    %swap3A_19 = arith.constant 0 : index
    %swap3A_20 = vector.load %arg4[%swap3A, %swap3A_18, %swap3A_19] : memref<2x1024x64xf32, #tpu.memory_space<vmem>>, vector<1x1024x64xf32>
    %swap3A_21 = vector.shape_cast %swap3A_20 : vector<1x1024x64xf32> to vector<1024x64xf32>
    %swap3A_22 = vector.shape_cast %slice3A : vector<1024x64xf32> to vector<1x1024x64xf32>
    tpu.vector_store %arg4[%swap3A, %swap3A_18, %swap3A_19], %swap3A_22 {strides = array<i32>} : memref<2x1024x64xf32, #tpu.memory_space<vmem>>, vector<1x1024x64xf32>,
    %slice3A_23 = vector.extract_strided_slice %mul3A_17 {offsets = [0, 64], sizes = [1024, 64], strides = [1, 1]} : vector<1024x128xf32> to vector<1024x64xf32>
    %swap3A_24 = arith.constant 1 : index
    %swap3A_25 = arith.constant 0 : index
    %swap3A_26 = arith.constant 0 : index
    %swap3A_27 = vector.load %arg4[%swap3A_24, %swap3A_25, %swap3A_26] : memref<2x1024x64xf32, #tpu.memory_space<vmem>>, vector<1x1024x64xf32>
    %swap3A_28 = vector.shape_cast %swap3A_27 : vector<1x1024x64xf32> to vector<1024x64xf32>
    %swap3A_29 = vector.shape_cast %slice3A_23 : vector<1024x64xf32> to vector<1x1024x64xf32>
    tpu.vector_store %arg4[%swap3A_24, %swap3A_25, %swap3A_26], %swap3A_29 {strides = array<i32>} : memref<2x1024x64xf32, #tpu.memory_space<vmem>>, vector<1x1024x64xf32>,
    %broadcast_in_dim3A_30 = vector.shape_cast %rsqrt3A : vector<1024xf32> to vector<1024x1xf32>
    %swap3A_31 = arith.constant 0 : index
    %swap3A_32 = arith.constant 0 : index
    %swap3A_33 = vector.load %arg5[%swap3A_31, %swap3A_32] : memref<1024x1xf32, #tpu.memory_space<vmem>>, vector<1024x1xf32>
    tpu.vector_store %arg5[%swap3A_31, %swap3A_32], %broadcast_in_dim3A_30 {strides = array<i32>} : memref<1024x1xf32, #tpu.memory_space<vmem>>, vector<1024x1xf32>,
    return
  }
  func.func @transform_0(%arg0: i32) -> (i32, i32) {
    %c0_i32 = arith.constant 0 : i32
    %c0_i32_0 = arith.constant 0 : i32
    return %arg0, %c0_i32 : i32, i32
  }
  func.func @transform_1(%arg0: i32) -> (i32, i32) {
    %c0_i32 = arith.constant 0 : i32
    %c0_i32_0 = arith.constant 0 : i32
    %c0_i32_1 = arith.constant 0 : i32
    return %c0_i32, %c0_i32_0 : i32, i32
  }
  func.func @transform_2(%arg0: i32) -> (i32, i32) {
    %c0_i32 = arith.constant 0 : i32
    %c0_i32_0 = arith.constant 0 : i32
    return %c0_i32, %arg0 : i32, i32
  }
  func.func @transform_3(%arg0: i32) -> (i32, i32, i32) {
    %c0_i32 = arith.constant 0 : i32
    %c0_i32_0 = arith.constant 0 : i32
    %c0_i32_1 = arith.constant 0 : i32
    return %c0_i32, %arg0, %c0_i32_0 : i32, i32, i32
  }
  func.func @transform_4(%arg0: i32) -> (i32, i32) {
    %c0_i32 = arith.constant 0 : i32
    %c0_i32_0 = arith.constant 0 : i32
    return %arg0, %c0_i32 : i32, i32
  }
}

module attributes {stable_mosaic.version = 14 : i64} {
  func.func @_tc_head_body(%arg0: i32, %arg1: memref<2x1000x64xf32, #tpu.memory_space<vmem>>, %arg2: memref<2x1000x64xf32, #tpu.memory_space<vmem>>, %arg3: memref<1000x1xf32, #tpu.memory_space<vmem>>, %arg4: memref<1x128xf32, #tpu.memory_space<vmem>>, %arg5: memref<128x128xf32, #tpu.memory_space<vmem>>, %arg6: memref<1x128xf32, #tpu.memory_space<vmem>>, %arg7: memref<1000x128xf32, #tpu.memory_space<vmem>>) attributes {dimension_semantics = [#tpu.dimension_semantics<arbitrary>], iteration_bounds = array<i64: 10>, scalar_prefetch = 0 : i64, scratch_operands = 0 : i64, tpu.core_type = #tpu.core_type<tc>, window_params = [{transform_indices = @transform_0, window_bounds = array<i64: 2, 1000, 64>}, {transform_indices = @transform_1, window_bounds = array<i64: 2, 1000, 64>}, {transform_indices = @transform_2, window_bounds = array<i64: 1000, 1>}, {pipeline_mode = #tpu.pipeline_mode<synchronous>, transform_indices = @transform_3, window_bounds = array<i64: 1, 128>}, {pipeline_mode = #tpu.pipeline_mode<synchronous>, transform_indices = @transform_4, window_bounds = array<i64: 128, 128>}, {pipeline_mode = #tpu.pipeline_mode<synchronous>, transform_indices = @transform_5, window_bounds = array<i64: 1, 128>}, {transform_indices = @transform_6, window_bounds = array<i64: 1000, 128>}]} {
    %get3A = arith.constant 0 : index
    %get3A_0 = arith.constant 0 : index
    %get3A_1 = arith.constant 0 : index
    %get3A_2 = vector.load %arg1[%get3A, %get3A_0, %get3A_1] : memref<2x1000x64xf32, #tpu.memory_space<vmem>>, vector<1x1000x64xf32>
    %get3A_3 = vector.shape_cast %get3A_2 : vector<1x1000x64xf32> to vector<1000x64xf32>
    %get3A_4 = arith.constant 0 : index
    %get3A_5 = arith.constant 0 : index
    %get3A_6 = arith.constant 0 : index
    %get3A_7 = vector.load %arg2[%get3A_4, %get3A_5, %get3A_6] : memref<2x1000x64xf32, #tpu.memory_space<vmem>>, vector<1x1000x64xf32>
    %get3A_8 = vector.shape_cast %get3A_7 : vector<1x1000x64xf32> to vector<1000x64xf32>
    %add3A = arith.addf %get3A_3, %get3A_8 : vector<1000x64xf32>
    %get3A_9 = arith.constant 1 : index
    %get3A_10 = arith.constant 0 : index
    %get3A_11 = arith.constant 0 : index
    %get3A_12 = vector.load %arg1[%get3A_9, %get3A_10, %get3A_11] : memref<2x1000x64xf32, #tpu.memory_space<vmem>>, vector<1x1000x64xf32>
    %get3A_13 = vector.shape_cast %get3A_12 : vector<1x1000x64xf32> to vector<1000x64xf32>
    %get3A_14 = arith.constant 1 : index
    %get3A_15 = arith.constant 0 : index
    %get3A_16 = arith.constant 0 : index
    %get3A_17 = vector.load %arg2[%get3A_14, %get3A_15, %get3A_16] : memref<2x1000x64xf32, #tpu.memory_space<vmem>>, vector<1x1000x64xf32>
    %get3A_18 = vector.shape_cast %get3A_17 : vector<1x1000x64xf32> to vector<1000x64xf32>
    %add3A_19 = arith.addf %get3A_13, %get3A_18 : vector<1000x64xf32>
    %concatenate3A = tpu.concatenate %add3A, %add3A_19 in 1 : vector<1000x64xf32>, vector<1000x64xf32> -> vector<1000x128xf32>
    %get3A_20 = arith.constant 0 : index
    %get3A_21 = arith.constant 0 : index
    %get3A_22 = vector.load %arg3[%get3A_20, %get3A_21] : memref<1000x1xf32, #tpu.memory_space<vmem>>, vector<1000x1xf32>
    %mul3A = vector.broadcast %get3A_22 : vector<1000x1xf32> to vector<1000x128xf32>
    %mul3A_23 = arith.mulf %concatenate3A, %mul3A : vector<1000x128xf32>
    %get3A_24 = arith.constant 0 : index
    %get3A_25 = arith.constant 0 : index
    %get3A_26 = vector.load %arg4[%get3A_24, %get3A_25] : memref<1x128xf32, #tpu.memory_space<vmem>>, vector<1x128xf32>
    %add3A_27 = vector.broadcast %get3A_26 : vector<1x128xf32> to vector<1000x128xf32>
    %add3A_28 = arith.addf %mul3A_23, %add3A_27 : vector<1000x128xf32>
    %max3A = arith.constant 0.000000e+00 : f32
    %max3A_29 = vector.broadcast %max3A : f32 to vector<1000x128xf32>
    %max3A_30 = arith.maximumf %add3A_28, %max3A_29 : vector<1000x128xf32>
    %get3A_31 = arith.constant 0 : index
    %get3A_32 = arith.constant 0 : index
    %get3A_33 = vector.load %arg5[%get3A_31, %get3A_32] : memref<128x128xf32, #tpu.memory_space<vmem>>, vector<128x128xf32>
    %dot_general3A = arith.constant dense<0.000000e+00> : vector<1000x128xf32>
    %dot_general3A_34 = tpu.matmul %max3A_30, %get3A_33, %dot_general3A {dimension_numbers = #tpu.dot_dimension_numbers<[1], [0], [0], [1], [0, 0, 1, 1], [], []>, transpose_lhs_hint = false} : vector<1000x128xf32>, vector<128x128xf32>, vector<1000x128xf32> -> vector<1000x128xf32>
    %get3A_35 = arith.constant 0 : index
    %get3A_36 = arith.constant 0 : index
    %get3A_37 = vector.load %arg6[%get3A_35, %get3A_36] : memref<1x128xf32, #tpu.memory_space<vmem>>, vector<1x128xf32>
    %add3A_38 = vector.broadcast %get3A_37 : vector<1x128xf32> to vector<1000x128xf32>
    %add3A_39 = arith.addf %dot_general3A_34, %add3A_38 : vector<1000x128xf32>
    %swap3A = arith.constant 0 : index
    %swap3A_40 = arith.constant 0 : index
    %swap3A_41 = vector.load %arg7[%swap3A, %swap3A_40] : memref<1000x128xf32, #tpu.memory_space<vmem>>, vector<1000x128xf32>
    tpu.vector_store %arg7[%swap3A, %swap3A_40], %add3A_39 {strides = array<i32>} : memref<1000x128xf32, #tpu.memory_space<vmem>>, vector<1000x128xf32>,
    return
  }
  func.func @transform_0(%arg0: i32) -> (i32, i32, i32) {
    %c0_i32 = arith.constant 0 : i32
    %c0_i32_0 = arith.constant 0 : i32
    %c0_i32_1 = arith.constant 0 : i32
    return %c0_i32, %arg0, %c0_i32_0 : i32, i32, i32
  }
  func.func @transform_1(%arg0: i32) -> (i32, i32, i32) {
    %c0_i32 = arith.constant 0 : i32
    %c0_i32_0 = arith.constant 0 : i32
    %c0_i32_1 = arith.constant 0 : i32
    return %c0_i32, %arg0, %c0_i32_0 : i32, i32, i32
  }
  func.func @transform_2(%arg0: i32) -> (i32, i32) {
    %c0_i32 = arith.constant 0 : i32
    %c0_i32_0 = arith.constant 0 : i32
    return %arg0, %c0_i32 : i32, i32
  }
  func.func @transform_3(%arg0: i32) -> (i32, i32) {
    %c0_i32 = arith.constant 0 : i32
    %c0_i32_0 = arith.constant 0 : i32
    %c0_i32_1 = arith.constant 0 : i32
    return %c0_i32, %c0_i32_0 : i32, i32
  }
  func.func @transform_4(%arg0: i32) -> (i32, i32) {
    %c0_i32 = arith.constant 0 : i32
    %c0_i32_0 = arith.constant 0 : i32
    %c0_i32_1 = arith.constant 0 : i32
    return %c0_i32, %c0_i32_0 : i32, i32
  }
  func.func @transform_5(%arg0: i32) -> (i32, i32) {
    %c0_i32 = arith.constant 0 : i32
    %c0_i32_0 = arith.constant 0 : i32
    %c0_i32_1 = arith.constant 0 : i32
    return %c0_i32, %c0_i32_0 : i32, i32
  }
  func.func @transform_6(%arg0: i32) -> (i32, i32) {
    %c0_i32 = arith.constant 0 : i32
    %c0_i32_0 = arith.constant 0 : i32
    return %arg0, %c0_i32 : i32, i32
  }
}

</mosaic_0001>

<sc_bundles>
// kernel: kernel.6.cloned.1.call-start
scs
__scs_entry_jumppad:
0x0: {  	(pc) =	sbr.rel $0x88, $3  }
0x1: {  	(tag) =	ssettag $0x0;
	lr =	simm.s32 $0x1  }
0x2: {  	[smem:$0x3F9B] =	sst lr;
	_ =	strace $0xD0000000  }
0x3: {  	_ = 	snop  }
0x4: {  	_ = 	snop  }
0x5: {  	_ = 	snop  }
0x6: {  	_ = 	snop  }
0x7: {  	_ = 	snop  }
__scs_overlays_trampoline_lowered:
0x8: {  	[smem:$0x3FAA] =	sst s0  }
0x9: {  	[smem:$0x3FAB] =	sst s1  }
0xa: {  	[smem:$0x3FAC] =	sst s2  }
0xb: {  	[smem:$0x3FAD] =	sst s3  }
0xc: {  	[smem:$0x3FAE] =	sst s4  }
0xd: {  	[smem:$0x3FAF] =	sst s5  }
0xe: {  	[smem:$0x3FB0] =	sst s6  }
0xf: {  	[smem:$0x3FB1] =	sst s7  }
0x10: {  	[smem:$0x3FB2] =	sst s8  }
0x11: {  	[smem:$0x3FB3] =	sst s9;
	s0 =	simm.s32 @!p0 $0x0  }
0x12: {  	s1 =	sld [smem:$0x3F99];
	s0 =	simm.s32 @p0 $0x1  }
0x13: {  	[smem:$0x3FB4] =	sst s0;
	s0 =	simm.s32 @!p1 $0x0  }
0x14: {  	s2 =	sld [smem:$0x3F98];
	s0 =	simm.s32 @p1 $0x1  }
0x15: {  	[smem:$0x3FB5] =	sst s0;
	s0 =	simm.s32 @!p2 $0x0  }
0x16: {  	s3 =	sld [smem:$0x3FDB];
	s0 =	simm.s32 @p2 $0x1  }
0x17: {  	s4 =	simm.s32 $0x1BF5;
	[smem:$0x3FB7] =	sst s0  }
0x18: {  	s0 =	sld [smem:$0x3F9A];
	_ =	swait.ge [sflag:s4], $0x0  }
0x19: {  	s7 =	sld [smem:$0x3F9B]  }
0x1a: {  	s8 =	sadd.s32 $0xFFFFE003, lr  }
0x1b: {  	s9 =	sadd.s32 $0xFFFFFEF7, lr;
	s5 =	simm.s32 $0xFFFFFFFF;
	p2 =	slt.u32 s8, $0xFFFFF086  }
0x1c: {  	p1 =	slt.u32 s9, $0xF7A;
	s5 =	simm.s32 @!p2 $0x0  }
0x1d: {  	s5 =	simm.s32 @p1 $0x1;
	p0 =	seq.s32 s7, s2  }
0x1e: {  	s7 =	smul.u32 @!p0 $0xF7A, s2;
	p2 =	seq.s32 @!p0 s5, $0x0  }
0x1f: {  	s9 =	smul.u32 $0xF7A, s1;
	s8 =	simm.s32 @!p0 $0x1BF5;
	p2 =	por !p2, p0  }
0x20: {  	[sflag:s8] =	ssyncset.s32 @!p0 $0xFFFFF086;
	s6 =	sadd.s32 @!p0 s3, s7;
	s7 =	simm.s32 @!p0 $0x108  }
0x21: {  	s3 =	sadd.s32 s3, s9;
	s6 =	sadd.s32 @!p0 $0x88, s6;
	s7 =	simm.s32 @p2 $0x1082  }
0x22: {  	[simem:s7], [sflag:s8] =	dma.local @!p0 [hbm:s6], $0xF7A  }
0x23: {  	s9 =	sor.u32 $0xD0000000, s2;
	s6 =	simm.s32 $0x108;
	_ =	swait.ge @!p0 [sflag:s8], $0x0  }
0x24: {  	s3 =	sadd.s32 $0x88, s3;
	s6 =	simm.s32 @!p1 $0x1082;
	[sflag:s4] =	ssyncset.s32 $0xFFFFF086  }
0x25: {  	[simem:s6], [sflag:s4] =	dma.local [hbm:s3], $0xF7A  }
0x26: {  	[smem:$0x3F9B] =	sst s1;
	(tag) =	ssettag s2;
	_ =	strace s9  }
0x27: {  	s1 =	sld [smem:$0x3FAB]  }
0x28: {  	s2 =	sld [smem:$0x3FAC]  }
0x29: {  	s4 =	sld [smem:$0x3FAE]  }
0x2a: {  	p0 =	seq.s32 s5, $0x0;
	s5 =	sld [smem:$0x3FAF]  }
0x2b: {  	s6 =	sld [smem:$0x3FB0]  }
0x2c: {  	s7 =	sld [smem:$0x3FB1]  }
0x2d: {  	s3 =	simm.s32 $0x108;
	s8 =	sld [smem:$0x3FB2]  }
0x2e: {  	s3 =	simm.s32 @!p0 $0x1082;
	s9 =	sld [smem:$0x3FB3]  }
0x2f: {  	lr =	sadd.s32 s0, s3;
	s0 =	sld [smem:$0x3FAA]  }
0x30: {  	s3 =	sld [smem:$0x3FAD]  }
0x31: {  	[smem:$0x3FB6] =	sst s10  }
0x32: {  	s10 =	sld [smem:$0x3FB4];
	_ =	sdelay $0x3  }
0x33: {  	p0 =	seq.s32 s10, $0x1;
	s10 =	sld [smem:$0x3FB6];
	_ =	sdelay $0x3  }
0x34: {  	[smem:$0x3FB6] =	sst s10  }
0x35: {  	s10 =	sld [smem:$0x3FB5];
	_ =	sdelay $0x3  }
0x36: {  	p1 =	seq.s32 s10, $0x1;
	s10 =	sld [smem:$0x3FB6];
	_ =	sdelay $0x3  }
0x37: {  	[smem:$0x3FB6] =	sst s10  }
0x38: {  	s10 =	sld [smem:$0x3FB7]  }
0x39: {  	_ = 	snop;
	(pc) =	sbr.ind lr, $3  }
0x3a: {  	_ = 	snop  }
0x3b: {  	_ = 	snop  }
0x3c: {  	p2 =	seq.s32 s10, $0x1;
	s10 =	sld [smem:$0x3FB6]  }
0x3d: {  	_ =	shalt  }
0x3e: {  	_ =	shalt  }
0x3f: {  	_ =	shalt  }
0x40: {  	_ =	shalt  }
0x41: {  	_ =	shalt  }
0x42: {  	_ =	shalt  }
0x43: {  	_ =	shalt  }
0x44: {  	_ =	shalt  }
0x45: {  	_ =	shalt  }
0x46: {  	_ =	shalt  }
0x47: {  	_ =	shalt  }
0x48: {  	_ =	shalt  }
0x49: {  	_ =	shalt  }
0x4a: {  	_ =	shalt  }
0x4b: {  	_ =	shalt  }
0x4c: {  	_ =	shalt  }
0x4d: {  	_ =	shalt  }
0x4e: {  	_ =	shalt  }
0x4f: {  	_ =	shalt  }
0x50: {  	_ =	shalt  }
0x51: {  	_ =	shalt  }
0x52: {  	_ =	shalt  }
0x53: {  	_ =	shalt  }
0x54: {  	_ =	shalt  }
0x55: {  	_ =	shalt  }
0x56: {  	_ =	shalt  }
0x57: {  	_ =	shalt  }
0x58: {  	_ =	shalt  }
0x59: {  	_ =	shalt  }
0x5a: {  	_ =	shalt  }
0x5b: {  	_ =	shalt  }
0x5c: {  	_ =	shalt  }
0x5d: {  	_ =	shalt  }
0x5e: {  	_ =	shalt  }
0x5f: {  	_ =	shalt  }
0x60: {  	_ =	shalt  }
0x61: {  	_ =	shalt  }
0x62: {  	_ =	shalt  }
0x63: {  	_ =	shalt  }
0x64: {  	_ =	shalt  }
0x65: {  	_ =	shalt  }
0x66: {  	_ =	shalt  }
0x67: {  	_ =	shalt  }
0x68: {  	_ =	shalt  }
0x69: {  	_ =	shalt  }
0x6a: {  	_ =	shalt  }
0x6b: {  	_ =	shalt  }
0x6c: {  	_ =	shalt  }
0x6d: {  	_ =	shalt  }
0x6e: {  	_ =	shalt  }
0x6f: {  	_ =	shalt  }
0x70: {  	_ =	shalt  }
0x71: {  	_ =	shalt  }
0x72: {  	_ =	shalt  }
0x73: {  	_ =	shalt  }
0x74: {  	_ =	shalt  }
0x75: {  	_ =	shalt  }
0x76: {  	_ =	shalt  }
0x77: {  	_ =	shalt  }
0x78: {  	_ =	shalt  }
0x79: {  	_ =	shalt  }
0x7a: {  	_ =	shalt  }
0x7b: {  	_ =	shalt  }
0x7c: {  	_ =	shalt  }
0x7d: {  	_ =	shalt  }
0x7e: {  	_ =	shalt  }
0x7f: {  	_ =	shalt  }
0x80: {  	_ =	shalt  }
0x81: {  	_ =	shalt  }
0x82: {  	_ =	shalt  }
0x83: {  	_ =	shalt  }
0x84: {  	_ =	shalt  }
0x85: {  	_ =	shalt  }
0x86: {  	_ =	shalt  }
0x87: {  	_ =	shalt  }
.Lfunc_end0:
.L_simem_size_0:
called_computation_lowered:
.L_overlay_start_0:
0x88: {  	s2 =	sld [smem:$0x3FD9]  }
0x89: {  	s3 =	sld [smem:$0x3FFE];
	_ =	sdelay $0x1  }
0x8a: {  	s1 =	srdreg.scid  }
0x8b: {  	s0 =	sand.u32 $0x1, s1  }
0x8c: {  	s17 =	sshll.u32 s0, $0xA;
	s2 =	sadd.s32 s3, s2  }
0x8d: {  	s2 =	sadd.s32 s2, s17  }
0x8e: {  	[smem:$0x3FC2] =	sst s2  }
0x8f: {  	_ = 	snop  }
0x90: {  	s2 =	sld [smem:$0x3FD0];
	(tm) =	ssettm $0x1  }
0x91: {  	s18 =	sld [smem:$0x3FFB];
	_ =	sdelay $0x3  }
0x92: {  	_ =	strace s18  }
0x93: {  	s3 =	sld [smem:$0x3FFC];
	_ =	sdelay $0x3  }
0x94: {  	_ =	strace s3  }
0x95: {  	s3 =	sld [smem:$0x3FFD];
	_ =	sdelay $0x3  }
0x96: {  	_ =	strace s3  }
0x97: {  	_ =	strace $0x8FFFFFFF  }
0x98: {  	s19 =	sld [smem:$0x3FDB];
	_ =	sdelay $0x1  }
0x99: {  	s4 =	simm.s32 $_scs_section_size  }
0x9a: {  	s5 =	simm.s32 $_size__tile_overlayer_lowered;
	s6 =	simm.s32 $_tile_overlayer_lowered  }
0x9b: {  	s22 =	simm.s32 $0x1BFF;
	s21 =	sshll.u32 s6, $0x1;
	s3 =	sadd.s32 s4, s19  }
0x9c: {  	s7 =	simm.s32 $0x0;
	s20 =	sshll.u32 s5, $0x1;
	s5 =	sadd.s32 s21, s3  }
0x9d: {  	[timem:s7], [sflag:s22] =	dma.local [hbm:s5], s20  }
0x9e: {  	_ =	swait.ge [sflag:s22], s20  }
0x9f: {  	s4 =	ssub.s32 $0x0, s20;
	[sflag:s22] =	ssyncset.done $0x0  }
0xa0: {  	[sflag:s22] =	ssyncadd.s32 s4;
	_ =	sdelay $0x1  }
0xa1: {  	s23 =	simm.s32 $0x1B8B  }
0xa2: {  	_ =	swait.ge [sflag:s23], $0x1  }
0xa3: {  	[sflag:s23] =	ssyncset.done $0x0  }
0xa4: {  	s25 =	simm.s32 $0x1B8E;
	s24 =	sld [smem:$0x3FFE];
	[sflag:s23] =	ssyncadd.s32 $0xFFFFFFFF  }
0xa5: {  	s26 =	simm.s32 $execute0_lowered;
	[smem:$0x3FD2] =	sst s25  }
0xa6: {  	s5 =	sshll.u32 s26, $0x1;
	_ =	strace $0x80000046;
	[dreg:$0x1] =	wrdreg $0xFFFFFFFF  }
0xa7: {  	s28 =	simm.s32 $_size_execute0_lowered;
	s3 =	sadd.s32 s3, s5;
	[dreg:$0x0] =	wrdreg $0x0  }
0xa8: {  	s5 =	sshll.u32 s28, $0x1;
	[dreg:$0x2] =	wrdreg s3  }
0xa9: {  	[dreg:$0x3] =	wrdreg s5  }
0xaa: {  	[dreg:$0x4] =	wrdreg $0xC0  }
0xab: {  	_ =	task [dreg:s7], $0x5FFFF  }
0xac: {  	[dreg:$0x1] =	wrdreg $0xFFFFFFFF  }
0xad: {  	[dreg:$0x0] =	wrdreg $0x60  }
0xae: {  	[dreg:$0x2] =	wrdreg s2  }
0xaf: {  	[dreg:$0x3] =	wrdreg s24  }
0xb0: {  	[dreg:$0x4] =	wrdreg $0x2B000  }
0xb1: {  	[dreg:$0x5] =	wrdreg $0x9  }
0xb2: {  	_ =	task.clear_ibuf [dreg:s7], $0x6FFFF;
	_ =	strace $0x90000046  }
0xb3: {  	s29 =	simm.s32 $0x9;
	_ =	strace $0x80000048  }
0xb4: {  	_ =	swait.ge [sflag:s29], $0x1  }
0xb5: {  	[sflag:s29] =	ssyncadd.s32 $0xFFFFFFFF  }
0xb6: {  	_ =	strace $0x90000048  }
0xb7: {  	_ =	sfence  }
0xb8: {  	s30 =	sld [smem:$0x0];
	_ =	sdelay $0x2  }
0xb9: {  	s31 =	sshll.u32 s1, $0xD;
	s1 =	sshrl.u32 s1, $0x2  }
0xba: {  	s3 =	sand.u32 $0x4000, s31;
	s1 =	sadd.s32 s1, s30  }
0xbb: {  	s0 =	sor.u32 s3, s0;
	s1 =	sshll.u32 s1, $0x11  }
0xbc: {  	s0 =	sor.u32 s1, s0  }
0xbd: {  	s0 =	sadd.s32 $0x8F2B, s0  }
0xbe: {  	[sflag:s0] =	ssyncadd.remote.s32 $0x1  }
0xbf: {  	_ =	sfence.sel $0xFFFF  }
0xc0: {  	[dreg:$0x0] =	wrdreg $0xFFFFFFFF;
	(pc) =	sbr.abs _section_cstart, $3  }
0xc1: {  	[dreg:$0x1] =	wrdreg $0xFFFFFFFF  }
0xc2: {  	_ =	task.clear_ibuf [dreg:s7], $0x2FFFF;
	_ =	strace $0x9FFFFFFF  }
0xc3: {  	(tm) =	ssettm $0x7FFFFFFF  }
tec
execute0_lowered:
.L_overlay_start_1:
0x0: {  	(tag) =	ssettag $0x1  }
0x1: {  	s5 =	rddreg [dreg:$0x0]  }
0x2: {  	s4 =	rddreg [dreg:$0x1]  }
0x3: {  	s1 =	rddreg [dreg:$0x2]  }
0x4: {  	s0 =	rddreg [dreg:$0x3];
	s2 =	srdreg.scid  }
0x5: {  	s3 =	simm.s32 $0x0;
	s14 =	simm.s32 $0x20;
	s15 =	simm.s32 $0x10  }
0x6: {  	s16 =	simm.s32 $0x0;
	s6 =	sand.u32 $0x1, s2;
	s2 =	stileid.u32  }
0x7: {  	[smem:$0x7FF] =	sst s3;
	s7 =	sshll.u32 s6, $0x4;
	s8 =	smul.u32 $0xA00, s2  }
0x8: {  	_ =	strace $0x80000047;
	s6 =	ssub.s32 $0x2, s6;
	s12 =	smul.u32 $0xA0, s2  }
0x9: {  	s13 =	sshll.u32 s2, $0x6;
	s9 =	sor.u32 s2, s7;
	s10 =	sshrl.u32 s6, $0x1  }
0xa: {  	s7 =	sadd.s32 s7, s4;
	s8 =	sshrl.u32 s8, $0x2;
	s9 =	smul.u32 $0x500, s9  }
0xb: {  	s6 =	ssub.s32 s6, s10;
	s11 =	sadd.s32 $0x2000, s7;
	s7 =	simm.s32 $0x2880  }
0xc: {  	s10 =	simm.s32 $0x2800;
	s4 =	sadd.s32 s8, s1;
	s6 =	smax.u32 s6, $0x1  }
0xd: {  	s8 =	simm.s32 $0x1;
	s11 =	sadd.s32 s12, s11;
	s12 =	sor.u32 $0x1C01, s13  }
0xe: {  	v0 =	vimm.f32 $0.0e+00;
	v1 =	vimm.f32 $1.000000000e+00;
	s5 =	sadd.s32 s5, s9;
	s9 =	simm.s32 $0x80;
	s13 =	sshrl.u32 s4, $0x3  }
.LBB2_1:
0xf: {  	s18 =	simm.s32 $0x0;
	s19 =	sand.u32 $0x1C0, s3  }
0x10: {  	s17 =	simm.s32 $0x40;
	[tilespmem:s18+$0x2880] =	vst v0;
	s18 =	sshrl.u32 s19, $0x2  }
.LBB2_2:
0x11: {  	p0 =	sne.s32 s17, $0x9C0;
	[tilespmem:s18+$0x2800] =	vst v1;
	s18 =	smov.u32 s17;
	s17 =	sadd.s32 $0x40, s17  }
.Ltmp0:
0x12: {  	(pc) =	sbr.rel @p0 .LBB2_2-.Ltmp0, $3  }
0x13: {  	_ =	sdelay $0x1  }
0x14: {  	s19 =	sshra.s32 s18, $0x2;
	s18 =	sand.u32 $0x1C0, s18  }
0x15: {  	s18 =	sshrl.u32 s18, $0x2;
	[tilespmem:s19+$0x2880] =	vst v0  }
0x16: {  	[tilespmem:s18+$0x2800] =	vst v1  }
0x17: {  	[spmem:s4] =	stream.linear.scatter [tilespmem:s7], [sflag:$0x1], $0x280, $0x38;
	[tilespmem:$0x2D80] =	vst v63  }
0x18: {  	_ =	swait.ge [sflag:s8], $0x280  }
0x19: {  	[sflag:s8] =	ssyncset.done $0x0  }
0x1a: {  	[sflag:s8] =	ssyncadd.s32 $0xFFFFFD80  }
0x1b: {  	s17 =	simm.s32 $0x0;
	[bflag:$0x0] =	sbarrier.arrive $0xFFFF  }
0x1c: {  	[tilespmem:s17], [sflag:$0x1] =	stream.linear.gather [hbm4b:s5+s17], $0x2800, $0x38;
	[tilespmem:$0x2D80] =	vst v63  }
0x1d: {  	_ =	swait.ge [sflag:s8], $0x2800  }
0x1e: {  	[sflag:s8] =	ssyncset.done $0x0  }
0x1f: {  	s31 =	simm.s32 $0x0;
	[sflag:s8] =	ssyncadd.s32 $0xFFFFD800  }
0x20: {  	[spmem:s1] =	stream.indirect.scatter.add.f32 [tilespmem:s10], [sflag:$0x1], $0x1, s31, s9, $0xb8;
	[tilespmem:$0x2D80] =	vst v63  }
0x21: {  	_ =	swait.ge [sflag:s8], $0x80  }
0x22: {  	s17 =	simm.s32 $0x200;
	[sflag:s8] =	ssyncset.done $0x0  }
.LBB2_4:
0x23: {  	s18 =	sshra.s32 s17, $0x2;
	[sflag:s8] =	ssyncadd.s32 $0xFFFFFF80;
	p0 =	sne.s32 s17, $0x9E00  }
0x24: {  	[spmem:s1] =	stream.indirect.scatter.add.f32 [tilespmem:s10], [sflag:$0x1], $0x1, s18, s9, $0xb8;
	[tilespmem:$0x2D80] =	vst v63  }
.Ltmp1:
0x25: {  	_ = 	snop;
	(pc) =	sbr.rel @p0 .LBB2_4-.Ltmp1, $4  }
0x26: {  	_ = 	snop  }
0x27: {  	s17 =	sadd.s32 $0x200, s17  }
0x28: {  	_ =	swait.ge [sflag:s8], $0x80  }
0x29: {  	[sflag:s8] =	ssyncset.done $0x0  }
0x2a: {  	s16 =	sadd.s32 $0x1, s16  }
0x2b: {  	[sflag:s8] =	ssyncadd.s32 $0xFFFFFF80;
	p0 =	sne.s32 s16, s6  }
.Ltmp2:
0x2c: {  	[bflag:$0x0] =	sbarrier.arrive $0xFFFF;
	(pc) =	sbr.rel @p0 .LBB2_1-.Ltmp2, $4  }
0x2d: {  	[hbm:s11@s14], [sflag:s12] =	dma.strided [spmem:s13@s15], $0x50, s8, $0x10   }
0x2e: {  	_ =	swait.ge [sflag:s8], $0x50  }
0x2f: {  	[sflag:s8] =	ssyncset.done $0x0  }
0x30: {  	[sflag:s8] =	ssyncadd.s32 $0xFFFFFFB0  }
0x31: {  	_ =	sfence.sel $0x180000  }
0x32: {  	[bflag:$0x0] =	sbarrier.arrive $0xFFFF  }
0x33: {  	p0 =	sne.s32 s2, $0x0;
	_ =	strace $0x90000047  }
0x34: {  	s0 =	sadd.s32 @!p0 $0x100000, s0;
	[bflag:$0x2] =	sbarrier.arrive $0xFFFF  }
0x35: {  	[sflag:s0] =	ssyncadd.tile.s32 @!p0 $0x1;
	_ =	shalt  }
.Lfunc_end2:
_tile_overlayer_lowered:
.L_overlay_start_2:
0x36: {  	(tag) =	ssettag $0x2  }
0x37: {  	s0 =	rddreg [dreg:$0x0];
	s2 =	stileid.u32  }
0x38: {  	s1 =	rddreg [dreg:$0x1];
	p0 =	sne.s32 s2, $0x0  }
0x39: {  	s3 =	rddreg [dreg:$0x2];
	[bflag:$0x3] =	sbarrier.arrive $0xFFFF;
	s2 =	simm.s32 @!p0 $0x1C01  }
0x3a: {  	[timem:s3], [sflag:s2] =	dma.local @!p0 [hbm:s0], s1  }
0x3b: {  	s0 =	simm.s32 @!p0 $0x1  }
0x3c: {  	_ =	swait.ge @!p0 [sflag:s0], s1  }
0x3d: {  	s1 =	ssub.s32 @!p0 $0x0, s1;
	[sflag:s0] =	ssyncset.done @!p0 $0x0  }
0x3e: {  	[sflag:s0] =	ssyncadd.s32 @!p0 s1  }
0x3f: {  	[bflag:$0x3] =	sbarrier.arrive $0xFFFF  }
0x40: {  	_ =	shalt  }

// kernel: kernel.9.cloned.1.call-start
scs
__scs_entry_jumppad:
0x0: {  	(pc) =	sbr.rel $0x88, $3  }
0x1: {  	(tag) =	ssettag $0x0;
	lr =	simm.s32 $0x1  }
0x2: {  	[smem:$0x3F9B] =	sst lr;
	_ =	strace $0xD0000000  }
0x3: {  	_ = 	snop  }
0x4: {  	_ = 	snop  }
0x5: {  	_ = 	snop  }
0x6: {  	_ = 	snop  }
0x7: {  	_ = 	snop  }
__scs_overlays_trampoline_lowered:
0x8: {  	[smem:$0x3FAA] =	sst s0  }
0x9: {  	[smem:$0x3FAB] =	sst s1  }
0xa: {  	[smem:$0x3FAC] =	sst s2  }
0xb: {  	[smem:$0x3FAD] =	sst s3  }
0xc: {  	[smem:$0x3FAE] =	sst s4  }
0xd: {  	[smem:$0x3FAF] =	sst s5  }
0xe: {  	[smem:$0x3FB0] =	sst s6  }
0xf: {  	[smem:$0x3FB1] =	sst s7  }
0x10: {  	[smem:$0x3FB2] =	sst s8  }
0x11: {  	[smem:$0x3FB3] =	sst s9;
	s0 =	simm.s32 @!p0 $0x0  }
0x12: {  	s1 =	sld [smem:$0x3F99];
	s0 =	simm.s32 @p0 $0x1  }
0x13: {  	[smem:$0x3FB4] =	sst s0;
	s0 =	simm.s32 @!p1 $0x0  }
0x14: {  	s2 =	sld [smem:$0x3F98];
	s0 =	simm.s32 @p1 $0x1  }
0x15: {  	[smem:$0x3FB5] =	sst s0;
	s0 =	simm.s32 @!p2 $0x0  }
0x16: {  	s3 =	sld [smem:$0x3FDB];
	s0 =	simm.s32 @p2 $0x1  }
0x17: {  	s4 =	simm.s32 $0x1BF5;
	[smem:$0x3FB7] =	sst s0  }
0x18: {  	s0 =	sld [smem:$0x3F9A];
	_ =	swait.ge [sflag:s4], $0x0  }
0x19: {  	s7 =	sld [smem:$0x3F9B]  }
0x1a: {  	s8 =	sadd.s32 $0xFFFFE003, lr  }
0x1b: {  	s9 =	sadd.s32 $0xFFFFFEF7, lr;
	s5 =	simm.s32 $0xFFFFFFFF;
	p2 =	slt.u32 s8, $0xFFFFF086  }
0x1c: {  	p1 =	slt.u32 s9, $0xF7A;
	s5 =	simm.s32 @!p2 $0x0  }
0x1d: {  	s5 =	simm.s32 @p1 $0x1;
	p0 =	seq.s32 s7, s2  }
0x1e: {  	s7 =	smul.u32 @!p0 $0xF7A, s2;
	p2 =	seq.s32 @!p0 s5, $0x0  }
0x1f: {  	s9 =	smul.u32 $0xF7A, s1;
	s8 =	simm.s32 @!p0 $0x1BF5;
	p2 =	por !p2, p0  }
0x20: {  	[sflag:s8] =	ssyncset.s32 @!p0 $0xFFFFF086;
	s6 =	sadd.s32 @!p0 s3, s7;
	s7 =	simm.s32 @!p0 $0x108  }
0x21: {  	s3 =	sadd.s32 s3, s9;
	s6 =	sadd.s32 @!p0 $0x88, s6;
	s7 =	simm.s32 @p2 $0x1082  }
0x22: {  	[simem:s7], [sflag:s8] =	dma.local @!p0 [hbm:s6], $0xF7A  }
0x23: {  	s9 =	sor.u32 $0xD0000000, s2;
	s6 =	simm.s32 $0x108;
	_ =	swait.ge @!p0 [sflag:s8], $0x0  }
0x24: {  	s3 =	sadd.s32 $0x88, s3;
	s6 =	simm.s32 @!p1 $0x1082;
	[sflag:s4] =	ssyncset.s32 $0xFFFFF086  }
0x25: {  	[simem:s6], [sflag:s4] =	dma.local [hbm:s3], $0xF7A  }
0x26: {  	[smem:$0x3F9B] =	sst s1;
	(tag) =	ssettag s2;
	_ =	strace s9  }
0x27: {  	s1 =	sld [smem:$0x3FAB]  }
0x28: {  	s2 =	sld [smem:$0x3FAC]  }
0x29: {  	s4 =	sld [smem:$0x3FAE]  }
0x2a: {  	p0 =	seq.s32 s5, $0x0;
	s5 =	sld [smem:$0x3FAF]  }
0x2b: {  	s6 =	sld [smem:$0x3FB0]  }
0x2c: {  	s7 =	sld [smem:$0x3FB1]  }
0x2d: {  	s3 =	simm.s32 $0x108;
	s8 =	sld [smem:$0x3FB2]  }
0x2e: {  	s3 =	simm.s32 @!p0 $0x1082;
	s9 =	sld [smem:$0x3FB3]  }
0x2f: {  	lr =	sadd.s32 s0, s3;
	s0 =	sld [smem:$0x3FAA]  }
0x30: {  	s3 =	sld [smem:$0x3FAD]  }
0x31: {  	[smem:$0x3FB6] =	sst s10  }
0x32: {  	s10 =	sld [smem:$0x3FB4];
	_ =	sdelay $0x3  }
0x33: {  	p0 =	seq.s32 s10, $0x1;
	s10 =	sld [smem:$0x3FB6];
	_ =	sdelay $0x3  }
0x34: {  	[smem:$0x3FB6] =	sst s10  }
0x35: {  	s10 =	sld [smem:$0x3FB5];
	_ =	sdelay $0x3  }
0x36: {  	p1 =	seq.s32 s10, $0x1;
	s10 =	sld [smem:$0x3FB6];
	_ =	sdelay $0x3  }
0x37: {  	[smem:$0x3FB6] =	sst s10  }
0x38: {  	s10 =	sld [smem:$0x3FB7]  }
0x39: {  	_ = 	snop;
	(pc) =	sbr.ind lr, $3  }
0x3a: {  	_ = 	snop  }
0x3b: {  	_ = 	snop  }
0x3c: {  	p2 =	seq.s32 s10, $0x1;
	s10 =	sld [smem:$0x3FB6]  }
0x3d: {  	_ =	shalt  }
0x3e: {  	_ =	shalt  }
0x3f: {  	_ =	shalt  }
0x40: {  	_ =	shalt  }
0x41: {  	_ =	shalt  }
0x42: {  	_ =	shalt  }
0x43: {  	_ =	shalt  }
0x44: {  	_ =	shalt  }
0x45: {  	_ =	shalt  }
0x46: {  	_ =	shalt  }
0x47: {  	_ =	shalt  }
0x48: {  	_ =	shalt  }
0x49: {  	_ =	shalt  }
0x4a: {  	_ =	shalt  }
0x4b: {  	_ =	shalt  }
0x4c: {  	_ =	shalt  }
0x4d: {  	_ =	shalt  }
0x4e: {  	_ =	shalt  }
0x4f: {  	_ =	shalt  }
0x50: {  	_ =	shalt  }
0x51: {  	_ =	shalt  }
0x52: {  	_ =	shalt  }
0x53: {  	_ =	shalt  }
0x54: {  	_ =	shalt  }
0x55: {  	_ =	shalt  }
0x56: {  	_ =	shalt  }
0x57: {  	_ =	shalt  }
0x58: {  	_ =	shalt  }
0x59: {  	_ =	shalt  }
0x5a: {  	_ =	shalt  }
0x5b: {  	_ =	shalt  }
0x5c: {  	_ =	shalt  }
0x5d: {  	_ =	shalt  }
0x5e: {  	_ =	shalt  }
0x5f: {  	_ =	shalt  }
0x60: {  	_ =	shalt  }
0x61: {  	_ =	shalt  }
0x62: {  	_ =	shalt  }
0x63: {  	_ =	shalt  }
0x64: {  	_ =	shalt  }
0x65: {  	_ =	shalt  }
0x66: {  	_ =	shalt  }
0x67: {  	_ =	shalt  }
0x68: {  	_ =	shalt  }
0x69: {  	_ =	shalt  }
0x6a: {  	_ =	shalt  }
0x6b: {  	_ =	shalt  }
0x6c: {  	_ =	shalt  }
0x6d: {  	_ =	shalt  }
0x6e: {  	_ =	shalt  }
0x6f: {  	_ =	shalt  }
0x70: {  	_ =	shalt  }
0x71: {  	_ =	shalt  }
0x72: {  	_ =	shalt  }
0x73: {  	_ =	shalt  }
0x74: {  	_ =	shalt  }
0x75: {  	_ =	shalt  }
0x76: {  	_ =	shalt  }
0x77: {  	_ =	shalt  }
0x78: {  	_ =	shalt  }
0x79: {  	_ =	shalt  }
0x7a: {  	_ =	shalt  }
0x7b: {  	_ =	shalt  }
0x7c: {  	_ =	shalt  }
0x7d: {  	_ =	shalt  }
0x7e: {  	_ =	shalt  }
0x7f: {  	_ =	shalt  }
0x80: {  	_ =	shalt  }
0x81: {  	_ =	shalt  }
0x82: {  	_ =	shalt  }
0x83: {  	_ =	shalt  }
0x84: {  	_ =	shalt  }
0x85: {  	_ =	shalt  }
0x86: {  	_ =	shalt  }
0x87: {  	_ =	shalt  }
.Lfunc_end0:
.L_simem_size_0:
called_computation.1_lowered:
.L_overlay_start_0:
0x88: {  	s2 =	sld [smem:$0x3FD9]  }
0x89: {  	s3 =	sld [smem:$0x3FFE];
	_ =	sdelay $0x1  }
0x8a: {  	s1 =	srdreg.scid  }
0x8b: {  	s0 =	sand.u32 $0x1, s1  }
0x8c: {  	s17 =	sshll.u32 s0, $0xA;
	s2 =	sadd.s32 s3, s2  }
0x8d: {  	s2 =	sadd.s32 s2, s17  }
0x8e: {  	[smem:$0x3FC2] =	sst s2  }
0x8f: {  	_ = 	snop  }
0x90: {  	s2 =	sld [smem:$0x3FD0];
	(tm) =	ssettm $0x1  }
0x91: {  	s18 =	sld [smem:$0x3FFB];
	_ =	sdelay $0x3  }
0x92: {  	_ =	strace s18  }
0x93: {  	s3 =	sld [smem:$0x3FFC];
	_ =	sdelay $0x3  }
0x94: {  	_ =	strace s3  }
0x95: {  	s3 =	sld [smem:$0x3FFD];
	_ =	sdelay $0x3  }
0x96: {  	_ =	strace s3  }
0x97: {  	_ =	strace $0x8FFFFFFF  }
0x98: {  	s19 =	sld [smem:$0x3FDB];
	_ =	sdelay $0x1  }
0x99: {  	s4 =	simm.s32 $_scs_section_size  }
0x9a: {  	s5 =	simm.s32 $_size__tile_overlayer_lowered;
	s6 =	simm.s32 $_tile_overlayer_lowered  }
0x9b: {  	s22 =	simm.s32 $0x1BFF;
	s21 =	sshll.u32 s6, $0x1;
	s3 =	sadd.s32 s4, s19  }
0x9c: {  	s7 =	simm.s32 $0x0;
	s20 =	sshll.u32 s5, $0x1;
	s5 =	sadd.s32 s21, s3  }
0x9d: {  	[timem:s7], [sflag:s22] =	dma.local [hbm:s5], s20  }
0x9e: {  	_ =	swait.ge [sflag:s22], s20  }
0x9f: {  	s4 =	ssub.s32 $0x0, s20;
	[sflag:s22] =	ssyncset.done $0x0  }
0xa0: {  	[sflag:s22] =	ssyncadd.s32 s4;
	_ =	sdelay $0x1  }
0xa1: {  	s23 =	simm.s32 $0x1B8B  }
0xa2: {  	_ =	swait.ge [sflag:s23], $0x1  }
0xa3: {  	[sflag:s23] =	ssyncset.done $0x0  }
0xa4: {  	s25 =	simm.s32 $0x1B8E;
	s24 =	sld [smem:$0x3FFE];
	[sflag:s23] =	ssyncadd.s32 $0xFFFFFFFF  }
0xa5: {  	s26 =	simm.s32 $execute0_lowered;
	[smem:$0x3FD2] =	sst s25  }
0xa6: {  	s5 =	sshll.u32 s26, $0x1;
	_ =	strace $0x80000049;
	[dreg:$0x1] =	wrdreg $0xFFFFFFFF  }
0xa7: {  	s28 =	simm.s32 $_size_execute0_lowered;
	s3 =	sadd.s32 s3, s5;
	[dreg:$0x0] =	wrdreg $0x0  }
0xa8: {  	s5 =	sshll.u32 s28, $0x1;
	[dreg:$0x2] =	wrdreg s3  }
0xa9: {  	[dreg:$0x3] =	wrdreg s5  }
0xaa: {  	[dreg:$0x4] =	wrdreg $0xC0  }
0xab: {  	_ =	task [dreg:s7], $0x5FFFF  }
0xac: {  	[dreg:$0x1] =	wrdreg $0xFFFFFFFF  }
0xad: {  	[dreg:$0x0] =	wrdreg $0x60  }
0xae: {  	[dreg:$0x2] =	wrdreg s24  }
0xaf: {  	[dreg:$0x3] =	wrdreg s2  }
0xb0: {  	[dreg:$0x4] =	wrdreg $0xAA000  }
0xb1: {  	[dreg:$0x5] =	wrdreg $0x14A000  }
0xb2: {  	[dreg:$0x6] =	wrdreg $0x9  }
0xb3: {  	_ =	task.clear_ibuf [dreg:s7], $0x7FFFF;
	_ =	strace $0x90000049  }
0xb4: {  	s29 =	simm.s32 $0x9;
	_ =	strace $0x8000004B  }
0xb5: {  	_ =	swait.ge [sflag:s29], $0x1  }
0xb6: {  	[sflag:s29] =	ssyncadd.s32 $0xFFFFFFFF  }
0xb7: {  	_ =	strace $0x9000004B  }
0xb8: {  	_ =	sfence  }
0xb9: {  	s30 =	sld [smem:$0x0];
	_ =	sdelay $0x2  }
0xba: {  	s31 =	sshll.u32 s1, $0xD;
	s1 =	sshrl.u32 s1, $0x2  }
0xbb: {  	s3 =	sand.u32 $0x4000, s31;
	s1 =	sadd.s32 s1, s30  }
0xbc: {  	s0 =	sor.u32 s3, s0;
	s1 =	sshll.u32 s1, $0x11  }
0xbd: {  	s0 =	sor.u32 s1, s0  }
0xbe: {  	s0 =	sadd.s32 $0x8F2B, s0  }
0xbf: {  	[sflag:s0] =	ssyncadd.remote.s32 $0x1  }
0xc0: {  	_ =	sfence.sel $0xFFFF  }
0xc1: {  	[dreg:$0x0] =	wrdreg $0xFFFFFFFF;
	(pc) =	sbr.abs _section_cstart, $3  }
0xc2: {  	[dreg:$0x1] =	wrdreg $0xFFFFFFFF  }
0xc3: {  	_ =	task.clear_ibuf [dreg:s7], $0x2FFFF;
	_ =	strace $0x9FFFFFFF  }
0xc4: {  	(tm) =	ssettm $0x7FFFFFFF  }
0xc5: {  	_ =	shalt  }
tec
execute0_lowered:
.L_overlay_start_1:
0x0: {  	(tag) =	ssettag $0x1  }
0x1: {  	s0 =	rddreg [dreg:$0x0]  }
0x2: {  	s1 =	rddreg [dreg:$0x1]  }
0x3: {  	s17 =	rddreg [dreg:$0x2]  }
0x4: {  	s26 =	rddreg [dreg:$0x3];
	s10 =	stileid.u32;
	s2 =	simm.s32 $0x0  }
0x5: {  	s6 =	srdreg.scid;
	s29 =	simm.s32 $0x180;
	s31 =	simm.s32 $0x900  }
0x6: {  	s30 =	simm.s32 $0x680;
	s15 =	simm.s32 $0x2;
	s5 =	smul.u32 $0xA00, s10  }
0x7: {  	s3 =	simm.s32 $0x5;
	[smem:$0x7FF] =	sst s2;
	s7 =	smul.u32 $0x28000, s10  }
0x8: {  	s6 =	sand.u32 $0x1, s6;
	s10 =	smul.u32 $0xA000, s10;
	s2 =	simm.s32 $0x6  }
0x9: {  	_ =	strace $0x8000004A;
	s9 =	smul.u32 $0x14000, s6;
	s6 =	ssub.s32 $0x2, s6  }
0xa: {  	[dreg:$0x5] =	wrdreg s31;
	s8 =	sadd.s32 s5, s0;
	s7 =	sshrl.u32 s7, $0x2  }
0xb: {  	s16 =	sshrl.u32 s6, $0x1;
	s13 =	sadd.s32 s10, s17;
	s21 =	sadd.s32 s10, s26  }
0xc: {  	s12 =	sshrl.u32 s10, $0x3;
	s28 =	sadd.s32 s1, s5;
	[dreg:$0x8] =	wrdreg s13  }
0xd: {  	s0 =	sadd.s32 s9, s0;
	s25 =	sshrl.u32 s21, $0x3;
	[dreg:$0x6] =	wrdreg s28  }
0xe: {  	s7 =	sadd.s32 s7, s17;
	s11 =	sadd.s32 $0x2A00, s8;
	[dreg:$0xf] =	wrdreg s25  }
0xf: {  	s6 =	ssub.s32 s6, s16;
	s18 =	sadd.s32 $0x2000, s7;
	[dreg:$0x7] =	wrdreg s11  }
0x10: {  	s8 =	simm.s32 $0x1F;
	s19 =	sadd.s32 $0x4000, s7;
	[dreg:$0x9] =	wrdreg s18  }
0x11: {  	s21 =	simm.s32 $0x500;
	s20 =	sadd.s32 $0x6000, s7;
	[dreg:$0xa] =	wrdreg s19  }
0x12: {  	s7 =	sadd.s32 $0x8000, s7;
	s22 =	sadd.s32 $0x84A00, s0;
	[dreg:$0xb] =	wrdreg s20  }
0x13: {  	s0 =	sadd.s32 $0xACA00, s0;
	s23 =	smax.u32 s6, $0x1;
	[dreg:$0xc] =	wrdreg s7  }
0x14: {  	s25 =	simm.s32 $0x600;
	s6 =	simm.s32 $0x8A00;
	[dreg:$0xd] =	wrdreg s23  }
0x15: {  	s24 =	sadd.s32 s12, s22;
	s18 =	simm.s32 $0x80;
	s22 =	simm.s32 $0x580  }
0x16: {  	s23 =	simm.s32 $0x100;
	s0 =	sadd.s32 s12, s0;
	s12 =	simm.s32 $0x1  }
0x17: {  	s20 =	simm.s32 $0x3;
	s7 =	simm.s32 $0x0;
	[dreg:$0xe] =	wrdreg s24  }
0x18: {  	v0 =	vimm.f32 $0.0e+00;
	[dreg:$0x10] =	wrdreg s0;
	s0 =	simm.s32 $0x4A00;
	s24 =	simm.s32 $0x7  }
.LBB2_1:
0x19: {  	[dreg:$0x11] =	wrdreg s7;
	s7 =	simm.s32 $0x100;
	s5 =	simm.s32 $0x0  }
.LBB2_2:
0x1a: {  	p0 =	sne.s32 s7, $0x7F00;
	[tilespmem:s5+$0xA30] =	vst v0;
	s19 =	smov.u32 s7;
	s7 =	sadd.s32 $0x100, s7  }
.Ltmp0:
0x1b: {  	[tilespmem:s5+$0xA20] =	vst v0;
	(pc) =	sbr.rel @p0 .LBB2_2-.Ltmp0, $3  }
0x1c: {  	[tilespmem:s5+$0xA00] =	vst v0  }
0x1d: {  	[tilespmem:s5+$0xA10] =	vst v0;
	_ =	sdelay $0x1  }
0x1e: {  	s5 =	sshra.s32 s19, $0x2  }
0x1f: {  	[tilespmem:s5+$0xA30] =	vst v0  }
0x20: {  	[tilespmem:s5+$0xA20] =	vst v0  }
0x21: {  	[tilespmem:s5+$0xA00] =	vst v0  }
0x22: {  	[tilespmem:s5+$0xA10] =	vst v0;
	s16 =	simm.s32 $0xA00  }
0x23: {  	[spmem:s13] =	stream.linear.scatter [tilespmem:s16], [sflag:$0x1F], $0x2000, $0x38;
	[tilespmem:$0x1EA00] =	vst v63  }
0x24: {  	_ =	swait.ge [sflag:s8], $0x2000  }
0x25: {  	[sflag:s8] =	ssyncset.done $0x0  }
0x26: {  	s7 =	rddreg [dreg:$0x9];
	[sflag:s8] =	ssyncadd.s32 $0xFFFFE000  }
0x27: {  	[spmem:s7] =	stream.linear.scatter [tilespmem:s16], [sflag:$0x1F], $0x2000, $0x38;
	[tilespmem:$0x1EA00] =	vst v63  }
0x28: {  	_ =	swait.ge [sflag:s8], $0x2000  }
0x29: {  	[sflag:s8] =	ssyncset.done $0x0  }
0x2a: {  	s9 =	rddreg [dreg:$0xa];
	[sflag:s8] =	ssyncadd.s32 $0xFFFFE000  }
0x2b: {  	[spmem:s9] =	stream.linear.scatter [tilespmem:s16], [sflag:$0x1F], $0x2000, $0x38;
	[tilespmem:$0x1EA00] =	vst v63  }
0x2c: {  	_ =	swait.ge [sflag:s8], $0x2000  }
0x2d: {  	[sflag:s8] =	ssyncset.done $0x0  }
0x2e: {  	s10 =	rddreg [dreg:$0xb];
	[sflag:s8] =	ssyncadd.s32 $0xFFFFE000  }
0x2f: {  	[spmem:s10] =	stream.linear.scatter [tilespmem:s16], [sflag:$0x1F], $0x2000, $0x38;
	[tilespmem:$0x1EA00] =	vst v63  }
0x30: {  	s14 =	stileid.u32;
	_ =	swait.ge [sflag:s8], $0x2000  }
0x31: {  	s5 =	sshll.u32 s14, $0x6;
	[sflag:s8] =	ssyncset.done $0x0  }
0x32: {  	s9 =	sor.u32 $0x1C1F, s5;
	s13 =	rddreg [dreg:$0xc];
	[sflag:s8] =	ssyncadd.s32 $0xFFFFE000  }
0x33: {  	[spmem:s13] =	stream.linear.scatter [tilespmem:s16], [sflag:$0x1F], $0x2000, $0x38;
	[tilespmem:$0x1EA00] =	vst v63  }
0x34: {  	_ =	swait.ge [sflag:s8], $0x2000;
	[dreg:$0x12] =	wrdreg s9  }
0x35: {  	[sflag:s8] =	ssyncset.done $0x0;
	s19 =	rddreg [dreg:$0xe]  }
0x36: {  	s7 =	rddreg [dreg:$0xf];
	[sflag:s8] =	ssyncadd.s32 $0xFFFFE000  }
0x37: {  	[spmem:s7], [sflag:s9] =	dma.local [hbm:s19], $0x1400  }
0x38: {  	_ =	swait.ge [sflag:s8], $0x1400  }
0x39: {  	[sflag:s8] =	ssyncset.done $0x0  }
0x3a: {  	[sflag:s8] =	ssyncadd.s32 $0xFFFFEC00  }
0x3b: {  	s31 =	simm.s32 $0x0;
	[bflag:$0x0] =	sbarrier.arrive $0xFFFF  }
0x3c: {  	[tilespmem:s31], [sflag:$0xB] =	stream.linear.gather [hbm4b:s11+s31], $0x80, $0x38;
	[tilespmem:$0x1EA00] =	vst v63  }
0x3d: {  	_ = 	snop  }
0x3e: {  	[tilespmem:s21], [sflag:$0x15] =	stream.linear.gather [hbm4b:s28+s31], $0x80, $0x38;
	[tilespmem:$0x1EA00] =	vst v63  }
0x3f: {  	s1 =	sadd.s32 $0x10, s11  }
0x40: {  	[tilespmem:s18], [sflag:$0xC] =	stream.linear.gather [hbm4b:s1+s31], $0x80, $0x38;
	[tilespmem:$0x1EA00] =	vst v63  }
0x41: {  	s4 =	sadd.s32 $0x10, s28  }
0x42: {  	[tilespmem:s22], [sflag:$0x16] =	stream.linear.gather [hbm4b:s4+s31], $0x80, $0x38;
	[tilespmem:$0x1EA00] =	vst v63  }
0x43: {  	s8 =	sadd.s32 $0x20, s11  }
0x44: {  	[tilespmem:s23], [sflag:$0xD] =	stream.linear.gather [hbm4b:s8+s31], $0x80, $0x38;
	[tilespmem:$0x1EA00] =	vst v63  }
0x45: {  	s9 =	sadd.s32 $0x20, s28  }
0x46: {  	[tilespmem:s25], [sflag:$0x17] =	stream.linear.gather [hbm4b:s9+s31], $0x80, $0x38;
	[tilespmem:$0x1EA00] =	vst v63  }
0x47: {  	s10 =	sadd.s32 $0x30, s11  }
0x48: {  	[tilespmem:s29], [sflag:$0xE] =	stream.linear.gather [hbm4b:s10+s31], $0x80, $0x38;
	[tilespmem:$0x1EA00] =	vst v63  }
0x49: {  	s14 =	simm.s32 $0xB;
	s13 =	sadd.s32 $0x30, s28  }
0x4a: {  	[tilespmem:s30], [sflag:$0x18] =	stream.linear.gather [hbm4b:s13+s31], $0x80, $0x38;
	[tilespmem:$0x1EA00] =	vst v63  }
0x4b: {  	_ =	swait.ge [sflag:s14], $0x80  }
0x4c: {  	[sflag:s14] =	ssyncset.done $0x0  }
0x4d: {  	s19 =	simm.s32 $0xC;
	[sflag:s14] =	ssyncadd.s32 $0xFFFFFF80  }
0x4e: {  	[tilespmem:s16], [sflag:$0x1] =	stream.indirect.gather [spmem:s26], $0x40, s31, s18, $0xb8;
	[tilespmem:$0x1EA00] =	vst v63  }
0x4f: {  	_ =	swait.ge [sflag:s19], $0x80  }
0x50: {  	p0 =	por $0x1, $0x1;
	[sflag:s19] =	ssyncset.done $0x0  }
0x51: {  	s7 =	simm.s32 @!p0 $0x9;
	s13 =	simm.s32 $0x2A00;
	[sflag:s19] =	ssyncadd.s32 $0xFFFFFF80  }
0x52: {  	[tilespmem:s13], [sflag:$0x2] =	stream.indirect.gather [spmem:s26], $0x40, s18, s18, $0xb8;
	[tilespmem:$0x1EA00] =	vst v63  }
0x53: {  	s5 =	sadd.s32 $0x0, s11;
	_ =	swait.ge @!p0 [sflag:s7], $0x2000  }
0x54: {  	s4 =	simm.s32 $0x0;
	s31 =	simm.s32 $0x200;
	[sflag:s7] =	ssyncset.done @!p0 $0x0  }
0x55: {  	s19 =	sadd.s32 $0x40, s5;
	[sflag:s7] =	ssyncadd.s32 @!p0 $0xFFFFE000;
	s7 =	sadd.s32 $0x0, s28  }
0x56: {  	[tilespmem:s31], [sflag:$0xF] =	stream.linear.gather [hbm4b:s19+s4], $0x80, $0x38;
	[tilespmem:$0x1EA00] =	vst v63  }
0x57: {  	s8 =	simm.s32 $0x700;
	s1 =	sadd.s32 $0x40, s7  }
0x58: {  	[tilespmem:s8], [sflag:$0x19] =	stream.linear.gather [hbm4b:s1+s4], $0x80, $0x38;
	[tilespmem:$0x1EA00] =	vst v63  }
0x59: {  	s1 =	simm.s32 $0xD  }
0x5a: {  	_ =	swait.ge [sflag:s1], $0x80  }
0x5b: {  	[sflag:s1] =	ssyncset.done $0x0  }
0x5c: {  	[sflag:s1] =	ssyncadd.s32 $0xFFFFFF80  }
0x5d: {  	[tilespmem:s0], [sflag:$0x3] =	stream.indirect.gather [spmem:s26], $0x40, s23, s18, $0xb8;
	[tilespmem:$0x1EA00] =	vst v63  }
0x5e: {  	_ =	swait.ge [sflag:s12], $0x2000  }
0x5f: {  	[sflag:s12] =	ssyncset.done $0x0  }
0x60: {  	s9 =	simm.s32 $0x15;
	[sflag:s12] =	ssyncadd.s32 $0xFFFFE000  }
0x61: {  	_ =	swait.ge [sflag:s9], $0x80  }
0x62: {  	[sflag:s9] =	ssyncset.done $0x0  }
0x63: {  	s19 =	simm.s32 @!p0 $0xA;
	[sflag:s9] =	ssyncadd.s32 $0xFFFFFF80  }
0x64: {  	[spmem:s17] =	stream.indirect.scatter.add.f32 [tilespmem:s16], [sflag:$0x6], $0x40, s21, s18, $0xb8;
	[tilespmem:$0x1EA00] =	vst v63  }
0x65: {  	_ =	swait.ge @!p0 [sflag:s19], $0x2000  }
0x66: {  	[sflag:s19] =	ssyncset.done @!p0 $0x0  }
0x67: {  	s10 =	sadd.s32 $0x50, s5;
	s0 =	simm.s32 $0x280;
	[sflag:s19] =	ssyncadd.s32 @!p0 $0xFFFFE000  }
0x68: {  	[tilespmem:s0], [sflag:$0x10] =	stream.linear.gather [hbm4b:s10+s4], $0x80, $0x38;
	[tilespmem:$0x1EA00] =	vst v63  }
0x69: {  	s14 =	sadd.s32 $0x50, s7;
	s1 =	simm.s32 $0x780;
	s19 =	simm.s32 $0xE  }
0x6a: {  	[tilespmem:s1], [sflag:$0x1A] =	stream.linear.gather [hbm4b:s14+s4], $0x80, $0x38;
	[tilespmem:$0x1EA00] =	vst v63  }
0x6b: {  	_ =	swait.ge [sflag:s19], $0x80  }
0x6c: {  	[sflag:s19] =	ssyncset.done $0x0  }
0x6d: {  	s9 =	simm.s32 $0x6A00;
	[sflag:s19] =	ssyncadd.s32 $0xFFFFFF80  }
0x6e: {  	[tilespmem:s9], [sflag:$0x4] =	stream.indirect.gather [spmem:s26], $0x40, s29, s18, $0xb8;
	[tilespmem:$0x1EA00] =	vst v63  }
0x6f: {  	_ =	swait.ge [sflag:s15], $0x2000  }
0x70: {  	[sflag:s15] =	ssyncset.done $0x0  }
0x71: {  	s14 =	simm.s32 $0x16;
	[sflag:s15] =	ssyncadd.s32 $0xFFFFE000  }
0x72: {  	_ =	swait.ge [sflag:s14], $0x80  }
0x73: {  	[sflag:s14] =	ssyncset.done $0x0  }
0x74: {  	[sflag:s14] =	ssyncadd.s32 $0xFFFFFF80  }
0x75: {  	[spmem:s17] =	stream.indirect.scatter.add.f32 [tilespmem:s13], [sflag:$0x7], $0x40, s22, s18, $0xb8;
	[tilespmem:$0x1EA00] =	vst v63  }
0x76: {  	_ =	swait.ge [sflag:s2], $0x2000  }
0x77: {  	[sflag:s2] =	ssyncset.done $0x0  }
0x78: {  	s31 =	simm.s32 $0x300;
	s21 =	sadd.s32 $0x60, s5;
	[sflag:s2] =	ssyncadd.s32 $0xFFFFE000  }
0x79: {  	[tilespmem:s31], [sflag:$0x11] =	stream.linear.gather [hbm4b:s21+s4], $0x80, $0x38;
	[tilespmem:$0x1EA00] =	vst v63  }
0x7a: {  	s23 =	sadd.s32 $0x60, s7;
	s14 =	simm.s32 $0x800  }
0x7b: {  	[tilespmem:s14], [sflag:$0x1B] =	stream.linear.gather [hbm4b:s23+s4], $0x80, $0x38;
	[tilespmem:$0x1EA00] =	vst v63  }
0x7c: {  	s23 =	smov.u32 s28;
	s28 =	simm.s32 $0xF  }
0x7d: {  	_ =	swait.ge [sflag:s28], $0x80  }
0x7e: {  	[sflag:s28] =	ssyncset.done $0x0  }
0x7f: {  	s22 =	simm.s32 $0x200;
	[sflag:s28] =	ssyncadd.s32 $0xFFFFFF80  }
0x80: {  	[tilespmem:s6], [sflag:$0x5] =	stream.indirect.gather [spmem:s26], $0x40, s22, s18, $0xb8;
	[tilespmem:$0x1EA00] =	vst v63  }
0x81: {  	_ =	swait.ge [sflag:s20], $0x2000  }
0x82: {  	[sflag:s20] =	ssyncset.done $0x0  }
0x83: {  	s19 =	simm.s32 $0x17;
	[sflag:s20] =	ssyncadd.s32 $0xFFFFE000  }
0x84: {  	_ =	swait.ge [sflag:s19], $0x80  }
0x85: {  	[sflag:s19] =	ssyncset.done $0x0  }
0x86: {  	s28 =	simm.s32 $0x4A00;
	[sflag:s19] =	ssyncadd.s32 $0xFFFFFF80  }
0x87: {  	[spmem:s17] =	stream.indirect.scatter.add.f32 [tilespmem:s28], [sflag:$0x8], $0x40, s25, s18, $0xb8;
	[tilespmem:$0x1EA00] =	vst v63  }
0x88: {  	_ =	swait.ge [sflag:s24], $0x2000  }
0x89: {  	s10 =	smov.u32 s26;
	s29 =	smov.u32 s11;
	[sflag:s24] =	ssyncset.done $0x0  }
0x8a: {  	s11 =	simm.s32 $0x380;
	s21 =	sadd.s32 $0x70, s5;
	[sflag:s24] =	ssyncadd.s32 $0xFFFFE000  }
0x8b: {  	[tilespmem:s11], [sflag:$0x12] =	stream.linear.gather [hbm4b:s21+s4], $0x80, $0x38;
	[tilespmem:$0x1EA00] =	vst v63  }
0x8c: {  	s26 =	simm.s32 $0x880;
	s25 =	sadd.s32 $0x70, s7;
	s21 =	simm.s32 $0x10  }
0x8d: {  	[tilespmem:s26], [sflag:$0x1C] =	stream.linear.gather [hbm4b:s25+s4], $0x80, $0x38;
	[tilespmem:$0x1EA00] =	vst v63  }
0x8e: {  	_ =	swait.ge [sflag:s21], $0x80  }
0x8f: {  	[sflag:s21] =	ssyncset.done $0x0  }
0x90: {  	s25 =	simm.s32 $0x4;
	[sflag:s21] =	ssyncadd.s32 $0xFFFFFF80  }
0x91: {  	[tilespmem:s16], [sflag:$0x1] =	stream.indirect.gather [spmem:s10], $0x40, s0, s18, $0xb8;
	[tilespmem:$0x1EA00] =	vst v63  }
0x92: {  	_ =	swait.ge [sflag:s25], $0x2000  }
0x93: {  	[sflag:s25] =	ssyncset.done $0x0  }
0x94: {  	s19 =	simm.s32 $0x18;
	[sflag:s25] =	ssyncadd.s32 $0xFFFFE000  }
0x95: {  	_ =	swait.ge [sflag:s19], $0x80  }
0x96: {  	[sflag:s19] =	ssyncset.done $0x0  }
0x97: {  	s21 =	simm.s32 $0x8;
	[sflag:s19] =	ssyncadd.s32 $0xFFFFFF80  }
0x98: {  	[spmem:s17] =	stream.indirect.scatter.add.f32 [tilespmem:s9], [sflag:$0x9], $0x40, s30, s18, $0xb8;
	[tilespmem:$0x1EA00] =	vst v63  }
0x99: {  	_ =	swait.ge [sflag:s21], $0x2000  }
0x9a: {  	[sflag:s21] =	ssyncset.done $0x0  }
0x9b: {  	s0 =	simm.s32 $0x400;
	s25 =	sadd.s32 $0x80, s5;
	[sflag:s21] =	ssyncadd.s32 $0xFFFFE000  }
0x9c: {  	[tilespmem:s0], [sflag:$0x13] =	stream.linear.gather [hbm4b:s25+s4], $0x80, $0x38;
	[tilespmem:$0x1EA00] =	vst v63  }
0x9d: {  	s30 =	rddreg [dreg:$0x5];
	s25 =	sadd.s32 $0x80, s7  }
0x9e: {  	[tilespmem:s30], [sflag:$0x1D] =	stream.linear.gather [hbm4b:s25+s4], $0x80, $0x38;
	[tilespmem:$0x1EA00] =	vst v63  }
0x9f: {  	s30 =	simm.s32 $0x11  }
0xa0: {  	_ =	swait.ge [sflag:s30], $0x80  }
0xa1: {  	[sflag:s30] =	ssyncset.done $0x0  }
0xa2: {  	[sflag:s30] =	ssyncadd.s32 $0xFFFFFF80  }
0xa3: {  	[tilespmem:s13], [sflag:$0x2] =	stream.indirect.gather [spmem:s10], $0x40, s31, s18, $0xb8;
	[tilespmem:$0x1EA00] =	vst v63  }
0xa4: {  	_ =	swait.ge [sflag:s3], $0x2000  }
0xa5: {  	[sflag:s3] =	ssyncset.done $0x0  }
0xa6: {  	s21 =	simm.s32 $0x19;
	[sflag:s3] =	ssyncadd.s32 $0xFFFFE000  }
0xa7: {  	_ =	swait.ge [sflag:s21], $0x80  }
0xa8: {  	[sflag:s21] =	ssyncset.done $0x0  }
0xa9: {  	s6 =	simm.s32 $0x8A00;
	s25 =	simm.s32 $0x9;
	[sflag:s21] =	ssyncadd.s32 $0xFFFFFF80  }
0xaa: {  	[spmem:s17] =	stream.indirect.scatter.add.f32 [tilespmem:s6], [sflag:$0xA], $0x40, s8, s18, $0xb8;
	[tilespmem:$0x1EA00] =	vst v63  }
0xab: {  	_ =	swait.ge [sflag:s25], $0x2000  }
0xac: {  	[sflag:s25] =	ssyncset.done $0x0  }
0xad: {  	s5 =	sadd.s32 $0x90, s5;
	s8 =	simm.s32 $0x480;
	[sflag:s25] =	ssyncadd.s32 $0xFFFFE000  }
0xae: {  	[tilespmem:s8], [sflag:$0x14] =	stream.linear.gather [hbm4b:s5+s4], $0x80, $0x38;
	[tilespmem:$0x1EA00] =	vst v63  }
0xaf: {  	s30 =	sadd.s32 $0x90, s7;
	s7 =	simm.s32 $0x12;
	s31 =	simm.s32 $0x980  }
0xb0: {  	[tilespmem:s31], [sflag:$0x1E] =	stream.linear.gather [hbm4b:s30+s4], $0x80, $0x38;
	[tilespmem:$0x1EA00] =	vst v63  }
0xb1: {  	_ =	swait.ge [sflag:s7], $0x80  }
0xb2: {  	[sflag:s7] =	ssyncset.done $0x0  }
0xb3: {  	[sflag:s7] =	ssyncadd.s32 $0xFFFFFF80  }
0xb4: {  	[tilespmem:s28], [sflag:$0x3] =	stream.indirect.gather [spmem:s10], $0x40, s11, s18, $0xb8;
	[tilespmem:$0x1EA00] =	vst v63  }
0xb5: {  	_ =	swait.ge [sflag:s12], $0x2000  }
0xb6: {  	[sflag:s12] =	ssyncset.done $0x0  }
0xb7: {  	s19 =	simm.s32 $0x1A;
	[sflag:s12] =	ssyncadd.s32 $0xFFFFE000  }
0xb8: {  	_ =	swait.ge [sflag:s19], $0x80  }
0xb9: {  	[sflag:s19] =	ssyncset.done $0x0  }
0xba: {  	s21 =	simm.s32 $0xA;
	[sflag:s19] =	ssyncadd.s32 $0xFFFFFF80  }
0xbb: {  	[spmem:s17] =	stream.indirect.scatter.add.f32 [tilespmem:s16], [sflag:$0x6], $0x40, s1, s18, $0xb8;
	[tilespmem:$0x1EA00] =	vst v63  }
0xbc: {  	p0 =	por $0x0, $0x0;
	_ =	swait.ge [sflag:s21], $0x2000  }
0xbd: {  	s5 =	sadd.s32 @!p0 $0x0, s23;
	s19 =	sadd.s32 @!p0 $0x0, s29;
	[sflag:s21] =	ssyncset.done $0x0  }
0xbe: {  	s7 =	simm.s32 @!p0 $0x0;
	[sflag:s21] =	ssyncadd.s32 $0xFFFFE000;
	s21 =	sadd.s32 @!p0 $0xA0, s19  }
0xbf: {  	[tilespmem:s7], [sflag:$0xB] =	stream.linear.gather @!p0 [hbm4b:s21+s7], $0x80, $0x38;
	[tilespmem:$0x1EA00] =	vst v63  }
0xc0: {  	s25 =	simm.s32 $0x13;
	s23 =	simm.s32 @!p0 $0x500;
	s21 =	sadd.s32 @!p0 $0xA0, s5  }
0xc1: {  	[tilespmem:s23], [sflag:$0x15] =	stream.linear.gather @!p0 [hbm4b:s21+s7], $0x80, $0x38;
	[tilespmem:$0x1EA00] =	vst v63  }
0xc2: {  	_ =	swait.ge [sflag:s25], $0x80  }
0xc3: {  	[sflag:s25] =	ssyncset.done $0x0  }
0xc4: {  	[sflag:s25] =	ssyncadd.s32 $0xFFFFFF80  }
0xc5: {  	[tilespmem:s9], [sflag:$0x4] =	stream.indirect.gather [spmem:s10], $0x40, s0, s18, $0xb8;
	[tilespmem:$0x1EA00] =	vst v63  }
0xc6: {  	_ =	swait.ge [sflag:s15], $0x2000  }
0xc7: {  	[sflag:s15] =	ssyncset.done $0x0  }
0xc8: {  	s29 =	simm.s32 $0x1B;
	[sflag:s15] =	ssyncadd.s32 $0xFFFFE000  }
0xc9: {  	_ =	swait.ge [sflag:s29], $0x80  }
0xca: {  	[sflag:s29] =	ssyncset.done $0x0  }
0xcb: {  	[sflag:s29] =	ssyncadd.s32 $0xFFFFFF80  }
0xcc: {  	[spmem:s17] =	stream.indirect.scatter.add.f32 [tilespmem:s13], [sflag:$0x7], $0x40, s14, s18, $0xb8;
	[tilespmem:$0x1EA00] =	vst v63  }
0xcd: {  	_ =	swait.ge [sflag:s2], $0x2000  }
0xce: {  	[sflag:s2] =	ssyncset.done $0x0  }
0xcf: {  	s23 =	sadd.s32 @!p0 $0xB0, s19;
	s21 =	simm.s32 @!p0 $0x80;
	[sflag:s2] =	ssyncadd.s32 $0xFFFFE000  }
0xd0: {  	[tilespmem:s21], [sflag:$0xC] =	stream.linear.gather @!p0 [hbm4b:s23+s7], $0x80, $0x38;
	[tilespmem:$0x1EA00] =	vst v63  }
0xd1: {  	s30 =	simm.s32 $0x14;
	s25 =	simm.s32 @!p0 $0x580;
	s23 =	sadd.s32 @!p0 $0xB0, s5  }
0xd2: {  	[tilespmem:s25], [sflag:$0x16] =	stream.linear.gather @!p0 [hbm4b:s23+s7], $0x80, $0x38;
	[tilespmem:$0x1EA00] =	vst v63  }
0xd3: {  	_ =	swait.ge [sflag:s30], $0x80  }
0xd4: {  	[sflag:s30] =	ssyncset.done $0x0  }
0xd5: {  	[sflag:s30] =	ssyncadd.s32 $0xFFFFFF80  }
0xd6: {  	[tilespmem:s6], [sflag:$0x5] =	stream.indirect.gather [spmem:s10], $0x40, s8, s18, $0xb8;
	[tilespmem:$0x1EA00] =	vst v63  }
0xd7: {  	_ =	swait.ge [sflag:s20], $0x2000  }
0xd8: {  	[sflag:s20] =	ssyncset.done $0x0  }
0xd9: {  	s31 =	simm.s32 $0x1C;
	[sflag:s20] =	ssyncadd.s32 $0xFFFFE000  }
0xda: {  	_ =	swait.ge [sflag:s31], $0x80  }
0xdb: {  	[sflag:s31] =	ssyncset.done $0x0  }
0xdc: {  	s28 =	simm.s32 $0x4A00;
	[sflag:s31] =	ssyncadd.s32 $0xFFFFFF80  }
0xdd: {  	[spmem:s17] =	stream.indirect.scatter.add.f32 [tilespmem:s28], [sflag:$0x8], $0x40, s26, s18, $0xb8;
	[tilespmem:$0x1EA00] =	vst v63  }
0xde: {  	_ =	swait.ge [sflag:s24], $0x2000  }
0xdf: {  	[sflag:s24] =	ssyncset.done $0x0  }
0xe0: {  	s23 =	simm.s32 @p0 $0x4;
	[sflag:s24] =	ssyncadd.s32 $0xFFFFE000  }
0xe1: {  	_ =	swait.ge @p0 [sflag:s23], $0x2000  }
0xe2: {  	[sflag:s23] =	ssyncset.done @p0 $0x0  }
0xe3: {  	[sflag:s23] =	ssyncadd.s32 @p0 $0xFFFFE000;
	s23 =	simm.s32 @p0 $0x1D  }
0xe4: {  	_ =	swait.ge @p0 [sflag:s23], $0x80  }
0xe5: {  	s29 =	simm.s32 @p0 $0x900;
	[sflag:s23] =	ssyncset.done @p0 $0x0  }
0xe6: {  	s25 =	simm.s32 @p0 $0x6A00;
	[sflag:s23] =	ssyncadd.s32 @p0 $0xFFFFFF80;
	s23 =	simm.s32 @p0 $0x80  }
0xe7: {  	[spmem:s17] =	stream.indirect.scatter.add.f32 @p0 [tilespmem:s25], [sflag:$0x9], $0x40, s29, s23, $0xb8;
	[tilespmem:$0x1EA00] =	vst v63  }
0xe8: {  	s23 =	simm.s32 @p0 $0x8  }
0xe9: {  	_ =	swait.ge @p0 [sflag:s23], $0x2000  }
0xea: {  	[sflag:s23] =	ssyncset.done @p0 $0x0  }
0xeb: {  	s25 =	sadd.s32 @!p0 $0xC0, s19;
	[sflag:s23] =	ssyncadd.s32 @p0 $0xFFFFE000;
	s23 =	simm.s32 @!p0 $0x100  }
0xec: {  	[tilespmem:s23], [sflag:$0xD] =	stream.linear.gather @!p0 [hbm4b:s25+s7], $0x80, $0x38;
	[tilespmem:$0x1EA00] =	vst v63  }
0xed: {  	s23 =	sadd.s32 @!p0 $0xC0, s5;
	s25 =	simm.s32 @!p0 $0x600  }
0xee: {  	[tilespmem:s25], [sflag:$0x17] =	stream.linear.gather @!p0 [hbm4b:s23+s7], $0x80, $0x38;
	[tilespmem:$0x1EA00] =	vst v63  }
0xef: {  	s23 =	simm.s32 @!p0 $0xB  }
0xf0: {  	_ =	swait.ge @!p0 [sflag:s23], $0x80  }
0xf1: {  	[sflag:s23] =	ssyncset.done @!p0 $0x0  }
0xf2: {  	s25 =	simm.s32 @!p0 $0x4;
	[sflag:s23] =	ssyncadd.s32 @!p0 $0xFFFFFF80;
	s23 =	simm.s32 @!p0 $0xA00  }
0xf3: {  	[tilespmem:s23], [sflag:$0x1] =	stream.indirect.gather @!p0 [spmem:s10], $0x40, s7, s21, $0xb8;
	[tilespmem:$0x1EA00] =	vst v63  }
0xf4: {  	_ =	swait.ge @!p0 [sflag:s25], $0x2000  }
0xf5: {  	[sflag:s25] =	ssyncset.done @!p0 $0x0  }
0xf6: {  	s23 =	simm.s32 @!p0 $0x1D;
	[sflag:s25] =	ssyncadd.s32 @!p0 $0xFFFFE000  }
0xf7: {  	_ =	swait.ge @!p0 [sflag:s23], $0x80  }
0xf8: {  	[sflag:s23] =	ssyncset.done @!p0 $0x0  }
0xf9: {  	s25 =	simm.s32 @!p0 $0x6A00;
	[sflag:s23] =	ssyncadd.s32 @!p0 $0xFFFFFF80;
	s23 =	simm.s32 @!p0 $0x900  }
0xfa: {  	[spmem:s17] =	stream.indirect.scatter.add.f32 @!p0 [tilespmem:s25], [sflag:$0x9], $0x40, s23, s21, $0xb8;
	[tilespmem:$0x1EA00] =	vst v63  }
0xfb: {  	s23 =	simm.s32 @!p0 $0x8  }
0xfc: {  	_ =	swait.ge @!p0 [sflag:s23], $0x2000  }
0xfd: {  	[sflag:s23] =	ssyncset.done @!p0 $0x0  }
0xfe: {  	s19 =	sadd.s32 @!p0 $0xD0, s19;
	[sflag:s23] =	ssyncadd.s32 @!p0 $0xFFFFE000;
	s23 =	simm.s32 @!p0 $0x180  }
0xff: {  	[tilespmem:s23], [sflag:$0xE] =	stream.linear.gather @!p0 [hbm4b:s19+s7], $0x80, $0x38;
	[tilespmem:$0x1EA00] =	vst v63  }
0x100: {  	s5 =	sadd.s32 @!p0 $0xD0, s5;
	s19 =	simm.s32 @!p0 $0x680  }
0x101: {  	[tilespmem:s19], [sflag:$0x18] =	stream.linear.gather @!p0 [hbm4b:s5+s7], $0x80, $0x38;
	[tilespmem:$0x1EA00] =	vst v63  }
0x102: {  	s5 =	simm.s32 @!p0 $0xC  }
0x103: {  	_ =	swait.ge @!p0 [sflag:s5], $0x80  }
0x104: {  	[sflag:s5] =	ssyncset.done @!p0 $0x0  }
0x105: {  	[sflag:s5] =	ssyncadd.s32 @!p0 $0xFFFFFF80;
	s5 =	simm.s32 @!p0 $0x2A00  }
0x106: {  	[tilespmem:s5], [sflag:$0x2] =	stream.indirect.gather @!p0 [spmem:s10], $0x40, s21, s21, $0xb8;
	[tilespmem:$0x1EA00] =	vst v63  }
0x107: {  	_ =	swait.ge [sflag:s3], $0x2000  }
0x108: {  	[sflag:s3] =	ssyncset.done $0x0  }
0x109: {  	s23 =	simm.s32 $0x1E;
	[sflag:s3] =	ssyncadd.s32 $0xFFFFE000  }
0x10a: {  	p1 =	por $0x0, $0x0;
	s16 =	smov.u32 s10;
	_ =	swait.ge [sflag:s23], $0x80  }
0x10b: {  	s19 =	simm.s32 $0x140;
	s5 =	simm.s32 $0xA0;
	[sflag:s23] =	ssyncset.done $0x0  }
.LBB2_4:
0x10c: {  	s7 =	simm.s32 @!p1 $0x9  }
0x10d: {  	[sflag:s23] =	ssyncadd.s32 $0xFFFFFF80;
	s8 =	simm.s32 $0x980;
	s12 =	simm.s32 $0x8A00  }
0x10e: {  	[spmem:s17] =	stream.indirect.scatter.add.f32 [tilespmem:s12], [sflag:$0xA], $0x40, s8, s18, $0xb8;
	[tilespmem:$0x1EA00] =	vst v63  }
0x10f: {  	_ =	swait.ge @!p1 [sflag:s7], $0x2000  }
0x110: {  	s11 =	rddreg [dreg:$0x7]  }
0x111: {  	[sflag:s7] =	ssyncset.done @!p1 $0x0;
	s6 =	rddreg [dreg:$0x6];
	s29 =	sadd.s32 s5, s11  }
0x112: {  	[sflag:s7] =	ssyncadd.s32 @!p1 $0xFFFFE000;
	s30 =	sadd.s32 s5, s6;
	s20 =	sadd.s32 $0x40, s29  }
0x113: {  	[tilespmem:s22], [sflag:$0xF] =	stream.linear.gather [hbm4b:s20+s4], $0x80, $0x38;
	[tilespmem:$0x1EA00] =	vst v63  }
0x114: {  	s25 =	simm.s32 $0x700;
	s0 =	simm.s32 $0xD;
	s21 =	sadd.s32 $0x40, s30  }
0x115: {  	[tilespmem:s25], [sflag:$0x19] =	stream.linear.gather [hbm4b:s21+s4], $0x80, $0x38;
	[tilespmem:$0x1EA00] =	vst v63  }
0x116: {  	_ =	swait.ge [sflag:s0], $0x80  }
0x117: {  	s1 =	simm.s32 $0x4A00;
	[sflag:s0] =	ssyncset.done $0x0  }
0x118: {  	s24 =	simm.s32 $0x100;
	s4 =	simm.s32 $0x1;
	[sflag:s0] =	ssyncadd.s32 $0xFFFFFF80  }
0x119: {  	[tilespmem:s1], [sflag:$0x3] =	stream.indirect.gather [spmem:s16], $0x40, s24, s18, $0xb8;
	[tilespmem:$0x1EA00] =	vst v63  }
0x11a: {  	_ =	swait.ge [sflag:s4], $0x2000  }
0x11b: {  	[sflag:s4] =	ssyncset.done $0x0  }
0x11c: {  	s26 =	simm.s32 $0x15;
	[sflag:s4] =	ssyncadd.s32 $0xFFFFE000  }
0x11d: {  	_ =	swait.ge [sflag:s26], $0x80  }
0x11e: {  	s31 =	simm.s32 $0x500;
	[sflag:s26] =	ssyncset.done $0x0  }
0x11f: {  	s7 =	simm.s32 @!p1 $0xA;
	[sflag:s26] =	ssyncadd.s32 $0xFFFFFF80;
	s26 =	simm.s32 $0xA00  }
0x120: {  	[spmem:s17] =	stream.indirect.scatter.add.f32 [tilespmem:s26], [sflag:$0x6], $0x40, s31, s18, $0xb8;
	[tilespmem:$0x1EA00] =	vst v63  }
0x121: {  	_ =	swait.ge @!p1 [sflag:s7], $0x2000  }
0x122: {  	s28 =	simm.s32 $0x0;
	[sflag:s7] =	ssyncset.done @!p1 $0x0  }
0x123: {  	s2 =	sadd.s32 $0x50, s29;
	s0 =	simm.s32 $0x280;
	[sflag:s7] =	ssyncadd.s32 @!p1 $0xFFFFE000  }
0x124: {  	[tilespmem:s0], [sflag:$0x10] =	stream.linear.gather [hbm4b:s2+s28], $0x80, $0x38;
	[tilespmem:$0x1EA00] =	vst v63  }
0x125: {  	s9 =	simm.s32 $0xE;
	s3 =	sadd.s32 $0x50, s30;
	s16 =	simm.s32 $0x780  }
0x126: {  	[tilespmem:s16], [sflag:$0x1A] =	stream.linear.gather [hbm4b:s3+s28], $0x80, $0x38;
	[tilespmem:$0x1EA00] =	vst v63  }
0x127: {  	_ =	swait.ge [sflag:s9], $0x80  }
0x128: {  	s15 =	simm.s32 $0x2;
	[sflag:s9] =	ssyncset.done $0x0  }
0x129: {  	s2 =	simm.s32 $0x180;
	[sflag:s9] =	ssyncadd.s32 $0xFFFFFF80;
	s9 =	simm.s32 $0x6A00  }
0x12a: {  	[tilespmem:s9], [sflag:$0x4] =	stream.indirect.gather [spmem:s10], $0x40, s2, s18, $0xb8;
	[tilespmem:$0x1EA00] =	vst v63  }
0x12b: {  	_ =	swait.ge [sflag:s15], $0x2000  }
0x12c: {  	[sflag:s15] =	ssyncset.done $0x0  }
0x12d: {  	s14 =	simm.s32 $0x16;
	[sflag:s15] =	ssyncadd.s32 $0xFFFFE000  }
0x12e: {  	_ =	swait.ge [sflag:s14], $0x80  }
0x12f: {  	[sflag:s14] =	ssyncset.done $0x0  }
0x130: {  	s20 =	simm.s32 $0x580;
	s24 =	simm.s32 $0x6;
	[sflag:s14] =	ssyncadd.s32 $0xFFFFFF80  }
0x131: {  	[spmem:s17] =	stream.indirect.scatter.add.f32 [tilespmem:s13], [sflag:$0x7], $0x40, s20, s18, $0xb8;
	[tilespmem:$0x1EA00] =	vst v63  }
0x132: {  	_ =	swait.ge [sflag:s24], $0x2000  }
0x133: {  	[sflag:s24] =	ssyncset.done $0x0  }
0x134: {  	s21 =	sadd.s32 $0x60, s29;
	s31 =	simm.s32 $0x300;
	[sflag:s24] =	ssyncadd.s32 $0xFFFFE000  }
0x135: {  	[tilespmem:s31], [sflag:$0x11] =	stream.linear.gather [hbm4b:s21+s28], $0x80, $0x38;
	[tilespmem:$0x1EA00] =	vst v63  }
0x136: {  	s3 =	simm.s32 $0xF;
	s2 =	sadd.s32 $0x60, s30;
	s14 =	simm.s32 $0x800  }
0x137: {  	[tilespmem:s14], [sflag:$0x1B] =	stream.linear.gather [hbm4b:s2+s28], $0x80, $0x38;
	[tilespmem:$0x1EA00] =	vst v63  }
0x138: {  	_ =	swait.ge [sflag:s3], $0x80  }
0x139: {  	[sflag:s3] =	ssyncset.done $0x0  }
0x13a: {  	s2 =	smov.u32 s17;
	s17 =	simm.s32 $0x3;
	[sflag:s3] =	ssyncadd.s32 $0xFFFFFF80  }
0x13b: {  	[tilespmem:s12], [sflag:$0x5] =	stream.indirect.gather [spmem:s10], $0x40, s22, s18, $0xb8;
	[tilespmem:$0x1EA00] =	vst v63  }
0x13c: {  	_ =	swait.ge [sflag:s17], $0x2000  }
0x13d: {  	[sflag:s17] =	ssyncset.done $0x0  }
0x13e: {  	s20 =	simm.s32 $0x17;
	[sflag:s17] =	ssyncadd.s32 $0xFFFFE000  }
0x13f: {  	_ =	swait.ge [sflag:s20], $0x80  }
0x140: {  	[sflag:s20] =	ssyncset.done $0x0  }
0x141: {  	s3 =	simm.s32 $0x600;
	[sflag:s20] =	ssyncadd.s32 $0xFFFFFF80;
	s20 =	simm.s32 $0x7  }
0x142: {  	[spmem:s2] =	stream.indirect.scatter.add.f32 [tilespmem:s1], [sflag:$0x8], $0x40, s3, s18, $0xb8;
	[tilespmem:$0x1EA00] =	vst v63  }
0x143: {  	_ =	swait.ge [sflag:s20], $0x2000  }
0x144: {  	[sflag:s20] =	ssyncset.done $0x0  }
0x145: {  	s21 =	sadd.s32 $0x70, s29;
	s22 =	simm.s32 $0x380;
	[sflag:s20] =	ssyncadd.s32 $0xFFFFE000  }
0x146: {  	[tilespmem:s22], [sflag:$0x12] =	stream.linear.gather [hbm4b:s21+s28], $0x80, $0x38;
	[tilespmem:$0x1EA00] =	vst v63  }
0x147: {  	s3 =	sadd.s32 $0x70, s30;
	s21 =	simm.s32 $0x880  }
0x148: {  	[tilespmem:s21], [sflag:$0x1C] =	stream.linear.gather [hbm4b:s3+s28], $0x80, $0x38;
	[tilespmem:$0x1EA00] =	vst v63  }
0x149: {  	s3 =	simm.s32 $0x10  }
0x14a: {  	_ =	swait.ge [sflag:s3], $0x80  }
0x14b: {  	[sflag:s3] =	ssyncset.done $0x0  }
0x14c: {  	s21 =	simm.s32 $0x4;
	[sflag:s3] =	ssyncadd.s32 $0xFFFFFF80  }
0x14d: {  	[tilespmem:s26], [sflag:$0x1] =	stream.indirect.gather [spmem:s10], $0x40, s0, s18, $0xb8;
	[tilespmem:$0x1EA00] =	vst v63  }
0x14e: {  	_ =	swait.ge [sflag:s21], $0x2000  }
0x14f: {  	[sflag:s21] =	ssyncset.done $0x0  }
0x150: {  	s3 =	simm.s32 $0x18;
	[sflag:s21] =	ssyncadd.s32 $0xFFFFE000  }
0x151: {  	_ =	swait.ge [sflag:s3], $0x80  }
0x152: {  	[sflag:s3] =	ssyncset.done $0x0  }
0x153: {  	s7 =	simm.s32 $0x680;
	s21 =	simm.s32 $0x8;
	[sflag:s3] =	ssyncadd.s32 $0xFFFFFF80  }
0x154: {  	[spmem:s2] =	stream.indirect.scatter.add.f32 [tilespmem:s9], [sflag:$0x9], $0x40, s7, s18, $0xb8;
	[tilespmem:$0x1EA00] =	vst v63  }
0x155: {  	_ =	swait.ge [sflag:s21], $0x2000  }
0x156: {  	[sflag:s21] =	ssyncset.done $0x0  }
0x157: {  	s0 =	simm.s32 $0x400;
	s3 =	sadd.s32 $0x80, s29;
	[sflag:s21] =	ssyncadd.s32 $0xFFFFE000  }
0x158: {  	[tilespmem:s0], [sflag:$0x13] =	stream.linear.gather [hbm4b:s3+s28], $0x80, $0x38;
	[tilespmem:$0x1EA00] =	vst v63  }
0x159: {  	s21 =	rddreg [dreg:$0x5];
	s3 =	sadd.s32 $0x80, s30  }
0x15a: {  	[tilespmem:s21], [sflag:$0x1D] =	stream.linear.gather [hbm4b:s3+s28], $0x80, $0x38;
	[tilespmem:$0x1EA00] =	vst v63  }
0x15b: {  	s3 =	simm.s32 $0x11  }
0x15c: {  	_ =	swait.ge [sflag:s3], $0x80  }
0x15d: {  	[sflag:s3] =	ssyncset.done $0x0  }
0x15e: {  	[sflag:s3] =	ssyncadd.s32 $0xFFFFFF80;
	s3 =	simm.s32 $0x5  }
0x15f: {  	[tilespmem:s13], [sflag:$0x2] =	stream.indirect.gather [spmem:s10], $0x40, s31, s18, $0xb8;
	[tilespmem:$0x1EA00] =	vst v63  }
0x160: {  	_ =	swait.ge [sflag:s3], $0x2000  }
0x161: {  	[sflag:s3] =	ssyncset.done $0x0  }
0x162: {  	s21 =	simm.s32 $0x19;
	[sflag:s3] =	ssyncadd.s32 $0xFFFFE000  }
0x163: {  	_ =	swait.ge [sflag:s21], $0x80  }
0x164: {  	[sflag:s21] =	ssyncset.done $0x0  }
0x165: {  	s31 =	simm.s32 $0x9;
	[sflag:s21] =	ssyncadd.s32 $0xFFFFFF80  }
0x166: {  	[spmem:s2] =	stream.indirect.scatter.add.f32 [tilespmem:s12], [sflag:$0xA], $0x40, s25, s18, $0xb8;
	[tilespmem:$0x1EA00] =	vst v63  }
0x167: {  	_ =	swait.ge [sflag:s31], $0x2000  }
0x168: {  	[sflag:s31] =	ssyncset.done $0x0  }
0x169: {  	s21 =	sadd.s32 $0x90, s29;
	[sflag:s31] =	ssyncadd.s32 $0xFFFFE000;
	s31 =	simm.s32 $0x480  }
0x16a: {  	[tilespmem:s31], [sflag:$0x14] =	stream.linear.gather [hbm4b:s21+s28], $0x80, $0x38;
	[tilespmem:$0x1EA00] =	vst v63  }
0x16b: {  	s25 =	sadd.s32 $0x90, s30  }
0x16c: {  	[tilespmem:s8], [sflag:$0x1E] =	stream.linear.gather [hbm4b:s25+s28], $0x80, $0x38;
	[tilespmem:$0x1EA00] =	vst v63  }
0x16d: {  	s28 =	simm.s32 $0x12  }
0x16e: {  	_ =	swait.ge [sflag:s28], $0x80  }
0x16f: {  	[sflag:s28] =	ssyncset.done $0x0  }
0x170: {  	[sflag:s28] =	ssyncadd.s32 $0xFFFFFF80  }
0x171: {  	[tilespmem:s1], [sflag:$0x3] =	stream.indirect.gather [spmem:s10], $0x40, s22, s18, $0xb8;
	[tilespmem:$0x1EA00] =	vst v63  }
0x172: {  	_ =	swait.ge [sflag:s4], $0x2000  }
0x173: {  	[sflag:s4] =	ssyncset.done $0x0  }
0x174: {  	s29 =	simm.s32 $0x1A;
	[sflag:s4] =	ssyncadd.s32 $0xFFFFE000  }
0x175: {  	_ =	swait.ge [sflag:s29], $0x80  }
0x176: {  	[sflag:s29] =	ssyncset.done $0x0  }
0x177: {  	s30 =	simm.s32 $0xA;
	[sflag:s29] =	ssyncadd.s32 $0xFFFFFF80  }
0x178: {  	[spmem:s2] =	stream.indirect.scatter.add.f32 [tilespmem:s26], [sflag:$0x6], $0x40, s16, s18, $0xb8;
	[tilespmem:$0x1EA00] =	vst v63  }
0x179: {  	p1 =	seq.s32 s5, $0x960;
	_ =	swait.ge [sflag:s30], $0x2000  }
0x17a: {  	s7 =	sadd.s32 @!p1 s5, s11;
	s5 =	sadd.s32 @!p1 s5, s6;
	[sflag:s30] =	ssyncset.done $0x0  }
0x17b: {  	s21 =	sadd.s32 @!p1 $0xA0, s7;
	s29 =	simm.s32 @!p1 $0x0;
	[sflag:s30] =	ssyncadd.s32 $0xFFFFE000  }
0x17c: {  	[tilespmem:s29], [sflag:$0xB] =	stream.linear.gather @!p1 [hbm4b:s21+s29], $0x80, $0x38;
	[tilespmem:$0x1EA00] =	vst v63  }
0x17d: {  	s11 =	simm.s32 $0x13;
	s25 =	simm.s32 @!p1 $0x500;
	s21 =	sadd.s32 @!p1 $0xA0, s5  }
0x17e: {  	[tilespmem:s25], [sflag:$0x15] =	stream.linear.gather @!p1 [hbm4b:s21+s29], $0x80, $0x38;
	[tilespmem:$0x1EA00] =	vst v63  }
0x17f: {  	_ =	swait.ge [sflag:s11], $0x80  }
0x180: {  	[sflag:s11] =	ssyncset.done $0x0  }
0x181: {  	[sflag:s11] =	ssyncadd.s32 $0xFFFFFF80  }
0x182: {  	[tilespmem:s9], [sflag:$0x4] =	stream.indirect.gather [spmem:s10], $0x40, s0, s18, $0xb8;
	[tilespmem:$0x1EA00] =	vst v63  }
0x183: {  	s23 =	smov.u32 s19;
	s8 =	sadd.s32 @!p1 $0xB0, s5;
	_ =	swait.ge [sflag:s15], $0x2000  }
0x184: {  	s30 =	sadd.s32 @!p1 $0xD0, s5;
	s25 =	sadd.s32 @!p1 $0xC0, s5;
	[sflag:s15] =	ssyncset.done $0x0  }
0x185: {  	s5 =	smov.u32 s23;
	s23 =	simm.s32 $0x1B;
	[sflag:s15] =	ssyncadd.s32 $0xFFFFE000  }
0x186: {  	_ =	swait.ge [sflag:s23], $0x80  }
0x187: {  	[sflag:s23] =	ssyncset.done $0x0  }
0x188: {  	[sflag:s23] =	ssyncadd.s32 $0xFFFFFF80  }
0x189: {  	[spmem:s2] =	stream.indirect.scatter.add.f32 [tilespmem:s13], [sflag:$0x7], $0x40, s14, s18, $0xb8;
	[tilespmem:$0x1EA00] =	vst v63  }
0x18a: {  	_ =	swait.ge [sflag:s24], $0x2000  }
0x18b: {  	[sflag:s24] =	ssyncset.done $0x0  }
0x18c: {  	s22 =	sadd.s32 @!p1 $0xB0, s7;
	s23 =	simm.s32 @!p1 $0x80;
	[sflag:s24] =	ssyncadd.s32 $0xFFFFE000  }
0x18d: {  	[tilespmem:s23], [sflag:$0xC] =	stream.linear.gather @!p1 [hbm4b:s22+s29], $0x80, $0x38;
	[tilespmem:$0x1EA00] =	vst v63  }
0x18e: {  	s26 =	simm.s32 $0x14;
	s22 =	simm.s32 @!p1 $0x580  }
0x18f: {  	[tilespmem:s22], [sflag:$0x16] =	stream.linear.gather @!p1 [hbm4b:s8+s29], $0x80, $0x38;
	[tilespmem:$0x1EA00] =	vst v63  }
0x190: {  	_ =	swait.ge [sflag:s26], $0x80  }
0x191: {  	[sflag:s26] =	ssyncset.done $0x0  }
0x192: {  	[sflag:s26] =	ssyncadd.s32 $0xFFFFFF80  }
0x193: {  	[tilespmem:s12], [sflag:$0x5] =	stream.indirect.gather [spmem:s10], $0x40, s31, s18, $0xb8;
	[tilespmem:$0x1EA00] =	vst v63  }
0x194: {  	_ =	swait.ge [sflag:s17], $0x2000  }
0x195: {  	[sflag:s17] =	ssyncset.done $0x0  }
0x196: {  	s28 =	simm.s32 $0x1C;
	[sflag:s17] =	ssyncadd.s32 $0xFFFFE000  }
0x197: {  	_ =	swait.ge [sflag:s28], $0x80  }
0x198: {  	[sflag:s28] =	ssyncset.done $0x0  }
0x199: {  	s31 =	simm.s32 $0x880;
	[sflag:s28] =	ssyncadd.s32 $0xFFFFFF80  }
0x19a: {  	[spmem:s2] =	stream.indirect.scatter.add.f32 [tilespmem:s1], [sflag:$0x8], $0x40, s31, s18, $0xb8;
	[tilespmem:$0x1EA00] =	vst v63  }
0x19b: {  	_ =	swait.ge [sflag:s20], $0x2000  }
0x19c: {  	[sflag:s20] =	ssyncset.done $0x0  }
0x19d: {  	s8 =	simm.s32 @p1 $0x4;
	[sflag:s20] =	ssyncadd.s32 $0xFFFFE000  }
0x19e: {  	_ =	swait.ge @p1 [sflag:s8], $0x2000  }
0x19f: {  	[sflag:s8] =	ssyncset.done @p1 $0x0  }
0x1a0: {  	[sflag:s8] =	ssyncadd.s32 @p1 $0xFFFFE000;
	s8 =	simm.s32 @p1 $0x1D  }
0x1a1: {  	_ =	swait.ge @p1 [sflag:s8], $0x80  }
0x1a2: {  	s13 =	simm.s32 @p1 $0x8;
	s22 =	simm.s32 @p1 $0x6A00;
	[sflag:s8] =	ssyncset.done @p1 $0x0  }
0x1a3: {  	s28 =	simm.s32 @p1 $0x900;
	[sflag:s8] =	ssyncadd.s32 @p1 $0xFFFFFF80;
	s8 =	simm.s32 @p1 $0x80  }
0x1a4: {  	[spmem:s2] =	stream.indirect.scatter.add.f32 @p1 [tilespmem:s22], [sflag:$0x9], $0x40, s28, s8, $0xb8;
	[tilespmem:$0x1EA00] =	vst v63  }
0x1a5: {  	_ =	swait.ge @p1 [sflag:s13], $0x2000  }
0x1a6: {  	[sflag:s13] =	ssyncset.done @p1 $0x0  }
0x1a7: {  	s21 =	sadd.s32 @!p1 $0xC0, s7;
	s8 =	simm.s32 @!p1 $0x100;
	[sflag:s13] =	ssyncadd.s32 @p1 $0xFFFFE000  }
0x1a8: {  	[tilespmem:s8], [sflag:$0xD] =	stream.linear.gather @!p1 [hbm4b:s21+s29], $0x80, $0x38;
	[tilespmem:$0x1EA00] =	vst v63  }
0x1a9: {  	s13 =	simm.s32 @!p1 $0xB;
	s8 =	simm.s32 @!p1 $0x600  }
0x1aa: {  	[tilespmem:s8], [sflag:$0x17] =	stream.linear.gather @!p1 [hbm4b:s25+s29], $0x80, $0x38;
	[tilespmem:$0x1EA00] =	vst v63  }
0x1ab: {  	_ =	swait.ge @!p1 [sflag:s13], $0x80  }
0x1ac: {  	[sflag:s13] =	ssyncset.done @!p1 $0x0  }
0x1ad: {  	s8 =	simm.s32 @!p1 $0xA00;
	[sflag:s13] =	ssyncadd.s32 @!p1 $0xFFFFFF80;
	s13 =	simm.s32 @!p1 $0x4  }
0x1ae: {  	[tilespmem:s8], [sflag:$0x1] =	stream.indirect.gather @!p1 [spmem:s10], $0x40, s29, s23, $0xb8;
	[tilespmem:$0x1EA00] =	vst v63  }
0x1af: {  	_ =	swait.ge @!p1 [sflag:s13], $0x2000  }
0x1b0: {  	[sflag:s13] =	ssyncset.done @!p1 $0x0  }
0x1b1: {  	s8 =	simm.s32 @!p1 $0x1D;
	[sflag:s13] =	ssyncadd.s32 @!p1 $0xFFFFE000  }
0x1b2: {  	_ =	swait.ge @!p1 [sflag:s8], $0x80  }
0x1b3: {  	s21 =	simm.s32 @!p1 $0x6A00;
	[sflag:s8] =	ssyncset.done @!p1 $0x0  }
0x1b4: {  	s13 =	simm.s32 @!p1 $0x8;
	[sflag:s8] =	ssyncadd.s32 @!p1 $0xFFFFFF80;
	s8 =	simm.s32 @!p1 $0x900  }
0x1b5: {  	[spmem:s2] =	stream.indirect.scatter.add.f32 @!p1 [tilespmem:s21], [sflag:$0x9], $0x40, s8, s23, $0xb8;
	[tilespmem:$0x1EA00] =	vst v63  }
0x1b6: {  	_ =	swait.ge @!p1 [sflag:s13], $0x2000  }
0x1b7: {  	[sflag:s13] =	ssyncset.done @!p1 $0x0  }
0x1b8: {  	s7 =	sadd.s32 @!p1 $0xD0, s7;
	s8 =	simm.s32 @!p1 $0x180;
	[sflag:s13] =	ssyncadd.s32 @!p1 $0xFFFFE000  }
0x1b9: {  	[tilespmem:s8], [sflag:$0xE] =	stream.linear.gather @!p1 [hbm4b:s7+s29], $0x80, $0x38;
	[tilespmem:$0x1EA00] =	vst v63  }
0x1ba: {  	s7 =	simm.s32 @!p1 $0x680;
	s8 =	simm.s32 @!p1 $0xC  }
0x1bb: {  	[tilespmem:s7], [sflag:$0x18] =	stream.linear.gather @!p1 [hbm4b:s30+s29], $0x80, $0x38;
	[tilespmem:$0x1EA00] =	vst v63  }
0x1bc: {  	_ =	swait.ge @!p1 [sflag:s8], $0x80  }
0x1bd: {  	s19 =	sadd.s32 $0xA0, s19;
	[sflag:s8] =	ssyncset.done @!p1 $0x0  }
0x1be: {  	p0 =	sne.s32 s19, $0xA00;
	s7 =	simm.s32 @!p1 $0x2A00;
	[sflag:s8] =	ssyncadd.s32 @!p1 $0xFFFFFF80  }
0x1bf: {  	[tilespmem:s7], [sflag:$0x2] =	stream.indirect.gather @!p1 [spmem:s10], $0x40, s23, s23, $0xb8;
	[tilespmem:$0x1EA00] =	vst v63  }
.Ltmp1:
0x1c0: {  	_ =	swait.ge [sflag:s3], $0x2000;
	(pc) =	sbr.rel @p0 .LBB2_4-.Ltmp1, $4  }
0x1c1: {  	s4 =	simm.s32 $0x0;
	[sflag:s3] =	ssyncset.done $0x0  }
0x1c2: {  	s16 =	smov.u32 s10;
	s23 =	simm.s32 $0x1E;
	[sflag:s3] =	ssyncadd.s32 $0xFFFFE000  }
0x1c3: {  	s17 =	smov.u32 s2;
	s22 =	simm.s32 $0x200;
	_ =	swait.ge [sflag:s23], $0x80  }
0x1c4: {  	s13 =	simm.s32 $0x2A00;
	p1 =	seq.s32 s5, $0x0;
	[sflag:s23] =	ssyncset.done $0x0  }
0x1c5: {  	s8 =	simm.s32 @!p1 $0x9  }
0x1c6: {  	[sflag:s23] =	ssyncadd.s32 $0xFFFFFF80;
	s0 =	simm.s32 $0x980;
	s25 =	simm.s32 $0x8A00  }
0x1c7: {  	[spmem:s17] =	stream.indirect.scatter.add.f32 [tilespmem:s25], [sflag:$0xA], $0x40, s0, s18, $0xb8;
	[tilespmem:$0x1EA00] =	vst v63  }
0x1c8: {  	_ =	swait.ge @!p1 [sflag:s8], $0x2000  }
0x1c9: {  	s14 =	rddreg [dreg:$0x7]  }
0x1ca: {  	[sflag:s8] =	ssyncset.done @!p1 $0x0;
	s31 =	rddreg [dreg:$0x6];
	s7 =	sadd.s32 s5, s14  }
0x1cb: {  	[sflag:s8] =	ssyncadd.s32 @!p1 $0xFFFFE000;
	s19 =	sadd.s32 s5, s31;
	s1 =	sadd.s32 $0x40, s7  }
0x1cc: {  	[tilespmem:s22], [sflag:$0xF] =	stream.linear.gather [hbm4b:s1+s4], $0x80, $0x38;
	[tilespmem:$0x1EA00] =	vst v63  }
0x1cd: {  	s9 =	simm.s32 $0x700;
	s6 =	simm.s32 $0xD;
	s3 =	sadd.s32 $0x40, s19  }
0x1ce: {  	[tilespmem:s9], [sflag:$0x19] =	stream.linear.gather [hbm4b:s3+s4], $0x80, $0x38;
	[tilespmem:$0x1EA00] =	vst v63  }
0x1cf: {  	_ =	swait.ge [sflag:s6], $0x80  }
0x1d0: {  	s8 =	simm.s32 $0x100;
	[sflag:s6] =	ssyncset.done $0x0  }
0x1d1: {  	s1 =	simm.s32 $0x4A00;
	s4 =	simm.s32 $0x1;
	[sflag:s6] =	ssyncadd.s32 $0xFFFFFF80  }
0x1d2: {  	[tilespmem:s1], [sflag:$0x3] =	stream.indirect.gather [spmem:s16], $0x40, s8, s18, $0xb8;
	[tilespmem:$0x1EA00] =	vst v63  }
0x1d3: {  	_ =	swait.ge [sflag:s4], $0x2000  }
0x1d4: {  	[sflag:s4] =	ssyncset.done $0x0  }
0x1d5: {  	s11 =	simm.s32 $0x15;
	[sflag:s4] =	ssyncadd.s32 $0xFFFFE000  }
0x1d6: {  	_ =	swait.ge [sflag:s11], $0x80  }
0x1d7: {  	s12 =	simm.s32 $0x500;
	[sflag:s11] =	ssyncset.done $0x0  }
0x1d8: {  	s26 =	simm.s32 $0xA00;
	s8 =	simm.s32 @!p1 $0xA;
	[sflag:s11] =	ssyncadd.s32 $0xFFFFFF80  }
0x1d9: {  	[spmem:s17] =	stream.indirect.scatter.add.f32 [tilespmem:s26], [sflag:$0x6], $0x40, s12, s18, $0xb8;
	[tilespmem:$0x1EA00] =	vst v63  }
0x1da: {  	_ =	swait.ge @!p1 [sflag:s8], $0x2000  }
0x1db: {  	s28 =	simm.s32 $0x0;
	[sflag:s8] =	ssyncset.done @!p1 $0x0  }
0x1dc: {  	s0 =	simm.s32 $0x280;
	s15 =	sadd.s32 $0x50, s7;
	[sflag:s8] =	ssyncadd.s32 @!p1 $0xFFFFE000  }
0x1dd: {  	[tilespmem:s0], [sflag:$0x10] =	stream.linear.gather [hbm4b:s15+s28], $0x80, $0x38;
	[tilespmem:$0x1EA00] =	vst v63  }
0x1de: {  	s20 =	sadd.s32 $0x50, s19;
	s6 =	simm.s32 $0xE;
	s11 =	simm.s32 $0x780  }
0x1df: {  	[tilespmem:s11], [sflag:$0x1A] =	stream.linear.gather [hbm4b:s20+s28], $0x80, $0x38;
	[tilespmem:$0x1EA00] =	vst v63  }
0x1e0: {  	_ =	swait.ge [sflag:s6], $0x80  }
0x1e1: {  	s29 =	simm.s32 $0x6A00;
	[sflag:s6] =	ssyncset.done $0x0  }
0x1e2: {  	s3 =	simm.s32 $0x180;
	s15 =	simm.s32 $0x2;
	[sflag:s6] =	ssyncadd.s32 $0xFFFFFF80  }
0x1e3: {  	[tilespmem:s29], [sflag:$0x4] =	stream.indirect.gather [spmem:s16], $0x40, s3, s18, $0xb8;
	[tilespmem:$0x1EA00] =	vst v63  }
0x1e4: {  	_ =	swait.ge [sflag:s15], $0x2000  }
0x1e5: {  	[sflag:s15] =	ssyncset.done $0x0  }
0x1e6: {  	s21 =	simm.s32 $0x16;
	[sflag:s15] =	ssyncadd.s32 $0xFFFFE000  }
0x1e7: {  	_ =	swait.ge [sflag:s21], $0x80  }
0x1e8: {  	[sflag:s21] =	ssyncset.done $0x0  }
0x1e9: {  	s24 =	simm.s32 $0x580;
	[sflag:s21] =	ssyncadd.s32 $0xFFFFFF80  }
0x1ea: {  	[spmem:s17] =	stream.indirect.scatter.add.f32 [tilespmem:s13], [sflag:$0x7], $0x40, s24, s18, $0xb8;
	[tilespmem:$0x1EA00] =	vst v63  }
0x1eb: {  	s24 =	simm.s32 $0x6  }
0x1ec: {  	_ =	swait.ge [sflag:s24], $0x2000  }
0x1ed: {  	[sflag:s24] =	ssyncset.done $0x0  }
0x1ee: {  	s12 =	simm.s32 $0x300;
	s6 =	sadd.s32 $0x60, s7;
	[sflag:s24] =	ssyncadd.s32 $0xFFFFE000  }
0x1ef: {  	[tilespmem:s12], [sflag:$0x11] =	stream.linear.gather [hbm4b:s6+s28], $0x80, $0x38;
	[tilespmem:$0x1EA00] =	vst v63  }
0x1f0: {  	s16 =	simm.s32 $0x800;
	s13 =	sadd.s32 $0x60, s19;
	s17 =	simm.s32 $0xF  }
0x1f1: {  	[tilespmem:s16], [sflag:$0x1B] =	stream.linear.gather [hbm4b:s13+s28], $0x80, $0x38;
	[tilespmem:$0x1EA00] =	vst v63  }
0x1f2: {  	_ =	swait.ge [sflag:s17], $0x80  }
0x1f3: {  	[sflag:s17] =	ssyncset.done $0x0  }
0x1f4: {  	[sflag:s17] =	ssyncadd.s32 $0xFFFFFF80;
	s17 =	simm.s32 $0x3  }
0x1f5: {  	[tilespmem:s25], [sflag:$0x5] =	stream.indirect.gather [spmem:s10], $0x40, s22, s18, $0xb8;
	[tilespmem:$0x1EA00] =	vst v63  }
0x1f6: {  	_ =	swait.ge [sflag:s17], $0x2000  }
0x1f7: {  	[sflag:s17] =	ssyncset.done $0x0  }
0x1f8: {  	s20 =	simm.s32 $0x17;
	[sflag:s17] =	ssyncadd.s32 $0xFFFFE000  }
0x1f9: {  	_ =	swait.ge [sflag:s20], $0x80  }
0x1fa: {  	[sflag:s20] =	ssyncset.done $0x0  }
0x1fb: {  	s21 =	simm.s32 $0x600;
	[sflag:s20] =	ssyncadd.s32 $0xFFFFFF80;
	s20 =	simm.s32 $0x7  }
0x1fc: {  	[spmem:s2] =	stream.indirect.scatter.add.f32 [tilespmem:s1], [sflag:$0x8], $0x40, s21, s18, $0xb8;
	[tilespmem:$0x1EA00] =	vst v63  }
0x1fd: {  	_ =	swait.ge [sflag:s20], $0x2000  }
0x1fe: {  	[sflag:s20] =	ssyncset.done $0x0  }
0x1ff: {  	s30 =	simm.s32 $0x380;
	s22 =	sadd.s32 $0x70, s7;
	[sflag:s20] =	ssyncadd.s32 $0xFFFFE000  }
0x200: {  	[tilespmem:s30], [sflag:$0x12] =	stream.linear.gather [hbm4b:s22+s28], $0x80, $0x38;
	[tilespmem:$0x1EA00] =	vst v63  }
0x201: {  	s3 =	sadd.s32 $0x70, s19;
	s6 =	simm.s32 $0x880;
	s13 =	simm.s32 $0x10  }
0x202: {  	[tilespmem:s6], [sflag:$0x1C] =	stream.linear.gather [hbm4b:s3+s28], $0x80, $0x38;
	[tilespmem:$0x1EA00] =	vst v63  }
0x203: {  	_ =	swait.ge [sflag:s13], $0x80  }
0x204: {  	[sflag:s13] =	ssyncset.done $0x0  }
0x205: {  	s21 =	simm.s32 $0x4;
	[sflag:s13] =	ssyncadd.s32 $0xFFFFFF80  }
0x206: {  	[tilespmem:s26], [sflag:$0x1] =	stream.indirect.gather [spmem:s10], $0x40, s0, s18, $0xb8;
	[tilespmem:$0x1EA00] =	vst v63  }
0x207: {  	_ =	swait.ge [sflag:s21], $0x2000  }
0x208: {  	[sflag:s21] =	ssyncset.done $0x0  }
0x209: {  	s22 =	simm.s32 $0x18;
	[sflag:s21] =	ssyncadd.s32 $0xFFFFE000  }
0x20a: {  	_ =	swait.ge [sflag:s22], $0x80  }
0x20b: {  	[sflag:s22] =	ssyncset.done $0x0  }
0x20c: {  	s8 =	simm.s32 $0x8;
	s3 =	simm.s32 $0x680;
	[sflag:s22] =	ssyncadd.s32 $0xFFFFFF80  }
0x20d: {  	[spmem:s2] =	stream.indirect.scatter.add.f32 [tilespmem:s29], [sflag:$0x9], $0x40, s3, s18, $0xb8;
	[tilespmem:$0x1EA00] =	vst v63  }
0x20e: {  	_ =	swait.ge [sflag:s8], $0x2000  }
0x20f: {  	[sflag:s8] =	ssyncset.done $0x0  }
0x210: {  	s13 =	sadd.s32 $0x80, s7;
	s0 =	simm.s32 $0x400;
	[sflag:s8] =	ssyncadd.s32 $0xFFFFE000  }
0x211: {  	[tilespmem:s0], [sflag:$0x13] =	stream.linear.gather [hbm4b:s13+s28], $0x80, $0x38;
	[tilespmem:$0x1EA00] =	vst v63  }
0x212: {  	s3 =	sadd.s32 $0x80, s19;
	s22 =	rddreg [dreg:$0x5];
	s13 =	simm.s32 $0x11  }
0x213: {  	[tilespmem:s22], [sflag:$0x1D] =	stream.linear.gather [hbm4b:s3+s28], $0x80, $0x38;
	[tilespmem:$0x1EA00] =	vst v63  }
0x214: {  	_ =	swait.ge [sflag:s13], $0x80  }
0x215: {  	[sflag:s13] =	ssyncset.done $0x0  }
0x216: {  	s21 =	simm.s32 $0x2A00;
	s3 =	simm.s32 $0x5;
	[sflag:s13] =	ssyncadd.s32 $0xFFFFFF80  }
0x217: {  	[tilespmem:s21], [sflag:$0x2] =	stream.indirect.gather [spmem:s10], $0x40, s12, s18, $0xb8;
	[tilespmem:$0x1EA00] =	vst v63  }
0x218: {  	_ =	swait.ge [sflag:s3], $0x2000  }
0x219: {  	[sflag:s3] =	ssyncset.done $0x0  }
0x21a: {  	s22 =	simm.s32 $0x19;
	[sflag:s3] =	ssyncadd.s32 $0xFFFFE000  }
0x21b: {  	_ =	swait.ge [sflag:s22], $0x80  }
0x21c: {  	[sflag:s22] =	ssyncset.done $0x0  }
0x21d: {  	[sflag:s22] =	ssyncadd.s32 $0xFFFFFF80  }
0x21e: {  	[spmem:s2] =	stream.indirect.scatter.add.f32 [tilespmem:s25], [sflag:$0xA], $0x40, s9, s18, $0xb8;
	[tilespmem:$0x1EA00] =	vst v63  }
0x21f: {  	s9 =	simm.s32 $0x9  }
0x220: {  	_ =	swait.ge [sflag:s9], $0x2000  }
0x221: {  	[sflag:s9] =	ssyncset.done $0x0  }
0x222: {  	s7 =	sadd.s32 $0x90, s7;
	s22 =	simm.s32 $0x480;
	[sflag:s9] =	ssyncadd.s32 $0xFFFFE000  }
0x223: {  	[tilespmem:s22], [sflag:$0x14] =	stream.linear.gather [hbm4b:s7+s28], $0x80, $0x38;
	[tilespmem:$0x1EA00] =	vst v63  }
0x224: {  	s13 =	simm.s32 $0x980;
	s12 =	sadd.s32 $0x90, s19;
	s19 =	simm.s32 $0x12  }
0x225: {  	[tilespmem:s13], [sflag:$0x1E] =	stream.linear.gather [hbm4b:s12+s28], $0x80, $0x38;
	[tilespmem:$0x1EA00] =	vst v63  }
0x226: {  	_ =	swait.ge [sflag:s19], $0x80  }
0x227: {  	[sflag:s19] =	ssyncset.done $0x0  }
0x228: {  	[sflag:s19] =	ssyncadd.s32 $0xFFFFFF80  }
0x229: {  	[tilespmem:s1], [sflag:$0x3] =	stream.indirect.gather [spmem:s10], $0x40, s30, s18, $0xb8;
	[tilespmem:$0x1EA00] =	vst v63  }
0x22a: {  	_ =	swait.ge [sflag:s4], $0x2000  }
0x22b: {  	[sflag:s4] =	ssyncset.done $0x0  }
0x22c: {  	s8 =	simm.s32 $0x1A;
	[sflag:s4] =	ssyncadd.s32 $0xFFFFE000  }
0x22d: {  	_ =	swait.ge [sflag:s8], $0x80  }
0x22e: {  	[sflag:s8] =	ssyncset.done $0x0  }
0x22f: {  	s4 =	simm.s32 $0xA;
	[sflag:s8] =	ssyncadd.s32 $0xFFFFFF80  }
0x230: {  	[spmem:s2] =	stream.indirect.scatter.add.f32 [tilespmem:s26], [sflag:$0x6], $0x40, s11, s18, $0xb8;
	[tilespmem:$0x1EA00] =	vst v63  }
0x231: {  	p0 =	seq.s32 s5, $0x960;
	_ =	swait.ge [sflag:s4], $0x2000  }
0x232: {  	s7 =	simm.s32 @!p0 $0x0;
	s19 =	sadd.s32 @!p0 s5, s14;
	[sflag:s4] =	ssyncset.done $0x0  }
0x233: {  	s5 =	sadd.s32 @!p0 s5, s31;
	s8 =	sadd.s32 @!p0 $0xA0, s19;
	[sflag:s4] =	ssyncadd.s32 $0xFFFFE000  }
0x234: {  	[tilespmem:s7], [sflag:$0xB] =	stream.linear.gather @!p0 [hbm4b:s8+s7], $0x80, $0x38;
	[tilespmem:$0x1EA00] =	vst v63  }
0x235: {  	s13 =	simm.s32 @!p0 $0x500;
	s11 =	simm.s32 $0x13;
	s8 =	sadd.s32 @!p0 $0xA0, s5  }
0x236: {  	[tilespmem:s13], [sflag:$0x15] =	stream.linear.gather @!p0 [hbm4b:s8+s7], $0x80, $0x38;
	[tilespmem:$0x1EA00] =	vst v63  }
0x237: {  	_ =	swait.ge [sflag:s11], $0x80  }
0x238: {  	[sflag:s11] =	ssyncset.done $0x0  }
0x239: {  	[sflag:s11] =	ssyncadd.s32 $0xFFFFFF80  }
0x23a: {  	[tilespmem:s29], [sflag:$0x4] =	stream.indirect.gather [spmem:s10], $0x40, s0, s18, $0xb8;
	[tilespmem:$0x1EA00] =	vst v63  }
0x23b: {  	_ =	swait.ge [sflag:s15], $0x2000  }
0x23c: {  	[sflag:s15] =	ssyncset.done $0x0  }
0x23d: {  	s13 =	simm.s32 $0x1B;
	[sflag:s15] =	ssyncadd.s32 $0xFFFFE000  }
0x23e: {  	_ =	swait.ge [sflag:s13], $0x80  }
0x23f: {  	[sflag:s13] =	ssyncset.done $0x0  }
0x240: {  	[sflag:s13] =	ssyncadd.s32 $0xFFFFFF80  }
0x241: {  	[spmem:s2] =	stream.indirect.scatter.add.f32 [tilespmem:s21], [sflag:$0x7], $0x40, s16, s18, $0xb8;
	[tilespmem:$0x1EA00] =	vst v63  }
0x242: {  	_ =	swait.ge [sflag:s24], $0x2000  }
0x243: {  	[sflag:s24] =	ssyncset.done $0x0  }
0x244: {  	s8 =	sadd.s32 @!p0 $0xB0, s19;
	s21 =	simm.s32 @!p0 $0x80;
	[sflag:s24] =	ssyncadd.s32 $0xFFFFE000  }
0x245: {  	[tilespmem:s21], [sflag:$0xC] =	stream.linear.gather @!p0 [hbm4b:s8+s7], $0x80, $0x38;
	[tilespmem:$0x1EA00] =	vst v63  }
0x246: {  	s15 =	simm.s32 $0x14;
	s13 =	simm.s32 @!p0 $0x580;
	s8 =	sadd.s32 @!p0 $0xB0, s5  }
0x247: {  	[tilespmem:s13], [sflag:$0x16] =	stream.linear.gather @!p0 [hbm4b:s8+s7], $0x80, $0x38;
	[tilespmem:$0x1EA00] =	vst v63  }
0x248: {  	_ =	swait.ge [sflag:s15], $0x80  }
0x249: {  	[sflag:s15] =	ssyncset.done $0x0  }
0x24a: {  	[sflag:s15] =	ssyncadd.s32 $0xFFFFFF80  }
0x24b: {  	[tilespmem:s25], [sflag:$0x5] =	stream.indirect.gather [spmem:s10], $0x40, s22, s18, $0xb8;
	[tilespmem:$0x1EA00] =	vst v63  }
0x24c: {  	_ =	swait.ge [sflag:s17], $0x2000  }
0x24d: {  	[sflag:s17] =	ssyncset.done $0x0  }
0x24e: {  	s16 =	simm.s32 $0x1C;
	[sflag:s17] =	ssyncadd.s32 $0xFFFFE000  }
0x24f: {  	_ =	swait.ge [sflag:s16], $0x80  }
0x250: {  	[sflag:s16] =	ssyncset.done $0x0  }
0x251: {  	[sflag:s16] =	ssyncadd.s32 $0xFFFFFF80  }
0x252: {  	[spmem:s2] =	stream.indirect.scatter.add.f32 [tilespmem:s1], [sflag:$0x8], $0x40, s6, s18, $0xb8;
	[tilespmem:$0x1EA00] =	vst v63  }
0x253: {  	_ =	swait.ge [sflag:s20], $0x2000  }
0x254: {  	[sflag:s20] =	ssyncset.done $0x0  }
0x255: {  	s8 =	simm.s32 @p0 $0x4;
	[sflag:s20] =	ssyncadd.s32 $0xFFFFE000  }
0x256: {  	_ =	swait.ge @p0 [sflag:s8], $0x2000  }
0x257: {  	[sflag:s8] =	ssyncset.done @p0 $0x0  }
0x258: {  	[sflag:s8] =	ssyncadd.s32 @p0 $0xFFFFE000;
	s8 =	simm.s32 @p0 $0x1D  }
0x259: {  	_ =	swait.ge @p0 [sflag:s8], $0x80  }
0x25a: {  	s13 =	simm.s32 @p0 $0x6A00;
	[sflag:s8] =	ssyncset.done @p0 $0x0  }
0x25b: {  	s22 =	simm.s32 @p0 $0x900;
	[sflag:s8] =	ssyncadd.s32 @p0 $0xFFFFFF80;
	s8 =	simm.s32 @p0 $0x80  }
0x25c: {  	[spmem:s2] =	stream.indirect.scatter.add.f32 @p0 [tilespmem:s13], [sflag:$0x9], $0x40, s22, s8, $0xb8;
	[tilespmem:$0x1EA00] =	vst v63  }
0x25d: {  	s8 =	simm.s32 @p0 $0x8  }
0x25e: {  	_ =	swait.ge @p0 [sflag:s8], $0x2000  }
0x25f: {  	[sflag:s8] =	ssyncset.done @p0 $0x0  }
0x260: {  	s13 =	sadd.s32 @!p0 $0xC0, s19;
	[sflag:s8] =	ssyncadd.s32 @p0 $0xFFFFE000;
	s8 =	simm.s32 @!p0 $0x100  }
0x261: {  	[tilespmem:s8], [sflag:$0xD] =	stream.linear.gather @!p0 [hbm4b:s13+s7], $0x80, $0x38;
	[tilespmem:$0x1EA00] =	vst v63  }
0x262: {  	s8 =	sadd.s32 @!p0 $0xC0, s5;
	s13 =	simm.s32 @!p0 $0x600  }
0x263: {  	[tilespmem:s13], [sflag:$0x17] =	stream.linear.gather @!p0 [hbm4b:s8+s7], $0x80, $0x38;
	[tilespmem:$0x1EA00] =	vst v63  }
0x264: {  	s8 =	simm.s32 @!p0 $0xB  }
0x265: {  	_ =	swait.ge @!p0 [sflag:s8], $0x80  }
0x266: {  	[sflag:s8] =	ssyncset.done @!p0 $0x0  }
0x267: {  	s13 =	simm.s32 @!p0 $0x4;
	[sflag:s8] =	ssyncadd.s32 @!p0 $0xFFFFFF80;
	s8 =	simm.s32 @!p0 $0xA00  }
0x268: {  	[tilespmem:s8], [sflag:$0x1] =	stream.indirect.gather @!p0 [spmem:s10], $0x40, s7, s21, $0xb8;
	[tilespmem:$0x1EA00] =	vst v63  }
0x269: {  	_ =	swait.ge @!p0 [sflag:s13], $0x2000  }
0x26a: {  	[sflag:s13] =	ssyncset.done @!p0 $0x0  }
0x26b: {  	s8 =	simm.s32 @!p0 $0x1D;
	[sflag:s13] =	ssyncadd.s32 @!p0 $0xFFFFE000  }
0x26c: {  	_ =	swait.ge @!p0 [sflag:s8], $0x80  }
0x26d: {  	[sflag:s8] =	ssyncset.done @!p0 $0x0  }
0x26e: {  	s13 =	simm.s32 @!p0 $0x6A00;
	[sflag:s8] =	ssyncadd.s32 @!p0 $0xFFFFFF80;
	s8 =	simm.s32 @!p0 $0x900  }
0x26f: {  	[spmem:s2] =	stream.indirect.scatter.add.f32 @!p0 [tilespmem:s13], [sflag:$0x9], $0x40, s8, s21, $0xb8;
	[tilespmem:$0x1EA00] =	vst v63  }
0x270: {  	s8 =	simm.s32 @!p0 $0x8  }
0x271: {  	_ =	swait.ge @!p0 [sflag:s8], $0x2000  }
0x272: {  	[sflag:s8] =	ssyncset.done @!p0 $0x0  }
0x273: {  	s13 =	sadd.s32 @!p0 $0xD0, s19;
	[sflag:s8] =	ssyncadd.s32 @!p0 $0xFFFFE000;
	s8 =	simm.s32 @!p0 $0x180  }
0x274: {  	[tilespmem:s8], [sflag:$0xE] =	stream.linear.gather @!p0 [hbm4b:s13+s7], $0x80, $0x38;
	[tilespmem:$0x1EA00] =	vst v63  }
0x275: {  	s5 =	sadd.s32 @!p0 $0xD0, s5;
	s8 =	simm.s32 @!p0 $0x680  }
0x276: {  	[tilespmem:s8], [sflag:$0x18] =	stream.linear.gather @!p0 [hbm4b:s5+s7], $0x80, $0x38;
	[tilespmem:$0x1EA00] =	vst v63  }
0x277: {  	s5 =	simm.s32 @!p0 $0xC  }
0x278: {  	_ =	swait.ge @!p0 [sflag:s5], $0x80  }
0x279: {  	[sflag:s5] =	ssyncset.done @!p0 $0x0  }
0x27a: {  	[sflag:s5] =	ssyncadd.s32 @!p0 $0xFFFFFF80;
	s5 =	simm.s32 @!p0 $0x2A00  }
0x27b: {  	[tilespmem:s5], [sflag:$0x2] =	stream.indirect.gather @!p0 [spmem:s10], $0x40, s21, s21, $0xb8;
	[tilespmem:$0x1EA00] =	vst v63  }
0x27c: {  	_ =	swait.ge [sflag:s3], $0x2000  }
0x27d: {  	[sflag:s3] =	ssyncset.done $0x0  }
0x27e: {  	[sflag:s3] =	ssyncadd.s32 $0xFFFFE000  }
0x27f: {  	_ =	swait.ge [sflag:s23], $0x80  }
0x280: {  	[sflag:s23] =	ssyncset.done $0x0  }
0x281: {  	s12 =	simm.s32 $0x980;
	[sflag:s23] =	ssyncadd.s32 $0xFFFFFF80  }
0x282: {  	[spmem:s2] =	stream.indirect.scatter.add.f32 [tilespmem:s25], [sflag:$0xA], $0x40, s12, s18, $0xb8;
	[tilespmem:$0x1EA00] =	vst v63  }
0x283: {  	_ =	swait.ge [sflag:s9], $0x2000  }
0x284: {  	[sflag:s9] =	ssyncset.done $0x0  }
0x285: {  	[sflag:s9] =	ssyncadd.s32 $0xFFFFE000  }
0x286: {  	_ =	swait.ge [sflag:s4], $0x2000  }
0x287: {  	[sflag:s4] =	ssyncset.done $0x0  }
0x288: {  	[sflag:s4] =	ssyncadd.s32 $0xFFFFE000  }
0x289: {  	[bflag:$0x0] =	sbarrier.arrive $0xFFFF  }
0x28a: {  	s13 =	rddreg [dreg:$0x8]  }
0x28b: {  	s22 =	rddreg [dreg:$0x10]  }
0x28c: {  	s8 =	simm.s32 $0x1F;
	s23 =	rddreg [dreg:$0x12];
	s21 =	sshrl.u32 s13, $0x3  }
0x28d: {  	[hbm:s22], [sflag:s23] =	dma.local [spmem:s21], $0x1400  }
0x28e: {  	s28 =	smov.u32 s31;
	_ =	swait.ge [sflag:s8], $0x1400  }
0x28f: {  	s30 =	simm.s32 $0x680;
	s26 =	smov.u32 s10;
	s24 =	rddreg [dreg:$0x11]  }
0x290: {  	s11 =	smov.u32 s14;
	s25 =	rddreg [dreg:$0xd];
	s7 =	sadd.s32 $0x1, s24  }
0x291: {  	s29 =	simm.s32 $0x180;
	s0 =	simm.s32 $0x4A00;
	p0 =	sne.s32 s7, s25  }
.Ltmp2:
0x292: {  	s15 =	simm.s32 $0x2;
	s17 =	smov.u32 s2;
	(pc) =	sbr.rel @p0 .LBB2_1-.Ltmp2, $4  }
0x293: {  	s6 =	simm.s32 $0x8A00;
	s20 =	simm.s32 $0x3;
	s3 =	simm.s32 $0x5  }
0x294: {  	s12 =	simm.s32 $0x1;
	s2 =	simm.s32 $0x6;
	s21 =	simm.s32 $0x500  }
0x295: {  	s22 =	simm.s32 $0x580;
	s23 =	simm.s32 $0x100;
	[sflag:s8] =	ssyncset.done $0x0  }
0x296: {  	[sflag:s8] =	ssyncadd.s32 $0xFFFFEC00;
	s24 =	simm.s32 $0x7;
	s25 =	simm.s32 $0x600  }
0x297: {  	_ =	sfence.sel $0x180000  }
0x298: {  	[bflag:$0x0] =	sbarrier.arrive $0xFFFF  }
0x299: {  	_ =	strace $0x9000004A  }
0x29a: {  	s0 =	stileid.u32;
	[bflag:$0x2] =	sbarrier.arrive $0xFFFF  }
0x29b: {  	p0 =	sne.s32 s0, $0x0;
	s0 =	rddreg [dreg:$0x4]  }
0x29c: {  	s0 =	sadd.s32 @!p0 $0x100000, s0  }
0x29d: {  	[sflag:s0] =	ssyncadd.tile.s32 @!p0 $0x1;
	_ =	shalt  }
.Lfunc_end2:
_tile_overlayer_lowered:
.L_overlay_start_2:
0x29e: {  	(tag) =	ssettag $0x2  }
0x29f: {  	s0 =	rddreg [dreg:$0x0];
	s2 =	stileid.u32  }
0x2a0: {  	s1 =	rddreg [dreg:$0x1];
	p0 =	sne.s32 s2, $0x0  }
0x2a1: {  	s3 =	rddreg [dreg:$0x2];
	[bflag:$0x3] =	sbarrier.arrive $0xFFFF;
	s2 =	simm.s32 @!p0 $0x1C1F  }
0x2a2: {  	[timem:s3], [sflag:s2] =	dma.local @!p0 [hbm:s0], s1  }
0x2a3: {  	s0 =	simm.s32 @!p0 $0x1F  }
0x2a4: {  	_ =	swait.ge @!p0 [sflag:s0], s1  }
0x2a5: {  	s1 =	ssub.s32 @!p0 $0x0, s1;
	[sflag:s0] =	ssyncset.done @!p0 $0x0  }
0x2a6: {  	[sflag:s0] =	ssyncadd.s32 @!p0 s1  }
0x2a7: {  	[bflag:$0x3] =	sbarrier.arrive $0xFFFF  }
0x2a8: {  	_ =	shalt  }

</sc_bundles>
